<compile_context>
chip_gen: v7x
topology: tpu7x:2x2x1
jax: 0.10.2.dev20260603
libtpu: 0.0.44.dev20260713+nightly
codegen_flags: <defaults>
</compile_context>

<pallas_src>
import functools

import jax
import jax.numpy as jnp
from jax import lax
from jax.experimental import pallas as pl
from jax.experimental.pallas import tpu as pltpu
from jax.experimental.pallas import tpu_sc as plsc

NA = 10000
NE = 320000
D = 128
NRBF = 16
NBLK = 5
NRI = 3
NRF = 2
LOG2 = 0.6931471805599453

ROWS = 1000
NRT = NA // ROWS
ET = 1280
NT = NE // ET
W = 64

NWORK = 32
EPW = NE // NWORK
CH = 400
NPAIR = 12


def _ssp(x):
    return jax.nn.softplus(x) - LOG2



def _pre_body(x_ref, wi_ref, bi_ref, wj_ref, bj_ref, xi_ref, xj_ref):
    xa = _ssp(x_ref[...])
    xi_ref[...] = _ssp(
        jnp.dot(xa, wi_ref[...], preferred_element_type=jnp.float32) + bi_ref[...])
    xj_ref[...] = _ssp(
        jnp.dot(xa, wj_ref[...], preferred_element_type=jnp.float32) + bj_ref[...])


def _pre(x, wi, bi, wj, bj):
    return pl.pallas_call(
        _pre_body,
        grid=(NRT,),
        in_specs=[
            pl.BlockSpec((ROWS, D), lambda t: (t, 0)),
            pl.BlockSpec((D, D), lambda t: (0, 0)),
            pl.BlockSpec((1, D), lambda t: (0, 0)),
            pl.BlockSpec((D, D), lambda t: (0, 0)),
            pl.BlockSpec((1, D), lambda t: (0, 0)),
        ],
        out_specs=[pl.BlockSpec((ROWS, D), lambda t: (t, 0)),
                   pl.BlockSpec((ROWS, D), lambda t: (t, 0))],
        out_shape=[jax.ShapeDtypeStruct((NA, D), jnp.float32)] * 2,
    )(x, wi, bi.reshape(1, D), wj, bj.reshape(1, D))



def _sc_gather(table, idx):
    mesh = plsc.VectorSubcoreMesh(core_axis_name="c", subcore_axis_name="s")

    @functools.partial(
        pl.kernel, mesh=mesh,
        out_type=jax.ShapeDtypeStruct((NE, D), jnp.float32),
        scratch_types=[
            pltpu.VMEM((EPW,), jnp.int32),
            pltpu.VMEM((CH, D), jnp.float32),
            pltpu.VMEM((CH, D), jnp.float32),
            pltpu.SemaphoreType.DMA,
            pltpu.SemaphoreType.DMA,
            pltpu.SemaphoreType.DMA,
            pltpu.SemaphoreType.DMA,
        ],
    )
    def k(table_hbm, idx_hbm, out_hbm, idx_v, rows_a, rows_b,
          sga, sgb, swa, swb):
        wid = lax.axis_index("s") * 2 + lax.axis_index("c")
        base = wid * EPW

        pltpu.async_copy(idx_hbm.at[pl.ds(base, EPW)], idx_v, sga).wait()

        @pl.loop(0, 2 * NPAIR * CH, step=2 * CH)
        def _(c0):
            a = base + c0
            b = a + CH
            ga = pltpu.async_copy(table_hbm.at[idx_v.at[pl.ds(c0, CH)]],
                                  rows_a, sga)
            gb = pltpu.async_copy(table_hbm.at[idx_v.at[pl.ds(c0 + CH, CH)]],
                                  rows_b, sgb)
            ga.wait()
            wa = pltpu.async_copy(rows_a, out_hbm.at[pl.ds(a, CH)], swa)
            gb.wait()
            wb = pltpu.async_copy(rows_b, out_hbm.at[pl.ds(b, CH)], swb)
            wa.wait()
            wb.wait()

        tail = 2 * NPAIR * CH
        ga = pltpu.async_copy(table_hbm.at[idx_v.at[pl.ds(tail, CH)]],
                              rows_a, sga)
        ga.wait()
        pltpu.sync_copy(rows_a, out_hbm.at[pl.ds(base + tail, CH)])

    return k(table, idx)



EG = 2560
NTG = NE // EG


def _gall_body(rbf_ref, wg_ref, out_ref):
    desc = rbf_ref[...].astype(jnp.bfloat16)
    out_ref[...] = jnp.dot(desc, wg_ref[...],
                           preferred_element_type=jnp.float32).astype(
        jnp.bfloat16)


def _gall(rbfs, wg_all):
    return pl.pallas_call(
        _gall_body,
        grid=(NTG,),
        in_specs=[
            pl.BlockSpec((EG, NRBF), lambda t: (t, 0)),
            pl.BlockSpec((NRBF, NBLK * D), lambda t: (0, 0)),
        ],
        out_specs=pl.BlockSpec((EG, NBLK * D), lambda t: (t, 0)),
        out_shape=jax.ShapeDtypeStruct((NE, NBLK * D), jnp.bfloat16),
    )(rbfs, wg_all)



def _residual_chain(x, wr, k, n):
    for _ in range(n):
        w1, b1, w2, b2 = (wr[k][...], wr[k + 1][...], wr[k + 2][...],
                          wr[k + 3][...])
        k += 4
        y = _ssp(x)
        y = _ssp(jnp.dot(y, w1, preferred_element_type=jnp.float32) + b1)
        x = x + jnp.dot(y, w2, preferred_element_type=jnp.float32) + b2
    return x, k


def _block_body(lo_ref, nw_ref, g_ref, gath_ref, idx_ref, cut_ref,
                x_ref, xi_ref, *rest, with_next):
    nw_weights = 23 + (4 if with_next else 0)
    wr = rest[:nw_weights]
    outs = rest[nw_weights:-1]
    acc = rest[-1]
    t = pl.program_id(0)

    @pl.when(t == 0)
    def _():
        acc[...] = jnp.zeros_like(acc)

    @pl.when(t < NT)
    def _():
        xj = g_ref[...] * gath_ref[...].astype(jnp.bfloat16)
        idx = idx_ref[0]
        cutv = cut_ref[0].astype(jnp.bfloat16)
        ts = jnp.minimum(t, NT - 1)
        lo = lo_ref[ts]
        nw = nw_ref[ts]

        def w_body(w, carry):
            start = lo + w * W
            base = jnp.minimum(start, NA - W)
            rel = idx - base
            inwin = (idx >= start) & (idx < start + W)
            oh = ((lax.broadcasted_iota(jnp.int32, (W, ET), 0) == rel)
                  & inwin).astype(jnp.bfloat16) * cutv
            part = lax.dot_general(oh, xj, (((1,), (0,)), ((), ())),
                                   preferred_element_type=jnp.float32)
            acc[pl.ds(base, W), :] += part
            return carry

        lax.fori_loop(0, nw, w_body, 0)

    @pl.when(t >= NT)
    def _():
        r = t - NT
        m = xi_ref[...] + acc[pl.ds(r * ROWS, ROWS), :]
        m, k = _residual_chain(m, wr, 0, NRI)
        m = _ssp(m)
        wo, bo, u = wr[k][...], wr[k + 1][...], wr[k + 2][...]
        k += 3
        x = u * x_ref[...] + jnp.dot(
            m, wo, preferred_element_type=jnp.float32) + bo
        x, k = _residual_chain(x, wr, k, NRF)
        outs[0][...] = x
        if with_next:
            wi, bi, wj, bj = (wr[k][...], wr[k + 1][...], wr[k + 2][...],
                              wr[k + 3][...])
            xa = _ssp(x)
            outs[1][...] = _ssp(
                jnp.dot(xa, wi, preferred_element_type=jnp.float32) + bi)
            outs[2][...] = _ssp(
                jnp.dot(xa, wj, preferred_element_type=jnp.float32) + bj)


def _block(lo_arr, nw_arr, gall, gath, idx3, cut3, x, xi, weights, with_next,
           b):
    def emap(t, lo, nw):
        ts = jnp.minimum(t, NT - 1)
        return (ts, 0)

    def gmap(t, lo, nw):
        ts = jnp.minimum(t, NT - 1)
        return (ts, b)

    def emap3(t, lo, nw):
        ts = jnp.minimum(t, NT - 1)
        return (ts, 0, 0)

    def rmap(t, lo, nw):
        return (jnp.maximum(t - NT, 0), 0)

    def cmap(t, lo, nw):
        return (0, 0)

    def w_spec(a):
        if a.ndim == 2 and a.shape == (D, D):
            return pl.BlockSpec((D, D), cmap)
        return pl.BlockSpec((1, D), cmap)

    n_out = 3 if with_next else 1
    grid_spec = pltpu.PrefetchScalarGridSpec(
        num_scalar_prefetch=2,
        grid=(NT + NRT,),
        in_specs=[
            pl.BlockSpec((ET, D), gmap),
            pl.BlockSpec((ET, D), emap),
            pl.BlockSpec((1, 1, ET), emap3),
            pl.BlockSpec((1, 1, ET), emap3),
            pl.BlockSpec((ROWS, D), rmap),
            pl.BlockSpec((ROWS, D), rmap),
        ] + [w_spec(a) for a in weights],
        out_specs=[pl.BlockSpec((ROWS, D), rmap)] * n_out,
        scratch_shapes=[pltpu.VMEM((NA, D), jnp.float32)],
    )
    out = pl.pallas_call(
        functools.partial(_block_body, with_next=with_next),
        grid_spec=grid_spec,
        out_shape=[jax.ShapeDtypeStruct((NA, D), jnp.float32)] * n_out,
    )(lo_arr, nw_arr, gall, gath, idx3, cut3, x, xi, *weights)
    return out



def kernel(features, distances, cutoffs, rbfs, idx_i, idx_j, params):
    del distances
    cut3 = cutoffs.reshape(NT, 1, ET)
    idx3 = idx_i.reshape(NT, 1, ET)
    lo_arr = (idx_i[::ET] // 8) * 8
    hi_arr = idx_i[ET - 1::ET]
    nw_arr = (hi_arr - lo_arr) // W + 1

    p = params

    def post_weights(b):
        ws = []
        for r in range(NRI):
            ws += [p["Wri1"][b][r], p["bri1"][b][r].reshape(1, D),
                   p["Wri2"][b][r], p["bri2"][b][r].reshape(1, D)]
        ws += [p["Wo"][b], p["bo"][b].reshape(1, D), p["u"][b].reshape(1, D)]
        for r in range(NRF):
            ws += [p["Wrf1"][b][r], p["brf1"][b][r].reshape(1, D),
                   p["Wrf2"][b][r], p["brf2"][b][r].reshape(1, D)]
        return ws

    wg_all = jnp.concatenate([p["Wg"][b] for b in range(NBLK)],
                             axis=1).astype(jnp.bfloat16)
    gall = _gall(rbfs, wg_all)

    x = features
    xi, xj_all = _pre(x, p["Wi"][0], p["bi"][0], p["Wj"][0], p["bj"][0])
    outs = []
    for b in range(NBLK):
        gath = _sc_gather(xj_all, idx_j)
        weights = post_weights(b)
        with_next = b < NBLK - 1
        if with_next:
            weights += [p["Wi"][b + 1], p["bi"][b + 1].reshape(1, D),
                        p["Wj"][b + 1], p["bj"][b + 1].reshape(1, D)]
        res = _block(lo_arr, nw_arr, gall, gath, idx3, cut3, x, xi, weights,
                     with_next, b)
        if with_next:
            x, xi, xj_all = res
        else:
            x = res[0]
        outs.append(x)
    return tuple(outs)

# --- scband reference (transcript-rebuilt; emitter-appended) ---
"""Pipeline reference for scband-graph-phys-net-3221225472173 (READ-ONLY COPY).

The authoritative reference and input builder live on the scoring server;
editing this copy changes nothing except your own understanding.
"""

import jax, jax.numpy as jnp
import numpy as np

N_ATOMS = 10000
N_PAIRS = 320000
N_ATOMBASIS = 128
N_RADIALBASIS = 16
N_BLOCKS = 5
N_RES_INT = 3
N_RES_FEAT = 2
LOG2 = float(np.log(2.0))


def ssp(x):
    # shifted softplus activation: log(exp(x)+1) - log(2)
    return jax.nn.softplus(x) - LOG2


def setup_inputs(seed: int = 0) -> dict:
    key = jax.random.key(seed)
    ks = jax.random.split(key, 16)
    features = jax.random.normal(ks[0], (N_ATOMS, N_ATOMBASIS), dtype=jnp.float32)
    distances = jax.random.uniform(ks[1], (N_PAIRS,), dtype=jnp.float32)
    cutoffs = jax.random.uniform(ks[2], (N_PAIRS,), dtype=jnp.float32)
    rbfs = jax.random.uniform(ks[3], (N_PAIRS, N_RADIALBASIS), dtype=jnp.float32)
    idx_i = jnp.sort(jax.random.randint(ks[4], (N_PAIRS,), 0, N_ATOMS, dtype=jnp.int32))
    idx_j = jax.random.randint(ks[5], (N_PAIRS,), 0, N_ATOMS, dtype=jnp.int32)

    s = 0.1

    def w(k, shape):
        return jax.random.normal(k, shape, dtype=jnp.float32) * s

    D = N_ATOMBASIS
    params = {
        "Wg": w(ks[6], (N_BLOCKS, N_RADIALBASIS, D)),
        "Wi": w(ks[7], (N_BLOCKS, D, D)),
        "bi": jnp.zeros((N_BLOCKS, D), jnp.float32),
        "Wj": w(ks[8], (N_BLOCKS, D, D)),
        "bj": jnp.zeros((N_BLOCKS, D), jnp.float32),
        "Wri1": w(ks[9], (N_BLOCKS, N_RES_INT, D, D)),
        "bri1": jnp.zeros((N_BLOCKS, N_RES_INT, D), jnp.float32),
        "Wri2": w(ks[10], (N_BLOCKS, N_RES_INT, D, D)),
        "bri2": jnp.zeros((N_BLOCKS, N_RES_INT, D), jnp.float32),
        "Wo": w(ks[11], (N_BLOCKS, D, D)),
        "bo": jnp.zeros((N_BLOCKS, D), jnp.float32),
        "u": jnp.ones((N_BLOCKS, D), jnp.float32),
        "Wrf1": w(ks[12], (N_BLOCKS, N_RES_FEAT, D, D)),
        "brf1": jnp.zeros((N_BLOCKS, N_RES_FEAT, D), jnp.float32),
        "Wrf2": w(ks[13], (N_BLOCKS, N_RES_FEAT, D, D)),
        "brf2": jnp.zeros((N_BLOCKS, N_RES_FEAT, D), jnp.float32),
    }
    return {"features": features, "distances": distances, "cutoffs": cutoffs,
            "rbfs": rbfs, "idx_i": idx_i, "idx_j": idx_j, "params": params}


def residual(x, W1, b1, W2, b2):
    # PhysNet residual layer: x + dense(act(dense(act(x))))
    y = ssp(x)
    y = ssp(jnp.dot(y, W1) + b1)
    y = jnp.dot(y, W2) + b2
    return x + y


def interaction_block(x, descriptors, idx_i, idx_j, params, b):
    # InteractionLayer
    xa = ssp(x)
    g = jnp.dot(descriptors, params["Wg"][b])  # [E, D] attention mask from rbf
    xi = ssp(jnp.dot(xa, params["Wi"][b]) + params["bi"][b])
    xj_all = ssp(jnp.dot(xa, params["Wj"][b]) + params["bj"][b])
    xj = g * jnp.take(xj_all, idx_j, axis=0)  # gather over neighbor atoms
    agg = jax.ops.segment_sum(xj, idx_i, num_segments=N_ATOMS)  # scatter-add to center atoms
    m = xi + agg
    for r in range(N_RES_INT):
        m = residual(m, params["Wri1"][b][r], params["bri1"][b][r],
                     params["Wri2"][b][r], params["bri2"][b][r])
    m = ssp(m)
    x = params["u"][b] * x + jnp.dot(m, params["Wo"][b]) + params["bo"][b]
    # feature residual stack
    for r in range(N_RES_FEAT):
        x = residual(x, params["Wrf1"][b][r], params["brf1"][b][r],
                     params["Wrf2"][b][r], params["brf2"][b][r])
    return x


def reference(features, distances, cutoffs, rbfs, idx_i, idx_j, params):
    # descriptors = cutoffs[..., None] * rbfs  (distances unused by forward, kept for signature fidelity)
    descriptors = cutoffs[..., None] * rbfs
    x = features
    x_list = []
    for b in range(N_BLOCKS):
        x = interaction_block(x, descriptors, idx_i, idx_j, params, b)
        x_list.append(x)
    return tuple(x_list)

if __name__ == "__main__":
    import jax
    _d = setup_inputs()
    print(jax.jit(kernel)(*tuple(_d.values())))

</pallas_src>

<mosaic_0001>
#map = affine_map<(d0, d1) -> (0, 0)>
#map1 = affine_map<(d0, d1) -> (0)>
module attributes {stable_mosaic.version = 14 : i64} {
  func.func @k(%arg0: i32, %arg1: i32, %arg2: memref<10000x128xf32, #tpu.memory_space<hbm>>, %arg3: memref<320000xi32, #tpu.memory_space<hbm>>, %arg4: memref<320000x128xf32, #tpu.memory_space<hbm>>, %arg5: memref<10000xi32, #tpu.memory_space<vmem>>, %arg6: memref<400x128xf32, #tpu.memory_space<vmem>>, %arg7: memref<400x128xf32, #tpu.memory_space<vmem>>, %arg8: memref<!tpu.dma_semaphore, #tpu.memory_space<semaphore_mem>>, %arg9: memref<!tpu.dma_semaphore, #tpu.memory_space<semaphore_mem>>, %arg10: memref<!tpu.dma_semaphore, #tpu.memory_space<semaphore_mem>>, %arg11: memref<!tpu.dma_semaphore, #tpu.memory_space<semaphore_mem>>) attributes {dimension_semantics = [#tpu.dimension_semantics<core_parallel>, #tpu.dimension_semantics<subcore_parallel>], iteration_bounds = array<i64: 2, 16>, scalar_prefetch = 0 : i64, scratch_operands = 7 : i64, tpu.core_type = #tpu.core_type<sc_vector_subcore>, window_params = [{transform_indices = #map}, {transform_indices = #map1}, {transform_indices = #map}]} {
    %mul3A = arith.constant 2 : i32
    %mul3A_0 = arith.muli %arg1, %mul3A : i32
    %add3A = arith.addi %mul3A_0, %arg0 : i32
    %mul3A_1 = arith.constant 10000 : i32
    %mul3A_2 = arith.muli %add3A, %mul3A_1 : i32
    %dma_start3A = tpu.memref_slice %arg3[%mul3A_2] : memref<320000xi32, #tpu.memory_space<hbm>> -> memref<10000xi32, #tpu.memory_space<hbm>>
    %dma_start3A_3 = tpu.memref_slice %arg3[%mul3A_2] : memref<320000xi32, #tpu.memory_space<hbm>> -> memref<10000xi32, #tpu.memory_space<hbm>>
    tpu.enqueue_dma source(%dma_start3A_3 : memref<10000xi32, #tpu.memory_space<hbm>>) target(%arg5 : memref<10000xi32, #tpu.memory_space<vmem>>) target_semaphore(%arg8 : memref<!tpu.dma_semaphore, #tpu.memory_space<semaphore_mem>>)
    %dma_wait3A = tpu.memref_slice %arg3[%mul3A_2] : memref<320000xi32, #tpu.memory_space<hbm>> -> memref<10000xi32, #tpu.memory_space<hbm>>
    %dma_wait3A_4 = tpu.memref_slice %arg3[%mul3A_2] : memref<320000xi32, #tpu.memory_space<hbm>> -> memref<10000xi32, #tpu.memory_space<hbm>>
    tpu.wait_dma2 semaphore(%arg8 : memref<!tpu.dma_semaphore, #tpu.memory_space<semaphore_mem>>) src(%dma_wait3A_4 : memref<10000xi32, #tpu.memory_space<hbm>>) dst(%arg5 : memref<10000xi32, #tpu.memory_space<vmem>>)
    %scan3A = arith.constant 0 : i32
    %scan3A_5 = arith.constant 12 : i32
    %scan3A_6 = arith.addi %scan3A, %scan3A_5 : i32
    %scan3A_7 = arith.constant 1 : i32
    scf.for %scan3A_21 = %scan3A to %scan3A_6 step %scan3A_7  : i32 {
      %mul3A_22 = arith.constant 800 : i32
      %mul3A_23 = arith.muli %scan3A_21, %mul3A_22 : i32
      %add3A_24 = arith.constant 0 : i32
      %add3A_25 = arith.addi %add3A_24, %mul3A_23 : i32
      %add3A_26 = arith.addi %mul3A_2, %add3A_25 : i32
      %add3A_27 = arith.constant 400 : i32
      %add3A_28 = arith.addi %add3A_26, %add3A_27 : i32
      %dma_start3A_29 = tpu.memref_slice %arg5[%add3A_25] : memref<10000xi32, #tpu.memory_space<vmem>> -> memref<400xi32, #tpu.memory_space<vmem>>
      %dma_start3A_30 = arith.constant 0 : i32
      %dma_start3A_31 = arith.constant 0 : i32
      %dma_start3A_32 = tpu.memref_slice %arg2[%dma_start3A_30, %dma_start3A_31] : memref<10000x128xf32, #tpu.memory_space<hbm>> -> memref<10000x128xf32, #tpu.memory_space<hbm>>
      tpu.enqueue_indirect_dma source(%dma_start3A_32 : memref<10000x128xf32, #tpu.memory_space<hbm>>) target(%arg6 : memref<400x128xf32, #tpu.memory_space<vmem>>) offsets(%dma_start3A_29 : memref<400xi32, #tpu.memory_space<vmem>>) semaphore(%arg8 : memref<!tpu.dma_semaphore, #tpu.memory_space<semaphore_mem>>)
      %add3A_33 = arith.constant 400 : i32
      %add3A_34 = arith.addi %add3A_25, %add3A_33 : i32
      %dma_start3A_35 = tpu.memref_slice %arg5[%add3A_34] : memref<10000xi32, #tpu.memory_space<vmem>> -> memref<400xi32, #tpu.memory_space<vmem>>
      %dma_start3A_36 = arith.constant 0 : i32
      %dma_start3A_37 = arith.constant 0 : i32
      %dma_start3A_38 = tpu.memref_slice %arg2[%dma_start3A_36, %dma_start3A_37] : memref<10000x128xf32, #tpu.memory_space<hbm>> -> memref<10000x128xf32, #tpu.memory_space<hbm>>
      tpu.enqueue_indirect_dma source(%dma_start3A_38 : memref<10000x128xf32, #tpu.memory_space<hbm>>) target(%arg7 : memref<400x128xf32, #tpu.memory_space<vmem>>) offsets(%dma_start3A_35 : memref<400xi32, #tpu.memory_space<vmem>>) semaphore(%arg9 : memref<!tpu.dma_semaphore, #tpu.memory_space<semaphore_mem>>)
      %dma_wait3A_39 = tpu.memref_slice %arg5[%add3A_25] : memref<10000xi32, #tpu.memory_space<vmem>> -> memref<400xi32, #tpu.memory_space<vmem>>
      %dma_wait3A_40 = arith.constant 0 : i32
      %dma_wait3A_41 = arith.constant 0 : i32
      %dma_wait3A_42 = tpu.memref_slice %arg2[%dma_wait3A_40, %dma_wait3A_41] : memref<10000x128xf32, #tpu.memory_space<hbm>> -> memref<10000x128xf32, #tpu.memory_space<hbm>>
      tpu.wait_indirect_dma semaphore(%arg8 : memref<!tpu.dma_semaphore, #tpu.memory_space<semaphore_mem>>) src(%dma_wait3A_42 : memref<10000x128xf32, #tpu.memory_space<hbm>>) dst(%arg6 : memref<400x128xf32, #tpu.memory_space<vmem>>)
      %dma_start3A_43 = arith.constant 0 : i32
      %dma_start3A_44 = tpu.memref_slice %arg4[%add3A_26, %dma_start3A_43] : memref<320000x128xf32, #tpu.memory_space<hbm>> -> memref<400x128xf32, #tpu.memory_space<hbm>>
      %dma_start3A_45 = arith.constant 0 : i32
      %dma_start3A_46 = tpu.memref_slice %arg4[%add3A_26, %dma_start3A_45] : memref<320000x128xf32, #tpu.memory_space<hbm>> -> memref<400x128xf32, #tpu.memory_space<hbm>>
      tpu.enqueue_dma source(%arg6 : memref<400x128xf32, #tpu.memory_space<vmem>>) target(%dma_start3A_46 : memref<400x128xf32, #tpu.memory_space<hbm>>) target_semaphore(%arg10 : memref<!tpu.dma_semaphore, #tpu.memory_space<semaphore_mem>>)
      %dma_wait3A_47 = tpu.memref_slice %arg5[%add3A_34] : memref<10000xi32, #tpu.memory_space<vmem>> -> memref<400xi32, #tpu.memory_space<vmem>>
      %dma_wait3A_48 = arith.constant 0 : i32
      %dma_wait3A_49 = arith.constant 0 : i32
      %dma_wait3A_50 = tpu.memref_slice %arg2[%dma_wait3A_48, %dma_wait3A_49] : memref<10000x128xf32, #tpu.memory_space<hbm>> -> memref<10000x128xf32, #tpu.memory_space<hbm>>
      tpu.wait_indirect_dma semaphore(%arg9 : memref<!tpu.dma_semaphore, #tpu.memory_space<semaphore_mem>>) src(%dma_wait3A_50 : memref<10000x128xf32, #tpu.memory_space<hbm>>) dst(%arg7 : memref<400x128xf32, #tpu.memory_space<vmem>>)
      %dma_start3A_51 = arith.constant 0 : i32
      %dma_start3A_52 = tpu.memref_slice %arg4[%add3A_28, %dma_start3A_51] : memref<320000x128xf32, #tpu.memory_space<hbm>> -> memref<400x128xf32, #tpu.memory_space<hbm>>
      %dma_start3A_53 = arith.constant 0 : i32
      %dma_start3A_54 = tpu.memref_slice %arg4[%add3A_28, %dma_start3A_53] : memref<320000x128xf32, #tpu.memory_space<hbm>> -> memref<400x128xf32, #tpu.memory_space<hbm>>
      tpu.enqueue_dma source(%arg7 : memref<400x128xf32, #tpu.memory_space<vmem>>) target(%dma_start3A_54 : memref<400x128xf32, #tpu.memory_space<hbm>>) target_semaphore(%arg11 : memref<!tpu.dma_semaphore, #tpu.memory_space<semaphore_mem>>)
      %dma_wait3A_55 = arith.constant 0 : i32
      %dma_wait3A_56 = tpu.memref_slice %arg4[%add3A_26, %dma_wait3A_55] : memref<320000x128xf32, #tpu.memory_space<hbm>> -> memref<400x128xf32, #tpu.memory_space<hbm>>
      %dma_wait3A_57 = arith.constant 0 : i32
      %dma_wait3A_58 = tpu.memref_slice %arg4[%add3A_26, %dma_wait3A_57] : memref<320000x128xf32, #tpu.memory_space<hbm>> -> memref<400x128xf32, #tpu.memory_space<hbm>>
      tpu.wait_dma2 semaphore(%arg10 : memref<!tpu.dma_semaphore, #tpu.memory_space<semaphore_mem>>) src(%arg6 : memref<400x128xf32, #tpu.memory_space<vmem>>) dst(%dma_wait3A_58 : memref<400x128xf32, #tpu.memory_space<hbm>>)
      %dma_wait3A_59 = arith.constant 0 : i32
      %dma_wait3A_60 = tpu.memref_slice %arg4[%add3A_28, %dma_wait3A_59] : memref<320000x128xf32, #tpu.memory_space<hbm>> -> memref<400x128xf32, #tpu.memory_space<hbm>>
      %dma_wait3A_61 = arith.constant 0 : i32
      %dma_wait3A_62 = tpu.memref_slice %arg4[%add3A_28, %dma_wait3A_61] : memref<320000x128xf32, #tpu.memory_space<hbm>> -> memref<400x128xf32, #tpu.memory_space<hbm>>
      tpu.wait_dma2 semaphore(%arg11 : memref<!tpu.dma_semaphore, #tpu.memory_space<semaphore_mem>>) src(%arg7 : memref<400x128xf32, #tpu.memory_space<vmem>>) dst(%dma_wait3A_62 : memref<400x128xf32, #tpu.memory_space<hbm>>)
    }
    %scan3A_8 = arith.constant 12 : i32
    %dma_start3A_9 = arith.constant 9600 : i32
    %dma_start3A_10 = tpu.memref_slice %arg5[%dma_start3A_9] : memref<10000xi32, #tpu.memory_space<vmem>> -> memref<400xi32, #tpu.memory_space<vmem>>
    %dma_start3A_11 = arith.constant 0 : i32
    %dma_start3A_12 = arith.constant 0 : i32
    %dma_start3A_13 = tpu.memref_slice %arg2[%dma_start3A_11, %dma_start3A_12] : memref<10000x128xf32, #tpu.memory_space<hbm>> -> memref<10000x128xf32, #tpu.memory_space<hbm>>
    tpu.enqueue_indirect_dma source(%dma_start3A_13 : memref<10000x128xf32, #tpu.memory_space<hbm>>) target(%arg6 : memref<400x128xf32, #tpu.memory_space<vmem>>) offsets(%dma_start3A_10 : memref<400xi32, #tpu.memory_space<vmem>>) semaphore(%arg8 : memref<!tpu.dma_semaphore, #tpu.memory_space<semaphore_mem>>)
    %dma_wait3A_14 = arith.constant 9600 : i32
    %dma_wait3A_15 = tpu.memref_slice %arg5[%dma_wait3A_14] : memref<10000xi32, #tpu.memory_space<vmem>> -> memref<400xi32, #tpu.memory_space<vmem>>
    %dma_wait3A_16 = arith.constant 0 : i32
    %dma_wait3A_17 = arith.constant 0 : i32
    %dma_wait3A_18 = tpu.memref_slice %arg2[%dma_wait3A_16, %dma_wait3A_17] : memref<10000x128xf32, #tpu.memory_space<hbm>> -> memref<10000x128xf32, #tpu.memory_space<hbm>>
    tpu.wait_indirect_dma semaphore(%arg8 : memref<!tpu.dma_semaphore, #tpu.memory_space<semaphore_mem>>) src(%dma_wait3A_18 : memref<10000x128xf32, #tpu.memory_space<hbm>>) dst(%arg6 : memref<400x128xf32, #tpu.memory_space<vmem>>)
    %add3A_19 = arith.constant 9600 : i32
    %add3A_20 = arith.addi %mul3A_2, %add3A_19 : i32
    "tpu.region"() ({
      %run_scoped3A = tpu.sem_alloc : memref<!tpu.dma_semaphore, #tpu.memory_space<semaphore_mem>>
      %dma_start3A_21 = arith.constant 0 : i32
      %dma_start3A_22 = tpu.memref_slice %arg4[%add3A_20, %dma_start3A_21] : memref<320000x128xf32, #tpu.memory_space<hbm>> -> memref<400x128xf32, #tpu.memory_space<hbm>>
      %dma_start3A_23 = arith.constant 0 : i32
      %dma_start3A_24 = tpu.memref_slice %arg4[%add3A_20, %dma_start3A_23] : memref<320000x128xf32, #tpu.memory_space<hbm>> -> memref<400x128xf32, #tpu.memory_space<hbm>>
      tpu.enqueue_dma source(%arg6 : memref<400x128xf32, #tpu.memory_space<vmem>>) target(%dma_start3A_24 : memref<400x128xf32, #tpu.memory_space<hbm>>) target_semaphore(%run_scoped3A : memref<!tpu.dma_semaphore, #tpu.memory_space<semaphore_mem>>)
      %dma_wait3A_25 = arith.constant 0 : i32
      %dma_wait3A_26 = tpu.memref_slice %arg4[%add3A_20, %dma_wait3A_25] : memref<320000x128xf32, #tpu.memory_space<hbm>> -> memref<400x128xf32, #tpu.memory_space<hbm>>
      %dma_wait3A_27 = arith.constant 0 : i32
      %dma_wait3A_28 = tpu.memref_slice %arg4[%add3A_20, %dma_wait3A_27] : memref<320000x128xf32, #tpu.memory_space<hbm>> -> memref<400x128xf32, #tpu.memory_space<hbm>>
      tpu.wait_dma2 semaphore(%run_scoped3A : memref<!tpu.dma_semaphore, #tpu.memory_space<semaphore_mem>>) src(%arg6 : memref<400x128xf32, #tpu.memory_space<vmem>>) dst(%dma_wait3A_28 : memref<400x128xf32, #tpu.memory_space<hbm>>)
      tpu.yield
    }) : () -> ()
    return
  }
}

#map = affine_map<(d0, d1) -> (0, 0)>
#map1 = affine_map<(d0, d1) -> (0)>
module attributes {stable_mosaic.version = 14 : i64} {
  func.func @k(%arg0: i32, %arg1: i32, %arg2: memref<10000x128xf32, #tpu.memory_space<hbm>>, %arg3: memref<320000xi32, #tpu.memory_space<hbm>>, %arg4: memref<320000x128xf32, #tpu.memory_space<hbm>>, %arg5: memref<10000xi32, #tpu.memory_space<vmem>>, %arg6: memref<400x128xf32, #tpu.memory_space<vmem>>, %arg7: memref<400x128xf32, #tpu.memory_space<vmem>>, %arg8: memref<!tpu.dma_semaphore, #tpu.memory_space<semaphore_mem>>, %arg9: memref<!tpu.dma_semaphore, #tpu.memory_space<semaphore_mem>>, %arg10: memref<!tpu.dma_semaphore, #tpu.memory_space<semaphore_mem>>, %arg11: memref<!tpu.dma_semaphore, #tpu.memory_space<semaphore_mem>>) attributes {dimension_semantics = [#tpu.dimension_semantics<core_parallel>, #tpu.dimension_semantics<subcore_parallel>], iteration_bounds = array<i64: 2, 16>, scalar_prefetch = 0 : i64, scratch_operands = 7 : i64, tpu.core_type = #tpu.core_type<sc_vector_subcore>, window_params = [{transform_indices = #map}, {transform_indices = #map1}, {transform_indices = #map}]} {
    %mul3A = arith.constant 2 : i32
    %mul3A_0 = arith.muli %arg1, %mul3A : i32
    %add3A = arith.addi %mul3A_0, %arg0 : i32
    %mul3A_1 = arith.constant 10000 : i32
    %mul3A_2 = arith.muli %add3A, %mul3A_1 : i32
    %dma_start3A = tpu.memref_slice %arg3[%mul3A_2] : memref<320000xi32, #tpu.memory_space<hbm>> -> memref<10000xi32, #tpu.memory_space<hbm>>
    %dma_start3A_3 = tpu.memref_slice %arg3[%mul3A_2] : memref<320000xi32, #tpu.memory_space<hbm>> -> memref<10000xi32, #tpu.memory_space<hbm>>
    tpu.enqueue_dma source(%dma_start3A_3 : memref<10000xi32, #tpu.memory_space<hbm>>) target(%arg5 : memref<10000xi32, #tpu.memory_space<vmem>>) target_semaphore(%arg8 : memref<!tpu.dma_semaphore, #tpu.memory_space<semaphore_mem>>)
    %dma_wait3A = tpu.memref_slice %arg3[%mul3A_2] : memref<320000xi32, #tpu.memory_space<hbm>> -> memref<10000xi32, #tpu.memory_space<hbm>>
    %dma_wait3A_4 = tpu.memref_slice %arg3[%mul3A_2] : memref<320000xi32, #tpu.memory_space<hbm>> -> memref<10000xi32, #tpu.memory_space<hbm>>
    tpu.wait_dma2 semaphore(%arg8 : memref<!tpu.dma_semaphore, #tpu.memory_space<semaphore_mem>>) src(%dma_wait3A_4 : memref<10000xi32, #tpu.memory_space<hbm>>) dst(%arg5 : memref<10000xi32, #tpu.memory_space<vmem>>)
    %scan3A = arith.constant 0 : i32
    %scan3A_5 = arith.constant 12 : i32
    %scan3A_6 = arith.addi %scan3A, %scan3A_5 : i32
    %scan3A_7 = arith.constant 1 : i32
    scf.for %scan3A_21 = %scan3A to %scan3A_6 step %scan3A_7  : i32 {
      %mul3A_22 = arith.constant 800 : i32
      %mul3A_23 = arith.muli %scan3A_21, %mul3A_22 : i32
      %add3A_24 = arith.constant 0 : i32
      %add3A_25 = arith.addi %add3A_24, %mul3A_23 : i32
      %add3A_26 = arith.addi %mul3A_2, %add3A_25 : i32
      %add3A_27 = arith.constant 400 : i32
      %add3A_28 = arith.addi %add3A_26, %add3A_27 : i32
      %dma_start3A_29 = tpu.memref_slice %arg5[%add3A_25] : memref<10000xi32, #tpu.memory_space<vmem>> -> memref<400xi32, #tpu.memory_space<vmem>>
      %dma_start3A_30 = arith.constant 0 : i32
      %dma_start3A_31 = arith.constant 0 : i32
      %dma_start3A_32 = tpu.memref_slice %arg2[%dma_start3A_30, %dma_start3A_31] : memref<10000x128xf32, #tpu.memory_space<hbm>> -> memref<10000x128xf32, #tpu.memory_space<hbm>>
      tpu.enqueue_indirect_dma source(%dma_start3A_32 : memref<10000x128xf32, #tpu.memory_space<hbm>>) target(%arg6 : memref<400x128xf32, #tpu.memory_space<vmem>>) offsets(%dma_start3A_29 : memref<400xi32, #tpu.memory_space<vmem>>) semaphore(%arg8 : memref<!tpu.dma_semaphore, #tpu.memory_space<semaphore_mem>>)
      %add3A_33 = arith.constant 400 : i32
      %add3A_34 = arith.addi %add3A_25, %add3A_33 : i32
      %dma_start3A_35 = tpu.memref_slice %arg5[%add3A_34] : memref<10000xi32, #tpu.memory_space<vmem>> -> memref<400xi32, #tpu.memory_space<vmem>>
      %dma_start3A_36 = arith.constant 0 : i32
      %dma_start3A_37 = arith.constant 0 : i32
      %dma_start3A_38 = tpu.memref_slice %arg2[%dma_start3A_36, %dma_start3A_37] : memref<10000x128xf32, #tpu.memory_space<hbm>> -> memref<10000x128xf32, #tpu.memory_space<hbm>>
      tpu.enqueue_indirect_dma source(%dma_start3A_38 : memref<10000x128xf32, #tpu.memory_space<hbm>>) target(%arg7 : memref<400x128xf32, #tpu.memory_space<vmem>>) offsets(%dma_start3A_35 : memref<400xi32, #tpu.memory_space<vmem>>) semaphore(%arg9 : memref<!tpu.dma_semaphore, #tpu.memory_space<semaphore_mem>>)
      %dma_wait3A_39 = tpu.memref_slice %arg5[%add3A_25] : memref<10000xi32, #tpu.memory_space<vmem>> -> memref<400xi32, #tpu.memory_space<vmem>>
      %dma_wait3A_40 = arith.constant 0 : i32
      %dma_wait3A_41 = arith.constant 0 : i32
      %dma_wait3A_42 = tpu.memref_slice %arg2[%dma_wait3A_40, %dma_wait3A_41] : memref<10000x128xf32, #tpu.memory_space<hbm>> -> memref<10000x128xf32, #tpu.memory_space<hbm>>
      tpu.wait_indirect_dma semaphore(%arg8 : memref<!tpu.dma_semaphore, #tpu.memory_space<semaphore_mem>>) src(%dma_wait3A_42 : memref<10000x128xf32, #tpu.memory_space<hbm>>) dst(%arg6 : memref<400x128xf32, #tpu.memory_space<vmem>>)
      %dma_start3A_43 = arith.constant 0 : i32
      %dma_start3A_44 = tpu.memref_slice %arg4[%add3A_26, %dma_start3A_43] : memref<320000x128xf32, #tpu.memory_space<hbm>> -> memref<400x128xf32, #tpu.memory_space<hbm>>
      %dma_start3A_45 = arith.constant 0 : i32
      %dma_start3A_46 = tpu.memref_slice %arg4[%add3A_26, %dma_start3A_45] : memref<320000x128xf32, #tpu.memory_space<hbm>> -> memref<400x128xf32, #tpu.memory_space<hbm>>
      tpu.enqueue_dma source(%arg6 : memref<400x128xf32, #tpu.memory_space<vmem>>) target(%dma_start3A_46 : memref<400x128xf32, #tpu.memory_space<hbm>>) target_semaphore(%arg10 : memref<!tpu.dma_semaphore, #tpu.memory_space<semaphore_mem>>)
      %dma_wait3A_47 = tpu.memref_slice %arg5[%add3A_34] : memref<10000xi32, #tpu.memory_space<vmem>> -> memref<400xi32, #tpu.memory_space<vmem>>
      %dma_wait3A_48 = arith.constant 0 : i32
      %dma_wait3A_49 = arith.constant 0 : i32
      %dma_wait3A_50 = tpu.memref_slice %arg2[%dma_wait3A_48, %dma_wait3A_49] : memref<10000x128xf32, #tpu.memory_space<hbm>> -> memref<10000x128xf32, #tpu.memory_space<hbm>>
      tpu.wait_indirect_dma semaphore(%arg9 : memref<!tpu.dma_semaphore, #tpu.memory_space<semaphore_mem>>) src(%dma_wait3A_50 : memref<10000x128xf32, #tpu.memory_space<hbm>>) dst(%arg7 : memref<400x128xf32, #tpu.memory_space<vmem>>)
      %dma_start3A_51 = arith.constant 0 : i32
      %dma_start3A_52 = tpu.memref_slice %arg4[%add3A_28, %dma_start3A_51] : memref<320000x128xf32, #tpu.memory_space<hbm>> -> memref<400x128xf32, #tpu.memory_space<hbm>>
      %dma_start3A_53 = arith.constant 0 : i32
      %dma_start3A_54 = tpu.memref_slice %arg4[%add3A_28, %dma_start3A_53] : memref<320000x128xf32, #tpu.memory_space<hbm>> -> memref<400x128xf32, #tpu.memory_space<hbm>>
      tpu.enqueue_dma source(%arg7 : memref<400x128xf32, #tpu.memory_space<vmem>>) target(%dma_start3A_54 : memref<400x128xf32, #tpu.memory_space<hbm>>) target_semaphore(%arg11 : memref<!tpu.dma_semaphore, #tpu.memory_space<semaphore_mem>>)
      %dma_wait3A_55 = arith.constant 0 : i32
      %dma_wait3A_56 = tpu.memref_slice %arg4[%add3A_26, %dma_wait3A_55] : memref<320000x128xf32, #tpu.memory_space<hbm>> -> memref<400x128xf32, #tpu.memory_space<hbm>>
      %dma_wait3A_57 = arith.constant 0 : i32
      %dma_wait3A_58 = tpu.memref_slice %arg4[%add3A_26, %dma_wait3A_57] : memref<320000x128xf32, #tpu.memory_space<hbm>> -> memref<400x128xf32, #tpu.memory_space<hbm>>
      tpu.wait_dma2 semaphore(%arg10 : memref<!tpu.dma_semaphore, #tpu.memory_space<semaphore_mem>>) src(%arg6 : memref<400x128xf32, #tpu.memory_space<vmem>>) dst(%dma_wait3A_58 : memref<400x128xf32, #tpu.memory_space<hbm>>)
      %dma_wait3A_59 = arith.constant 0 : i32
      %dma_wait3A_60 = tpu.memref_slice %arg4[%add3A_28, %dma_wait3A_59] : memref<320000x128xf32, #tpu.memory_space<hbm>> -> memref<400x128xf32, #tpu.memory_space<hbm>>
      %dma_wait3A_61 = arith.constant 0 : i32
      %dma_wait3A_62 = tpu.memref_slice %arg4[%add3A_28, %dma_wait3A_61] : memref<320000x128xf32, #tpu.memory_space<hbm>> -> memref<400x128xf32, #tpu.memory_space<hbm>>
      tpu.wait_dma2 semaphore(%arg11 : memref<!tpu.dma_semaphore, #tpu.memory_space<semaphore_mem>>) src(%arg7 : memref<400x128xf32, #tpu.memory_space<vmem>>) dst(%dma_wait3A_62 : memref<400x128xf32, #tpu.memory_space<hbm>>)
    }
    %scan3A_8 = arith.constant 12 : i32
    %dma_start3A_9 = arith.constant 9600 : i32
    %dma_start3A_10 = tpu.memref_slice %arg5[%dma_start3A_9] : memref<10000xi32, #tpu.memory_space<vmem>> -> memref<400xi32, #tpu.memory_space<vmem>>
    %dma_start3A_11 = arith.constant 0 : i32
    %dma_start3A_12 = arith.constant 0 : i32
    %dma_start3A_13 = tpu.memref_slice %arg2[%dma_start3A_11, %dma_start3A_12] : memref<10000x128xf32, #tpu.memory_space<hbm>> -> memref<10000x128xf32, #tpu.memory_space<hbm>>
    tpu.enqueue_indirect_dma source(%dma_start3A_13 : memref<10000x128xf32, #tpu.memory_space<hbm>>) target(%arg6 : memref<400x128xf32, #tpu.memory_space<vmem>>) offsets(%dma_start3A_10 : memref<400xi32, #tpu.memory_space<vmem>>) semaphore(%arg8 : memref<!tpu.dma_semaphore, #tpu.memory_space<semaphore_mem>>)
    %dma_wait3A_14 = arith.constant 9600 : i32
    %dma_wait3A_15 = tpu.memref_slice %arg5[%dma_wait3A_14] : memref<10000xi32, #tpu.memory_space<vmem>> -> memref<400xi32, #tpu.memory_space<vmem>>
    %dma_wait3A_16 = arith.constant 0 : i32
    %dma_wait3A_17 = arith.constant 0 : i32
    %dma_wait3A_18 = tpu.memref_slice %arg2[%dma_wait3A_16, %dma_wait3A_17] : memref<10000x128xf32, #tpu.memory_space<hbm>> -> memref<10000x128xf32, #tpu.memory_space<hbm>>
    tpu.wait_indirect_dma semaphore(%arg8 : memref<!tpu.dma_semaphore, #tpu.memory_space<semaphore_mem>>) src(%dma_wait3A_18 : memref<10000x128xf32, #tpu.memory_space<hbm>>) dst(%arg6 : memref<400x128xf32, #tpu.memory_space<vmem>>)
    %add3A_19 = arith.constant 9600 : i32
    %add3A_20 = arith.addi %mul3A_2, %add3A_19 : i32
    "tpu.region"() ({
      %run_scoped3A = tpu.sem_alloc : memref<!tpu.dma_semaphore, #tpu.memory_space<semaphore_mem>>
      %dma_start3A_21 = arith.constant 0 : i32
      %dma_start3A_22 = tpu.memref_slice %arg4[%add3A_20, %dma_start3A_21] : memref<320000x128xf32, #tpu.memory_space<hbm>> -> memref<400x128xf32, #tpu.memory_space<hbm>>
      %dma_start3A_23 = arith.constant 0 : i32
      %dma_start3A_24 = tpu.memref_slice %arg4[%add3A_20, %dma_start3A_23] : memref<320000x128xf32, #tpu.memory_space<hbm>> -> memref<400x128xf32, #tpu.memory_space<hbm>>
      tpu.enqueue_dma source(%arg6 : memref<400x128xf32, #tpu.memory_space<vmem>>) target(%dma_start3A_24 : memref<400x128xf32, #tpu.memory_space<hbm>>) target_semaphore(%run_scoped3A : memref<!tpu.dma_semaphore, #tpu.memory_space<semaphore_mem>>)
      %dma_wait3A_25 = arith.constant 0 : i32
      %dma_wait3A_26 = tpu.memref_slice %arg4[%add3A_20, %dma_wait3A_25] : memref<320000x128xf32, #tpu.memory_space<hbm>> -> memref<400x128xf32, #tpu.memory_space<hbm>>
      %dma_wait3A_27 = arith.constant 0 : i32
      %dma_wait3A_28 = tpu.memref_slice %arg4[%add3A_20, %dma_wait3A_27] : memref<320000x128xf32, #tpu.memory_space<hbm>> -> memref<400x128xf32, #tpu.memory_space<hbm>>
      tpu.wait_dma2 semaphore(%run_scoped3A : memref<!tpu.dma_semaphore, #tpu.memory_space<semaphore_mem>>) src(%arg6 : memref<400x128xf32, #tpu.memory_space<vmem>>) dst(%dma_wait3A_28 : memref<400x128xf32, #tpu.memory_space<hbm>>)
      tpu.yield
    }) : () -> ()
    return
  }
}

#map = affine_map<(d0, d1) -> (0, 0)>
#map1 = affine_map<(d0, d1) -> (0)>
module attributes {stable_mosaic.version = 14 : i64} {
  func.func @k(%arg0: i32, %arg1: i32, %arg2: memref<10000x128xf32, #tpu.memory_space<hbm>>, %arg3: memref<320000xi32, #tpu.memory_space<hbm>>, %arg4: memref<320000x128xf32, #tpu.memory_space<hbm>>, %arg5: memref<10000xi32, #tpu.memory_space<vmem>>, %arg6: memref<400x128xf32, #tpu.memory_space<vmem>>, %arg7: memref<400x128xf32, #tpu.memory_space<vmem>>, %arg8: memref<!tpu.dma_semaphore, #tpu.memory_space<semaphore_mem>>, %arg9: memref<!tpu.dma_semaphore, #tpu.memory_space<semaphore_mem>>, %arg10: memref<!tpu.dma_semaphore, #tpu.memory_space<semaphore_mem>>, %arg11: memref<!tpu.dma_semaphore, #tpu.memory_space<semaphore_mem>>) attributes {dimension_semantics = [#tpu.dimension_semantics<core_parallel>, #tpu.dimension_semantics<subcore_parallel>], iteration_bounds = array<i64: 2, 16>, scalar_prefetch = 0 : i64, scratch_operands = 7 : i64, tpu.core_type = #tpu.core_type<sc_vector_subcore>, window_params = [{transform_indices = #map}, {transform_indices = #map1}, {transform_indices = #map}]} {
    %mul3A = arith.constant 2 : i32
    %mul3A_0 = arith.muli %arg1, %mul3A : i32
    %add3A = arith.addi %mul3A_0, %arg0 : i32
    %mul3A_1 = arith.constant 10000 : i32
    %mul3A_2 = arith.muli %add3A, %mul3A_1 : i32
    %dma_start3A = tpu.memref_slice %arg3[%mul3A_2] : memref<320000xi32, #tpu.memory_space<hbm>> -> memref<10000xi32, #tpu.memory_space<hbm>>
    %dma_start3A_3 = tpu.memref_slice %arg3[%mul3A_2] : memref<320000xi32, #tpu.memory_space<hbm>> -> memref<10000xi32, #tpu.memory_space<hbm>>
    tpu.enqueue_dma source(%dma_start3A_3 : memref<10000xi32, #tpu.memory_space<hbm>>) target(%arg5 : memref<10000xi32, #tpu.memory_space<vmem>>) target_semaphore(%arg8 : memref<!tpu.dma_semaphore, #tpu.memory_space<semaphore_mem>>)
    %dma_wait3A = tpu.memref_slice %arg3[%mul3A_2] : memref<320000xi32, #tpu.memory_space<hbm>> -> memref<10000xi32, #tpu.memory_space<hbm>>
    %dma_wait3A_4 = tpu.memref_slice %arg3[%mul3A_2] : memref<320000xi32, #tpu.memory_space<hbm>> -> memref<10000xi32, #tpu.memory_space<hbm>>
    tpu.wait_dma2 semaphore(%arg8 : memref<!tpu.dma_semaphore, #tpu.memory_space<semaphore_mem>>) src(%dma_wait3A_4 : memref<10000xi32, #tpu.memory_space<hbm>>) dst(%arg5 : memref<10000xi32, #tpu.memory_space<vmem>>)
    %scan3A = arith.constant 0 : i32
    %scan3A_5 = arith.constant 12 : i32
    %scan3A_6 = arith.addi %scan3A, %scan3A_5 : i32
    %scan3A_7 = arith.constant 1 : i32
    scf.for %scan3A_21 = %scan3A to %scan3A_6 step %scan3A_7  : i32 {
      %mul3A_22 = arith.constant 800 : i32
      %mul3A_23 = arith.muli %scan3A_21, %mul3A_22 : i32
      %add3A_24 = arith.constant 0 : i32
      %add3A_25 = arith.addi %add3A_24, %mul3A_23 : i32
      %add3A_26 = arith.addi %mul3A_2, %add3A_25 : i32
      %add3A_27 = arith.constant 400 : i32
      %add3A_28 = arith.addi %add3A_26, %add3A_27 : i32
      %dma_start3A_29 = tpu.memref_slice %arg5[%add3A_25] : memref<10000xi32, #tpu.memory_space<vmem>> -> memref<400xi32, #tpu.memory_space<vmem>>
      %dma_start3A_30 = arith.constant 0 : i32
      %dma_start3A_31 = arith.constant 0 : i32
      %dma_start3A_32 = tpu.memref_slice %arg2[%dma_start3A_30, %dma_start3A_31] : memref<10000x128xf32, #tpu.memory_space<hbm>> -> memref<10000x128xf32, #tpu.memory_space<hbm>>
      tpu.enqueue_indirect_dma source(%dma_start3A_32 : memref<10000x128xf32, #tpu.memory_space<hbm>>) target(%arg6 : memref<400x128xf32, #tpu.memory_space<vmem>>) offsets(%dma_start3A_29 : memref<400xi32, #tpu.memory_space<vmem>>) semaphore(%arg8 : memref<!tpu.dma_semaphore, #tpu.memory_space<semaphore_mem>>)
      %add3A_33 = arith.constant 400 : i32
      %add3A_34 = arith.addi %add3A_25, %add3A_33 : i32
      %dma_start3A_35 = tpu.memref_slice %arg5[%add3A_34] : memref<10000xi32, #tpu.memory_space<vmem>> -> memref<400xi32, #tpu.memory_space<vmem>>
      %dma_start3A_36 = arith.constant 0 : i32
      %dma_start3A_37 = arith.constant 0 : i32
      %dma_start3A_38 = tpu.memref_slice %arg2[%dma_start3A_36, %dma_start3A_37] : memref<10000x128xf32, #tpu.memory_space<hbm>> -> memref<10000x128xf32, #tpu.memory_space<hbm>>
      tpu.enqueue_indirect_dma source(%dma_start3A_38 : memref<10000x128xf32, #tpu.memory_space<hbm>>) target(%arg7 : memref<400x128xf32, #tpu.memory_space<vmem>>) offsets(%dma_start3A_35 : memref<400xi32, #tpu.memory_space<vmem>>) semaphore(%arg9 : memref<!tpu.dma_semaphore, #tpu.memory_space<semaphore_mem>>)
      %dma_wait3A_39 = tpu.memref_slice %arg5[%add3A_25] : memref<10000xi32, #tpu.memory_space<vmem>> -> memref<400xi32, #tpu.memory_space<vmem>>
      %dma_wait3A_40 = arith.constant 0 : i32
      %dma_wait3A_41 = arith.constant 0 : i32
      %dma_wait3A_42 = tpu.memref_slice %arg2[%dma_wait3A_40, %dma_wait3A_41] : memref<10000x128xf32, #tpu.memory_space<hbm>> -> memref<10000x128xf32, #tpu.memory_space<hbm>>
      tpu.wait_indirect_dma semaphore(%arg8 : memref<!tpu.dma_semaphore, #tpu.memory_space<semaphore_mem>>) src(%dma_wait3A_42 : memref<10000x128xf32, #tpu.memory_space<hbm>>) dst(%arg6 : memref<400x128xf32, #tpu.memory_space<vmem>>)
      %dma_start3A_43 = arith.constant 0 : i32
      %dma_start3A_44 = tpu.memref_slice %arg4[%add3A_26, %dma_start3A_43] : memref<320000x128xf32, #tpu.memory_space<hbm>> -> memref<400x128xf32, #tpu.memory_space<hbm>>
      %dma_start3A_45 = arith.constant 0 : i32
      %dma_start3A_46 = tpu.memref_slice %arg4[%add3A_26, %dma_start3A_45] : memref<320000x128xf32, #tpu.memory_space<hbm>> -> memref<400x128xf32, #tpu.memory_space<hbm>>
      tpu.enqueue_dma source(%arg6 : memref<400x128xf32, #tpu.memory_space<vmem>>) target(%dma_start3A_46 : memref<400x128xf32, #tpu.memory_space<hbm>>) target_semaphore(%arg10 : memref<!tpu.dma_semaphore, #tpu.memory_space<semaphore_mem>>)
      %dma_wait3A_47 = tpu.memref_slice %arg5[%add3A_34] : memref<10000xi32, #tpu.memory_space<vmem>> -> memref<400xi32, #tpu.memory_space<vmem>>
      %dma_wait3A_48 = arith.constant 0 : i32
      %dma_wait3A_49 = arith.constant 0 : i32
      %dma_wait3A_50 = tpu.memref_slice %arg2[%dma_wait3A_48, %dma_wait3A_49] : memref<10000x128xf32, #tpu.memory_space<hbm>> -> memref<10000x128xf32, #tpu.memory_space<hbm>>
      tpu.wait_indirect_dma semaphore(%arg9 : memref<!tpu.dma_semaphore, #tpu.memory_space<semaphore_mem>>) src(%dma_wait3A_50 : memref<10000x128xf32, #tpu.memory_space<hbm>>) dst(%arg7 : memref<400x128xf32, #tpu.memory_space<vmem>>)
      %dma_start3A_51 = arith.constant 0 : i32
      %dma_start3A_52 = tpu.memref_slice %arg4[%add3A_28, %dma_start3A_51] : memref<320000x128xf32, #tpu.memory_space<hbm>> -> memref<400x128xf32, #tpu.memory_space<hbm>>
      %dma_start3A_53 = arith.constant 0 : i32
      %dma_start3A_54 = tpu.memref_slice %arg4[%add3A_28, %dma_start3A_53] : memref<320000x128xf32, #tpu.memory_space<hbm>> -> memref<400x128xf32, #tpu.memory_space<hbm>>
      tpu.enqueue_dma source(%arg7 : memref<400x128xf32, #tpu.memory_space<vmem>>) target(%dma_start3A_54 : memref<400x128xf32, #tpu.memory_space<hbm>>) target_semaphore(%arg11 : memref<!tpu.dma_semaphore, #tpu.memory_space<semaphore_mem>>)
      %dma_wait3A_55 = arith.constant 0 : i32
      %dma_wait3A_56 = tpu.memref_slice %arg4[%add3A_26, %dma_wait3A_55] : memref<320000x128xf32, #tpu.memory_space<hbm>> -> memref<400x128xf32, #tpu.memory_space<hbm>>
      %dma_wait3A_57 = arith.constant 0 : i32
      %dma_wait3A_58 = tpu.memref_slice %arg4[%add3A_26, %dma_wait3A_57] : memref<320000x128xf32, #tpu.memory_space<hbm>> -> memref<400x128xf32, #tpu.memory_space<hbm>>
      tpu.wait_dma2 semaphore(%arg10 : memref<!tpu.dma_semaphore, #tpu.memory_space<semaphore_mem>>) src(%arg6 : memref<400x128xf32, #tpu.memory_space<vmem>>) dst(%dma_wait3A_58 : memref<400x128xf32, #tpu.memory_space<hbm>>)
      %dma_wait3A_59 = arith.constant 0 : i32
      %dma_wait3A_60 = tpu.memref_slice %arg4[%add3A_28, %dma_wait3A_59] : memref<320000x128xf32, #tpu.memory_space<hbm>> -> memref<400x128xf32, #tpu.memory_space<hbm>>
      %dma_wait3A_61 = arith.constant 0 : i32
      %dma_wait3A_62 = tpu.memref_slice %arg4[%add3A_28, %dma_wait3A_61] : memref<320000x128xf32, #tpu.memory_space<hbm>> -> memref<400x128xf32, #tpu.memory_space<hbm>>
      tpu.wait_dma2 semaphore(%arg11 : memref<!tpu.dma_semaphore, #tpu.memory_space<semaphore_mem>>) src(%arg7 : memref<400x128xf32, #tpu.memory_space<vmem>>) dst(%dma_wait3A_62 : memref<400x128xf32, #tpu.memory_space<hbm>>)
    }
    %scan3A_8 = arith.constant 12 : i32
    %dma_start3A_9 = arith.constant 9600 : i32
    %dma_start3A_10 = tpu.memref_slice %arg5[%dma_start3A_9] : memref<10000xi32, #tpu.memory_space<vmem>> -> memref<400xi32, #tpu.memory_space<vmem>>
    %dma_start3A_11 = arith.constant 0 : i32
    %dma_start3A_12 = arith.constant 0 : i32
    %dma_start3A_13 = tpu.memref_slice %arg2[%dma_start3A_11, %dma_start3A_12] : memref<10000x128xf32, #tpu.memory_space<hbm>> -> memref<10000x128xf32, #tpu.memory_space<hbm>>
    tpu.enqueue_indirect_dma source(%dma_start3A_13 : memref<10000x128xf32, #tpu.memory_space<hbm>>) target(%arg6 : memref<400x128xf32, #tpu.memory_space<vmem>>) offsets(%dma_start3A_10 : memref<400xi32, #tpu.memory_space<vmem>>) semaphore(%arg8 : memref<!tpu.dma_semaphore, #tpu.memory_space<semaphore_mem>>)
    %dma_wait3A_14 = arith.constant 9600 : i32
    %dma_wait3A_15 = tpu.memref_slice %arg5[%dma_wait3A_14] : memref<10000xi32, #tpu.memory_space<vmem>> -> memref<400xi32, #tpu.memory_space<vmem>>
    %dma_wait3A_16 = arith.constant 0 : i32
    %dma_wait3A_17 = arith.constant 0 : i32
    %dma_wait3A_18 = tpu.memref_slice %arg2[%dma_wait3A_16, %dma_wait3A_17] : memref<10000x128xf32, #tpu.memory_space<hbm>> -> memref<10000x128xf32, #tpu.memory_space<hbm>>
    tpu.wait_indirect_dma semaphore(%arg8 : memref<!tpu.dma_semaphore, #tpu.memory_space<semaphore_mem>>) src(%dma_wait3A_18 : memref<10000x128xf32, #tpu.memory_space<hbm>>) dst(%arg6 : memref<400x128xf32, #tpu.memory_space<vmem>>)
    %add3A_19 = arith.constant 9600 : i32
    %add3A_20 = arith.addi %mul3A_2, %add3A_19 : i32
    "tpu.region"() ({
      %run_scoped3A = tpu.sem_alloc : memref<!tpu.dma_semaphore, #tpu.memory_space<semaphore_mem>>
      %dma_start3A_21 = arith.constant 0 : i32
      %dma_start3A_22 = tpu.memref_slice %arg4[%add3A_20, %dma_start3A_21] : memref<320000x128xf32, #tpu.memory_space<hbm>> -> memref<400x128xf32, #tpu.memory_space<hbm>>
      %dma_start3A_23 = arith.constant 0 : i32
      %dma_start3A_24 = tpu.memref_slice %arg4[%add3A_20, %dma_start3A_23] : memref<320000x128xf32, #tpu.memory_space<hbm>> -> memref<400x128xf32, #tpu.memory_space<hbm>>
      tpu.enqueue_dma source(%arg6 : memref<400x128xf32, #tpu.memory_space<vmem>>) target(%dma_start3A_24 : memref<400x128xf32, #tpu.memory_space<hbm>>) target_semaphore(%run_scoped3A : memref<!tpu.dma_semaphore, #tpu.memory_space<semaphore_mem>>)
      %dma_wait3A_25 = arith.constant 0 : i32
      %dma_wait3A_26 = tpu.memref_slice %arg4[%add3A_20, %dma_wait3A_25] : memref<320000x128xf32, #tpu.memory_space<hbm>> -> memref<400x128xf32, #tpu.memory_space<hbm>>
      %dma_wait3A_27 = arith.constant 0 : i32
      %dma_wait3A_28 = tpu.memref_slice %arg4[%add3A_20, %dma_wait3A_27] : memref<320000x128xf32, #tpu.memory_space<hbm>> -> memref<400x128xf32, #tpu.memory_space<hbm>>
      tpu.wait_dma2 semaphore(%run_scoped3A : memref<!tpu.dma_semaphore, #tpu.memory_space<semaphore_mem>>) src(%arg6 : memref<400x128xf32, #tpu.memory_space<vmem>>) dst(%dma_wait3A_28 : memref<400x128xf32, #tpu.memory_space<hbm>>)
      tpu.yield
    }) : () -> ()
    return
  }
}

#map = affine_map<(d0, d1) -> (0, 0)>
#map1 = affine_map<(d0, d1) -> (0)>
module attributes {stable_mosaic.version = 14 : i64} {
  func.func @k(%arg0: i32, %arg1: i32, %arg2: memref<10000x128xf32, #tpu.memory_space<hbm>>, %arg3: memref<320000xi32, #tpu.memory_space<hbm>>, %arg4: memref<320000x128xf32, #tpu.memory_space<hbm>>, %arg5: memref<10000xi32, #tpu.memory_space<vmem>>, %arg6: memref<400x128xf32, #tpu.memory_space<vmem>>, %arg7: memref<400x128xf32, #tpu.memory_space<vmem>>, %arg8: memref<!tpu.dma_semaphore, #tpu.memory_space<semaphore_mem>>, %arg9: memref<!tpu.dma_semaphore, #tpu.memory_space<semaphore_mem>>, %arg10: memref<!tpu.dma_semaphore, #tpu.memory_space<semaphore_mem>>, %arg11: memref<!tpu.dma_semaphore, #tpu.memory_space<semaphore_mem>>) attributes {dimension_semantics = [#tpu.dimension_semantics<core_parallel>, #tpu.dimension_semantics<subcore_parallel>], iteration_bounds = array<i64: 2, 16>, scalar_prefetch = 0 : i64, scratch_operands = 7 : i64, tpu.core_type = #tpu.core_type<sc_vector_subcore>, window_params = [{transform_indices = #map}, {transform_indices = #map1}, {transform_indices = #map}]} {
    %mul3A = arith.constant 2 : i32
    %mul3A_0 = arith.muli %arg1, %mul3A : i32
    %add3A = arith.addi %mul3A_0, %arg0 : i32
    %mul3A_1 = arith.constant 10000 : i32
    %mul3A_2 = arith.muli %add3A, %mul3A_1 : i32
    %dma_start3A = tpu.memref_slice %arg3[%mul3A_2] : memref<320000xi32, #tpu.memory_space<hbm>> -> memref<10000xi32, #tpu.memory_space<hbm>>
    %dma_start3A_3 = tpu.memref_slice %arg3[%mul3A_2] : memref<320000xi32, #tpu.memory_space<hbm>> -> memref<10000xi32, #tpu.memory_space<hbm>>
    tpu.enqueue_dma source(%dma_start3A_3 : memref<10000xi32, #tpu.memory_space<hbm>>) target(%arg5 : memref<10000xi32, #tpu.memory_space<vmem>>) target_semaphore(%arg8 : memref<!tpu.dma_semaphore, #tpu.memory_space<semaphore_mem>>)
    %dma_wait3A = tpu.memref_slice %arg3[%mul3A_2] : memref<320000xi32, #tpu.memory_space<hbm>> -> memref<10000xi32, #tpu.memory_space<hbm>>
    %dma_wait3A_4 = tpu.memref_slice %arg3[%mul3A_2] : memref<320000xi32, #tpu.memory_space<hbm>> -> memref<10000xi32, #tpu.memory_space<hbm>>
    tpu.wait_dma2 semaphore(%arg8 : memref<!tpu.dma_semaphore, #tpu.memory_space<semaphore_mem>>) src(%dma_wait3A_4 : memref<10000xi32, #tpu.memory_space<hbm>>) dst(%arg5 : memref<10000xi32, #tpu.memory_space<vmem>>)
    %scan3A = arith.constant 0 : i32
    %scan3A_5 = arith.constant 12 : i32
    %scan3A_6 = arith.addi %scan3A, %scan3A_5 : i32
    %scan3A_7 = arith.constant 1 : i32
    scf.for %scan3A_21 = %scan3A to %scan3A_6 step %scan3A_7  : i32 {
      %mul3A_22 = arith.constant 800 : i32
      %mul3A_23 = arith.muli %scan3A_21, %mul3A_22 : i32
      %add3A_24 = arith.constant 0 : i32
      %add3A_25 = arith.addi %add3A_24, %mul3A_23 : i32
      %add3A_26 = arith.addi %mul3A_2, %add3A_25 : i32
      %add3A_27 = arith.constant 400 : i32
      %add3A_28 = arith.addi %add3A_26, %add3A_27 : i32
      %dma_start3A_29 = tpu.memref_slice %arg5[%add3A_25] : memref<10000xi32, #tpu.memory_space<vmem>> -> memref<400xi32, #tpu.memory_space<vmem>>
      %dma_start3A_30 = arith.constant 0 : i32
      %dma_start3A_31 = arith.constant 0 : i32
      %dma_start3A_32 = tpu.memref_slice %arg2[%dma_start3A_30, %dma_start3A_31] : memref<10000x128xf32, #tpu.memory_space<hbm>> -> memref<10000x128xf32, #tpu.memory_space<hbm>>
      tpu.enqueue_indirect_dma source(%dma_start3A_32 : memref<10000x128xf32, #tpu.memory_space<hbm>>) target(%arg6 : memref<400x128xf32, #tpu.memory_space<vmem>>) offsets(%dma_start3A_29 : memref<400xi32, #tpu.memory_space<vmem>>) semaphore(%arg8 : memref<!tpu.dma_semaphore, #tpu.memory_space<semaphore_mem>>)
      %add3A_33 = arith.constant 400 : i32
      %add3A_34 = arith.addi %add3A_25, %add3A_33 : i32
      %dma_start3A_35 = tpu.memref_slice %arg5[%add3A_34] : memref<10000xi32, #tpu.memory_space<vmem>> -> memref<400xi32, #tpu.memory_space<vmem>>
      %dma_start3A_36 = arith.constant 0 : i32
      %dma_start3A_37 = arith.constant 0 : i32
      %dma_start3A_38 = tpu.memref_slice %arg2[%dma_start3A_36, %dma_start3A_37] : memref<10000x128xf32, #tpu.memory_space<hbm>> -> memref<10000x128xf32, #tpu.memory_space<hbm>>
      tpu.enqueue_indirect_dma source(%dma_start3A_38 : memref<10000x128xf32, #tpu.memory_space<hbm>>) target(%arg7 : memref<400x128xf32, #tpu.memory_space<vmem>>) offsets(%dma_start3A_35 : memref<400xi32, #tpu.memory_space<vmem>>) semaphore(%arg9 : memref<!tpu.dma_semaphore, #tpu.memory_space<semaphore_mem>>)
      %dma_wait3A_39 = tpu.memref_slice %arg5[%add3A_25] : memref<10000xi32, #tpu.memory_space<vmem>> -> memref<400xi32, #tpu.memory_space<vmem>>
      %dma_wait3A_40 = arith.constant 0 : i32
      %dma_wait3A_41 = arith.constant 0 : i32
      %dma_wait3A_42 = tpu.memref_slice %arg2[%dma_wait3A_40, %dma_wait3A_41] : memref<10000x128xf32, #tpu.memory_space<hbm>> -> memref<10000x128xf32, #tpu.memory_space<hbm>>
      tpu.wait_indirect_dma semaphore(%arg8 : memref<!tpu.dma_semaphore, #tpu.memory_space<semaphore_mem>>) src(%dma_wait3A_42 : memref<10000x128xf32, #tpu.memory_space<hbm>>) dst(%arg6 : memref<400x128xf32, #tpu.memory_space<vmem>>)
      %dma_start3A_43 = arith.constant 0 : i32
      %dma_start3A_44 = tpu.memref_slice %arg4[%add3A_26, %dma_start3A_43] : memref<320000x128xf32, #tpu.memory_space<hbm>> -> memref<400x128xf32, #tpu.memory_space<hbm>>
      %dma_start3A_45 = arith.constant 0 : i32
      %dma_start3A_46 = tpu.memref_slice %arg4[%add3A_26, %dma_start3A_45] : memref<320000x128xf32, #tpu.memory_space<hbm>> -> memref<400x128xf32, #tpu.memory_space<hbm>>
      tpu.enqueue_dma source(%arg6 : memref<400x128xf32, #tpu.memory_space<vmem>>) target(%dma_start3A_46 : memref<400x128xf32, #tpu.memory_space<hbm>>) target_semaphore(%arg10 : memref<!tpu.dma_semaphore, #tpu.memory_space<semaphore_mem>>)
      %dma_wait3A_47 = tpu.memref_slice %arg5[%add3A_34] : memref<10000xi32, #tpu.memory_space<vmem>> -> memref<400xi32, #tpu.memory_space<vmem>>
      %dma_wait3A_48 = arith.constant 0 : i32
      %dma_wait3A_49 = arith.constant 0 : i32
      %dma_wait3A_50 = tpu.memref_slice %arg2[%dma_wait3A_48, %dma_wait3A_49] : memref<10000x128xf32, #tpu.memory_space<hbm>> -> memref<10000x128xf32, #tpu.memory_space<hbm>>
      tpu.wait_indirect_dma semaphore(%arg9 : memref<!tpu.dma_semaphore, #tpu.memory_space<semaphore_mem>>) src(%dma_wait3A_50 : memref<10000x128xf32, #tpu.memory_space<hbm>>) dst(%arg7 : memref<400x128xf32, #tpu.memory_space<vmem>>)
      %dma_start3A_51 = arith.constant 0 : i32
      %dma_start3A_52 = tpu.memref_slice %arg4[%add3A_28, %dma_start3A_51] : memref<320000x128xf32, #tpu.memory_space<hbm>> -> memref<400x128xf32, #tpu.memory_space<hbm>>
      %dma_start3A_53 = arith.constant 0 : i32
      %dma_start3A_54 = tpu.memref_slice %arg4[%add3A_28, %dma_start3A_53] : memref<320000x128xf32, #tpu.memory_space<hbm>> -> memref<400x128xf32, #tpu.memory_space<hbm>>
      tpu.enqueue_dma source(%arg7 : memref<400x128xf32, #tpu.memory_space<vmem>>) target(%dma_start3A_54 : memref<400x128xf32, #tpu.memory_space<hbm>>) target_semaphore(%arg11 : memref<!tpu.dma_semaphore, #tpu.memory_space<semaphore_mem>>)
      %dma_wait3A_55 = arith.constant 0 : i32
      %dma_wait3A_56 = tpu.memref_slice %arg4[%add3A_26, %dma_wait3A_55] : memref<320000x128xf32, #tpu.memory_space<hbm>> -> memref<400x128xf32, #tpu.memory_space<hbm>>
      %dma_wait3A_57 = arith.constant 0 : i32
      %dma_wait3A_58 = tpu.memref_slice %arg4[%add3A_26, %dma_wait3A_57] : memref<320000x128xf32, #tpu.memory_space<hbm>> -> memref<400x128xf32, #tpu.memory_space<hbm>>
      tpu.wait_dma2 semaphore(%arg10 : memref<!tpu.dma_semaphore, #tpu.memory_space<semaphore_mem>>) src(%arg6 : memref<400x128xf32, #tpu.memory_space<vmem>>) dst(%dma_wait3A_58 : memref<400x128xf32, #tpu.memory_space<hbm>>)
      %dma_wait3A_59 = arith.constant 0 : i32
      %dma_wait3A_60 = tpu.memref_slice %arg4[%add3A_28, %dma_wait3A_59] : memref<320000x128xf32, #tpu.memory_space<hbm>> -> memref<400x128xf32, #tpu.memory_space<hbm>>
      %dma_wait3A_61 = arith.constant 0 : i32
      %dma_wait3A_62 = tpu.memref_slice %arg4[%add3A_28, %dma_wait3A_61] : memref<320000x128xf32, #tpu.memory_space<hbm>> -> memref<400x128xf32, #tpu.memory_space<hbm>>
      tpu.wait_dma2 semaphore(%arg11 : memref<!tpu.dma_semaphore, #tpu.memory_space<semaphore_mem>>) src(%arg7 : memref<400x128xf32, #tpu.memory_space<vmem>>) dst(%dma_wait3A_62 : memref<400x128xf32, #tpu.memory_space<hbm>>)
    }
    %scan3A_8 = arith.constant 12 : i32
    %dma_start3A_9 = arith.constant 9600 : i32
    %dma_start3A_10 = tpu.memref_slice %arg5[%dma_start3A_9] : memref<10000xi32, #tpu.memory_space<vmem>> -> memref<400xi32, #tpu.memory_space<vmem>>
    %dma_start3A_11 = arith.constant 0 : i32
    %dma_start3A_12 = arith.constant 0 : i32
    %dma_start3A_13 = tpu.memref_slice %arg2[%dma_start3A_11, %dma_start3A_12] : memref<10000x128xf32, #tpu.memory_space<hbm>> -> memref<10000x128xf32, #tpu.memory_space<hbm>>
    tpu.enqueue_indirect_dma source(%dma_start3A_13 : memref<10000x128xf32, #tpu.memory_space<hbm>>) target(%arg6 : memref<400x128xf32, #tpu.memory_space<vmem>>) offsets(%dma_start3A_10 : memref<400xi32, #tpu.memory_space<vmem>>) semaphore(%arg8 : memref<!tpu.dma_semaphore, #tpu.memory_space<semaphore_mem>>)
    %dma_wait3A_14 = arith.constant 9600 : i32
    %dma_wait3A_15 = tpu.memref_slice %arg5[%dma_wait3A_14] : memref<10000xi32, #tpu.memory_space<vmem>> -> memref<400xi32, #tpu.memory_space<vmem>>
    %dma_wait3A_16 = arith.constant 0 : i32
    %dma_wait3A_17 = arith.constant 0 : i32
    %dma_wait3A_18 = tpu.memref_slice %arg2[%dma_wait3A_16, %dma_wait3A_17] : memref<10000x128xf32, #tpu.memory_space<hbm>> -> memref<10000x128xf32, #tpu.memory_space<hbm>>
    tpu.wait_indirect_dma semaphore(%arg8 : memref<!tpu.dma_semaphore, #tpu.memory_space<semaphore_mem>>) src(%dma_wait3A_18 : memref<10000x128xf32, #tpu.memory_space<hbm>>) dst(%arg6 : memref<400x128xf32, #tpu.memory_space<vmem>>)
    %add3A_19 = arith.constant 9600 : i32
    %add3A_20 = arith.addi %mul3A_2, %add3A_19 : i32
    "tpu.region"() ({
      %run_scoped3A = tpu.sem_alloc : memref<!tpu.dma_semaphore, #tpu.memory_space<semaphore_mem>>
      %dma_start3A_21 = arith.constant 0 : i32
      %dma_start3A_22 = tpu.memref_slice %arg4[%add3A_20, %dma_start3A_21] : memref<320000x128xf32, #tpu.memory_space<hbm>> -> memref<400x128xf32, #tpu.memory_space<hbm>>
      %dma_start3A_23 = arith.constant 0 : i32
      %dma_start3A_24 = tpu.memref_slice %arg4[%add3A_20, %dma_start3A_23] : memref<320000x128xf32, #tpu.memory_space<hbm>> -> memref<400x128xf32, #tpu.memory_space<hbm>>
      tpu.enqueue_dma source(%arg6 : memref<400x128xf32, #tpu.memory_space<vmem>>) target(%dma_start3A_24 : memref<400x128xf32, #tpu.memory_space<hbm>>) target_semaphore(%run_scoped3A : memref<!tpu.dma_semaphore, #tpu.memory_space<semaphore_mem>>)
      %dma_wait3A_25 = arith.constant 0 : i32
      %dma_wait3A_26 = tpu.memref_slice %arg4[%add3A_20, %dma_wait3A_25] : memref<320000x128xf32, #tpu.memory_space<hbm>> -> memref<400x128xf32, #tpu.memory_space<hbm>>
      %dma_wait3A_27 = arith.constant 0 : i32
      %dma_wait3A_28 = tpu.memref_slice %arg4[%add3A_20, %dma_wait3A_27] : memref<320000x128xf32, #tpu.memory_space<hbm>> -> memref<400x128xf32, #tpu.memory_space<hbm>>
      tpu.wait_dma2 semaphore(%run_scoped3A : memref<!tpu.dma_semaphore, #tpu.memory_space<semaphore_mem>>) src(%arg6 : memref<400x128xf32, #tpu.memory_space<vmem>>) dst(%dma_wait3A_28 : memref<400x128xf32, #tpu.memory_space<hbm>>)
      tpu.yield
    }) : () -> ()
    return
  }
}

#map = affine_map<(d0, d1) -> (0, 0)>
#map1 = affine_map<(d0, d1) -> (0)>
module attributes {stable_mosaic.version = 14 : i64} {
  func.func @k(%arg0: i32, %arg1: i32, %arg2: memref<10000x128xf32, #tpu.memory_space<hbm>>, %arg3: memref<320000xi32, #tpu.memory_space<hbm>>, %arg4: memref<320000x128xf32, #tpu.memory_space<hbm>>, %arg5: memref<10000xi32, #tpu.memory_space<vmem>>, %arg6: memref<400x128xf32, #tpu.memory_space<vmem>>, %arg7: memref<400x128xf32, #tpu.memory_space<vmem>>, %arg8: memref<!tpu.dma_semaphore, #tpu.memory_space<semaphore_mem>>, %arg9: memref<!tpu.dma_semaphore, #tpu.memory_space<semaphore_mem>>, %arg10: memref<!tpu.dma_semaphore, #tpu.memory_space<semaphore_mem>>, %arg11: memref<!tpu.dma_semaphore, #tpu.memory_space<semaphore_mem>>) attributes {dimension_semantics = [#tpu.dimension_semantics<core_parallel>, #tpu.dimension_semantics<subcore_parallel>], iteration_bounds = array<i64: 2, 16>, scalar_prefetch = 0 : i64, scratch_operands = 7 : i64, tpu.core_type = #tpu.core_type<sc_vector_subcore>, window_params = [{transform_indices = #map}, {transform_indices = #map1}, {transform_indices = #map}]} {
    %mul3A = arith.constant 2 : i32
    %mul3A_0 = arith.muli %arg1, %mul3A : i32
    %add3A = arith.addi %mul3A_0, %arg0 : i32
    %mul3A_1 = arith.constant 10000 : i32
    %mul3A_2 = arith.muli %add3A, %mul3A_1 : i32
    %dma_start3A = tpu.memref_slice %arg3[%mul3A_2] : memref<320000xi32, #tpu.memory_space<hbm>> -> memref<10000xi32, #tpu.memory_space<hbm>>
    %dma_start3A_3 = tpu.memref_slice %arg3[%mul3A_2] : memref<320000xi32, #tpu.memory_space<hbm>> -> memref<10000xi32, #tpu.memory_space<hbm>>
    tpu.enqueue_dma source(%dma_start3A_3 : memref<10000xi32, #tpu.memory_space<hbm>>) target(%arg5 : memref<10000xi32, #tpu.memory_space<vmem>>) target_semaphore(%arg8 : memref<!tpu.dma_semaphore, #tpu.memory_space<semaphore_mem>>)
    %dma_wait3A = tpu.memref_slice %arg3[%mul3A_2] : memref<320000xi32, #tpu.memory_space<hbm>> -> memref<10000xi32, #tpu.memory_space<hbm>>
    %dma_wait3A_4 = tpu.memref_slice %arg3[%mul3A_2] : memref<320000xi32, #tpu.memory_space<hbm>> -> memref<10000xi32, #tpu.memory_space<hbm>>
    tpu.wait_dma2 semaphore(%arg8 : memref<!tpu.dma_semaphore, #tpu.memory_space<semaphore_mem>>) src(%dma_wait3A_4 : memref<10000xi32, #tpu.memory_space<hbm>>) dst(%arg5 : memref<10000xi32, #tpu.memory_space<vmem>>)
    %scan3A = arith.constant 0 : i32
    %scan3A_5 = arith.constant 12 : i32
    %scan3A_6 = arith.addi %scan3A, %scan3A_5 : i32
    %scan3A_7 = arith.constant 1 : i32
    scf.for %scan3A_21 = %scan3A to %scan3A_6 step %scan3A_7  : i32 {
      %mul3A_22 = arith.constant 800 : i32
      %mul3A_23 = arith.muli %scan3A_21, %mul3A_22 : i32
      %add3A_24 = arith.constant 0 : i32
      %add3A_25 = arith.addi %add3A_24, %mul3A_23 : i32
      %add3A_26 = arith.addi %mul3A_2, %add3A_25 : i32
      %add3A_27 = arith.constant 400 : i32
      %add3A_28 = arith.addi %add3A_26, %add3A_27 : i32
      %dma_start3A_29 = tpu.memref_slice %arg5[%add3A_25] : memref<10000xi32, #tpu.memory_space<vmem>> -> memref<400xi32, #tpu.memory_space<vmem>>
      %dma_start3A_30 = arith.constant 0 : i32
      %dma_start3A_31 = arith.constant 0 : i32
      %dma_start3A_32 = tpu.memref_slice %arg2[%dma_start3A_30, %dma_start3A_31] : memref<10000x128xf32, #tpu.memory_space<hbm>> -> memref<10000x128xf32, #tpu.memory_space<hbm>>
      tpu.enqueue_indirect_dma source(%dma_start3A_32 : memref<10000x128xf32, #tpu.memory_space<hbm>>) target(%arg6 : memref<400x128xf32, #tpu.memory_space<vmem>>) offsets(%dma_start3A_29 : memref<400xi32, #tpu.memory_space<vmem>>) semaphore(%arg8 : memref<!tpu.dma_semaphore, #tpu.memory_space<semaphore_mem>>)
      %add3A_33 = arith.constant 400 : i32
      %add3A_34 = arith.addi %add3A_25, %add3A_33 : i32
      %dma_start3A_35 = tpu.memref_slice %arg5[%add3A_34] : memref<10000xi32, #tpu.memory_space<vmem>> -> memref<400xi32, #tpu.memory_space<vmem>>
      %dma_start3A_36 = arith.constant 0 : i32
      %dma_start3A_37 = arith.constant 0 : i32
      %dma_start3A_38 = tpu.memref_slice %arg2[%dma_start3A_36, %dma_start3A_37] : memref<10000x128xf32, #tpu.memory_space<hbm>> -> memref<10000x128xf32, #tpu.memory_space<hbm>>
      tpu.enqueue_indirect_dma source(%dma_start3A_38 : memref<10000x128xf32, #tpu.memory_space<hbm>>) target(%arg7 : memref<400x128xf32, #tpu.memory_space<vmem>>) offsets(%dma_start3A_35 : memref<400xi32, #tpu.memory_space<vmem>>) semaphore(%arg9 : memref<!tpu.dma_semaphore, #tpu.memory_space<semaphore_mem>>)
      %dma_wait3A_39 = tpu.memref_slice %arg5[%add3A_25] : memref<10000xi32, #tpu.memory_space<vmem>> -> memref<400xi32, #tpu.memory_space<vmem>>
      %dma_wait3A_40 = arith.constant 0 : i32
      %dma_wait3A_41 = arith.constant 0 : i32
      %dma_wait3A_42 = tpu.memref_slice %arg2[%dma_wait3A_40, %dma_wait3A_41] : memref<10000x128xf32, #tpu.memory_space<hbm>> -> memref<10000x128xf32, #tpu.memory_space<hbm>>
      tpu.wait_indirect_dma semaphore(%arg8 : memref<!tpu.dma_semaphore, #tpu.memory_space<semaphore_mem>>) src(%dma_wait3A_42 : memref<10000x128xf32, #tpu.memory_space<hbm>>) dst(%arg6 : memref<400x128xf32, #tpu.memory_space<vmem>>)
      %dma_start3A_43 = arith.constant 0 : i32
      %dma_start3A_44 = tpu.memref_slice %arg4[%add3A_26, %dma_start3A_43] : memref<320000x128xf32, #tpu.memory_space<hbm>> -> memref<400x128xf32, #tpu.memory_space<hbm>>
      %dma_start3A_45 = arith.constant 0 : i32
      %dma_start3A_46 = tpu.memref_slice %arg4[%add3A_26, %dma_start3A_45] : memref<320000x128xf32, #tpu.memory_space<hbm>> -> memref<400x128xf32, #tpu.memory_space<hbm>>
      tpu.enqueue_dma source(%arg6 : memref<400x128xf32, #tpu.memory_space<vmem>>) target(%dma_start3A_46 : memref<400x128xf32, #tpu.memory_space<hbm>>) target_semaphore(%arg10 : memref<!tpu.dma_semaphore, #tpu.memory_space<semaphore_mem>>)
      %dma_wait3A_47 = tpu.memref_slice %arg5[%add3A_34] : memref<10000xi32, #tpu.memory_space<vmem>> -> memref<400xi32, #tpu.memory_space<vmem>>
      %dma_wait3A_48 = arith.constant 0 : i32
      %dma_wait3A_49 = arith.constant 0 : i32
      %dma_wait3A_50 = tpu.memref_slice %arg2[%dma_wait3A_48, %dma_wait3A_49] : memref<10000x128xf32, #tpu.memory_space<hbm>> -> memref<10000x128xf32, #tpu.memory_space<hbm>>
      tpu.wait_indirect_dma semaphore(%arg9 : memref<!tpu.dma_semaphore, #tpu.memory_space<semaphore_mem>>) src(%dma_wait3A_50 : memref<10000x128xf32, #tpu.memory_space<hbm>>) dst(%arg7 : memref<400x128xf32, #tpu.memory_space<vmem>>)
      %dma_start3A_51 = arith.constant 0 : i32
      %dma_start3A_52 = tpu.memref_slice %arg4[%add3A_28, %dma_start3A_51] : memref<320000x128xf32, #tpu.memory_space<hbm>> -> memref<400x128xf32, #tpu.memory_space<hbm>>
      %dma_start3A_53 = arith.constant 0 : i32
      %dma_start3A_54 = tpu.memref_slice %arg4[%add3A_28, %dma_start3A_53] : memref<320000x128xf32, #tpu.memory_space<hbm>> -> memref<400x128xf32, #tpu.memory_space<hbm>>
      tpu.enqueue_dma source(%arg7 : memref<400x128xf32, #tpu.memory_space<vmem>>) target(%dma_start3A_54 : memref<400x128xf32, #tpu.memory_space<hbm>>) target_semaphore(%arg11 : memref<!tpu.dma_semaphore, #tpu.memory_space<semaphore_mem>>)
      %dma_wait3A_55 = arith.constant 0 : i32
      %dma_wait3A_56 = tpu.memref_slice %arg4[%add3A_26, %dma_wait3A_55] : memref<320000x128xf32, #tpu.memory_space<hbm>> -> memref<400x128xf32, #tpu.memory_space<hbm>>
      %dma_wait3A_57 = arith.constant 0 : i32
      %dma_wait3A_58 = tpu.memref_slice %arg4[%add3A_26, %dma_wait3A_57] : memref<320000x128xf32, #tpu.memory_space<hbm>> -> memref<400x128xf32, #tpu.memory_space<hbm>>
      tpu.wait_dma2 semaphore(%arg10 : memref<!tpu.dma_semaphore, #tpu.memory_space<semaphore_mem>>) src(%arg6 : memref<400x128xf32, #tpu.memory_space<vmem>>) dst(%dma_wait3A_58 : memref<400x128xf32, #tpu.memory_space<hbm>>)
      %dma_wait3A_59 = arith.constant 0 : i32
      %dma_wait3A_60 = tpu.memref_slice %arg4[%add3A_28, %dma_wait3A_59] : memref<320000x128xf32, #tpu.memory_space<hbm>> -> memref<400x128xf32, #tpu.memory_space<hbm>>
      %dma_wait3A_61 = arith.constant 0 : i32
      %dma_wait3A_62 = tpu.memref_slice %arg4[%add3A_28, %dma_wait3A_61] : memref<320000x128xf32, #tpu.memory_space<hbm>> -> memref<400x128xf32, #tpu.memory_space<hbm>>
      tpu.wait_dma2 semaphore(%arg11 : memref<!tpu.dma_semaphore, #tpu.memory_space<semaphore_mem>>) src(%arg7 : memref<400x128xf32, #tpu.memory_space<vmem>>) dst(%dma_wait3A_62 : memref<400x128xf32, #tpu.memory_space<hbm>>)
    }
    %scan3A_8 = arith.constant 12 : i32
    %dma_start3A_9 = arith.constant 9600 : i32
    %dma_start3A_10 = tpu.memref_slice %arg5[%dma_start3A_9] : memref<10000xi32, #tpu.memory_space<vmem>> -> memref<400xi32, #tpu.memory_space<vmem>>
    %dma_start3A_11 = arith.constant 0 : i32
    %dma_start3A_12 = arith.constant 0 : i32
    %dma_start3A_13 = tpu.memref_slice %arg2[%dma_start3A_11, %dma_start3A_12] : memref<10000x128xf32, #tpu.memory_space<hbm>> -> memref<10000x128xf32, #tpu.memory_space<hbm>>
    tpu.enqueue_indirect_dma source(%dma_start3A_13 : memref<10000x128xf32, #tpu.memory_space<hbm>>) target(%arg6 : memref<400x128xf32, #tpu.memory_space<vmem>>) offsets(%dma_start3A_10 : memref<400xi32, #tpu.memory_space<vmem>>) semaphore(%arg8 : memref<!tpu.dma_semaphore, #tpu.memory_space<semaphore_mem>>)
    %dma_wait3A_14 = arith.constant 9600 : i32
    %dma_wait3A_15 = tpu.memref_slice %arg5[%dma_wait3A_14] : memref<10000xi32, #tpu.memory_space<vmem>> -> memref<400xi32, #tpu.memory_space<vmem>>
    %dma_wait3A_16 = arith.constant 0 : i32
    %dma_wait3A_17 = arith.constant 0 : i32
    %dma_wait3A_18 = tpu.memref_slice %arg2[%dma_wait3A_16, %dma_wait3A_17] : memref<10000x128xf32, #tpu.memory_space<hbm>> -> memref<10000x128xf32, #tpu.memory_space<hbm>>
    tpu.wait_indirect_dma semaphore(%arg8 : memref<!tpu.dma_semaphore, #tpu.memory_space<semaphore_mem>>) src(%dma_wait3A_18 : memref<10000x128xf32, #tpu.memory_space<hbm>>) dst(%arg6 : memref<400x128xf32, #tpu.memory_space<vmem>>)
    %add3A_19 = arith.constant 9600 : i32
    %add3A_20 = arith.addi %mul3A_2, %add3A_19 : i32
    "tpu.region"() ({
      %run_scoped3A = tpu.sem_alloc : memref<!tpu.dma_semaphore, #tpu.memory_space<semaphore_mem>>
      %dma_start3A_21 = arith.constant 0 : i32
      %dma_start3A_22 = tpu.memref_slice %arg4[%add3A_20, %dma_start3A_21] : memref<320000x128xf32, #tpu.memory_space<hbm>> -> memref<400x128xf32, #tpu.memory_space<hbm>>
      %dma_start3A_23 = arith.constant 0 : i32
      %dma_start3A_24 = tpu.memref_slice %arg4[%add3A_20, %dma_start3A_23] : memref<320000x128xf32, #tpu.memory_space<hbm>> -> memref<400x128xf32, #tpu.memory_space<hbm>>
      tpu.enqueue_dma source(%arg6 : memref<400x128xf32, #tpu.memory_space<vmem>>) target(%dma_start3A_24 : memref<400x128xf32, #tpu.memory_space<hbm>>) target_semaphore(%run_scoped3A : memref<!tpu.dma_semaphore, #tpu.memory_space<semaphore_mem>>)
      %dma_wait3A_25 = arith.constant 0 : i32
      %dma_wait3A_26 = tpu.memref_slice %arg4[%add3A_20, %dma_wait3A_25] : memref<320000x128xf32, #tpu.memory_space<hbm>> -> memref<400x128xf32, #tpu.memory_space<hbm>>
      %dma_wait3A_27 = arith.constant 0 : i32
      %dma_wait3A_28 = tpu.memref_slice %arg4[%add3A_20, %dma_wait3A_27] : memref<320000x128xf32, #tpu.memory_space<hbm>> -> memref<400x128xf32, #tpu.memory_space<hbm>>
      tpu.wait_dma2 semaphore(%run_scoped3A : memref<!tpu.dma_semaphore, #tpu.memory_space<semaphore_mem>>) src(%arg6 : memref<400x128xf32, #tpu.memory_space<vmem>>) dst(%dma_wait3A_28 : memref<400x128xf32, #tpu.memory_space<hbm>>)
      tpu.yield
    }) : () -> ()
    return
  }
}

module attributes {stable_mosaic.version = 14 : i64} {
  func.func @_pre_body(%arg0: i32, %arg1: memref<1000x128xf32, #tpu.memory_space<vmem>>, %arg2: memref<128x128xf32, #tpu.memory_space<vmem>>, %arg3: memref<1x128xf32, #tpu.memory_space<vmem>>, %arg4: memref<128x128xf32, #tpu.memory_space<vmem>>, %arg5: memref<1x128xf32, #tpu.memory_space<vmem>>, %arg6: memref<1000x128xf32, #tpu.memory_space<vmem>>, %arg7: memref<1000x128xf32, #tpu.memory_space<vmem>>) attributes {dimension_semantics = [#tpu.dimension_semantics<arbitrary>], iteration_bounds = array<i64: 10>, scalar_prefetch = 0 : i64, scratch_operands = 0 : i64, tpu.core_type = #tpu.core_type<tc>, window_params = [{transform_indices = @transform_0, window_bounds = array<i64: 1000, 128>}, {pipeline_mode = #tpu.pipeline_mode<synchronous>, transform_indices = @transform_1, window_bounds = array<i64: 128, 128>}, {pipeline_mode = #tpu.pipeline_mode<synchronous>, transform_indices = @transform_2, window_bounds = array<i64: 1, 128>}, {pipeline_mode = #tpu.pipeline_mode<synchronous>, transform_indices = @transform_3, window_bounds = array<i64: 128, 128>}, {pipeline_mode = #tpu.pipeline_mode<synchronous>, transform_indices = @transform_4, window_bounds = array<i64: 1, 128>}, {transform_indices = @transform_5, window_bounds = array<i64: 1000, 128>}, {transform_indices = @transform_6, window_bounds = array<i64: 1000, 128>}]} {
    %get3A = arith.constant 0 : index
    %get3A_0 = arith.constant 0 : index
    %get3A_1 = vector.load %arg1[%get3A, %get3A_0] : memref<1000x128xf32, #tpu.memory_space<vmem>>, vector<1000x128xf32>
    %custom_jvp_call3A = arith.constant 0.000000e+00 : f32
    %max3A = vector.broadcast %custom_jvp_call3A : f32 to vector<1000x128xf32>
    %max3A_2 = arith.maximumf %get3A_1, %max3A : vector<1000x128xf32>
    %sub3A = vector.broadcast %custom_jvp_call3A : f32 to vector<1000x128xf32>
    %sub3A_3 = arith.subf %get3A_1, %sub3A : vector<1000x128xf32>
    %ne3A = arith.cmpf one, %sub3A_3, %sub3A_3 : vector<1000x128xf32>
    %add3A = vector.broadcast %custom_jvp_call3A : f32 to vector<1000x128xf32>
    %add3A_4 = arith.addf %get3A_1, %add3A : vector<1000x128xf32>
    %abs3A = math.absf %sub3A_3 : vector<1000x128xf32>
    %neg3A = arith.constant 0.000000e+00 : f32
    %neg3A_5 = vector.broadcast %neg3A : f32 to vector<1000x128xf32>
    %neg3A_6 = arith.subf %neg3A_5, %abs3A : vector<1000x128xf32>
    %exp3A = math.exp %neg3A_6 : vector<1000x128xf32>
    %log1p3A = math.log1p %exp3A : vector<1000x128xf32>
    %add3A_7 = arith.addf %max3A_2, %log1p3A : vector<1000x128xf32>
    %select_n3A = arith.select %ne3A, %add3A_4, %add3A_7 : vector<1000x128xi1>, vector<1000x128xf32>
    %sub3A_8 = arith.constant 0.693147182 : f32
    %sub3A_9 = vector.broadcast %sub3A_8 : f32 to vector<1000x128xf32>
    %sub3A_10 = arith.subf %select_n3A, %sub3A_9 : vector<1000x128xf32>
    %get3A_11 = arith.constant 0 : index
    %get3A_12 = arith.constant 0 : index
    %get3A_13 = vector.load %arg2[%get3A_11, %get3A_12] : memref<128x128xf32, #tpu.memory_space<vmem>>, vector<128x128xf32>
    %dot_general3A = arith.constant dense<0.000000e+00> : vector<1000x128xf32>
    %dot_general3A_14 = tpu.matmul %sub3A_10, %get3A_13, %dot_general3A {dimension_numbers = #tpu.dot_dimension_numbers<[1], [0], [0], [1], [0, 0, 1, 1], [], []>, transpose_lhs_hint = false} : vector<1000x128xf32>, vector<128x128xf32>, vector<1000x128xf32> -> vector<1000x128xf32>
    %get3A_15 = arith.constant 0 : index
    %get3A_16 = arith.constant 0 : index
    %get3A_17 = vector.load %arg3[%get3A_15, %get3A_16] : memref<1x128xf32, #tpu.memory_space<vmem>>, vector<1x128xf32>
    %add3A_18 = vector.broadcast %get3A_17 : vector<1x128xf32> to vector<1000x128xf32>
    %add3A_19 = arith.addf %dot_general3A_14, %add3A_18 : vector<1000x128xf32>
    %custom_jvp_call3A_20 = arith.constant 0.000000e+00 : f32
    %max3A_21 = vector.broadcast %custom_jvp_call3A_20 : f32 to vector<1000x128xf32>
    %max3A_22 = arith.maximumf %add3A_19, %max3A_21 : vector<1000x128xf32>
    %sub3A_23 = vector.broadcast %custom_jvp_call3A_20 : f32 to vector<1000x128xf32>
    %sub3A_24 = arith.subf %add3A_19, %sub3A_23 : vector<1000x128xf32>
    %ne3A_25 = arith.cmpf one, %sub3A_24, %sub3A_24 : vector<1000x128xf32>
    %add3A_26 = vector.broadcast %custom_jvp_call3A_20 : f32 to vector<1000x128xf32>
    %add3A_27 = arith.addf %add3A_19, %add3A_26 : vector<1000x128xf32>
    %abs3A_28 = math.absf %sub3A_24 : vector<1000x128xf32>
    %neg3A_29 = arith.constant 0.000000e+00 : f32
    %neg3A_30 = vector.broadcast %neg3A_29 : f32 to vector<1000x128xf32>
    %neg3A_31 = arith.subf %neg3A_30, %abs3A_28 : vector<1000x128xf32>
    %exp3A_32 = math.exp %neg3A_31 : vector<1000x128xf32>
    %log1p3A_33 = math.log1p %exp3A_32 : vector<1000x128xf32>
    %add3A_34 = arith.addf %max3A_22, %log1p3A_33 : vector<1000x128xf32>
    %select_n3A_35 = arith.select %ne3A_25, %add3A_27, %add3A_34 : vector<1000x128xi1>, vector<1000x128xf32>
    %sub3A_36 = arith.constant 0.693147182 : f32
    %sub3A_37 = vector.broadcast %sub3A_36 : f32 to vector<1000x128xf32>
    %sub3A_38 = arith.subf %select_n3A_35, %sub3A_37 : vector<1000x128xf32>
    %swap3A = arith.constant 0 : index
    %swap3A_39 = arith.constant 0 : index
    %swap3A_40 = vector.load %arg6[%swap3A, %swap3A_39] : memref<1000x128xf32, #tpu.memory_space<vmem>>, vector<1000x128xf32>
    tpu.vector_store %arg6[%swap3A, %swap3A_39], %sub3A_38 {strides = array<i32>} : memref<1000x128xf32, #tpu.memory_space<vmem>>, vector<1000x128xf32>,
    %get3A_41 = arith.constant 0 : index
    %get3A_42 = arith.constant 0 : index
    %get3A_43 = vector.load %arg4[%get3A_41, %get3A_42] : memref<128x128xf32, #tpu.memory_space<vmem>>, vector<128x128xf32>
    %dot_general3A_44 = arith.constant dense<0.000000e+00> : vector<1000x128xf32>
    %dot_general3A_45 = tpu.matmul %sub3A_10, %get3A_43, %dot_general3A_44 {dimension_numbers = #tpu.dot_dimension_numbers<[1], [0], [0], [1], [0, 0, 1, 1], [], []>, transpose_lhs_hint = false} : vector<1000x128xf32>, vector<128x128xf32>, vector<1000x128xf32> -> vector<1000x128xf32>
    %get3A_46 = arith.constant 0 : index
    %get3A_47 = arith.constant 0 : index
    %get3A_48 = vector.load %arg5[%get3A_46, %get3A_47] : memref<1x128xf32, #tpu.memory_space<vmem>>, vector<1x128xf32>
    %add3A_49 = vector.broadcast %get3A_48 : vector<1x128xf32> to vector<1000x128xf32>
    %add3A_50 = arith.addf %dot_general3A_45, %add3A_49 : vector<1000x128xf32>
    %custom_jvp_call3A_51 = arith.constant 0.000000e+00 : f32
    %max3A_52 = vector.broadcast %custom_jvp_call3A_51 : f32 to vector<1000x128xf32>
    %max3A_53 = arith.maximumf %add3A_50, %max3A_52 : vector<1000x128xf32>
    %sub3A_54 = vector.broadcast %custom_jvp_call3A_51 : f32 to vector<1000x128xf32>
    %sub3A_55 = arith.subf %add3A_50, %sub3A_54 : vector<1000x128xf32>
    %ne3A_56 = arith.cmpf one, %sub3A_55, %sub3A_55 : vector<1000x128xf32>
    %add3A_57 = vector.broadcast %custom_jvp_call3A_51 : f32 to vector<1000x128xf32>
    %add3A_58 = arith.addf %add3A_50, %add3A_57 : vector<1000x128xf32>
    %abs3A_59 = math.absf %sub3A_55 : vector<1000x128xf32>
    %neg3A_60 = arith.constant 0.000000e+00 : f32
    %neg3A_61 = vector.broadcast %neg3A_60 : f32 to vector<1000x128xf32>
    %neg3A_62 = arith.subf %neg3A_61, %abs3A_59 : vector<1000x128xf32>
    %exp3A_63 = math.exp %neg3A_62 : vector<1000x128xf32>
    %log1p3A_64 = math.log1p %exp3A_63 : vector<1000x128xf32>
    %add3A_65 = arith.addf %max3A_53, %log1p3A_64 : vector<1000x128xf32>
    %select_n3A_66 = arith.select %ne3A_56, %add3A_58, %add3A_65 : vector<1000x128xi1>, vector<1000x128xf32>
    %sub3A_67 = arith.constant 0.693147182 : f32
    %sub3A_68 = vector.broadcast %sub3A_67 : f32 to vector<1000x128xf32>
    %sub3A_69 = arith.subf %select_n3A_66, %sub3A_68 : vector<1000x128xf32>
    %swap3A_70 = arith.constant 0 : index
    %swap3A_71 = arith.constant 0 : index
    %swap3A_72 = vector.load %arg7[%swap3A_70, %swap3A_71] : memref<1000x128xf32, #tpu.memory_space<vmem>>, vector<1000x128xf32>
    tpu.vector_store %arg7[%swap3A_70, %swap3A_71], %sub3A_69 {strides = array<i32>} : memref<1000x128xf32, #tpu.memory_space<vmem>>, vector<1000x128xf32>,
    return
  }
  func.func @transform_0(%arg0: i32) -> (i32, i32) {
    %c0_i32 = arith.constant 0 : i32
    %c0_i32_0 = arith.constant 0 : i32
    return %arg0, %c0_i32 : i32, i32
  }
  func.func @transform_1(%arg0: i32) -> (i32, i32) {
    %c0_i32 = arith.constant 0 : i32
    %c0_i32_0 = arith.constant 0 : i32
    %c0_i32_1 = arith.constant 0 : i32
    return %c0_i32, %c0_i32_0 : i32, i32
  }
  func.func @transform_2(%arg0: i32) -> (i32, i32) {
    %c0_i32 = arith.constant 0 : i32
    %c0_i32_0 = arith.constant 0 : i32
    %c0_i32_1 = arith.constant 0 : i32
    return %c0_i32, %c0_i32_0 : i32, i32
  }
  func.func @transform_3(%arg0: i32) -> (i32, i32) {
    %c0_i32 = arith.constant 0 : i32
    %c0_i32_0 = arith.constant 0 : i32
    %c0_i32_1 = arith.constant 0 : i32
    return %c0_i32, %c0_i32_0 : i32, i32
  }
  func.func @transform_4(%arg0: i32) -> (i32, i32) {
    %c0_i32 = arith.constant 0 : i32
    %c0_i32_0 = arith.constant 0 : i32
    %c0_i32_1 = arith.constant 0 : i32
    return %c0_i32, %c0_i32_0 : i32, i32
  }
  func.func @transform_5(%arg0: i32) -> (i32, i32) {
    %c0_i32 = arith.constant 0 : i32
    %c0_i32_0 = arith.constant 0 : i32
    return %arg0, %c0_i32 : i32, i32
  }
  func.func @transform_6(%arg0: i32) -> (i32, i32) {
    %c0_i32 = arith.constant 0 : i32
    %c0_i32_0 = arith.constant 0 : i32
    return %arg0, %c0_i32 : i32, i32
  }
}

module attributes {stable_mosaic.version = 14 : i64} {
  func.func @_gall_body(%arg0: i32, %arg1: memref<2560x16xf32, #tpu.memory_space<vmem>>, %arg2: memref<16x640xbf16, #tpu.memory_space<vmem>>, %arg3: memref<2560x640xbf16, #tpu.memory_space<vmem>>) attributes {dimension_semantics = [#tpu.dimension_semantics<arbitrary>], iteration_bounds = array<i64: 125>, scalar_prefetch = 0 : i64, scratch_operands = 0 : i64, tpu.core_type = #tpu.core_type<tc>, window_params = [{transform_indices = @transform_0, window_bounds = array<i64: 2560, 16>}, {pipeline_mode = #tpu.pipeline_mode<synchronous>, transform_indices = @transform_1, window_bounds = array<i64: 16, 640>}, {transform_indices = @transform_2, window_bounds = array<i64: 2560, 640>}]} {
    %get3A = arith.constant 0 : index
    %get3A_0 = arith.constant 0 : index
    %get3A_1 = vector.load %arg1[%get3A, %get3A_0] : memref<2560x16xf32, #tpu.memory_space<vmem>>, vector<2560x16xf32>
    %convert_element_type3A = arith.truncf %get3A_1 : vector<2560x16xf32> to vector<2560x16xbf16>
    %get3A_2 = arith.constant 0 : index
    %get3A_3 = arith.constant 0 : index
    %get3A_4 = vector.load %arg2[%get3A_2, %get3A_3] : memref<16x640xbf16, #tpu.memory_space<vmem>>, vector<16x640xbf16>
    %dot_general3A = arith.constant dense<0.000000e+00> : vector<2560x640xf32>
    %dot_general3A_5 = tpu.matmul %convert_element_type3A, %get3A_4, %dot_general3A {dimension_numbers = #tpu.dot_dimension_numbers<[1], [0], [0], [1], [0, 0, 1, 1], [], []>, transpose_lhs_hint = false} : vector<2560x16xbf16>, vector<16x640xbf16>, vector<2560x640xf32> -> vector<2560x640xf32>
    %convert_element_type3A_6 = arith.truncf %dot_general3A_5 : vector<2560x640xf32> to vector<2560x640xbf16>
    %swap3A = arith.constant 0 : index
    %swap3A_7 = arith.constant 0 : index
    %swap3A_8 = vector.load %arg3[%swap3A, %swap3A_7] : memref<2560x640xbf16, #tpu.memory_space<vmem>>, vector<2560x640xbf16>
    tpu.vector_store %arg3[%swap3A, %swap3A_7], %convert_element_type3A_6 {strides = array<i32>} : memref<2560x640xbf16, #tpu.memory_space<vmem>>, vector<2560x640xbf16>,
    return
  }
  func.func @transform_0(%arg0: i32) -> (i32, i32) {
    %c0_i32 = arith.constant 0 : i32
    %c0_i32_0 = arith.constant 0 : i32
    return %arg0, %c0_i32 : i32, i32
  }
  func.func @transform_1(%arg0: i32) -> (i32, i32) {
    %c0_i32 = arith.constant 0 : i32
    %c0_i32_0 = arith.constant 0 : i32
    %c0_i32_1 = arith.constant 0 : i32
    return %c0_i32, %c0_i32_0 : i32, i32
  }
  func.func @transform_2(%arg0: i32) -> (i32, i32) {
    %c0_i32 = arith.constant 0 : i32
    %c0_i32_0 = arith.constant 0 : i32
    return %arg0, %c0_i32 : i32, i32
  }
}

module attributes {stable_mosaic.version = 14 : i64} {
  func.func @_block_body(%arg0: i32, %arg1: memref<250xi32, #tpu.memory_space<smem>>, %arg2: memref<250xi32, #tpu.memory_space<smem>>, %arg3: memref<1280x128xbf16, #tpu.memory_space<vmem>>, %arg4: memref<1280x128xf32, #tpu.memory_space<vmem>>, %arg5: memref<1x1x1280xi32, #tpu.memory_space<vmem>>, %arg6: memref<1x1x1280xf32, #tpu.memory_space<vmem>>, %arg7: memref<1000x128xf32, #tpu.memory_space<vmem>>, %arg8: memref<1000x128xf32, #tpu.memory_space<vmem>>, %arg9: memref<128x128xf32, #tpu.memory_space<vmem>>, %arg10: memref<1x128xf32, #tpu.memory_space<vmem>>, %arg11: memref<128x128xf32, #tpu.memory_space<vmem>>, %arg12: memref<1x128xf32, #tpu.memory_space<vmem>>, %arg13: memref<128x128xf32, #tpu.memory_space<vmem>>, %arg14: memref<1x128xf32, #tpu.memory_space<vmem>>, %arg15: memref<128x128xf32, #tpu.memory_space<vmem>>, %arg16: memref<1x128xf32, #tpu.memory_space<vmem>>, %arg17: memref<128x128xf32, #tpu.memory_space<vmem>>, %arg18: memref<1x128xf32, #tpu.memory_space<vmem>>, %arg19: memref<128x128xf32, #tpu.memory_space<vmem>>, %arg20: memref<1x128xf32, #tpu.memory_space<vmem>>, %arg21: memref<128x128xf32, #tpu.memory_space<vmem>>, %arg22: memref<1x128xf32, #tpu.memory_space<vmem>>, %arg23: memref<1x128xf32, #tpu.memory_space<vmem>>, %arg24: memref<128x128xf32, #tpu.memory_space<vmem>>, %arg25: memref<1x128xf32, #tpu.memory_space<vmem>>, %arg26: memref<128x128xf32, #tpu.memory_space<vmem>>, %arg27: memref<1x128xf32, #tpu.memory_space<vmem>>, %arg28: memref<128x128xf32, #tpu.memory_space<vmem>>, %arg29: memref<1x128xf32, #tpu.memory_space<vmem>>, %arg30: memref<128x128xf32, #tpu.memory_space<vmem>>, %arg31: memref<1x128xf32, #tpu.memory_space<vmem>>, %arg32: memref<128x128xf32, #tpu.memory_space<vmem>>, %arg33: memref<1x128xf32, #tpu.memory_space<vmem>>, %arg34: memref<128x128xf32, #tpu.memory_space<vmem>>, %arg35: memref<1x128xf32, #tpu.memory_space<vmem>>, %arg36: memref<1000x128xf32, #tpu.memory_space<vmem>>, %arg37: memref<1000x128xf32, #tpu.memory_space<vmem>>, %arg38: memref<1000x128xf32, #tpu.memory_space<vmem>>, %arg39: memref<10000x128xf32, #tpu.memory_space<vmem>>) attributes {dimension_semantics = [#tpu.dimension_semantics<arbitrary>], iteration_bounds = array<i64: 260>, scalar_prefetch = 2 : i64, scratch_operands = 1 : i64, tpu.core_type = #tpu.core_type<tc>, window_params = [{transform_indices = @transform_0, window_bounds = array<i64: 1280, 128>}, {transform_indices = @transform_1, window_bounds = array<i64: 1280, 128>}, {transform_indices = @transform_2, window_bounds = array<i64: 1, 1, 1280>}, {transform_indices = @transform_3, window_bounds = array<i64: 1, 1, 1280>}, {transform_indices = @transform_4, window_bounds = array<i64: 1000, 128>}, {transform_indices = @transform_5, window_bounds = array<i64: 1000, 128>}, {pipeline_mode = #tpu.pipeline_mode<synchronous>, transform_indices = @transform_6, window_bounds = array<i64: 128, 128>}, {pipeline_mode = #tpu.pipeline_mode<synchronous>, transform_indices = @transform_7, window_bounds = array<i64: 1, 128>}, {pipeline_mode = #tpu.pipeline_mode<synchronous>, transform_indices = @transform_8, window_bounds = array<i64: 128, 128>}, {pipeline_mode = #tpu.pipeline_mode<synchronous>, transform_indices = @transform_9, window_bounds = array<i64: 1, 128>}, {pipeline_mode = #tpu.pipeline_mode<synchronous>, transform_indices = @transform_10, window_bounds = array<i64: 128, 128>}, {pipeline_mode = #tpu.pipeline_mode<synchronous>, transform_indices = @transform_11, window_bounds = array<i64: 1, 128>}, {pipeline_mode = #tpu.pipeline_mode<synchronous>, transform_indices = @transform_12, window_bounds = array<i64: 128, 128>}, {pipeline_mode = #tpu.pipeline_mode<synchronous>, transform_indices = @transform_13, window_bounds = array<i64: 1, 128>}, {pipeline_mode = #tpu.pipeline_mode<synchronous>, transform_indices = @transform_14, window_bounds = array<i64: 128, 128>}, {pipeline_mode = #tpu.pipeline_mode<synchronous>, transform_indices = @transform_15, window_bounds = array<i64: 1, 128>}, {pipeline_mode = #tpu.pipeline_mode<synchronous>, transform_indices = @transform_16, window_bounds = array<i64: 128, 128>}, {pipeline_mode = #tpu.pipeline_mode<synchronous>, transform_indices = @transform_17, window_bounds = array<i64: 1, 128>}, {pipeline_mode = #tpu.pipeline_mode<synchronous>, transform_indices = @transform_18, window_bounds = array<i64: 128, 128>}, {pipeline_mode = #tpu.pipeline_mode<synchronous>, transform_indices = @transform_19, window_bounds = array<i64: 1, 128>}, {pipeline_mode = #tpu.pipeline_mode<synchronous>, transform_indices = @transform_20, window_bounds = array<i64: 1, 128>}, {pipeline_mode = #tpu.pipeline_mode<synchronous>, transform_indices = @transform_21, window_bounds = array<i64: 128, 128>}, {pipeline_mode = #tpu.pipeline_mode<synchronous>, transform_indices = @transform_22, window_bounds = array<i64: 1, 128>}, {pipeline_mode = #tpu.pipeline_mode<synchronous>, transform_indices = @transform_23, window_bounds = array<i64: 128, 128>}, {pipeline_mode = #tpu.pipeline_mode<synchronous>, transform_indices = @transform_24, window_bounds = array<i64: 1, 128>}, {pipeline_mode = #tpu.pipeline_mode<synchronous>, transform_indices = @transform_25, window_bounds = array<i64: 128, 128>}, {pipeline_mode = #tpu.pipeline_mode<synchronous>, transform_indices = @transform_26, window_bounds = array<i64: 1, 128>}, {pipeline_mode = #tpu.pipeline_mode<synchronous>, transform_indices = @transform_27, window_bounds = array<i64: 128, 128>}, {pipeline_mode = #tpu.pipeline_mode<synchronous>, transform_indices = @transform_28, window_bounds = array<i64: 1, 128>}, {pipeline_mode = #tpu.pipeline_mode<synchronous>, transform_indices = @transform_29, window_bounds = array<i64: 128, 128>}, {pipeline_mode = #tpu.pipeline_mode<synchronous>, transform_indices = @transform_30, window_bounds = array<i64: 1, 128>}, {pipeline_mode = #tpu.pipeline_mode<synchronous>, transform_indices = @transform_31, window_bounds = array<i64: 128, 128>}, {pipeline_mode = #tpu.pipeline_mode<synchronous>, transform_indices = @transform_32, window_bounds = array<i64: 1, 128>}, {transform_indices = @transform_33, window_bounds = array<i64: 1000, 128>}, {transform_indices = @transform_34, window_bounds = array<i64: 1000, 128>}, {transform_indices = @transform_35, window_bounds = array<i64: 1000, 128>}]} {
    %eq3A = arith.constant 0 : i32
    %eq3A_0 = arith.cmpi eq, %arg0, %eq3A : i32
    %convert_element_type3A = arith.extui %eq3A_0 : i1 to i32
    %cond3A = arith.constant 0 : i32
    %cond3A_1 = arith.cmpi ne, %convert_element_type3A, %cond3A : i32
    scf.if %cond3A_1 {
      %broadcast_in_dim3A = arith.constant 0.000000e+00 : f32
      %broadcast_in_dim3A_10 = vector.broadcast %broadcast_in_dim3A : f32 to vector<10000x128xf32>
      %swap3A = arith.constant 0 : index
      %swap3A_11 = arith.constant 0 : index
      %swap3A_12 = vector.load %arg39[%swap3A, %swap3A_11] : memref<10000x128xf32, #tpu.memory_space<vmem>>, vector<10000x128xf32>
      tpu.vector_store %arg39[%swap3A, %swap3A_11], %broadcast_in_dim3A_10 {strides = array<i32>} : memref<10000x128xf32, #tpu.memory_space<vmem>>, vector<10000x128xf32>,
    } else {
    }
    %lt3A = arith.constant 250 : i32
    %lt3A_2 = arith.cmpi slt, %arg0, %lt3A : i32
    %convert_element_type3A_3 = arith.extui %lt3A_2 : i1 to i32
    %cond3A_4 = arith.constant 0 : i32
    %cond3A_5 = arith.cmpi ne, %convert_element_type3A_3, %cond3A_4 : i32
    scf.if %cond3A_5 {
      %get3A = arith.constant 0 : index
      %get3A_10 = arith.constant 0 : index
      %get3A_11 = vector.load %arg3[%get3A, %get3A_10] : memref<1280x128xbf16, #tpu.memory_space<vmem>>, vector<1280x128xbf16>
      %get3A_12 = arith.constant 0 : index
      %get3A_13 = arith.constant 0 : index
      %get3A_14 = vector.load %arg4[%get3A_12, %get3A_13] : memref<1280x128xf32, #tpu.memory_space<vmem>>, vector<1280x128xf32>
      %convert_element_type3A_15 = arith.truncf %get3A_14 : vector<1280x128xf32> to vector<1280x128xbf16>
      %mul3A = arith.mulf %get3A_11, %convert_element_type3A_15 : vector<1280x128xbf16>
      %get3A_16 = arith.constant 0 : index
      %get3A_17 = arith.constant 0 : index
      %get3A_18 = arith.constant 0 : index
      %get3A_19 = vector.load %arg5[%get3A_16, %get3A_17, %get3A_18] : memref<1x1x1280xi32, #tpu.memory_space<vmem>>, vector<1x1x1280xi32>
      %get3A_20 = vector.shape_cast %get3A_19 : vector<1x1x1280xi32> to vector<1x1280xi32>
      %get3A_21 = arith.constant 0 : index
      %get3A_22 = arith.constant 0 : index
      %get3A_23 = arith.constant 0 : index
      %get3A_24 = vector.load %arg6[%get3A_21, %get3A_22, %get3A_23] : memref<1x1x1280xf32, #tpu.memory_space<vmem>>, vector<1x1x1280xf32>
      %get3A_25 = vector.shape_cast %get3A_24 : vector<1x1x1280xf32> to vector<1x1280xf32>
      %convert_element_type3A_26 = arith.truncf %get3A_25 : vector<1x1280xf32> to vector<1x1280xbf16>
      %min3A = arith.constant 249 : i32
      %min3A_27 = arith.minsi %arg0, %min3A : i32
      %get3A_28 = arith.index_cast %min3A_27 : i32 to index
      %get3A_29 = memref.load %arg1[%get3A_28] : memref<250xi32, #tpu.memory_space<smem>>
      %get3A_30 = arith.index_cast %min3A_27 : i32 to index
      %get3A_31 = memref.load %arg2[%get3A_30] : memref<250xi32, #tpu.memory_space<smem>>
      %while3A = arith.constant 0 : i32
      %while3A_32 = arith.constant 0 : i32
      %while3A_33 = arith.subi %get3A_31, %while3A_32 : i32
      %while3A_34 = arith.addi %while3A_32, %while3A_33 : i32
      %while3A_35 = arith.constant 1 : i32
      %while3A_36 = arith.divsi %while3A_33, %while3A_35 : i32
      %while3A_37 = arith.muli %while3A_36, %while3A_35 : i32
      %while3A_38 = arith.addi %while3A_32, %while3A_37 : i32
      %while3A_39 = arith.constant 1 : i32
      scf.for %while3A_41 = %while3A_32 to %while3A_38 step %while3A_39  : i32 {
        %mul3A_42 = arith.constant 64 : i32
        %mul3A_43 = arith.muli %while3A_41, %mul3A_42 : i32
        %add3A = arith.addi %get3A_29, %mul3A_43 : i32
        %min3A_44 = arith.constant 9936 : i32
        %min3A_45 = arith.minsi %add3A, %min3A_44 : i32
        %sub3A = vector.broadcast %min3A_45 : i32 to vector<1x1280xi32>
        %sub3A_46 = arith.subi %get3A_20, %sub3A : vector<1x1280xi32>
        %ge3A_47 = vector.broadcast %add3A : i32 to vector<1x1280xi32>
        %ge3A_48 = arith.cmpi sge, %get3A_20, %ge3A_47 : vector<1x1280xi32>
        %add3A_49 = arith.constant 64 : i32
        %add3A_50 = arith.addi %add3A, %add3A_49 : i32
        %lt3A_51 = vector.broadcast %add3A_50 : i32 to vector<1x1280xi32>
        %lt3A_52 = arith.cmpi slt, %get3A_20, %lt3A_51 : vector<1x1280xi32>
        %and3A = arith.andi %ge3A_48, %lt3A_52 : vector<1x1280xi1>
        %iota3A = tpu.iota {dimensions = array<i32: 0>} : vector<64x1280xi32>
        %eq3A_53 = vector.broadcast %sub3A_46 : vector<1x1280xi32> to vector<64x1280xi32>
        %eq3A_54 = arith.cmpi eq, %iota3A, %eq3A_53 : vector<64x1280xi32>
        %and3A_55 = vector.broadcast %and3A : vector<1x1280xi1> to vector<64x1280xi1>
        %and3A_56 = arith.andi %eq3A_54, %and3A_55 : vector<64x1280xi1>
        %convert_element_type3A_57 = arith.extui %and3A_56 : vector<64x1280xi1> to vector<64x1280xi32>
        %convert_element_type3A_58 = arith.sitofp %convert_element_type3A_57 : vector<64x1280xi32> to vector<64x1280xf32>
        %convert_element_type3A_59 = arith.truncf %convert_element_type3A_58 : vector<64x1280xf32> to vector<64x1280xbf16>
        %mul3A_60 = vector.broadcast %convert_element_type3A_26 : vector<1x1280xbf16> to vector<64x1280xbf16>
        %mul3A_61 = arith.mulf %convert_element_type3A_59, %mul3A_60 : vector<64x1280xbf16>
        %dot_general3A = arith.constant dense<0.000000e+00> : vector<64x128xf32>
        %dot_general3A_62 = tpu.matmul %mul3A_61, %mul3A, %dot_general3A {dimension_numbers = #tpu.dot_dimension_numbers<[1], [0], [0], [1], [0, 0, 1, 1], [], []>, transpose_lhs_hint = false} : vector<64x1280xbf16>, vector<1280x128xbf16>, vector<64x128xf32> -> vector<64x128xf32>
        %get3A_63 = arith.index_cast %min3A_45 : i32 to index
        %get3A_64 = arith.constant 0 : index
        %get3A_65 = vector.load %arg39[%get3A_63, %get3A_64] : memref<10000x128xf32, #tpu.memory_space<vmem>>, vector<64x128xf32>
        %add3A_66 = arith.addf %get3A_65, %dot_general3A_62 : vector<64x128xf32>
        %swap3A = arith.index_cast %min3A_45 : i32 to index
        %swap3A_67 = arith.constant 0 : index
        %swap3A_68 = vector.load %arg39[%swap3A, %swap3A_67] : memref<10000x128xf32, #tpu.memory_space<vmem>>, vector<64x128xf32>
        tpu.vector_store %arg39[%swap3A, %swap3A_67], %add3A_66 {strides = array<i32>} : memref<10000x128xf32, #tpu.memory_space<vmem>>, vector<64x128xf32>,
      }
      %while3A_40 = arith.constant 1 : i32
      scf.for %while3A_41 = %while3A_38 to %while3A_34 step %while3A_40  : i32 {
        %mul3A_42 = arith.constant 64 : i32
        %mul3A_43 = arith.muli %while3A_41, %mul3A_42 : i32
        %add3A = arith.addi %get3A_29, %mul3A_43 : i32
        %min3A_44 = arith.constant 9936 : i32
        %min3A_45 = arith.minsi %add3A, %min3A_44 : i32
        %sub3A = vector.broadcast %min3A_45 : i32 to vector<1x1280xi32>
        %sub3A_46 = arith.subi %get3A_20, %sub3A : vector<1x1280xi32>
        %ge3A_47 = vector.broadcast %add3A : i32 to vector<1x1280xi32>
        %ge3A_48 = arith.cmpi sge, %get3A_20, %ge3A_47 : vector<1x1280xi32>
        %add3A_49 = arith.constant 64 : i32
        %add3A_50 = arith.addi %add3A, %add3A_49 : i32
        %lt3A_51 = vector.broadcast %add3A_50 : i32 to vector<1x1280xi32>
        %lt3A_52 = arith.cmpi slt, %get3A_20, %lt3A_51 : vector<1x1280xi32>
        %and3A = arith.andi %ge3A_48, %lt3A_52 : vector<1x1280xi1>
        %iota3A = tpu.iota {dimensions = array<i32: 0>} : vector<64x1280xi32>
        %eq3A_53 = vector.broadcast %sub3A_46 : vector<1x1280xi32> to vector<64x1280xi32>
        %eq3A_54 = arith.cmpi eq, %iota3A, %eq3A_53 : vector<64x1280xi32>
        %and3A_55 = vector.broadcast %and3A : vector<1x1280xi1> to vector<64x1280xi1>
        %and3A_56 = arith.andi %eq3A_54, %and3A_55 : vector<64x1280xi1>
        %convert_element_type3A_57 = arith.extui %and3A_56 : vector<64x1280xi1> to vector<64x1280xi32>
        %convert_element_type3A_58 = arith.sitofp %convert_element_type3A_57 : vector<64x1280xi32> to vector<64x1280xf32>
        %convert_element_type3A_59 = arith.truncf %convert_element_type3A_58 : vector<64x1280xf32> to vector<64x1280xbf16>
        %mul3A_60 = vector.broadcast %convert_element_type3A_26 : vector<1x1280xbf16> to vector<64x1280xbf16>
        %mul3A_61 = arith.mulf %convert_element_type3A_59, %mul3A_60 : vector<64x1280xbf16>
        %dot_general3A = arith.constant dense<0.000000e+00> : vector<64x128xf32>
        %dot_general3A_62 = tpu.matmul %mul3A_61, %mul3A, %dot_general3A {dimension_numbers = #tpu.dot_dimension_numbers<[1], [0], [0], [1], [0, 0, 1, 1], [], []>, transpose_lhs_hint = false} : vector<64x1280xbf16>, vector<1280x128xbf16>, vector<64x128xf32> -> vector<64x128xf32>
        %get3A_63 = arith.index_cast %min3A_45 : i32 to index
        %get3A_64 = arith.constant 0 : index
        %get3A_65 = vector.load %arg39[%get3A_63, %get3A_64] : memref<10000x128xf32, #tpu.memory_space<vmem>>, vector<64x128xf32>
        %add3A_66 = arith.addf %get3A_65, %dot_general3A_62 : vector<64x128xf32>
        %swap3A = arith.index_cast %min3A_45 : i32 to index
        %swap3A_67 = arith.constant 0 : index
        %swap3A_68 = vector.load %arg39[%swap3A, %swap3A_67] : memref<10000x128xf32, #tpu.memory_space<vmem>>, vector<64x128xf32>
        tpu.vector_store %arg39[%swap3A, %swap3A_67], %add3A_66 {strides = array<i32>} : memref<10000x128xf32, #tpu.memory_space<vmem>>, vector<64x128xf32>,
      }
    } else {
    }
    %ge3A = arith.constant 250 : i32
    %ge3A_6 = arith.cmpi sge, %arg0, %ge3A : i32
    %convert_element_type3A_7 = arith.extui %ge3A_6 : i1 to i32
    %cond3A_8 = arith.constant 0 : i32
    %cond3A_9 = arith.cmpi ne, %convert_element_type3A_7, %cond3A_8 : i32
    scf.if %cond3A_9 {
      %sub3A = arith.constant 250 : i32
      %sub3A_10 = arith.subi %arg0, %sub3A : i32
      %get3A = arith.constant 0 : index
      %get3A_11 = arith.constant 0 : index
      %get3A_12 = vector.load %arg8[%get3A, %get3A_11] : memref<1000x128xf32, #tpu.memory_space<vmem>>, vector<1000x128xf32>
      %mul3A = arith.constant 1000 : i32
      %mul3A_13 = arith.muli %sub3A_10, %mul3A : i32
      %get3A_14 = arith.index_cast %mul3A_13 : i32 to index
      %get3A_15 = arith.constant 0 : index
      %get3A_16 = vector.load %arg39[%get3A_14, %get3A_15] : memref<10000x128xf32, #tpu.memory_space<vmem>>, vector<1000x128xf32>
      %add3A = arith.addf %get3A_12, %get3A_16 : vector<1000x128xf32>
      %get3A_17 = arith.constant 0 : index
      %get3A_18 = arith.constant 0 : index
      %get3A_19 = vector.load %arg9[%get3A_17, %get3A_18] : memref<128x128xf32, #tpu.memory_space<vmem>>, vector<128x128xf32>
      %get3A_20 = arith.constant 0 : index
      %get3A_21 = arith.constant 0 : index
      %get3A_22 = vector.load %arg10[%get3A_20, %get3A_21] : memref<1x128xf32, #tpu.memory_space<vmem>>, vector<1x128xf32>
      %get3A_23 = arith.constant 0 : index
      %get3A_24 = arith.constant 0 : index
      %get3A_25 = vector.load %arg11[%get3A_23, %get3A_24] : memref<128x128xf32, #tpu.memory_space<vmem>>, vector<128x128xf32>
      %get3A_26 = arith.constant 0 : index
      %get3A_27 = arith.constant 0 : index
      %get3A_28 = vector.load %arg12[%get3A_26, %get3A_27] : memref<1x128xf32, #tpu.memory_space<vmem>>, vector<1x128xf32>
      %custom_jvp_call3A = arith.constant 0.000000e+00 : f32
      %max3A = vector.broadcast %custom_jvp_call3A : f32 to vector<1000x128xf32>
      %max3A_29 = arith.maximumf %add3A, %max3A : vector<1000x128xf32>
      %sub3A_30 = vector.broadcast %custom_jvp_call3A : f32 to vector<1000x128xf32>
      %sub3A_31 = arith.subf %add3A, %sub3A_30 : vector<1000x128xf32>
      %ne3A = arith.cmpf one, %sub3A_31, %sub3A_31 : vector<1000x128xf32>
      %add3A_32 = vector.broadcast %custom_jvp_call3A : f32 to vector<1000x128xf32>
      %add3A_33 = arith.addf %add3A, %add3A_32 : vector<1000x128xf32>
      %abs3A = math.absf %sub3A_31 : vector<1000x128xf32>
      %neg3A = arith.constant 0.000000e+00 : f32
      %neg3A_34 = vector.broadcast %neg3A : f32 to vector<1000x128xf32>
      %neg3A_35 = arith.subf %neg3A_34, %abs3A : vector<1000x128xf32>
      %exp3A = math.exp %neg3A_35 : vector<1000x128xf32>
      %log1p3A = math.log1p %exp3A : vector<1000x128xf32>
      %add3A_36 = arith.addf %max3A_29, %log1p3A : vector<1000x128xf32>
      %select_n3A = arith.select %ne3A, %add3A_33, %add3A_36 : vector<1000x128xi1>, vector<1000x128xf32>
      %sub3A_37 = arith.constant 0.693147182 : f32
      %sub3A_38 = vector.broadcast %sub3A_37 : f32 to vector<1000x128xf32>
      %sub3A_39 = arith.subf %select_n3A, %sub3A_38 : vector<1000x128xf32>
      %dot_general3A = arith.constant dense<0.000000e+00> : vector<1000x128xf32>
      %dot_general3A_40 = tpu.matmul %sub3A_39, %get3A_19, %dot_general3A {dimension_numbers = #tpu.dot_dimension_numbers<[1], [0], [0], [1], [0, 0, 1, 1], [], []>, transpose_lhs_hint = false} : vector<1000x128xf32>, vector<128x128xf32>, vector<1000x128xf32> -> vector<1000x128xf32>
      %add3A_41 = vector.broadcast %get3A_22 : vector<1x128xf32> to vector<1000x128xf32>
      %add3A_42 = arith.addf %dot_general3A_40, %add3A_41 : vector<1000x128xf32>
      %custom_jvp_call3A_43 = arith.constant 0.000000e+00 : f32
      %max3A_44 = vector.broadcast %custom_jvp_call3A_43 : f32 to vector<1000x128xf32>
      %max3A_45 = arith.maximumf %add3A_42, %max3A_44 : vector<1000x128xf32>
      %sub3A_46 = vector.broadcast %custom_jvp_call3A_43 : f32 to vector<1000x128xf32>
      %sub3A_47 = arith.subf %add3A_42, %sub3A_46 : vector<1000x128xf32>
      %ne3A_48 = arith.cmpf one, %sub3A_47, %sub3A_47 : vector<1000x128xf32>
      %add3A_49 = vector.broadcast %custom_jvp_call3A_43 : f32 to vector<1000x128xf32>
      %add3A_50 = arith.addf %add3A_42, %add3A_49 : vector<1000x128xf32>
      %abs3A_51 = math.absf %sub3A_47 : vector<1000x128xf32>
      %neg3A_52 = arith.constant 0.000000e+00 : f32
      %neg3A_53 = vector.broadcast %neg3A_52 : f32 to vector<1000x128xf32>
      %neg3A_54 = arith.subf %neg3A_53, %abs3A_51 : vector<1000x128xf32>
      %exp3A_55 = math.exp %neg3A_54 : vector<1000x128xf32>
      %log1p3A_56 = math.log1p %exp3A_55 : vector<1000x128xf32>
      %add3A_57 = arith.addf %max3A_45, %log1p3A_56 : vector<1000x128xf32>
      %select_n3A_58 = arith.select %ne3A_48, %add3A_50, %add3A_57 : vector<1000x128xi1>, vector<1000x128xf32>
      %sub3A_59 = arith.constant 0.693147182 : f32
      %sub3A_60 = vector.broadcast %sub3A_59 : f32 to vector<1000x128xf32>
      %sub3A_61 = arith.subf %select_n3A_58, %sub3A_60 : vector<1000x128xf32>
      %dot_general3A_62 = arith.constant dense<0.000000e+00> : vector<1000x128xf32>
      %dot_general3A_63 = tpu.matmul %sub3A_61, %get3A_25, %dot_general3A_62 {dimension_numbers = #tpu.dot_dimension_numbers<[1], [0], [0], [1], [0, 0, 1, 1], [], []>, transpose_lhs_hint = false} : vector<1000x128xf32>, vector<128x128xf32>, vector<1000x128xf32> -> vector<1000x128xf32>
      %add3A_64 = arith.addf %add3A, %dot_general3A_63 : vector<1000x128xf32>
      %add3A_65 = vector.broadcast %get3A_28 : vector<1x128xf32> to vector<1000x128xf32>
      %add3A_66 = arith.addf %add3A_64, %add3A_65 : vector<1000x128xf32>
      %get3A_67 = arith.constant 0 : index
      %get3A_68 = arith.constant 0 : index
      %get3A_69 = vector.load %arg13[%get3A_67, %get3A_68] : memref<128x128xf32, #tpu.memory_space<vmem>>, vector<128x128xf32>
      %get3A_70 = arith.constant 0 : index
      %get3A_71 = arith.constant 0 : index
      %get3A_72 = vector.load %arg14[%get3A_70, %get3A_71] : memref<1x128xf32, #tpu.memory_space<vmem>>, vector<1x128xf32>
      %get3A_73 = arith.constant 0 : index
      %get3A_74 = arith.constant 0 : index
      %get3A_75 = vector.load %arg15[%get3A_73, %get3A_74] : memref<128x128xf32, #tpu.memory_space<vmem>>, vector<128x128xf32>
      %get3A_76 = arith.constant 0 : index
      %get3A_77 = arith.constant 0 : index
      %get3A_78 = vector.load %arg16[%get3A_76, %get3A_77] : memref<1x128xf32, #tpu.memory_space<vmem>>, vector<1x128xf32>
      %custom_jvp_call3A_79 = arith.constant 0.000000e+00 : f32
      %max3A_80 = vector.broadcast %custom_jvp_call3A_79 : f32 to vector<1000x128xf32>
      %max3A_81 = arith.maximumf %add3A_66, %max3A_80 : vector<1000x128xf32>
      %sub3A_82 = vector.broadcast %custom_jvp_call3A_79 : f32 to vector<1000x128xf32>
      %sub3A_83 = arith.subf %add3A_66, %sub3A_82 : vector<1000x128xf32>
      %ne3A_84 = arith.cmpf one, %sub3A_83, %sub3A_83 : vector<1000x128xf32>
      %add3A_85 = vector.broadcast %custom_jvp_call3A_79 : f32 to vector<1000x128xf32>
      %add3A_86 = arith.addf %add3A_66, %add3A_85 : vector<1000x128xf32>
      %abs3A_87 = math.absf %sub3A_83 : vector<1000x128xf32>
      %neg3A_88 = arith.constant 0.000000e+00 : f32
      %neg3A_89 = vector.broadcast %neg3A_88 : f32 to vector<1000x128xf32>
      %neg3A_90 = arith.subf %neg3A_89, %abs3A_87 : vector<1000x128xf32>
      %exp3A_91 = math.exp %neg3A_90 : vector<1000x128xf32>
      %log1p3A_92 = math.log1p %exp3A_91 : vector<1000x128xf32>
      %add3A_93 = arith.addf %max3A_81, %log1p3A_92 : vector<1000x128xf32>
      %select_n3A_94 = arith.select %ne3A_84, %add3A_86, %add3A_93 : vector<1000x128xi1>, vector<1000x128xf32>
      %sub3A_95 = arith.constant 0.693147182 : f32
      %sub3A_96 = vector.broadcast %sub3A_95 : f32 to vector<1000x128xf32>
      %sub3A_97 = arith.subf %select_n3A_94, %sub3A_96 : vector<1000x128xf32>
      %dot_general3A_98 = arith.constant dense<0.000000e+00> : vector<1000x128xf32>
      %dot_general3A_99 = tpu.matmul %sub3A_97, %get3A_69, %dot_general3A_98 {dimension_numbers = #tpu.dot_dimension_numbers<[1], [0], [0], [1], [0, 0, 1, 1], [], []>, transpose_lhs_hint = false} : vector<1000x128xf32>, vector<128x128xf32>, vector<1000x128xf32> -> vector<1000x128xf32>
      %add3A_100 = vector.broadcast %get3A_72 : vector<1x128xf32> to vector<1000x128xf32>
      %add3A_101 = arith.addf %dot_general3A_99, %add3A_100 : vector<1000x128xf32>
      %custom_jvp_call3A_102 = arith.constant 0.000000e+00 : f32
      %max3A_103 = vector.broadcast %custom_jvp_call3A_102 : f32 to vector<1000x128xf32>
      %max3A_104 = arith.maximumf %add3A_101, %max3A_103 : vector<1000x128xf32>
      %sub3A_105 = vector.broadcast %custom_jvp_call3A_102 : f32 to vector<1000x128xf32>
      %sub3A_106 = arith.subf %add3A_101, %sub3A_105 : vector<1000x128xf32>
      %ne3A_107 = arith.cmpf one, %sub3A_106, %sub3A_106 : vector<1000x128xf32>
      %add3A_108 = vector.broadcast %custom_jvp_call3A_102 : f32 to vector<1000x128xf32>
      %add3A_109 = arith.addf %add3A_101, %add3A_108 : vector<1000x128xf32>
      %abs3A_110 = math.absf %sub3A_106 : vector<1000x128xf32>
      %neg3A_111 = arith.constant 0.000000e+00 : f32
      %neg3A_112 = vector.broadcast %neg3A_111 : f32 to vector<1000x128xf32>
      %neg3A_113 = arith.subf %neg3A_112, %abs3A_110 : vector<1000x128xf32>
      %exp3A_114 = math.exp %neg3A_113 : vector<1000x128xf32>
      %log1p3A_115 = math.log1p %exp3A_114 : vector<1000x128xf32>
      %add3A_116 = arith.addf %max3A_104, %log1p3A_115 : vector<1000x128xf32>
      %select_n3A_117 = arith.select %ne3A_107, %add3A_109, %add3A_116 : vector<1000x128xi1>, vector<1000x128xf32>
      %sub3A_118 = arith.constant 0.693147182 : f32
      %sub3A_119 = vector.broadcast %sub3A_118 : f32 to vector<1000x128xf32>
      %sub3A_120 = arith.subf %select_n3A_117, %sub3A_119 : vector<1000x128xf32>
      %dot_general3A_121 = arith.constant dense<0.000000e+00> : vector<1000x128xf32>
      %dot_general3A_122 = tpu.matmul %sub3A_120, %get3A_75, %dot_general3A_121 {dimension_numbers = #tpu.dot_dimension_numbers<[1], [0], [0], [1], [0, 0, 1, 1], [], []>, transpose_lhs_hint = false} : vector<1000x128xf32>, vector<128x128xf32>, vector<1000x128xf32> -> vector<1000x128xf32>
      %add3A_123 = arith.addf %add3A_66, %dot_general3A_122 : vector<1000x128xf32>
      %add3A_124 = vector.broadcast %get3A_78 : vector<1x128xf32> to vector<1000x128xf32>
      %add3A_125 = arith.addf %add3A_123, %add3A_124 : vector<1000x128xf32>
      %get3A_126 = arith.constant 0 : index
      %get3A_127 = arith.constant 0 : index
      %get3A_128 = vector.load %arg17[%get3A_126, %get3A_127] : memref<128x128xf32, #tpu.memory_space<vmem>>, vector<128x128xf32>
      %get3A_129 = arith.constant 0 : index
      %get3A_130 = arith.constant 0 : index
      %get3A_131 = vector.load %arg18[%get3A_129, %get3A_130] : memref<1x128xf32, #tpu.memory_space<vmem>>, vector<1x128xf32>
      %get3A_132 = arith.constant 0 : index
      %get3A_133 = arith.constant 0 : index
      %get3A_134 = vector.load %arg19[%get3A_132, %get3A_133] : memref<128x128xf32, #tpu.memory_space<vmem>>, vector<128x128xf32>
      %get3A_135 = arith.constant 0 : index
      %get3A_136 = arith.constant 0 : index
      %get3A_137 = vector.load %arg20[%get3A_135, %get3A_136] : memref<1x128xf32, #tpu.memory_space<vmem>>, vector<1x128xf32>
      %custom_jvp_call3A_138 = arith.constant 0.000000e+00 : f32
      %max3A_139 = vector.broadcast %custom_jvp_call3A_138 : f32 to vector<1000x128xf32>
      %max3A_140 = arith.maximumf %add3A_125, %max3A_139 : vector<1000x128xf32>
      %sub3A_141 = vector.broadcast %custom_jvp_call3A_138 : f32 to vector<1000x128xf32>
      %sub3A_142 = arith.subf %add3A_125, %sub3A_141 : vector<1000x128xf32>
      %ne3A_143 = arith.cmpf one, %sub3A_142, %sub3A_142 : vector<1000x128xf32>
      %add3A_144 = vector.broadcast %custom_jvp_call3A_138 : f32 to vector<1000x128xf32>
      %add3A_145 = arith.addf %add3A_125, %add3A_144 : vector<1000x128xf32>
      %abs3A_146 = math.absf %sub3A_142 : vector<1000x128xf32>
      %neg3A_147 = arith.constant 0.000000e+00 : f32
      %neg3A_148 = vector.broadcast %neg3A_147 : f32 to vector<1000x128xf32>
      %neg3A_149 = arith.subf %neg3A_148, %abs3A_146 : vector<1000x128xf32>
      %exp3A_150 = math.exp %neg3A_149 : vector<1000x128xf32>
      %log1p3A_151 = math.log1p %exp3A_150 : vector<1000x128xf32>
      %add3A_152 = arith.addf %max3A_140, %log1p3A_151 : vector<1000x128xf32>
      %select_n3A_153 = arith.select %ne3A_143, %add3A_145, %add3A_152 : vector<1000x128xi1>, vector<1000x128xf32>
      %sub3A_154 = arith.constant 0.693147182 : f32
      %sub3A_155 = vector.broadcast %sub3A_154 : f32 to vector<1000x128xf32>
      %sub3A_156 = arith.subf %select_n3A_153, %sub3A_155 : vector<1000x128xf32>
      %dot_general3A_157 = arith.constant dense<0.000000e+00> : vector<1000x128xf32>
      %dot_general3A_158 = tpu.matmul %sub3A_156, %get3A_128, %dot_general3A_157 {dimension_numbers = #tpu.dot_dimension_numbers<[1], [0], [0], [1], [0, 0, 1, 1], [], []>, transpose_lhs_hint = false} : vector<1000x128xf32>, vector<128x128xf32>, vector<1000x128xf32> -> vector<1000x128xf32>
      %add3A_159 = vector.broadcast %get3A_131 : vector<1x128xf32> to vector<1000x128xf32>
      %add3A_160 = arith.addf %dot_general3A_158, %add3A_159 : vector<1000x128xf32>
      %custom_jvp_call3A_161 = arith.constant 0.000000e+00 : f32
      %max3A_162 = vector.broadcast %custom_jvp_call3A_161 : f32 to vector<1000x128xf32>
      %max3A_163 = arith.maximumf %add3A_160, %max3A_162 : vector<1000x128xf32>
      %sub3A_164 = vector.broadcast %custom_jvp_call3A_161 : f32 to vector<1000x128xf32>
      %sub3A_165 = arith.subf %add3A_160, %sub3A_164 : vector<1000x128xf32>
      %ne3A_166 = arith.cmpf one, %sub3A_165, %sub3A_165 : vector<1000x128xf32>
      %add3A_167 = vector.broadcast %custom_jvp_call3A_161 : f32 to vector<1000x128xf32>
      %add3A_168 = arith.addf %add3A_160, %add3A_167 : vector<1000x128xf32>
      %abs3A_169 = math.absf %sub3A_165 : vector<1000x128xf32>
      %neg3A_170 = arith.constant 0.000000e+00 : f32
      %neg3A_171 = vector.broadcast %neg3A_170 : f32 to vector<1000x128xf32>
      %neg3A_172 = arith.subf %neg3A_171, %abs3A_169 : vector<1000x128xf32>
      %exp3A_173 = math.exp %neg3A_172 : vector<1000x128xf32>
      %log1p3A_174 = math.log1p %exp3A_173 : vector<1000x128xf32>
      %add3A_175 = arith.addf %max3A_163, %log1p3A_174 : vector<1000x128xf32>
      %select_n3A_176 = arith.select %ne3A_166, %add3A_168, %add3A_175 : vector<1000x128xi1>, vector<1000x128xf32>
      %sub3A_177 = arith.constant 0.693147182 : f32
      %sub3A_178 = vector.broadcast %sub3A_177 : f32 to vector<1000x128xf32>
      %sub3A_179 = arith.subf %select_n3A_176, %sub3A_178 : vector<1000x128xf32>
      %dot_general3A_180 = arith.constant dense<0.000000e+00> : vector<1000x128xf32>
      %dot_general3A_181 = tpu.matmul %sub3A_179, %get3A_134, %dot_general3A_180 {dimension_numbers = #tpu.dot_dimension_numbers<[1], [0], [0], [1], [0, 0, 1, 1], [], []>, transpose_lhs_hint = false} : vector<1000x128xf32>, vector<128x128xf32>, vector<1000x128xf32> -> vector<1000x128xf32>
      %add3A_182 = arith.addf %add3A_125, %dot_general3A_181 : vector<1000x128xf32>
      %add3A_183 = vector.broadcast %get3A_137 : vector<1x128xf32> to vector<1000x128xf32>
      %add3A_184 = arith.addf %add3A_182, %add3A_183 : vector<1000x128xf32>
      %custom_jvp_call3A_185 = arith.constant 0.000000e+00 : f32
      %max3A_186 = vector.broadcast %custom_jvp_call3A_185 : f32 to vector<1000x128xf32>
      %max3A_187 = arith.maximumf %add3A_184, %max3A_186 : vector<1000x128xf32>
      %sub3A_188 = vector.broadcast %custom_jvp_call3A_185 : f32 to vector<1000x128xf32>
      %sub3A_189 = arith.subf %add3A_184, %sub3A_188 : vector<1000x128xf32>
      %ne3A_190 = arith.cmpf one, %sub3A_189, %sub3A_189 : vector<1000x128xf32>
      %add3A_191 = vector.broadcast %custom_jvp_call3A_185 : f32 to vector<1000x128xf32>
      %add3A_192 = arith.addf %add3A_184, %add3A_191 : vector<1000x128xf32>
      %abs3A_193 = math.absf %sub3A_189 : vector<1000x128xf32>
      %neg3A_194 = arith.constant 0.000000e+00 : f32
      %neg3A_195 = vector.broadcast %neg3A_194 : f32 to vector<1000x128xf32>
      %neg3A_196 = arith.subf %neg3A_195, %abs3A_193 : vector<1000x128xf32>
      %exp3A_197 = math.exp %neg3A_196 : vector<1000x128xf32>
      %log1p3A_198 = math.log1p %exp3A_197 : vector<1000x128xf32>
      %add3A_199 = arith.addf %max3A_187, %log1p3A_198 : vector<1000x128xf32>
      %select_n3A_200 = arith.select %ne3A_190, %add3A_192, %add3A_199 : vector<1000x128xi1>, vector<1000x128xf32>
      %sub3A_201 = arith.constant 0.693147182 : f32
      %sub3A_202 = vector.broadcast %sub3A_201 : f32 to vector<1000x128xf32>
      %sub3A_203 = arith.subf %select_n3A_200, %sub3A_202 : vector<1000x128xf32>
      %get3A_204 = arith.constant 0 : index
      %get3A_205 = arith.constant 0 : index
      %get3A_206 = vector.load %arg21[%get3A_204, %get3A_205] : memref<128x128xf32, #tpu.memory_space<vmem>>, vector<128x128xf32>
      %get3A_207 = arith.constant 0 : index
      %get3A_208 = arith.constant 0 : index
      %get3A_209 = vector.load %arg22[%get3A_207, %get3A_208] : memref<1x128xf32, #tpu.memory_space<vmem>>, vector<1x128xf32>
      %get3A_210 = arith.constant 0 : index
      %get3A_211 = arith.constant 0 : index
      %get3A_212 = vector.load %arg23[%get3A_210, %get3A_211] : memref<1x128xf32, #tpu.memory_space<vmem>>, vector<1x128xf32>
      %get3A_213 = arith.constant 0 : index
      %get3A_214 = arith.constant 0 : index
      %get3A_215 = vector.load %arg7[%get3A_213, %get3A_214] : memref<1000x128xf32, #tpu.memory_space<vmem>>, vector<1000x128xf32>
      %mul3A_216 = vector.broadcast %get3A_212 : vector<1x128xf32> to vector<1000x128xf32>
      %mul3A_217 = arith.mulf %mul3A_216, %get3A_215 : vector<1000x128xf32>
      %dot_general3A_218 = arith.constant dense<0.000000e+00> : vector<1000x128xf32>
      %dot_general3A_219 = tpu.matmul %sub3A_203, %get3A_206, %dot_general3A_218 {dimension_numbers = #tpu.dot_dimension_numbers<[1], [0], [0], [1], [0, 0, 1, 1], [], []>, transpose_lhs_hint = false} : vector<1000x128xf32>, vector<128x128xf32>, vector<1000x128xf32> -> vector<1000x128xf32>
      %add3A_220 = arith.addf %mul3A_217, %dot_general3A_219 : vector<1000x128xf32>
      %add3A_221 = vector.broadcast %get3A_209 : vector<1x128xf32> to vector<1000x128xf32>
      %add3A_222 = arith.addf %add3A_220, %add3A_221 : vector<1000x128xf32>
      %get3A_223 = arith.constant 0 : index
      %get3A_224 = arith.constant 0 : index
      %get3A_225 = vector.load %arg24[%get3A_223, %get3A_224] : memref<128x128xf32, #tpu.memory_space<vmem>>, vector<128x128xf32>
      %get3A_226 = arith.constant 0 : index
      %get3A_227 = arith.constant 0 : index
      %get3A_228 = vector.load %arg25[%get3A_226, %get3A_227] : memref<1x128xf32, #tpu.memory_space<vmem>>, vector<1x128xf32>
      %get3A_229 = arith.constant 0 : index
      %get3A_230 = arith.constant 0 : index
      %get3A_231 = vector.load %arg26[%get3A_229, %get3A_230] : memref<128x128xf32, #tpu.memory_space<vmem>>, vector<128x128xf32>
      %get3A_232 = arith.constant 0 : index
      %get3A_233 = arith.constant 0 : index
      %get3A_234 = vector.load %arg27[%get3A_232, %get3A_233] : memref<1x128xf32, #tpu.memory_space<vmem>>, vector<1x128xf32>
      %custom_jvp_call3A_235 = arith.constant 0.000000e+00 : f32
      %max3A_236 = vector.broadcast %custom_jvp_call3A_235 : f32 to vector<1000x128xf32>
      %max3A_237 = arith.maximumf %add3A_222, %max3A_236 : vector<1000x128xf32>
      %sub3A_238 = vector.broadcast %custom_jvp_call3A_235 : f32 to vector<1000x128xf32>
      %sub3A_239 = arith.subf %add3A_222, %sub3A_238 : vector<1000x128xf32>
      %ne3A_240 = arith.cmpf one, %sub3A_239, %sub3A_239 : vector<1000x128xf32>
      %add3A_241 = vector.broadcast %custom_jvp_call3A_235 : f32 to vector<1000x128xf32>
      %add3A_242 = arith.addf %add3A_222, %add3A_241 : vector<1000x128xf32>
      %abs3A_243 = math.absf %sub3A_239 : vector<1000x128xf32>
      %neg3A_244 = arith.constant 0.000000e+00 : f32
      %neg3A_245 = vector.broadcast %neg3A_244 : f32 to vector<1000x128xf32>
      %neg3A_246 = arith.subf %neg3A_245, %abs3A_243 : vector<1000x128xf32>
      %exp3A_247 = math.exp %neg3A_246 : vector<1000x128xf32>
      %log1p3A_248 = math.log1p %exp3A_247 : vector<1000x128xf32>
      %add3A_249 = arith.addf %max3A_237, %log1p3A_248 : vector<1000x128xf32>
      %select_n3A_250 = arith.select %ne3A_240, %add3A_242, %add3A_249 : vector<1000x128xi1>, vector<1000x128xf32>
      %sub3A_251 = arith.constant 0.693147182 : f32
      %sub3A_252 = vector.broadcast %sub3A_251 : f32 to vector<1000x128xf32>
      %sub3A_253 = arith.subf %select_n3A_250, %sub3A_252 : vector<1000x128xf32>
      %dot_general3A_254 = arith.constant dense<0.000000e+00> : vector<1000x128xf32>
      %dot_general3A_255 = tpu.matmul %sub3A_253, %get3A_225, %dot_general3A_254 {dimension_numbers = #tpu.dot_dimension_numbers<[1], [0], [0], [1], [0, 0, 1, 1], [], []>, transpose_lhs_hint = false} : vector<1000x128xf32>, vector<128x128xf32>, vector<1000x128xf32> -> vector<1000x128xf32>
      %add3A_256 = vector.broadcast %get3A_228 : vector<1x128xf32> to vector<1000x128xf32>
      %add3A_257 = arith.addf %dot_general3A_255, %add3A_256 : vector<1000x128xf32>
      %custom_jvp_call3A_258 = arith.constant 0.000000e+00 : f32
      %max3A_259 = vector.broadcast %custom_jvp_call3A_258 : f32 to vector<1000x128xf32>
      %max3A_260 = arith.maximumf %add3A_257, %max3A_259 : vector<1000x128xf32>
      %sub3A_261 = vector.broadcast %custom_jvp_call3A_258 : f32 to vector<1000x128xf32>
      %sub3A_262 = arith.subf %add3A_257, %sub3A_261 : vector<1000x128xf32>
      %ne3A_263 = arith.cmpf one, %sub3A_262, %sub3A_262 : vector<1000x128xf32>
      %add3A_264 = vector.broadcast %custom_jvp_call3A_258 : f32 to vector<1000x128xf32>
      %add3A_265 = arith.addf %add3A_257, %add3A_264 : vector<1000x128xf32>
      %abs3A_266 = math.absf %sub3A_262 : vector<1000x128xf32>
      %neg3A_267 = arith.constant 0.000000e+00 : f32
      %neg3A_268 = vector.broadcast %neg3A_267 : f32 to vector<1000x128xf32>
      %neg3A_269 = arith.subf %neg3A_268, %abs3A_266 : vector<1000x128xf32>
      %exp3A_270 = math.exp %neg3A_269 : vector<1000x128xf32>
      %log1p3A_271 = math.log1p %exp3A_270 : vector<1000x128xf32>
      %add3A_272 = arith.addf %max3A_260, %log1p3A_271 : vector<1000x128xf32>
      %select_n3A_273 = arith.select %ne3A_263, %add3A_265, %add3A_272 : vector<1000x128xi1>, vector<1000x128xf32>
      %sub3A_274 = arith.constant 0.693147182 : f32
      %sub3A_275 = vector.broadcast %sub3A_274 : f32 to vector<1000x128xf32>
      %sub3A_276 = arith.subf %select_n3A_273, %sub3A_275 : vector<1000x128xf32>
      %dot_general3A_277 = arith.constant dense<0.000000e+00> : vector<1000x128xf32>
      %dot_general3A_278 = tpu.matmul %sub3A_276, %get3A_231, %dot_general3A_277 {dimension_numbers = #tpu.dot_dimension_numbers<[1], [0], [0], [1], [0, 0, 1, 1], [], []>, transpose_lhs_hint = false} : vector<1000x128xf32>, vector<128x128xf32>, vector<1000x128xf32> -> vector<1000x128xf32>
      %add3A_279 = arith.addf %add3A_222, %dot_general3A_278 : vector<1000x128xf32>
      %add3A_280 = vector.broadcast %get3A_234 : vector<1x128xf32> to vector<1000x128xf32>
      %add3A_281 = arith.addf %add3A_279, %add3A_280 : vector<1000x128xf32>
      %get3A_282 = arith.constant 0 : index
      %get3A_283 = arith.constant 0 : index
      %get3A_284 = vector.load %arg28[%get3A_282, %get3A_283] : memref<128x128xf32, #tpu.memory_space<vmem>>, vector<128x128xf32>
      %get3A_285 = arith.constant 0 : index
      %get3A_286 = arith.constant 0 : index
      %get3A_287 = vector.load %arg29[%get3A_285, %get3A_286] : memref<1x128xf32, #tpu.memory_space<vmem>>, vector<1x128xf32>
      %get3A_288 = arith.constant 0 : index
      %get3A_289 = arith.constant 0 : index
      %get3A_290 = vector.load %arg30[%get3A_288, %get3A_289] : memref<128x128xf32, #tpu.memory_space<vmem>>, vector<128x128xf32>
      %get3A_291 = arith.constant 0 : index
      %get3A_292 = arith.constant 0 : index
      %get3A_293 = vector.load %arg31[%get3A_291, %get3A_292] : memref<1x128xf32, #tpu.memory_space<vmem>>, vector<1x128xf32>
      %custom_jvp_call3A_294 = arith.constant 0.000000e+00 : f32
      %max3A_295 = vector.broadcast %custom_jvp_call3A_294 : f32 to vector<1000x128xf32>
      %max3A_296 = arith.maximumf %add3A_281, %max3A_295 : vector<1000x128xf32>
      %sub3A_297 = vector.broadcast %custom_jvp_call3A_294 : f32 to vector<1000x128xf32>
      %sub3A_298 = arith.subf %add3A_281, %sub3A_297 : vector<1000x128xf32>
      %ne3A_299 = arith.cmpf one, %sub3A_298, %sub3A_298 : vector<1000x128xf32>
      %add3A_300 = vector.broadcast %custom_jvp_call3A_294 : f32 to vector<1000x128xf32>
      %add3A_301 = arith.addf %add3A_281, %add3A_300 : vector<1000x128xf32>
      %abs3A_302 = math.absf %sub3A_298 : vector<1000x128xf32>
      %neg3A_303 = arith.constant 0.000000e+00 : f32
      %neg3A_304 = vector.broadcast %neg3A_303 : f32 to vector<1000x128xf32>
      %neg3A_305 = arith.subf %neg3A_304, %abs3A_302 : vector<1000x128xf32>
      %exp3A_306 = math.exp %neg3A_305 : vector<1000x128xf32>
      %log1p3A_307 = math.log1p %exp3A_306 : vector<1000x128xf32>
      %add3A_308 = arith.addf %max3A_296, %log1p3A_307 : vector<1000x128xf32>
      %select_n3A_309 = arith.select %ne3A_299, %add3A_301, %add3A_308 : vector<1000x128xi1>, vector<1000x128xf32>
      %sub3A_310 = arith.constant 0.693147182 : f32
      %sub3A_311 = vector.broadcast %sub3A_310 : f32 to vector<1000x128xf32>
      %sub3A_312 = arith.subf %select_n3A_309, %sub3A_311 : vector<1000x128xf32>
      %dot_general3A_313 = arith.constant dense<0.000000e+00> : vector<1000x128xf32>
      %dot_general3A_314 = tpu.matmul %sub3A_312, %get3A_284, %dot_general3A_313 {dimension_numbers = #tpu.dot_dimension_numbers<[1], [0], [0], [1], [0, 0, 1, 1], [], []>, transpose_lhs_hint = false} : vector<1000x128xf32>, vector<128x128xf32>, vector<1000x128xf32> -> vector<1000x128xf32>
      %add3A_315 = vector.broadcast %get3A_287 : vector<1x128xf32> to vector<1000x128xf32>
      %add3A_316 = arith.addf %dot_general3A_314, %add3A_315 : vector<1000x128xf32>
      %custom_jvp_call3A_317 = arith.constant 0.000000e+00 : f32
      %max3A_318 = vector.broadcast %custom_jvp_call3A_317 : f32 to vector<1000x128xf32>
      %max3A_319 = arith.maximumf %add3A_316, %max3A_318 : vector<1000x128xf32>
      %sub3A_320 = vector.broadcast %custom_jvp_call3A_317 : f32 to vector<1000x128xf32>
      %sub3A_321 = arith.subf %add3A_316, %sub3A_320 : vector<1000x128xf32>
      %ne3A_322 = arith.cmpf one, %sub3A_321, %sub3A_321 : vector<1000x128xf32>
      %add3A_323 = vector.broadcast %custom_jvp_call3A_317 : f32 to vector<1000x128xf32>
      %add3A_324 = arith.addf %add3A_316, %add3A_323 : vector<1000x128xf32>
      %abs3A_325 = math.absf %sub3A_321 : vector<1000x128xf32>
      %neg3A_326 = arith.constant 0.000000e+00 : f32
      %neg3A_327 = vector.broadcast %neg3A_326 : f32 to vector<1000x128xf32>
      %neg3A_328 = arith.subf %neg3A_327, %abs3A_325 : vector<1000x128xf32>
      %exp3A_329 = math.exp %neg3A_328 : vector<1000x128xf32>
      %log1p3A_330 = math.log1p %exp3A_329 : vector<1000x128xf32>
      %add3A_331 = arith.addf %max3A_319, %log1p3A_330 : vector<1000x128xf32>
      %select_n3A_332 = arith.select %ne3A_322, %add3A_324, %add3A_331 : vector<1000x128xi1>, vector<1000x128xf32>
      %sub3A_333 = arith.constant 0.693147182 : f32
      %sub3A_334 = vector.broadcast %sub3A_333 : f32 to vector<1000x128xf32>
      %sub3A_335 = arith.subf %select_n3A_332, %sub3A_334 : vector<1000x128xf32>
      %dot_general3A_336 = arith.constant dense<0.000000e+00> : vector<1000x128xf32>
      %dot_general3A_337 = tpu.matmul %sub3A_335, %get3A_290, %dot_general3A_336 {dimension_numbers = #tpu.dot_dimension_numbers<[1], [0], [0], [1], [0, 0, 1, 1], [], []>, transpose_lhs_hint = false} : vector<1000x128xf32>, vector<128x128xf32>, vector<1000x128xf32> -> vector<1000x128xf32>
      %add3A_338 = arith.addf %add3A_281, %dot_general3A_337 : vector<1000x128xf32>
      %add3A_339 = vector.broadcast %get3A_293 : vector<1x128xf32> to vector<1000x128xf32>
      %add3A_340 = arith.addf %add3A_338, %add3A_339 : vector<1000x128xf32>
      %swap3A = arith.constant 0 : index
      %swap3A_341 = arith.constant 0 : index
      %swap3A_342 = vector.load %arg36[%swap3A, %swap3A_341] : memref<1000x128xf32, #tpu.memory_space<vmem>>, vector<1000x128xf32>
      tpu.vector_store %arg36[%swap3A, %swap3A_341], %add3A_340 {strides = array<i32>} : memref<1000x128xf32, #tpu.memory_space<vmem>>, vector<1000x128xf32>,
      %get3A_343 = arith.constant 0 : index
      %get3A_344 = arith.constant 0 : index
      %get3A_345 = vector.load %arg32[%get3A_343, %get3A_344] : memref<128x128xf32, #tpu.memory_space<vmem>>, vector<128x128xf32>
      %get3A_346 = arith.constant 0 : index
      %get3A_347 = arith.constant 0 : index
      %get3A_348 = vector.load %arg33[%get3A_346, %get3A_347] : memref<1x128xf32, #tpu.memory_space<vmem>>, vector<1x128xf32>
      %get3A_349 = arith.constant 0 : index
      %get3A_350 = arith.constant 0 : index
      %get3A_351 = vector.load %arg34[%get3A_349, %get3A_350] : memref<128x128xf32, #tpu.memory_space<vmem>>, vector<128x128xf32>
      %get3A_352 = arith.constant 0 : index
      %get3A_353 = arith.constant 0 : index
      %get3A_354 = vector.load %arg35[%get3A_352, %get3A_353] : memref<1x128xf32, #tpu.memory_space<vmem>>, vector<1x128xf32>
      %custom_jvp_call3A_355 = arith.constant 0.000000e+00 : f32
      %max3A_356 = vector.broadcast %custom_jvp_call3A_355 : f32 to vector<1000x128xf32>
      %max3A_357 = arith.maximumf %add3A_340, %max3A_356 : vector<1000x128xf32>
      %sub3A_358 = vector.broadcast %custom_jvp_call3A_355 : f32 to vector<1000x128xf32>
      %sub3A_359 = arith.subf %add3A_340, %sub3A_358 : vector<1000x128xf32>
      %ne3A_360 = arith.cmpf one, %sub3A_359, %sub3A_359 : vector<1000x128xf32>
      %add3A_361 = vector.broadcast %custom_jvp_call3A_355 : f32 to vector<1000x128xf32>
      %add3A_362 = arith.addf %add3A_340, %add3A_361 : vector<1000x128xf32>
      %abs3A_363 = math.absf %sub3A_359 : vector<1000x128xf32>
      %neg3A_364 = arith.constant 0.000000e+00 : f32
      %neg3A_365 = vector.broadcast %neg3A_364 : f32 to vector<1000x128xf32>
      %neg3A_366 = arith.subf %neg3A_365, %abs3A_363 : vector<1000x128xf32>
      %exp3A_367 = math.exp %neg3A_366 : vector<1000x128xf32>
      %log1p3A_368 = math.log1p %exp3A_367 : vector<1000x128xf32>
      %add3A_369 = arith.addf %max3A_357, %log1p3A_368 : vector<1000x128xf32>
      %select_n3A_370 = arith.select %ne3A_360, %add3A_362, %add3A_369 : vector<1000x128xi1>, vector<1000x128xf32>
      %sub3A_371 = arith.constant 0.693147182 : f32
      %sub3A_372 = vector.broadcast %sub3A_371 : f32 to vector<1000x128xf32>
      %sub3A_373 = arith.subf %select_n3A_370, %sub3A_372 : vector<1000x128xf32>
      %dot_general3A_374 = arith.constant dense<0.000000e+00> : vector<1000x128xf32>
      %dot_general3A_375 = tpu.matmul %sub3A_373, %get3A_345, %dot_general3A_374 {dimension_numbers = #tpu.dot_dimension_numbers<[1], [0], [0], [1], [0, 0, 1, 1], [], []>, transpose_lhs_hint = false} : vector<1000x128xf32>, vector<128x128xf32>, vector<1000x128xf32> -> vector<1000x128xf32>
      %add3A_376 = vector.broadcast %get3A_348 : vector<1x128xf32> to vector<1000x128xf32>
      %add3A_377 = arith.addf %dot_general3A_375, %add3A_376 : vector<1000x128xf32>
      %custom_jvp_call3A_378 = arith.constant 0.000000e+00 : f32
      %max3A_379 = vector.broadcast %custom_jvp_call3A_378 : f32 to vector<1000x128xf32>
      %max3A_380 = arith.maximumf %add3A_377, %max3A_379 : vector<1000x128xf32>
      %sub3A_381 = vector.broadcast %custom_jvp_call3A_378 : f32 to vector<1000x128xf32>
      %sub3A_382 = arith.subf %add3A_377, %sub3A_381 : vector<1000x128xf32>
      %ne3A_383 = arith.cmpf one, %sub3A_382, %sub3A_382 : vector<1000x128xf32>
      %add3A_384 = vector.broadcast %custom_jvp_call3A_378 : f32 to vector<1000x128xf32>
      %add3A_385 = arith.addf %add3A_377, %add3A_384 : vector<1000x128xf32>
      %abs3A_386 = math.absf %sub3A_382 : vector<1000x128xf32>
      %neg3A_387 = arith.constant 0.000000e+00 : f32
      %neg3A_388 = vector.broadcast %neg3A_387 : f32 to vector<1000x128xf32>
      %neg3A_389 = arith.subf %neg3A_388, %abs3A_386 : vector<1000x128xf32>
      %exp3A_390 = math.exp %neg3A_389 : vector<1000x128xf32>
      %log1p3A_391 = math.log1p %exp3A_390 : vector<1000x128xf32>
      %add3A_392 = arith.addf %max3A_380, %log1p3A_391 : vector<1000x128xf32>
      %select_n3A_393 = arith.select %ne3A_383, %add3A_385, %add3A_392 : vector<1000x128xi1>, vector<1000x128xf32>
      %sub3A_394 = arith.constant 0.693147182 : f32
      %sub3A_395 = vector.broadcast %sub3A_394 : f32 to vector<1000x128xf32>
      %sub3A_396 = arith.subf %select_n3A_393, %sub3A_395 : vector<1000x128xf32>
      %swap3A_397 = arith.constant 0 : index
      %swap3A_398 = arith.constant 0 : index
      %swap3A_399 = vector.load %arg37[%swap3A_397, %swap3A_398] : memref<1000x128xf32, #tpu.memory_space<vmem>>, vector<1000x128xf32>
      tpu.vector_store %arg37[%swap3A_397, %swap3A_398], %sub3A_396 {strides = array<i32>} : memref<1000x128xf32, #tpu.memory_space<vmem>>, vector<1000x128xf32>,
      %dot_general3A_400 = arith.constant dense<0.000000e+00> : vector<1000x128xf32>
      %dot_general3A_401 = tpu.matmul %sub3A_373, %get3A_351, %dot_general3A_400 {dimension_numbers = #tpu.dot_dimension_numbers<[1], [0], [0], [1], [0, 0, 1, 1], [], []>, transpose_lhs_hint = false} : vector<1000x128xf32>, vector<128x128xf32>, vector<1000x128xf32> -> vector<1000x128xf32>
      %add3A_402 = vector.broadcast %get3A_354 : vector<1x128xf32> to vector<1000x128xf32>
      %add3A_403 = arith.addf %dot_general3A_401, %add3A_402 : vector<1000x128xf32>
      %custom_jvp_call3A_404 = arith.constant 0.000000e+00 : f32
      %max3A_405 = vector.broadcast %custom_jvp_call3A_404 : f32 to vector<1000x128xf32>
      %max3A_406 = arith.maximumf %add3A_403, %max3A_405 : vector<1000x128xf32>
      %sub3A_407 = vector.broadcast %custom_jvp_call3A_404 : f32 to vector<1000x128xf32>
      %sub3A_408 = arith.subf %add3A_403, %sub3A_407 : vector<1000x128xf32>
      %ne3A_409 = arith.cmpf one, %sub3A_408, %sub3A_408 : vector<1000x128xf32>
      %add3A_410 = vector.broadcast %custom_jvp_call3A_404 : f32 to vector<1000x128xf32>
      %add3A_411 = arith.addf %add3A_403, %add3A_410 : vector<1000x128xf32>
      %abs3A_412 = math.absf %sub3A_408 : vector<1000x128xf32>
      %neg3A_413 = arith.constant 0.000000e+00 : f32
      %neg3A_414 = vector.broadcast %neg3A_413 : f32 to vector<1000x128xf32>
      %neg3A_415 = arith.subf %neg3A_414, %abs3A_412 : vector<1000x128xf32>
      %exp3A_416 = math.exp %neg3A_415 : vector<1000x128xf32>
      %log1p3A_417 = math.log1p %exp3A_416 : vector<1000x128xf32>
      %add3A_418 = arith.addf %max3A_406, %log1p3A_417 : vector<1000x128xf32>
      %select_n3A_419 = arith.select %ne3A_409, %add3A_411, %add3A_418 : vector<1000x128xi1>, vector<1000x128xf32>
      %sub3A_420 = arith.constant 0.693147182 : f32
      %sub3A_421 = vector.broadcast %sub3A_420 : f32 to vector<1000x128xf32>
      %sub3A_422 = arith.subf %select_n3A_419, %sub3A_421 : vector<1000x128xf32>
      %swap3A_423 = arith.constant 0 : index
      %swap3A_424 = arith.constant 0 : index
      %swap3A_425 = vector.load %arg38[%swap3A_423, %swap3A_424] : memref<1000x128xf32, #tpu.memory_space<vmem>>, vector<1000x128xf32>
      tpu.vector_store %arg38[%swap3A_423, %swap3A_424], %sub3A_422 {strides = array<i32>} : memref<1000x128xf32, #tpu.memory_space<vmem>>, vector<1000x128xf32>,
    } else {
    }
    return
  }
  func.func @transform_0(%arg0: i32, %arg1: memref<250xi32, #tpu.memory_space<smem>>, %arg2: memref<250xi32, #tpu.memory_space<smem>>) -> (i32, i32) {
    %min3A = arith.constant 249 : i32
    %min3A_0 = arith.minsi %arg0, %min3A : i32
    %c0_i32 = arith.constant 0 : i32
    %c0_i32_1 = arith.constant 0 : i32
    return %min3A_0, %c0_i32 : i32, i32
  }
  func.func @transform_1(%arg0: i32, %arg1: memref<250xi32, #tpu.memory_space<smem>>, %arg2: memref<250xi32, #tpu.memory_space<smem>>) -> (i32, i32) {
    %min3A = arith.constant 249 : i32
    %min3A_0 = arith.minsi %arg0, %min3A : i32
    %c0_i32 = arith.constant 0 : i32
    %c0_i32_1 = arith.constant 0 : i32
    return %min3A_0, %c0_i32 : i32, i32
  }
  func.func @transform_2(%arg0: i32, %arg1: memref<250xi32, #tpu.memory_space<smem>>, %arg2: memref<250xi32, #tpu.memory_space<smem>>) -> (i32, i32, i32) {
    %min3A = arith.constant 249 : i32
    %min3A_0 = arith.minsi %arg0, %min3A : i32
    %c0_i32 = arith.constant 0 : i32
    %c0_i32_1 = arith.constant 0 : i32
    %c0_i32_2 = arith.constant 0 : i32
    return %min3A_0, %c0_i32, %c0_i32_1 : i32, i32, i32
  }
  func.func @transform_3(%arg0: i32, %arg1: memref<250xi32, #tpu.memory_space<smem>>, %arg2: memref<250xi32, #tpu.memory_space<smem>>) -> (i32, i32, i32) {
    %min3A = arith.constant 249 : i32
    %min3A_0 = arith.minsi %arg0, %min3A : i32
    %c0_i32 = arith.constant 0 : i32
    %c0_i32_1 = arith.constant 0 : i32
    %c0_i32_2 = arith.constant 0 : i32
    return %min3A_0, %c0_i32, %c0_i32_1 : i32, i32, i32
  }
  func.func @transform_4(%arg0: i32, %arg1: memref<250xi32, #tpu.memory_space<smem>>, %arg2: memref<250xi32, #tpu.memory_space<smem>>) -> (i32, i32) {
    %sub3A = arith.constant 250 : i32
    %sub3A_0 = arith.subi %arg0, %sub3A : i32
    %max3A = arith.constant 0 : i32
    %max3A_1 = arith.maxsi %sub3A_0, %max3A : i32
    %c0_i32 = arith.constant 0 : i32
    %c0_i32_2 = arith.constant 0 : i32
    return %max3A_1, %c0_i32 : i32, i32
  }
  func.func @transform_5(%arg0: i32, %arg1: memref<250xi32, #tpu.memory_space<smem>>, %arg2: memref<250xi32, #tpu.memory_space<smem>>) -> (i32, i32) {
    %sub3A = arith.constant 250 : i32
    %sub3A_0 = arith.subi %arg0, %sub3A : i32
    %max3A = arith.constant 0 : i32
    %max3A_1 = arith.maxsi %sub3A_0, %max3A : i32
    %c0_i32 = arith.constant 0 : i32
    %c0_i32_2 = arith.constant 0 : i32
    return %max3A_1, %c0_i32 : i32, i32
  }
  func.func @transform_6(%arg0: i32, %arg1: memref<250xi32, #tpu.memory_space<smem>>, %arg2: memref<250xi32, #tpu.memory_space<smem>>) -> (i32, i32) {
    %c0_i32 = arith.constant 0 : i32
    %c0_i32_0 = arith.constant 0 : i32
    %c0_i32_1 = arith.constant 0 : i32
    return %c0_i32, %c0_i32_0 : i32, i32
  }
  func.func @transform_7(%arg0: i32, %arg1: memref<250xi32, #tpu.memory_space<smem>>, %arg2: memref<250xi32, #tpu.memory_space<smem>>) -> (i32, i32) {
    %c0_i32 = arith.constant 0 : i32
    %c0_i32_0 = arith.constant 0 : i32
    %c0_i32_1 = arith.constant 0 : i32
    return %c0_i32, %c0_i32_0 : i32, i32
  }
  func.func @transform_8(%arg0: i32, %arg1: memref<250xi32, #tpu.memory_space<smem>>, %arg2: memref<250xi32, #tpu.memory_space<smem>>) -> (i32, i32) {
    %c0_i32 = arith.constant 0 : i32
    %c0_i32_0 = arith.constant 0 : i32
    %c0_i32_1 = arith.constant 0 : i32
    return %c0_i32, %c0_i32_0 : i32, i32
  }
  func.func @transform_9(%arg0: i32, %arg1: memref<250xi32, #tpu.memory_space<smem>>, %arg2: memref<250xi32, #tpu.memory_space<smem>>) -> (i32, i32) {
    %c0_i32 = arith.constant 0 : i32
    %c0_i32_0 = arith.constant 0 : i32
    %c0_i32_1 = arith.constant 0 : i32
    return %c0_i32, %c0_i32_0 : i32, i32
  }
  func.func @transform_10(%arg0: i32, %arg1: memref<250xi32, #tpu.memory_space<smem>>, %arg2: memref<250xi32, #tpu.memory_space<smem>>) -> (i32, i32) {
    %c0_i32 = arith.constant 0 : i32
    %c0_i32_0 = arith.constant 0 : i32
    %c0_i32_1 = arith.constant 0 : i32
    return %c0_i32, %c0_i32_0 : i32, i32
  }
  func.func @transform_11(%arg0: i32, %arg1: memref<250xi32, #tpu.memory_space<smem>>, %arg2: memref<250xi32, #tpu.memory_space<smem>>) -> (i32, i32) {
    %c0_i32 = arith.constant 0 : i32
    %c0_i32_0 = arith.constant 0 : i32
    %c0_i32_1 = arith.constant 0 : i32
    return %c0_i32, %c0_i32_0 : i32, i32
  }
  func.func @transform_12(%arg0: i32, %arg1: memref<250xi32, #tpu.memory_space<smem>>, %arg2: memref<250xi32, #tpu.memory_space<smem>>) -> (i32, i32) {
    %c0_i32 = arith.constant 0 : i32
    %c0_i32_0 = arith.constant 0 : i32
    %c0_i32_1 = arith.constant 0 : i32
    return %c0_i32, %c0_i32_0 : i32, i32
  }
  func.func @transform_13(%arg0: i32, %arg1: memref<250xi32, #tpu.memory_space<smem>>, %arg2: memref<250xi32, #tpu.memory_space<smem>>) -> (i32, i32) {
    %c0_i32 = arith.constant 0 : i32
    %c0_i32_0 = arith.constant 0 : i32
    %c0_i32_1 = arith.constant 0 : i32
    return %c0_i32, %c0_i32_0 : i32, i32
  }
  func.func @transform_14(%arg0: i32, %arg1: memref<250xi32, #tpu.memory_space<smem>>, %arg2: memref<250xi32, #tpu.memory_space<smem>>) -> (i32, i32) {
    %c0_i32 = arith.constant 0 : i32
    %c0_i32_0 = arith.constant 0 : i32
    %c0_i32_1 = arith.constant 0 : i32
    return %c0_i32, %c0_i32_0 : i32, i32
  }
  func.func @transform_15(%arg0: i32, %arg1: memref<250xi32, #tpu.memory_space<smem>>, %arg2: memref<250xi32, #tpu.memory_space<smem>>) -> (i32, i32) {
    %c0_i32 = arith.constant 0 : i32
    %c0_i32_0 = arith.constant 0 : i32
    %c0_i32_1 = arith.constant 0 : i32
    return %c0_i32, %c0_i32_0 : i32, i32
  }
  func.func @transform_16(%arg0: i32, %arg1: memref<250xi32, #tpu.memory_space<smem>>, %arg2: memref<250xi32, #tpu.memory_space<smem>>) -> (i32, i32) {
    %c0_i32 = arith.constant 0 : i32
    %c0_i32_0 = arith.constant 0 : i32
    %c0_i32_1 = arith.constant 0 : i32
    return %c0_i32, %c0_i32_0 : i32, i32
  }
  func.func @transform_17(%arg0: i32, %arg1: memref<250xi32, #tpu.memory_space<smem>>, %arg2: memref<250xi32, #tpu.memory_space<smem>>) -> (i32, i32) {
    %c0_i32 = arith.constant 0 : i32
    %c0_i32_0 = arith.constant 0 : i32
    %c0_i32_1 = arith.constant 0 : i32
    return %c0_i32, %c0_i32_0 : i32, i32
  }
  func.func @transform_18(%arg0: i32, %arg1: memref<250xi32, #tpu.memory_space<smem>>, %arg2: memref<250xi32, #tpu.memory_space<smem>>) -> (i32, i32) {
    %c0_i32 = arith.constant 0 : i32
    %c0_i32_0 = arith.constant 0 : i32
    %c0_i32_1 = arith.constant 0 : i32
    return %c0_i32, %c0_i32_0 : i32, i32
  }
  func.func @transform_19(%arg0: i32, %arg1: memref<250xi32, #tpu.memory_space<smem>>, %arg2: memref<250xi32, #tpu.memory_space<smem>>) -> (i32, i32) {
    %c0_i32 = arith.constant 0 : i32
    %c0_i32_0 = arith.constant 0 : i32
    %c0_i32_1 = arith.constant 0 : i32
    return %c0_i32, %c0_i32_0 : i32, i32
  }
  func.func @transform_20(%arg0: i32, %arg1: memref<250xi32, #tpu.memory_space<smem>>, %arg2: memref<250xi32, #tpu.memory_space<smem>>) -> (i32, i32) {
    %c0_i32 = arith.constant 0 : i32
    %c0_i32_0 = arith.constant 0 : i32
    %c0_i32_1 = arith.constant 0 : i32
    return %c0_i32, %c0_i32_0 : i32, i32
  }
  func.func @transform_21(%arg0: i32, %arg1: memref<250xi32, #tpu.memory_space<smem>>, %arg2: memref<250xi32, #tpu.memory_space<smem>>) -> (i32, i32) {
    %c0_i32 = arith.constant 0 : i32
    %c0_i32_0 = arith.constant 0 : i32
    %c0_i32_1 = arith.constant 0 : i32
    return %c0_i32, %c0_i32_0 : i32, i32
  }
  func.func @transform_22(%arg0: i32, %arg1: memref<250xi32, #tpu.memory_space<smem>>, %arg2: memref<250xi32, #tpu.memory_space<smem>>) -> (i32, i32) {
    %c0_i32 = arith.constant 0 : i32
    %c0_i32_0 = arith.constant 0 : i32
    %c0_i32_1 = arith.constant 0 : i32
    return %c0_i32, %c0_i32_0 : i32, i32
  }
  func.func @transform_23(%arg0: i32, %arg1: memref<250xi32, #tpu.memory_space<smem>>, %arg2: memref<250xi32, #tpu.memory_space<smem>>) -> (i32, i32) {
    %c0_i32 = arith.constant 0 : i32
    %c0_i32_0 = arith.constant 0 : i32
    %c0_i32_1 = arith.constant 0 : i32
    return %c0_i32, %c0_i32_0 : i32, i32
  }
  func.func @transform_24(%arg0: i32, %arg1: memref<250xi32, #tpu.memory_space<smem>>, %arg2: memref<250xi32, #tpu.memory_space<smem>>) -> (i32, i32) {
    %c0_i32 = arith.constant 0 : i32
    %c0_i32_0 = arith.constant 0 : i32
    %c0_i32_1 = arith.constant 0 : i32
    return %c0_i32, %c0_i32_0 : i32, i32
  }
  func.func @transform_25(%arg0: i32, %arg1: memref<250xi32, #tpu.memory_space<smem>>, %arg2: memref<250xi32, #tpu.memory_space<smem>>) -> (i32, i32) {
    %c0_i32 = arith.constant 0 : i32
    %c0_i32_0 = arith.constant 0 : i32
    %c0_i32_1 = arith.constant 0 : i32
    return %c0_i32, %c0_i32_0 : i32, i32
  }
  func.func @transform_26(%arg0: i32, %arg1: memref<250xi32, #tpu.memory_space<smem>>, %arg2: memref<250xi32, #tpu.memory_space<smem>>) -> (i32, i32) {
    %c0_i32 = arith.constant 0 : i32
    %c0_i32_0 = arith.constant 0 : i32
    %c0_i32_1 = arith.constant 0 : i32
    return %c0_i32, %c0_i32_0 : i32, i32
  }
  func.func @transform_27(%arg0: i32, %arg1: memref<250xi32, #tpu.memory_space<smem>>, %arg2: memref<250xi32, #tpu.memory_space<smem>>) -> (i32, i32) {
    %c0_i32 = arith.constant 0 : i32
    %c0_i32_0 = arith.constant 0 : i32
    %c0_i32_1 = arith.constant 0 : i32
    return %c0_i32, %c0_i32_0 : i32, i32
  }
  func.func @transform_28(%arg0: i32, %arg1: memref<250xi32, #tpu.memory_space<smem>>, %arg2: memref<250xi32, #tpu.memory_space<smem>>) -> (i32, i32) {
    %c0_i32 = arith.constant 0 : i32
    %c0_i32_0 = arith.constant 0 : i32
    %c0_i32_1 = arith.constant 0 : i32
    return %c0_i32, %c0_i32_0 : i32, i32
  }
  func.func @transform_29(%arg0: i32, %arg1: memref<250xi32, #tpu.memory_space<smem>>, %arg2: memref<250xi32, #tpu.memory_space<smem>>) -> (i32, i32) {
    %c0_i32 = arith.constant 0 : i32
    %c0_i32_0 = arith.constant 0 : i32
    %c0_i32_1 = arith.constant 0 : i32
    return %c0_i32, %c0_i32_0 : i32, i32
  }
  func.func @transform_30(%arg0: i32, %arg1: memref<250xi32, #tpu.memory_space<smem>>, %arg2: memref<250xi32, #tpu.memory_space<smem>>) -> (i32, i32) {
    %c0_i32 = arith.constant 0 : i32
    %c0_i32_0 = arith.constant 0 : i32
    %c0_i32_1 = arith.constant 0 : i32
    return %c0_i32, %c0_i32_0 : i32, i32
  }
  func.func @transform_31(%arg0: i32, %arg1: memref<250xi32, #tpu.memory_space<smem>>, %arg2: memref<250xi32, #tpu.memory_space<smem>>) -> (i32, i32) {
    %c0_i32 = arith.constant 0 : i32
    %c0_i32_0 = arith.constant 0 : i32
    %c0_i32_1 = arith.constant 0 : i32
    return %c0_i32, %c0_i32_0 : i32, i32
  }
  func.func @transform_32(%arg0: i32, %arg1: memref<250xi32, #tpu.memory_space<smem>>, %arg2: memref<250xi32, #tpu.memory_space<smem>>) -> (i32, i32) {
    %c0_i32 = arith.constant 0 : i32
    %c0_i32_0 = arith.constant 0 : i32
    %c0_i32_1 = arith.constant 0 : i32
    return %c0_i32, %c0_i32_0 : i32, i32
  }
  func.func @transform_33(%arg0: i32, %arg1: memref<250xi32, #tpu.memory_space<smem>>, %arg2: memref<250xi32, #tpu.memory_space<smem>>) -> (i32, i32) {
    %sub3A = arith.constant 250 : i32
    %sub3A_0 = arith.subi %arg0, %sub3A : i32
    %max3A = arith.constant 0 : i32
    %max3A_1 = arith.maxsi %sub3A_0, %max3A : i32
    %c0_i32 = arith.constant 0 : i32
    %c0_i32_2 = arith.constant 0 : i32
    return %max3A_1, %c0_i32 : i32, i32
  }
  func.func @transform_34(%arg0: i32, %arg1: memref<250xi32, #tpu.memory_space<smem>>, %arg2: memref<250xi32, #tpu.memory_space<smem>>) -> (i32, i32) {
    %sub3A = arith.constant 250 : i32
    %sub3A_0 = arith.subi %arg0, %sub3A : i32
    %max3A = arith.constant 0 : i32
    %max3A_1 = arith.maxsi %sub3A_0, %max3A : i32
    %c0_i32 = arith.constant 0 : i32
    %c0_i32_2 = arith.constant 0 : i32
    return %max3A_1, %c0_i32 : i32, i32
  }
  func.func @transform_35(%arg0: i32, %arg1: memref<250xi32, #tpu.memory_space<smem>>, %arg2: memref<250xi32, #tpu.memory_space<smem>>) -> (i32, i32) {
    %sub3A = arith.constant 250 : i32
    %sub3A_0 = arith.subi %arg0, %sub3A : i32
    %max3A = arith.constant 0 : i32
    %max3A_1 = arith.maxsi %sub3A_0, %max3A : i32
    %c0_i32 = arith.constant 0 : i32
    %c0_i32_2 = arith.constant 0 : i32
    return %max3A_1, %c0_i32 : i32, i32
  }
}

module attributes {stable_mosaic.version = 14 : i64} {
  func.func @_block_body(%arg0: i32, %arg1: memref<250xi32, #tpu.memory_space<smem>>, %arg2: memref<250xi32, #tpu.memory_space<smem>>, %arg3: memref<1280x128xbf16, #tpu.memory_space<vmem>>, %arg4: memref<1280x128xf32, #tpu.memory_space<vmem>>, %arg5: memref<1x1x1280xi32, #tpu.memory_space<vmem>>, %arg6: memref<1x1x1280xf32, #tpu.memory_space<vmem>>, %arg7: memref<1000x128xf32, #tpu.memory_space<vmem>>, %arg8: memref<1000x128xf32, #tpu.memory_space<vmem>>, %arg9: memref<128x128xf32, #tpu.memory_space<vmem>>, %arg10: memref<1x128xf32, #tpu.memory_space<vmem>>, %arg11: memref<128x128xf32, #tpu.memory_space<vmem>>, %arg12: memref<1x128xf32, #tpu.memory_space<vmem>>, %arg13: memref<128x128xf32, #tpu.memory_space<vmem>>, %arg14: memref<1x128xf32, #tpu.memory_space<vmem>>, %arg15: memref<128x128xf32, #tpu.memory_space<vmem>>, %arg16: memref<1x128xf32, #tpu.memory_space<vmem>>, %arg17: memref<128x128xf32, #tpu.memory_space<vmem>>, %arg18: memref<1x128xf32, #tpu.memory_space<vmem>>, %arg19: memref<128x128xf32, #tpu.memory_space<vmem>>, %arg20: memref<1x128xf32, #tpu.memory_space<vmem>>, %arg21: memref<128x128xf32, #tpu.memory_space<vmem>>, %arg22: memref<1x128xf32, #tpu.memory_space<vmem>>, %arg23: memref<1x128xf32, #tpu.memory_space<vmem>>, %arg24: memref<128x128xf32, #tpu.memory_space<vmem>>, %arg25: memref<1x128xf32, #tpu.memory_space<vmem>>, %arg26: memref<128x128xf32, #tpu.memory_space<vmem>>, %arg27: memref<1x128xf32, #tpu.memory_space<vmem>>, %arg28: memref<128x128xf32, #tpu.memory_space<vmem>>, %arg29: memref<1x128xf32, #tpu.memory_space<vmem>>, %arg30: memref<128x128xf32, #tpu.memory_space<vmem>>, %arg31: memref<1x128xf32, #tpu.memory_space<vmem>>, %arg32: memref<128x128xf32, #tpu.memory_space<vmem>>, %arg33: memref<1x128xf32, #tpu.memory_space<vmem>>, %arg34: memref<128x128xf32, #tpu.memory_space<vmem>>, %arg35: memref<1x128xf32, #tpu.memory_space<vmem>>, %arg36: memref<1000x128xf32, #tpu.memory_space<vmem>>, %arg37: memref<1000x128xf32, #tpu.memory_space<vmem>>, %arg38: memref<1000x128xf32, #tpu.memory_space<vmem>>, %arg39: memref<10000x128xf32, #tpu.memory_space<vmem>>) attributes {dimension_semantics = [#tpu.dimension_semantics<arbitrary>], iteration_bounds = array<i64: 260>, scalar_prefetch = 2 : i64, scratch_operands = 1 : i64, tpu.core_type = #tpu.core_type<tc>, window_params = [{transform_indices = @transform_0, window_bounds = array<i64: 1280, 128>}, {transform_indices = @transform_1, window_bounds = array<i64: 1280, 128>}, {transform_indices = @transform_2, window_bounds = array<i64: 1, 1, 1280>}, {transform_indices = @transform_3, window_bounds = array<i64: 1, 1, 1280>}, {transform_indices = @transform_4, window_bounds = array<i64: 1000, 128>}, {transform_indices = @transform_5, window_bounds = array<i64: 1000, 128>}, {pipeline_mode = #tpu.pipeline_mode<synchronous>, transform_indices = @transform_6, window_bounds = array<i64: 128, 128>}, {pipeline_mode = #tpu.pipeline_mode<synchronous>, transform_indices = @transform_7, window_bounds = array<i64: 1, 128>}, {pipeline_mode = #tpu.pipeline_mode<synchronous>, transform_indices = @transform_8, window_bounds = array<i64: 128, 128>}, {pipeline_mode = #tpu.pipeline_mode<synchronous>, transform_indices = @transform_9, window_bounds = array<i64: 1, 128>}, {pipeline_mode = #tpu.pipeline_mode<synchronous>, transform_indices = @transform_10, window_bounds = array<i64: 128, 128>}, {pipeline_mode = #tpu.pipeline_mode<synchronous>, transform_indices = @transform_11, window_bounds = array<i64: 1, 128>}, {pipeline_mode = #tpu.pipeline_mode<synchronous>, transform_indices = @transform_12, window_bounds = array<i64: 128, 128>}, {pipeline_mode = #tpu.pipeline_mode<synchronous>, transform_indices = @transform_13, window_bounds = array<i64: 1, 128>}, {pipeline_mode = #tpu.pipeline_mode<synchronous>, transform_indices = @transform_14, window_bounds = array<i64: 128, 128>}, {pipeline_mode = #tpu.pipeline_mode<synchronous>, transform_indices = @transform_15, window_bounds = array<i64: 1, 128>}, {pipeline_mode = #tpu.pipeline_mode<synchronous>, transform_indices = @transform_16, window_bounds = array<i64: 128, 128>}, {pipeline_mode = #tpu.pipeline_mode<synchronous>, transform_indices = @transform_17, window_bounds = array<i64: 1, 128>}, {pipeline_mode = #tpu.pipeline_mode<synchronous>, transform_indices = @transform_18, window_bounds = array<i64: 128, 128>}, {pipeline_mode = #tpu.pipeline_mode<synchronous>, transform_indices = @transform_19, window_bounds = array<i64: 1, 128>}, {pipeline_mode = #tpu.pipeline_mode<synchronous>, transform_indices = @transform_20, window_bounds = array<i64: 1, 128>}, {pipeline_mode = #tpu.pipeline_mode<synchronous>, transform_indices = @transform_21, window_bounds = array<i64: 128, 128>}, {pipeline_mode = #tpu.pipeline_mode<synchronous>, transform_indices = @transform_22, window_bounds = array<i64: 1, 128>}, {pipeline_mode = #tpu.pipeline_mode<synchronous>, transform_indices = @transform_23, window_bounds = array<i64: 128, 128>}, {pipeline_mode = #tpu.pipeline_mode<synchronous>, transform_indices = @transform_24, window_bounds = array<i64: 1, 128>}, {pipeline_mode = #tpu.pipeline_mode<synchronous>, transform_indices = @transform_25, window_bounds = array<i64: 128, 128>}, {pipeline_mode = #tpu.pipeline_mode<synchronous>, transform_indices = @transform_26, window_bounds = array<i64: 1, 128>}, {pipeline_mode = #tpu.pipeline_mode<synchronous>, transform_indices = @transform_27, window_bounds = array<i64: 128, 128>}, {pipeline_mode = #tpu.pipeline_mode<synchronous>, transform_indices = @transform_28, window_bounds = array<i64: 1, 128>}, {pipeline_mode = #tpu.pipeline_mode<synchronous>, transform_indices = @transform_29, window_bounds = array<i64: 128, 128>}, {pipeline_mode = #tpu.pipeline_mode<synchronous>, transform_indices = @transform_30, window_bounds = array<i64: 1, 128>}, {pipeline_mode = #tpu.pipeline_mode<synchronous>, transform_indices = @transform_31, window_bounds = array<i64: 128, 128>}, {pipeline_mode = #tpu.pipeline_mode<synchronous>, transform_indices = @transform_32, window_bounds = array<i64: 1, 128>}, {transform_indices = @transform_33, window_bounds = array<i64: 1000, 128>}, {transform_indices = @transform_34, window_bounds = array<i64: 1000, 128>}, {transform_indices = @transform_35, window_bounds = array<i64: 1000, 128>}]} {
    %eq3A = arith.constant 0 : i32
    %eq3A_0 = arith.cmpi eq, %arg0, %eq3A : i32
    %convert_element_type3A = arith.extui %eq3A_0 : i1 to i32
    %cond3A = arith.constant 0 : i32
    %cond3A_1 = arith.cmpi ne, %convert_element_type3A, %cond3A : i32
    scf.if %cond3A_1 {
      %broadcast_in_dim3A = arith.constant 0.000000e+00 : f32
      %broadcast_in_dim3A_10 = vector.broadcast %broadcast_in_dim3A : f32 to vector<10000x128xf32>
      %swap3A = arith.constant 0 : index
      %swap3A_11 = arith.constant 0 : index
      %swap3A_12 = vector.load %arg39[%swap3A, %swap3A_11] : memref<10000x128xf32, #tpu.memory_space<vmem>>, vector<10000x128xf32>
      tpu.vector_store %arg39[%swap3A, %swap3A_11], %broadcast_in_dim3A_10 {strides = array<i32>} : memref<10000x128xf32, #tpu.memory_space<vmem>>, vector<10000x128xf32>,
    } else {
    }
    %lt3A = arith.constant 250 : i32
    %lt3A_2 = arith.cmpi slt, %arg0, %lt3A : i32
    %convert_element_type3A_3 = arith.extui %lt3A_2 : i1 to i32
    %cond3A_4 = arith.constant 0 : i32
    %cond3A_5 = arith.cmpi ne, %convert_element_type3A_3, %cond3A_4 : i32
    scf.if %cond3A_5 {
      %get3A = arith.constant 0 : index
      %get3A_10 = arith.constant 0 : index
      %get3A_11 = vector.load %arg3[%get3A, %get3A_10] : memref<1280x128xbf16, #tpu.memory_space<vmem>>, vector<1280x128xbf16>
      %get3A_12 = arith.constant 0 : index
      %get3A_13 = arith.constant 0 : index
      %get3A_14 = vector.load %arg4[%get3A_12, %get3A_13] : memref<1280x128xf32, #tpu.memory_space<vmem>>, vector<1280x128xf32>
      %convert_element_type3A_15 = arith.truncf %get3A_14 : vector<1280x128xf32> to vector<1280x128xbf16>
      %mul3A = arith.mulf %get3A_11, %convert_element_type3A_15 : vector<1280x128xbf16>
      %get3A_16 = arith.constant 0 : index
      %get3A_17 = arith.constant 0 : index
      %get3A_18 = arith.constant 0 : index
      %get3A_19 = vector.load %arg5[%get3A_16, %get3A_17, %get3A_18] : memref<1x1x1280xi32, #tpu.memory_space<vmem>>, vector<1x1x1280xi32>
      %get3A_20 = vector.shape_cast %get3A_19 : vector<1x1x1280xi32> to vector<1x1280xi32>
      %get3A_21 = arith.constant 0 : index
      %get3A_22 = arith.constant 0 : index
      %get3A_23 = arith.constant 0 : index
      %get3A_24 = vector.load %arg6[%get3A_21, %get3A_22, %get3A_23] : memref<1x1x1280xf32, #tpu.memory_space<vmem>>, vector<1x1x1280xf32>
      %get3A_25 = vector.shape_cast %get3A_24 : vector<1x1x1280xf32> to vector<1x1280xf32>
      %convert_element_type3A_26 = arith.truncf %get3A_25 : vector<1x1280xf32> to vector<1x1280xbf16>
      %min3A = arith.constant 249 : i32
      %min3A_27 = arith.minsi %arg0, %min3A : i32
      %get3A_28 = arith.index_cast %min3A_27 : i32 to index
      %get3A_29 = memref.load %arg1[%get3A_28] : memref<250xi32, #tpu.memory_space<smem>>
      %get3A_30 = arith.index_cast %min3A_27 : i32 to index
      %get3A_31 = memref.load %arg2[%get3A_30] : memref<250xi32, #tpu.memory_space<smem>>
      %while3A = arith.constant 0 : i32
      %while3A_32 = arith.constant 0 : i32
      %while3A_33 = arith.subi %get3A_31, %while3A_32 : i32
      %while3A_34 = arith.addi %while3A_32, %while3A_33 : i32
      %while3A_35 = arith.constant 1 : i32
      %while3A_36 = arith.divsi %while3A_33, %while3A_35 : i32
      %while3A_37 = arith.muli %while3A_36, %while3A_35 : i32
      %while3A_38 = arith.addi %while3A_32, %while3A_37 : i32
      %while3A_39 = arith.constant 1 : i32
      scf.for %while3A_41 = %while3A_32 to %while3A_38 step %while3A_39  : i32 {
        %mul3A_42 = arith.constant 64 : i32
        %mul3A_43 = arith.muli %while3A_41, %mul3A_42 : i32
        %add3A = arith.addi %get3A_29, %mul3A_43 : i32
        %min3A_44 = arith.constant 9936 : i32
        %min3A_45 = arith.minsi %add3A, %min3A_44 : i32
        %sub3A = vector.broadcast %min3A_45 : i32 to vector<1x1280xi32>
        %sub3A_46 = arith.subi %get3A_20, %sub3A : vector<1x1280xi32>
        %ge3A_47 = vector.broadcast %add3A : i32 to vector<1x1280xi32>
        %ge3A_48 = arith.cmpi sge, %get3A_20, %ge3A_47 : vector<1x1280xi32>
        %add3A_49 = arith.constant 64 : i32
        %add3A_50 = arith.addi %add3A, %add3A_49 : i32
        %lt3A_51 = vector.broadcast %add3A_50 : i32 to vector<1x1280xi32>
        %lt3A_52 = arith.cmpi slt, %get3A_20, %lt3A_51 : vector<1x1280xi32>
        %and3A = arith.andi %ge3A_48, %lt3A_52 : vector<1x1280xi1>
        %iota3A = tpu.iota {dimensions = array<i32: 0>} : vector<64x1280xi32>
        %eq3A_53 = vector.broadcast %sub3A_46 : vector<1x1280xi32> to vector<64x1280xi32>
        %eq3A_54 = arith.cmpi eq, %iota3A, %eq3A_53 : vector<64x1280xi32>
        %and3A_55 = vector.broadcast %and3A : vector<1x1280xi1> to vector<64x1280xi1>
        %and3A_56 = arith.andi %eq3A_54, %and3A_55 : vector<64x1280xi1>
        %convert_element_type3A_57 = arith.extui %and3A_56 : vector<64x1280xi1> to vector<64x1280xi32>
        %convert_element_type3A_58 = arith.sitofp %convert_element_type3A_57 : vector<64x1280xi32> to vector<64x1280xf32>
        %convert_element_type3A_59 = arith.truncf %convert_element_type3A_58 : vector<64x1280xf32> to vector<64x1280xbf16>
        %mul3A_60 = vector.broadcast %convert_element_type3A_26 : vector<1x1280xbf16> to vector<64x1280xbf16>
        %mul3A_61 = arith.mulf %convert_element_type3A_59, %mul3A_60 : vector<64x1280xbf16>
        %dot_general3A = arith.constant dense<0.000000e+00> : vector<64x128xf32>
        %dot_general3A_62 = tpu.matmul %mul3A_61, %mul3A, %dot_general3A {dimension_numbers = #tpu.dot_dimension_numbers<[1], [0], [0], [1], [0, 0, 1, 1], [], []>, transpose_lhs_hint = false} : vector<64x1280xbf16>, vector<1280x128xbf16>, vector<64x128xf32> -> vector<64x128xf32>
        %get3A_63 = arith.index_cast %min3A_45 : i32 to index
        %get3A_64 = arith.constant 0 : index
        %get3A_65 = vector.load %arg39[%get3A_63, %get3A_64] : memref<10000x128xf32, #tpu.memory_space<vmem>>, vector<64x128xf32>
        %add3A_66 = arith.addf %get3A_65, %dot_general3A_62 : vector<64x128xf32>
        %swap3A = arith.index_cast %min3A_45 : i32 to index
        %swap3A_67 = arith.constant 0 : index
        %swap3A_68 = vector.load %arg39[%swap3A, %swap3A_67] : memref<10000x128xf32, #tpu.memory_space<vmem>>, vector<64x128xf32>
        tpu.vector_store %arg39[%swap3A, %swap3A_67], %add3A_66 {strides = array<i32>} : memref<10000x128xf32, #tpu.memory_space<vmem>>, vector<64x128xf32>,
      }
      %while3A_40 = arith.constant 1 : i32
      scf.for %while3A_41 = %while3A_38 to %while3A_34 step %while3A_40  : i32 {
        %mul3A_42 = arith.constant 64 : i32
        %mul3A_43 = arith.muli %while3A_41, %mul3A_42 : i32
        %add3A = arith.addi %get3A_29, %mul3A_43 : i32
        %min3A_44 = arith.constant 9936 : i32
        %min3A_45 = arith.minsi %add3A, %min3A_44 : i32
        %sub3A = vector.broadcast %min3A_45 : i32 to vector<1x1280xi32>
        %sub3A_46 = arith.subi %get3A_20, %sub3A : vector<1x1280xi32>
        %ge3A_47 = vector.broadcast %add3A : i32 to vector<1x1280xi32>
        %ge3A_48 = arith.cmpi sge, %get3A_20, %ge3A_47 : vector<1x1280xi32>
        %add3A_49 = arith.constant 64 : i32
        %add3A_50 = arith.addi %add3A, %add3A_49 : i32
        %lt3A_51 = vector.broadcast %add3A_50 : i32 to vector<1x1280xi32>
        %lt3A_52 = arith.cmpi slt, %get3A_20, %lt3A_51 : vector<1x1280xi32>
        %and3A = arith.andi %ge3A_48, %lt3A_52 : vector<1x1280xi1>
        %iota3A = tpu.iota {dimensions = array<i32: 0>} : vector<64x1280xi32>
        %eq3A_53 = vector.broadcast %sub3A_46 : vector<1x1280xi32> to vector<64x1280xi32>
        %eq3A_54 = arith.cmpi eq, %iota3A, %eq3A_53 : vector<64x1280xi32>
        %and3A_55 = vector.broadcast %and3A : vector<1x1280xi1> to vector<64x1280xi1>
        %and3A_56 = arith.andi %eq3A_54, %and3A_55 : vector<64x1280xi1>
        %convert_element_type3A_57 = arith.extui %and3A_56 : vector<64x1280xi1> to vector<64x1280xi32>
        %convert_element_type3A_58 = arith.sitofp %convert_element_type3A_57 : vector<64x1280xi32> to vector<64x1280xf32>
        %convert_element_type3A_59 = arith.truncf %convert_element_type3A_58 : vector<64x1280xf32> to vector<64x1280xbf16>
        %mul3A_60 = vector.broadcast %convert_element_type3A_26 : vector<1x1280xbf16> to vector<64x1280xbf16>
        %mul3A_61 = arith.mulf %convert_element_type3A_59, %mul3A_60 : vector<64x1280xbf16>
        %dot_general3A = arith.constant dense<0.000000e+00> : vector<64x128xf32>
        %dot_general3A_62 = tpu.matmul %mul3A_61, %mul3A, %dot_general3A {dimension_numbers = #tpu.dot_dimension_numbers<[1], [0], [0], [1], [0, 0, 1, 1], [], []>, transpose_lhs_hint = false} : vector<64x1280xbf16>, vector<1280x128xbf16>, vector<64x128xf32> -> vector<64x128xf32>
        %get3A_63 = arith.index_cast %min3A_45 : i32 to index
        %get3A_64 = arith.constant 0 : index
        %get3A_65 = vector.load %arg39[%get3A_63, %get3A_64] : memref<10000x128xf32, #tpu.memory_space<vmem>>, vector<64x128xf32>
        %add3A_66 = arith.addf %get3A_65, %dot_general3A_62 : vector<64x128xf32>
        %swap3A = arith.index_cast %min3A_45 : i32 to index
        %swap3A_67 = arith.constant 0 : index
        %swap3A_68 = vector.load %arg39[%swap3A, %swap3A_67] : memref<10000x128xf32, #tpu.memory_space<vmem>>, vector<64x128xf32>
        tpu.vector_store %arg39[%swap3A, %swap3A_67], %add3A_66 {strides = array<i32>} : memref<10000x128xf32, #tpu.memory_space<vmem>>, vector<64x128xf32>,
      }
    } else {
    }
    %ge3A = arith.constant 250 : i32
    %ge3A_6 = arith.cmpi sge, %arg0, %ge3A : i32
    %convert_element_type3A_7 = arith.extui %ge3A_6 : i1 to i32
    %cond3A_8 = arith.constant 0 : i32
    %cond3A_9 = arith.cmpi ne, %convert_element_type3A_7, %cond3A_8 : i32
    scf.if %cond3A_9 {
      %sub3A = arith.constant 250 : i32
      %sub3A_10 = arith.subi %arg0, %sub3A : i32
      %get3A = arith.constant 0 : index
      %get3A_11 = arith.constant 0 : index
      %get3A_12 = vector.load %arg8[%get3A, %get3A_11] : memref<1000x128xf32, #tpu.memory_space<vmem>>, vector<1000x128xf32>
      %mul3A = arith.constant 1000 : i32
      %mul3A_13 = arith.muli %sub3A_10, %mul3A : i32
      %get3A_14 = arith.index_cast %mul3A_13 : i32 to index
      %get3A_15 = arith.constant 0 : index
      %get3A_16 = vector.load %arg39[%get3A_14, %get3A_15] : memref<10000x128xf32, #tpu.memory_space<vmem>>, vector<1000x128xf32>
      %add3A = arith.addf %get3A_12, %get3A_16 : vector<1000x128xf32>
      %get3A_17 = arith.constant 0 : index
      %get3A_18 = arith.constant 0 : index
      %get3A_19 = vector.load %arg9[%get3A_17, %get3A_18] : memref<128x128xf32, #tpu.memory_space<vmem>>, vector<128x128xf32>
      %get3A_20 = arith.constant 0 : index
      %get3A_21 = arith.constant 0 : index
      %get3A_22 = vector.load %arg10[%get3A_20, %get3A_21] : memref<1x128xf32, #tpu.memory_space<vmem>>, vector<1x128xf32>
      %get3A_23 = arith.constant 0 : index
      %get3A_24 = arith.constant 0 : index
      %get3A_25 = vector.load %arg11[%get3A_23, %get3A_24] : memref<128x128xf32, #tpu.memory_space<vmem>>, vector<128x128xf32>
      %get3A_26 = arith.constant 0 : index
      %get3A_27 = arith.constant 0 : index
      %get3A_28 = vector.load %arg12[%get3A_26, %get3A_27] : memref<1x128xf32, #tpu.memory_space<vmem>>, vector<1x128xf32>
      %custom_jvp_call3A = arith.constant 0.000000e+00 : f32
      %max3A = vector.broadcast %custom_jvp_call3A : f32 to vector<1000x128xf32>
      %max3A_29 = arith.maximumf %add3A, %max3A : vector<1000x128xf32>
      %sub3A_30 = vector.broadcast %custom_jvp_call3A : f32 to vector<1000x128xf32>
      %sub3A_31 = arith.subf %add3A, %sub3A_30 : vector<1000x128xf32>
      %ne3A = arith.cmpf one, %sub3A_31, %sub3A_31 : vector<1000x128xf32>
      %add3A_32 = vector.broadcast %custom_jvp_call3A : f32 to vector<1000x128xf32>
      %add3A_33 = arith.addf %add3A, %add3A_32 : vector<1000x128xf32>
      %abs3A = math.absf %sub3A_31 : vector<1000x128xf32>
      %neg3A = arith.constant 0.000000e+00 : f32
      %neg3A_34 = vector.broadcast %neg3A : f32 to vector<1000x128xf32>
      %neg3A_35 = arith.subf %neg3A_34, %abs3A : vector<1000x128xf32>
      %exp3A = math.exp %neg3A_35 : vector<1000x128xf32>
      %log1p3A = math.log1p %exp3A : vector<1000x128xf32>
      %add3A_36 = arith.addf %max3A_29, %log1p3A : vector<1000x128xf32>
      %select_n3A = arith.select %ne3A, %add3A_33, %add3A_36 : vector<1000x128xi1>, vector<1000x128xf32>
      %sub3A_37 = arith.constant 0.693147182 : f32
      %sub3A_38 = vector.broadcast %sub3A_37 : f32 to vector<1000x128xf32>
      %sub3A_39 = arith.subf %select_n3A, %sub3A_38 : vector<1000x128xf32>
      %dot_general3A = arith.constant dense<0.000000e+00> : vector<1000x128xf32>
      %dot_general3A_40 = tpu.matmul %sub3A_39, %get3A_19, %dot_general3A {dimension_numbers = #tpu.dot_dimension_numbers<[1], [0], [0], [1], [0, 0, 1, 1], [], []>, transpose_lhs_hint = false} : vector<1000x128xf32>, vector<128x128xf32>, vector<1000x128xf32> -> vector<1000x128xf32>
      %add3A_41 = vector.broadcast %get3A_22 : vector<1x128xf32> to vector<1000x128xf32>
      %add3A_42 = arith.addf %dot_general3A_40, %add3A_41 : vector<1000x128xf32>
      %custom_jvp_call3A_43 = arith.constant 0.000000e+00 : f32
      %max3A_44 = vector.broadcast %custom_jvp_call3A_43 : f32 to vector<1000x128xf32>
      %max3A_45 = arith.maximumf %add3A_42, %max3A_44 : vector<1000x128xf32>
      %sub3A_46 = vector.broadcast %custom_jvp_call3A_43 : f32 to vector<1000x128xf32>
      %sub3A_47 = arith.subf %add3A_42, %sub3A_46 : vector<1000x128xf32>
      %ne3A_48 = arith.cmpf one, %sub3A_47, %sub3A_47 : vector<1000x128xf32>
      %add3A_49 = vector.broadcast %custom_jvp_call3A_43 : f32 to vector<1000x128xf32>
      %add3A_50 = arith.addf %add3A_42, %add3A_49 : vector<1000x128xf32>
      %abs3A_51 = math.absf %sub3A_47 : vector<1000x128xf32>
      %neg3A_52 = arith.constant 0.000000e+00 : f32
      %neg3A_53 = vector.broadcast %neg3A_52 : f32 to vector<1000x128xf32>
      %neg3A_54 = arith.subf %neg3A_53, %abs3A_51 : vector<1000x128xf32>
      %exp3A_55 = math.exp %neg3A_54 : vector<1000x128xf32>
      %log1p3A_56 = math.log1p %exp3A_55 : vector<1000x128xf32>
      %add3A_57 = arith.addf %max3A_45, %log1p3A_56 : vector<1000x128xf32>
      %select_n3A_58 = arith.select %ne3A_48, %add3A_50, %add3A_57 : vector<1000x128xi1>, vector<1000x128xf32>
      %sub3A_59 = arith.constant 0.693147182 : f32
      %sub3A_60 = vector.broadcast %sub3A_59 : f32 to vector<1000x128xf32>
      %sub3A_61 = arith.subf %select_n3A_58, %sub3A_60 : vector<1000x128xf32>
      %dot_general3A_62 = arith.constant dense<0.000000e+00> : vector<1000x128xf32>
      %dot_general3A_63 = tpu.matmul %sub3A_61, %get3A_25, %dot_general3A_62 {dimension_numbers = #tpu.dot_dimension_numbers<[1], [0], [0], [1], [0, 0, 1, 1], [], []>, transpose_lhs_hint = false} : vector<1000x128xf32>, vector<128x128xf32>, vector<1000x128xf32> -> vector<1000x128xf32>
      %add3A_64 = arith.addf %add3A, %dot_general3A_63 : vector<1000x128xf32>
      %add3A_65 = vector.broadcast %get3A_28 : vector<1x128xf32> to vector<1000x128xf32>
      %add3A_66 = arith.addf %add3A_64, %add3A_65 : vector<1000x128xf32>
      %get3A_67 = arith.constant 0 : index
      %get3A_68 = arith.constant 0 : index
      %get3A_69 = vector.load %arg13[%get3A_67, %get3A_68] : memref<128x128xf32, #tpu.memory_space<vmem>>, vector<128x128xf32>
      %get3A_70 = arith.constant 0 : index
      %get3A_71 = arith.constant 0 : index
      %get3A_72 = vector.load %arg14[%get3A_70, %get3A_71] : memref<1x128xf32, #tpu.memory_space<vmem>>, vector<1x128xf32>
      %get3A_73 = arith.constant 0 : index
      %get3A_74 = arith.constant 0 : index
      %get3A_75 = vector.load %arg15[%get3A_73, %get3A_74] : memref<128x128xf32, #tpu.memory_space<vmem>>, vector<128x128xf32>
      %get3A_76 = arith.constant 0 : index
      %get3A_77 = arith.constant 0 : index
      %get3A_78 = vector.load %arg16[%get3A_76, %get3A_77] : memref<1x128xf32, #tpu.memory_space<vmem>>, vector<1x128xf32>
      %custom_jvp_call3A_79 = arith.constant 0.000000e+00 : f32
      %max3A_80 = vector.broadcast %custom_jvp_call3A_79 : f32 to vector<1000x128xf32>
      %max3A_81 = arith.maximumf %add3A_66, %max3A_80 : vector<1000x128xf32>
      %sub3A_82 = vector.broadcast %custom_jvp_call3A_79 : f32 to vector<1000x128xf32>
      %sub3A_83 = arith.subf %add3A_66, %sub3A_82 : vector<1000x128xf32>
      %ne3A_84 = arith.cmpf one, %sub3A_83, %sub3A_83 : vector<1000x128xf32>
      %add3A_85 = vector.broadcast %custom_jvp_call3A_79 : f32 to vector<1000x128xf32>
      %add3A_86 = arith.addf %add3A_66, %add3A_85 : vector<1000x128xf32>
      %abs3A_87 = math.absf %sub3A_83 : vector<1000x128xf32>
      %neg3A_88 = arith.constant 0.000000e+00 : f32
      %neg3A_89 = vector.broadcast %neg3A_88 : f32 to vector<1000x128xf32>
      %neg3A_90 = arith.subf %neg3A_89, %abs3A_87 : vector<1000x128xf32>
      %exp3A_91 = math.exp %neg3A_90 : vector<1000x128xf32>
      %log1p3A_92 = math.log1p %exp3A_91 : vector<1000x128xf32>
      %add3A_93 = arith.addf %max3A_81, %log1p3A_92 : vector<1000x128xf32>
      %select_n3A_94 = arith.select %ne3A_84, %add3A_86, %add3A_93 : vector<1000x128xi1>, vector<1000x128xf32>
      %sub3A_95 = arith.constant 0.693147182 : f32
      %sub3A_96 = vector.broadcast %sub3A_95 : f32 to vector<1000x128xf32>
      %sub3A_97 = arith.subf %select_n3A_94, %sub3A_96 : vector<1000x128xf32>
      %dot_general3A_98 = arith.constant dense<0.000000e+00> : vector<1000x128xf32>
      %dot_general3A_99 = tpu.matmul %sub3A_97, %get3A_69, %dot_general3A_98 {dimension_numbers = #tpu.dot_dimension_numbers<[1], [0], [0], [1], [0, 0, 1, 1], [], []>, transpose_lhs_hint = false} : vector<1000x128xf32>, vector<128x128xf32>, vector<1000x128xf32> -> vector<1000x128xf32>
      %add3A_100 = vector.broadcast %get3A_72 : vector<1x128xf32> to vector<1000x128xf32>
      %add3A_101 = arith.addf %dot_general3A_99, %add3A_100 : vector<1000x128xf32>
      %custom_jvp_call3A_102 = arith.constant 0.000000e+00 : f32
      %max3A_103 = vector.broadcast %custom_jvp_call3A_102 : f32 to vector<1000x128xf32>
      %max3A_104 = arith.maximumf %add3A_101, %max3A_103 : vector<1000x128xf32>
      %sub3A_105 = vector.broadcast %custom_jvp_call3A_102 : f32 to vector<1000x128xf32>
      %sub3A_106 = arith.subf %add3A_101, %sub3A_105 : vector<1000x128xf32>
      %ne3A_107 = arith.cmpf one, %sub3A_106, %sub3A_106 : vector<1000x128xf32>
      %add3A_108 = vector.broadcast %custom_jvp_call3A_102 : f32 to vector<1000x128xf32>
      %add3A_109 = arith.addf %add3A_101, %add3A_108 : vector<1000x128xf32>
      %abs3A_110 = math.absf %sub3A_106 : vector<1000x128xf32>
      %neg3A_111 = arith.constant 0.000000e+00 : f32
      %neg3A_112 = vector.broadcast %neg3A_111 : f32 to vector<1000x128xf32>
      %neg3A_113 = arith.subf %neg3A_112, %abs3A_110 : vector<1000x128xf32>
      %exp3A_114 = math.exp %neg3A_113 : vector<1000x128xf32>
      %log1p3A_115 = math.log1p %exp3A_114 : vector<1000x128xf32>
      %add3A_116 = arith.addf %max3A_104, %log1p3A_115 : vector<1000x128xf32>
      %select_n3A_117 = arith.select %ne3A_107, %add3A_109, %add3A_116 : vector<1000x128xi1>, vector<1000x128xf32>
      %sub3A_118 = arith.constant 0.693147182 : f32
      %sub3A_119 = vector.broadcast %sub3A_118 : f32 to vector<1000x128xf32>
      %sub3A_120 = arith.subf %select_n3A_117, %sub3A_119 : vector<1000x128xf32>
      %dot_general3A_121 = arith.constant dense<0.000000e+00> : vector<1000x128xf32>
      %dot_general3A_122 = tpu.matmul %sub3A_120, %get3A_75, %dot_general3A_121 {dimension_numbers = #tpu.dot_dimension_numbers<[1], [0], [0], [1], [0, 0, 1, 1], [], []>, transpose_lhs_hint = false} : vector<1000x128xf32>, vector<128x128xf32>, vector<1000x128xf32> -> vector<1000x128xf32>
      %add3A_123 = arith.addf %add3A_66, %dot_general3A_122 : vector<1000x128xf32>
      %add3A_124 = vector.broadcast %get3A_78 : vector<1x128xf32> to vector<1000x128xf32>
      %add3A_125 = arith.addf %add3A_123, %add3A_124 : vector<1000x128xf32>
      %get3A_126 = arith.constant 0 : index
      %get3A_127 = arith.constant 0 : index
      %get3A_128 = vector.load %arg17[%get3A_126, %get3A_127] : memref<128x128xf32, #tpu.memory_space<vmem>>, vector<128x128xf32>
      %get3A_129 = arith.constant 0 : index
      %get3A_130 = arith.constant 0 : index
      %get3A_131 = vector.load %arg18[%get3A_129, %get3A_130] : memref<1x128xf32, #tpu.memory_space<vmem>>, vector<1x128xf32>
      %get3A_132 = arith.constant 0 : index
      %get3A_133 = arith.constant 0 : index
      %get3A_134 = vector.load %arg19[%get3A_132, %get3A_133] : memref<128x128xf32, #tpu.memory_space<vmem>>, vector<128x128xf32>
      %get3A_135 = arith.constant 0 : index
      %get3A_136 = arith.constant 0 : index
      %get3A_137 = vector.load %arg20[%get3A_135, %get3A_136] : memref<1x128xf32, #tpu.memory_space<vmem>>, vector<1x128xf32>
      %custom_jvp_call3A_138 = arith.constant 0.000000e+00 : f32
      %max3A_139 = vector.broadcast %custom_jvp_call3A_138 : f32 to vector<1000x128xf32>
      %max3A_140 = arith.maximumf %add3A_125, %max3A_139 : vector<1000x128xf32>
      %sub3A_141 = vector.broadcast %custom_jvp_call3A_138 : f32 to vector<1000x128xf32>
      %sub3A_142 = arith.subf %add3A_125, %sub3A_141 : vector<1000x128xf32>
      %ne3A_143 = arith.cmpf one, %sub3A_142, %sub3A_142 : vector<1000x128xf32>
      %add3A_144 = vector.broadcast %custom_jvp_call3A_138 : f32 to vector<1000x128xf32>
      %add3A_145 = arith.addf %add3A_125, %add3A_144 : vector<1000x128xf32>
      %abs3A_146 = math.absf %sub3A_142 : vector<1000x128xf32>
      %neg3A_147 = arith.constant 0.000000e+00 : f32
      %neg3A_148 = vector.broadcast %neg3A_147 : f32 to vector<1000x128xf32>
      %neg3A_149 = arith.subf %neg3A_148, %abs3A_146 : vector<1000x128xf32>
      %exp3A_150 = math.exp %neg3A_149 : vector<1000x128xf32>
      %log1p3A_151 = math.log1p %exp3A_150 : vector<1000x128xf32>
      %add3A_152 = arith.addf %max3A_140, %log1p3A_151 : vector<1000x128xf32>
      %select_n3A_153 = arith.select %ne3A_143, %add3A_145, %add3A_152 : vector<1000x128xi1>, vector<1000x128xf32>
      %sub3A_154 = arith.constant 0.693147182 : f32
      %sub3A_155 = vector.broadcast %sub3A_154 : f32 to vector<1000x128xf32>
      %sub3A_156 = arith.subf %select_n3A_153, %sub3A_155 : vector<1000x128xf32>
      %dot_general3A_157 = arith.constant dense<0.000000e+00> : vector<1000x128xf32>
      %dot_general3A_158 = tpu.matmul %sub3A_156, %get3A_128, %dot_general3A_157 {dimension_numbers = #tpu.dot_dimension_numbers<[1], [0], [0], [1], [0, 0, 1, 1], [], []>, transpose_lhs_hint = false} : vector<1000x128xf32>, vector<128x128xf32>, vector<1000x128xf32> -> vector<1000x128xf32>
      %add3A_159 = vector.broadcast %get3A_131 : vector<1x128xf32> to vector<1000x128xf32>
      %add3A_160 = arith.addf %dot_general3A_158, %add3A_159 : vector<1000x128xf32>
      %custom_jvp_call3A_161 = arith.constant 0.000000e+00 : f32
      %max3A_162 = vector.broadcast %custom_jvp_call3A_161 : f32 to vector<1000x128xf32>
      %max3A_163 = arith.maximumf %add3A_160, %max3A_162 : vector<1000x128xf32>
      %sub3A_164 = vector.broadcast %custom_jvp_call3A_161 : f32 to vector<1000x128xf32>
      %sub3A_165 = arith.subf %add3A_160, %sub3A_164 : vector<1000x128xf32>
      %ne3A_166 = arith.cmpf one, %sub3A_165, %sub3A_165 : vector<1000x128xf32>
      %add3A_167 = vector.broadcast %custom_jvp_call3A_161 : f32 to vector<1000x128xf32>
      %add3A_168 = arith.addf %add3A_160, %add3A_167 : vector<1000x128xf32>
      %abs3A_169 = math.absf %sub3A_165 : vector<1000x128xf32>
      %neg3A_170 = arith.constant 0.000000e+00 : f32
      %neg3A_171 = vector.broadcast %neg3A_170 : f32 to vector<1000x128xf32>
      %neg3A_172 = arith.subf %neg3A_171, %abs3A_169 : vector<1000x128xf32>
      %exp3A_173 = math.exp %neg3A_172 : vector<1000x128xf32>
      %log1p3A_174 = math.log1p %exp3A_173 : vector<1000x128xf32>
      %add3A_175 = arith.addf %max3A_163, %log1p3A_174 : vector<1000x128xf32>
      %select_n3A_176 = arith.select %ne3A_166, %add3A_168, %add3A_175 : vector<1000x128xi1>, vector<1000x128xf32>
      %sub3A_177 = arith.constant 0.693147182 : f32
      %sub3A_178 = vector.broadcast %sub3A_177 : f32 to vector<1000x128xf32>
      %sub3A_179 = arith.subf %select_n3A_176, %sub3A_178 : vector<1000x128xf32>
      %dot_general3A_180 = arith.constant dense<0.000000e+00> : vector<1000x128xf32>
      %dot_general3A_181 = tpu.matmul %sub3A_179, %get3A_134, %dot_general3A_180 {dimension_numbers = #tpu.dot_dimension_numbers<[1], [0], [0], [1], [0, 0, 1, 1], [], []>, transpose_lhs_hint = false} : vector<1000x128xf32>, vector<128x128xf32>, vector<1000x128xf32> -> vector<1000x128xf32>
      %add3A_182 = arith.addf %add3A_125, %dot_general3A_181 : vector<1000x128xf32>
      %add3A_183 = vector.broadcast %get3A_137 : vector<1x128xf32> to vector<1000x128xf32>
      %add3A_184 = arith.addf %add3A_182, %add3A_183 : vector<1000x128xf32>
      %custom_jvp_call3A_185 = arith.constant 0.000000e+00 : f32
      %max3A_186 = vector.broadcast %custom_jvp_call3A_185 : f32 to vector<1000x128xf32>
      %max3A_187 = arith.maximumf %add3A_184, %max3A_186 : vector<1000x128xf32>
      %sub3A_188 = vector.broadcast %custom_jvp_call3A_185 : f32 to vector<1000x128xf32>
      %sub3A_189 = arith.subf %add3A_184, %sub3A_188 : vector<1000x128xf32>
      %ne3A_190 = arith.cmpf one, %sub3A_189, %sub3A_189 : vector<1000x128xf32>
      %add3A_191 = vector.broadcast %custom_jvp_call3A_185 : f32 to vector<1000x128xf32>
      %add3A_192 = arith.addf %add3A_184, %add3A_191 : vector<1000x128xf32>
      %abs3A_193 = math.absf %sub3A_189 : vector<1000x128xf32>
      %neg3A_194 = arith.constant 0.000000e+00 : f32
      %neg3A_195 = vector.broadcast %neg3A_194 : f32 to vector<1000x128xf32>
      %neg3A_196 = arith.subf %neg3A_195, %abs3A_193 : vector<1000x128xf32>
      %exp3A_197 = math.exp %neg3A_196 : vector<1000x128xf32>
      %log1p3A_198 = math.log1p %exp3A_197 : vector<1000x128xf32>
      %add3A_199 = arith.addf %max3A_187, %log1p3A_198 : vector<1000x128xf32>
      %select_n3A_200 = arith.select %ne3A_190, %add3A_192, %add3A_199 : vector<1000x128xi1>, vector<1000x128xf32>
      %sub3A_201 = arith.constant 0.693147182 : f32
      %sub3A_202 = vector.broadcast %sub3A_201 : f32 to vector<1000x128xf32>
      %sub3A_203 = arith.subf %select_n3A_200, %sub3A_202 : vector<1000x128xf32>
      %get3A_204 = arith.constant 0 : index
      %get3A_205 = arith.constant 0 : index
      %get3A_206 = vector.load %arg21[%get3A_204, %get3A_205] : memref<128x128xf32, #tpu.memory_space<vmem>>, vector<128x128xf32>
      %get3A_207 = arith.constant 0 : index
      %get3A_208 = arith.constant 0 : index
      %get3A_209 = vector.load %arg22[%get3A_207, %get3A_208] : memref<1x128xf32, #tpu.memory_space<vmem>>, vector<1x128xf32>
      %get3A_210 = arith.constant 0 : index
      %get3A_211 = arith.constant 0 : index
      %get3A_212 = vector.load %arg23[%get3A_210, %get3A_211] : memref<1x128xf32, #tpu.memory_space<vmem>>, vector<1x128xf32>
      %get3A_213 = arith.constant 0 : index
      %get3A_214 = arith.constant 0 : index
      %get3A_215 = vector.load %arg7[%get3A_213, %get3A_214] : memref<1000x128xf32, #tpu.memory_space<vmem>>, vector<1000x128xf32>
      %mul3A_216 = vector.broadcast %get3A_212 : vector<1x128xf32> to vector<1000x128xf32>
      %mul3A_217 = arith.mulf %mul3A_216, %get3A_215 : vector<1000x128xf32>
      %dot_general3A_218 = arith.constant dense<0.000000e+00> : vector<1000x128xf32>
      %dot_general3A_219 = tpu.matmul %sub3A_203, %get3A_206, %dot_general3A_218 {dimension_numbers = #tpu.dot_dimension_numbers<[1], [0], [0], [1], [0, 0, 1, 1], [], []>, transpose_lhs_hint = false} : vector<1000x128xf32>, vector<128x128xf32>, vector<1000x128xf32> -> vector<1000x128xf32>
      %add3A_220 = arith.addf %mul3A_217, %dot_general3A_219 : vector<1000x128xf32>
      %add3A_221 = vector.broadcast %get3A_209 : vector<1x128xf32> to vector<1000x128xf32>
      %add3A_222 = arith.addf %add3A_220, %add3A_221 : vector<1000x128xf32>
      %get3A_223 = arith.constant 0 : index
      %get3A_224 = arith.constant 0 : index
      %get3A_225 = vector.load %arg24[%get3A_223, %get3A_224] : memref<128x128xf32, #tpu.memory_space<vmem>>, vector<128x128xf32>
      %get3A_226 = arith.constant 0 : index
      %get3A_227 = arith.constant 0 : index
      %get3A_228 = vector.load %arg25[%get3A_226, %get3A_227] : memref<1x128xf32, #tpu.memory_space<vmem>>, vector<1x128xf32>
      %get3A_229 = arith.constant 0 : index
      %get3A_230 = arith.constant 0 : index
      %get3A_231 = vector.load %arg26[%get3A_229, %get3A_230] : memref<128x128xf32, #tpu.memory_space<vmem>>, vector<128x128xf32>
      %get3A_232 = arith.constant 0 : index
      %get3A_233 = arith.constant 0 : index
      %get3A_234 = vector.load %arg27[%get3A_232, %get3A_233] : memref<1x128xf32, #tpu.memory_space<vmem>>, vector<1x128xf32>
      %custom_jvp_call3A_235 = arith.constant 0.000000e+00 : f32
      %max3A_236 = vector.broadcast %custom_jvp_call3A_235 : f32 to vector<1000x128xf32>
      %max3A_237 = arith.maximumf %add3A_222, %max3A_236 : vector<1000x128xf32>
      %sub3A_238 = vector.broadcast %custom_jvp_call3A_235 : f32 to vector<1000x128xf32>
      %sub3A_239 = arith.subf %add3A_222, %sub3A_238 : vector<1000x128xf32>
      %ne3A_240 = arith.cmpf one, %sub3A_239, %sub3A_239 : vector<1000x128xf32>
      %add3A_241 = vector.broadcast %custom_jvp_call3A_235 : f32 to vector<1000x128xf32>
      %add3A_242 = arith.addf %add3A_222, %add3A_241 : vector<1000x128xf32>
      %abs3A_243 = math.absf %sub3A_239 : vector<1000x128xf32>
      %neg3A_244 = arith.constant 0.000000e+00 : f32
      %neg3A_245 = vector.broadcast %neg3A_244 : f32 to vector<1000x128xf32>
      %neg3A_246 = arith.subf %neg3A_245, %abs3A_243 : vector<1000x128xf32>
      %exp3A_247 = math.exp %neg3A_246 : vector<1000x128xf32>
      %log1p3A_248 = math.log1p %exp3A_247 : vector<1000x128xf32>
      %add3A_249 = arith.addf %max3A_237, %log1p3A_248 : vector<1000x128xf32>
      %select_n3A_250 = arith.select %ne3A_240, %add3A_242, %add3A_249 : vector<1000x128xi1>, vector<1000x128xf32>
      %sub3A_251 = arith.constant 0.693147182 : f32
      %sub3A_252 = vector.broadcast %sub3A_251 : f32 to vector<1000x128xf32>
      %sub3A_253 = arith.subf %select_n3A_250, %sub3A_252 : vector<1000x128xf32>
      %dot_general3A_254 = arith.constant dense<0.000000e+00> : vector<1000x128xf32>
      %dot_general3A_255 = tpu.matmul %sub3A_253, %get3A_225, %dot_general3A_254 {dimension_numbers = #tpu.dot_dimension_numbers<[1], [0], [0], [1], [0, 0, 1, 1], [], []>, transpose_lhs_hint = false} : vector<1000x128xf32>, vector<128x128xf32>, vector<1000x128xf32> -> vector<1000x128xf32>
      %add3A_256 = vector.broadcast %get3A_228 : vector<1x128xf32> to vector<1000x128xf32>
      %add3A_257 = arith.addf %dot_general3A_255, %add3A_256 : vector<1000x128xf32>
      %custom_jvp_call3A_258 = arith.constant 0.000000e+00 : f32
      %max3A_259 = vector.broadcast %custom_jvp_call3A_258 : f32 to vector<1000x128xf32>
      %max3A_260 = arith.maximumf %add3A_257, %max3A_259 : vector<1000x128xf32>
      %sub3A_261 = vector.broadcast %custom_jvp_call3A_258 : f32 to vector<1000x128xf32>
      %sub3A_262 = arith.subf %add3A_257, %sub3A_261 : vector<1000x128xf32>
      %ne3A_263 = arith.cmpf one, %sub3A_262, %sub3A_262 : vector<1000x128xf32>
      %add3A_264 = vector.broadcast %custom_jvp_call3A_258 : f32 to vector<1000x128xf32>
      %add3A_265 = arith.addf %add3A_257, %add3A_264 : vector<1000x128xf32>
      %abs3A_266 = math.absf %sub3A_262 : vector<1000x128xf32>
      %neg3A_267 = arith.constant 0.000000e+00 : f32
      %neg3A_268 = vector.broadcast %neg3A_267 : f32 to vector<1000x128xf32>
      %neg3A_269 = arith.subf %neg3A_268, %abs3A_266 : vector<1000x128xf32>
      %exp3A_270 = math.exp %neg3A_269 : vector<1000x128xf32>
      %log1p3A_271 = math.log1p %exp3A_270 : vector<1000x128xf32>
      %add3A_272 = arith.addf %max3A_260, %log1p3A_271 : vector<1000x128xf32>
      %select_n3A_273 = arith.select %ne3A_263, %add3A_265, %add3A_272 : vector<1000x128xi1>, vector<1000x128xf32>
      %sub3A_274 = arith.constant 0.693147182 : f32
      %sub3A_275 = vector.broadcast %sub3A_274 : f32 to vector<1000x128xf32>
      %sub3A_276 = arith.subf %select_n3A_273, %sub3A_275 : vector<1000x128xf32>
      %dot_general3A_277 = arith.constant dense<0.000000e+00> : vector<1000x128xf32>
      %dot_general3A_278 = tpu.matmul %sub3A_276, %get3A_231, %dot_general3A_277 {dimension_numbers = #tpu.dot_dimension_numbers<[1], [0], [0], [1], [0, 0, 1, 1], [], []>, transpose_lhs_hint = false} : vector<1000x128xf32>, vector<128x128xf32>, vector<1000x128xf32> -> vector<1000x128xf32>
      %add3A_279 = arith.addf %add3A_222, %dot_general3A_278 : vector<1000x128xf32>
      %add3A_280 = vector.broadcast %get3A_234 : vector<1x128xf32> to vector<1000x128xf32>
      %add3A_281 = arith.addf %add3A_279, %add3A_280 : vector<1000x128xf32>
      %get3A_282 = arith.constant 0 : index
      %get3A_283 = arith.constant 0 : index
      %get3A_284 = vector.load %arg28[%get3A_282, %get3A_283] : memref<128x128xf32, #tpu.memory_space<vmem>>, vector<128x128xf32>
      %get3A_285 = arith.constant 0 : index
      %get3A_286 = arith.constant 0 : index
      %get3A_287 = vector.load %arg29[%get3A_285, %get3A_286] : memref<1x128xf32, #tpu.memory_space<vmem>>, vector<1x128xf32>
      %get3A_288 = arith.constant 0 : index
      %get3A_289 = arith.constant 0 : index
      %get3A_290 = vector.load %arg30[%get3A_288, %get3A_289] : memref<128x128xf32, #tpu.memory_space<vmem>>, vector<128x128xf32>
      %get3A_291 = arith.constant 0 : index
      %get3A_292 = arith.constant 0 : index
      %get3A_293 = vector.load %arg31[%get3A_291, %get3A_292] : memref<1x128xf32, #tpu.memory_space<vmem>>, vector<1x128xf32>
      %custom_jvp_call3A_294 = arith.constant 0.000000e+00 : f32
      %max3A_295 = vector.broadcast %custom_jvp_call3A_294 : f32 to vector<1000x128xf32>
      %max3A_296 = arith.maximumf %add3A_281, %max3A_295 : vector<1000x128xf32>
      %sub3A_297 = vector.broadcast %custom_jvp_call3A_294 : f32 to vector<1000x128xf32>
      %sub3A_298 = arith.subf %add3A_281, %sub3A_297 : vector<1000x128xf32>
      %ne3A_299 = arith.cmpf one, %sub3A_298, %sub3A_298 : vector<1000x128xf32>
      %add3A_300 = vector.broadcast %custom_jvp_call3A_294 : f32 to vector<1000x128xf32>
      %add3A_301 = arith.addf %add3A_281, %add3A_300 : vector<1000x128xf32>
      %abs3A_302 = math.absf %sub3A_298 : vector<1000x128xf32>
      %neg3A_303 = arith.constant 0.000000e+00 : f32
      %neg3A_304 = vector.broadcast %neg3A_303 : f32 to vector<1000x128xf32>
      %neg3A_305 = arith.subf %neg3A_304, %abs3A_302 : vector<1000x128xf32>
      %exp3A_306 = math.exp %neg3A_305 : vector<1000x128xf32>
      %log1p3A_307 = math.log1p %exp3A_306 : vector<1000x128xf32>
      %add3A_308 = arith.addf %max3A_296, %log1p3A_307 : vector<1000x128xf32>
      %select_n3A_309 = arith.select %ne3A_299, %add3A_301, %add3A_308 : vector<1000x128xi1>, vector<1000x128xf32>
      %sub3A_310 = arith.constant 0.693147182 : f32
      %sub3A_311 = vector.broadcast %sub3A_310 : f32 to vector<1000x128xf32>
      %sub3A_312 = arith.subf %select_n3A_309, %sub3A_311 : vector<1000x128xf32>
      %dot_general3A_313 = arith.constant dense<0.000000e+00> : vector<1000x128xf32>
      %dot_general3A_314 = tpu.matmul %sub3A_312, %get3A_284, %dot_general3A_313 {dimension_numbers = #tpu.dot_dimension_numbers<[1], [0], [0], [1], [0, 0, 1, 1], [], []>, transpose_lhs_hint = false} : vector<1000x128xf32>, vector<128x128xf32>, vector<1000x128xf32> -> vector<1000x128xf32>
      %add3A_315 = vector.broadcast %get3A_287 : vector<1x128xf32> to vector<1000x128xf32>
      %add3A_316 = arith.addf %dot_general3A_314, %add3A_315 : vector<1000x128xf32>
      %custom_jvp_call3A_317 = arith.constant 0.000000e+00 : f32
      %max3A_318 = vector.broadcast %custom_jvp_call3A_317 : f32 to vector<1000x128xf32>
      %max3A_319 = arith.maximumf %add3A_316, %max3A_318 : vector<1000x128xf32>
      %sub3A_320 = vector.broadcast %custom_jvp_call3A_317 : f32 to vector<1000x128xf32>
      %sub3A_321 = arith.subf %add3A_316, %sub3A_320 : vector<1000x128xf32>
      %ne3A_322 = arith.cmpf one, %sub3A_321, %sub3A_321 : vector<1000x128xf32>
      %add3A_323 = vector.broadcast %custom_jvp_call3A_317 : f32 to vector<1000x128xf32>
      %add3A_324 = arith.addf %add3A_316, %add3A_323 : vector<1000x128xf32>
      %abs3A_325 = math.absf %sub3A_321 : vector<1000x128xf32>
      %neg3A_326 = arith.constant 0.000000e+00 : f32
      %neg3A_327 = vector.broadcast %neg3A_326 : f32 to vector<1000x128xf32>
      %neg3A_328 = arith.subf %neg3A_327, %abs3A_325 : vector<1000x128xf32>
      %exp3A_329 = math.exp %neg3A_328 : vector<1000x128xf32>
      %log1p3A_330 = math.log1p %exp3A_329 : vector<1000x128xf32>
      %add3A_331 = arith.addf %max3A_319, %log1p3A_330 : vector<1000x128xf32>
      %select_n3A_332 = arith.select %ne3A_322, %add3A_324, %add3A_331 : vector<1000x128xi1>, vector<1000x128xf32>
      %sub3A_333 = arith.constant 0.693147182 : f32
      %sub3A_334 = vector.broadcast %sub3A_333 : f32 to vector<1000x128xf32>
      %sub3A_335 = arith.subf %select_n3A_332, %sub3A_334 : vector<1000x128xf32>
      %dot_general3A_336 = arith.constant dense<0.000000e+00> : vector<1000x128xf32>
      %dot_general3A_337 = tpu.matmul %sub3A_335, %get3A_290, %dot_general3A_336 {dimension_numbers = #tpu.dot_dimension_numbers<[1], [0], [0], [1], [0, 0, 1, 1], [], []>, transpose_lhs_hint = false} : vector<1000x128xf32>, vector<128x128xf32>, vector<1000x128xf32> -> vector<1000x128xf32>
      %add3A_338 = arith.addf %add3A_281, %dot_general3A_337 : vector<1000x128xf32>
      %add3A_339 = vector.broadcast %get3A_293 : vector<1x128xf32> to vector<1000x128xf32>
      %add3A_340 = arith.addf %add3A_338, %add3A_339 : vector<1000x128xf32>
      %swap3A = arith.constant 0 : index
      %swap3A_341 = arith.constant 0 : index
      %swap3A_342 = vector.load %arg36[%swap3A, %swap3A_341] : memref<1000x128xf32, #tpu.memory_space<vmem>>, vector<1000x128xf32>
      tpu.vector_store %arg36[%swap3A, %swap3A_341], %add3A_340 {strides = array<i32>} : memref<1000x128xf32, #tpu.memory_space<vmem>>, vector<1000x128xf32>,
      %get3A_343 = arith.constant 0 : index
      %get3A_344 = arith.constant 0 : index
      %get3A_345 = vector.load %arg32[%get3A_343, %get3A_344] : memref<128x128xf32, #tpu.memory_space<vmem>>, vector<128x128xf32>
      %get3A_346 = arith.constant 0 : index
      %get3A_347 = arith.constant 0 : index
      %get3A_348 = vector.load %arg33[%get3A_346, %get3A_347] : memref<1x128xf32, #tpu.memory_space<vmem>>, vector<1x128xf32>
      %get3A_349 = arith.constant 0 : index
      %get3A_350 = arith.constant 0 : index
      %get3A_351 = vector.load %arg34[%get3A_349, %get3A_350] : memref<128x128xf32, #tpu.memory_space<vmem>>, vector<128x128xf32>
      %get3A_352 = arith.constant 0 : index
      %get3A_353 = arith.constant 0 : index
      %get3A_354 = vector.load %arg35[%get3A_352, %get3A_353] : memref<1x128xf32, #tpu.memory_space<vmem>>, vector<1x128xf32>
      %custom_jvp_call3A_355 = arith.constant 0.000000e+00 : f32
      %max3A_356 = vector.broadcast %custom_jvp_call3A_355 : f32 to vector<1000x128xf32>
      %max3A_357 = arith.maximumf %add3A_340, %max3A_356 : vector<1000x128xf32>
      %sub3A_358 = vector.broadcast %custom_jvp_call3A_355 : f32 to vector<1000x128xf32>
      %sub3A_359 = arith.subf %add3A_340, %sub3A_358 : vector<1000x128xf32>
      %ne3A_360 = arith.cmpf one, %sub3A_359, %sub3A_359 : vector<1000x128xf32>
      %add3A_361 = vector.broadcast %custom_jvp_call3A_355 : f32 to vector<1000x128xf32>
      %add3A_362 = arith.addf %add3A_340, %add3A_361 : vector<1000x128xf32>
      %abs3A_363 = math.absf %sub3A_359 : vector<1000x128xf32>
      %neg3A_364 = arith.constant 0.000000e+00 : f32
      %neg3A_365 = vector.broadcast %neg3A_364 : f32 to vector<1000x128xf32>
      %neg3A_366 = arith.subf %neg3A_365, %abs3A_363 : vector<1000x128xf32>
      %exp3A_367 = math.exp %neg3A_366 : vector<1000x128xf32>
      %log1p3A_368 = math.log1p %exp3A_367 : vector<1000x128xf32>
      %add3A_369 = arith.addf %max3A_357, %log1p3A_368 : vector<1000x128xf32>
      %select_n3A_370 = arith.select %ne3A_360, %add3A_362, %add3A_369 : vector<1000x128xi1>, vector<1000x128xf32>
      %sub3A_371 = arith.constant 0.693147182 : f32
      %sub3A_372 = vector.broadcast %sub3A_371 : f32 to vector<1000x128xf32>
      %sub3A_373 = arith.subf %select_n3A_370, %sub3A_372 : vector<1000x128xf32>
      %dot_general3A_374 = arith.constant dense<0.000000e+00> : vector<1000x128xf32>
      %dot_general3A_375 = tpu.matmul %sub3A_373, %get3A_345, %dot_general3A_374 {dimension_numbers = #tpu.dot_dimension_numbers<[1], [0], [0], [1], [0, 0, 1, 1], [], []>, transpose_lhs_hint = false} : vector<1000x128xf32>, vector<128x128xf32>, vector<1000x128xf32> -> vector<1000x128xf32>
      %add3A_376 = vector.broadcast %get3A_348 : vector<1x128xf32> to vector<1000x128xf32>
      %add3A_377 = arith.addf %dot_general3A_375, %add3A_376 : vector<1000x128xf32>
      %custom_jvp_call3A_378 = arith.constant 0.000000e+00 : f32
      %max3A_379 = vector.broadcast %custom_jvp_call3A_378 : f32 to vector<1000x128xf32>
      %max3A_380 = arith.maximumf %add3A_377, %max3A_379 : vector<1000x128xf32>
      %sub3A_381 = vector.broadcast %custom_jvp_call3A_378 : f32 to vector<1000x128xf32>
      %sub3A_382 = arith.subf %add3A_377, %sub3A_381 : vector<1000x128xf32>
      %ne3A_383 = arith.cmpf one, %sub3A_382, %sub3A_382 : vector<1000x128xf32>
      %add3A_384 = vector.broadcast %custom_jvp_call3A_378 : f32 to vector<1000x128xf32>
      %add3A_385 = arith.addf %add3A_377, %add3A_384 : vector<1000x128xf32>
      %abs3A_386 = math.absf %sub3A_382 : vector<1000x128xf32>
      %neg3A_387 = arith.constant 0.000000e+00 : f32
      %neg3A_388 = vector.broadcast %neg3A_387 : f32 to vector<1000x128xf32>
      %neg3A_389 = arith.subf %neg3A_388, %abs3A_386 : vector<1000x128xf32>
      %exp3A_390 = math.exp %neg3A_389 : vector<1000x128xf32>
      %log1p3A_391 = math.log1p %exp3A_390 : vector<1000x128xf32>
      %add3A_392 = arith.addf %max3A_380, %log1p3A_391 : vector<1000x128xf32>
      %select_n3A_393 = arith.select %ne3A_383, %add3A_385, %add3A_392 : vector<1000x128xi1>, vector<1000x128xf32>
      %sub3A_394 = arith.constant 0.693147182 : f32
      %sub3A_395 = vector.broadcast %sub3A_394 : f32 to vector<1000x128xf32>
      %sub3A_396 = arith.subf %select_n3A_393, %sub3A_395 : vector<1000x128xf32>
      %swap3A_397 = arith.constant 0 : index
      %swap3A_398 = arith.constant 0 : index
      %swap3A_399 = vector.load %arg37[%swap3A_397, %swap3A_398] : memref<1000x128xf32, #tpu.memory_space<vmem>>, vector<1000x128xf32>
      tpu.vector_store %arg37[%swap3A_397, %swap3A_398], %sub3A_396 {strides = array<i32>} : memref<1000x128xf32, #tpu.memory_space<vmem>>, vector<1000x128xf32>,
      %dot_general3A_400 = arith.constant dense<0.000000e+00> : vector<1000x128xf32>
      %dot_general3A_401 = tpu.matmul %sub3A_373, %get3A_351, %dot_general3A_400 {dimension_numbers = #tpu.dot_dimension_numbers<[1], [0], [0], [1], [0, 0, 1, 1], [], []>, transpose_lhs_hint = false} : vector<1000x128xf32>, vector<128x128xf32>, vector<1000x128xf32> -> vector<1000x128xf32>
      %add3A_402 = vector.broadcast %get3A_354 : vector<1x128xf32> to vector<1000x128xf32>
      %add3A_403 = arith.addf %dot_general3A_401, %add3A_402 : vector<1000x128xf32>
      %custom_jvp_call3A_404 = arith.constant 0.000000e+00 : f32
      %max3A_405 = vector.broadcast %custom_jvp_call3A_404 : f32 to vector<1000x128xf32>
      %max3A_406 = arith.maximumf %add3A_403, %max3A_405 : vector<1000x128xf32>
      %sub3A_407 = vector.broadcast %custom_jvp_call3A_404 : f32 to vector<1000x128xf32>
      %sub3A_408 = arith.subf %add3A_403, %sub3A_407 : vector<1000x128xf32>
      %ne3A_409 = arith.cmpf one, %sub3A_408, %sub3A_408 : vector<1000x128xf32>
      %add3A_410 = vector.broadcast %custom_jvp_call3A_404 : f32 to vector<1000x128xf32>
      %add3A_411 = arith.addf %add3A_403, %add3A_410 : vector<1000x128xf32>
      %abs3A_412 = math.absf %sub3A_408 : vector<1000x128xf32>
      %neg3A_413 = arith.constant 0.000000e+00 : f32
      %neg3A_414 = vector.broadcast %neg3A_413 : f32 to vector<1000x128xf32>
      %neg3A_415 = arith.subf %neg3A_414, %abs3A_412 : vector<1000x128xf32>
      %exp3A_416 = math.exp %neg3A_415 : vector<1000x128xf32>
      %log1p3A_417 = math.log1p %exp3A_416 : vector<1000x128xf32>
      %add3A_418 = arith.addf %max3A_406, %log1p3A_417 : vector<1000x128xf32>
      %select_n3A_419 = arith.select %ne3A_409, %add3A_411, %add3A_418 : vector<1000x128xi1>, vector<1000x128xf32>
      %sub3A_420 = arith.constant 0.693147182 : f32
      %sub3A_421 = vector.broadcast %sub3A_420 : f32 to vector<1000x128xf32>
      %sub3A_422 = arith.subf %select_n3A_419, %sub3A_421 : vector<1000x128xf32>
      %swap3A_423 = arith.constant 0 : index
      %swap3A_424 = arith.constant 0 : index
      %swap3A_425 = vector.load %arg38[%swap3A_423, %swap3A_424] : memref<1000x128xf32, #tpu.memory_space<vmem>>, vector<1000x128xf32>
      tpu.vector_store %arg38[%swap3A_423, %swap3A_424], %sub3A_422 {strides = array<i32>} : memref<1000x128xf32, #tpu.memory_space<vmem>>, vector<1000x128xf32>,
    } else {
    }
    return
  }
  func.func @transform_0(%arg0: i32, %arg1: memref<250xi32, #tpu.memory_space<smem>>, %arg2: memref<250xi32, #tpu.memory_space<smem>>) -> (i32, i32) {
    %min3A = arith.constant 249 : i32
    %min3A_0 = arith.minsi %arg0, %min3A : i32
    %c1_i32 = arith.constant 1 : i32
    %c0_i32 = arith.constant 0 : i32
    return %min3A_0, %c1_i32 : i32, i32
  }
  func.func @transform_1(%arg0: i32, %arg1: memref<250xi32, #tpu.memory_space<smem>>, %arg2: memref<250xi32, #tpu.memory_space<smem>>) -> (i32, i32) {
    %min3A = arith.constant 249 : i32
    %min3A_0 = arith.minsi %arg0, %min3A : i32
    %c0_i32 = arith.constant 0 : i32
    %c0_i32_1 = arith.constant 0 : i32
    return %min3A_0, %c0_i32 : i32, i32
  }
  func.func @transform_2(%arg0: i32, %arg1: memref<250xi32, #tpu.memory_space<smem>>, %arg2: memref<250xi32, #tpu.memory_space<smem>>) -> (i32, i32, i32) {
    %min3A = arith.constant 249 : i32
    %min3A_0 = arith.minsi %arg0, %min3A : i32
    %c0_i32 = arith.constant 0 : i32
    %c0_i32_1 = arith.constant 0 : i32
    %c0_i32_2 = arith.constant 0 : i32
    return %min3A_0, %c0_i32, %c0_i32_1 : i32, i32, i32
  }
  func.func @transform_3(%arg0: i32, %arg1: memref<250xi32, #tpu.memory_space<smem>>, %arg2: memref<250xi32, #tpu.memory_space<smem>>) -> (i32, i32, i32) {
    %min3A = arith.constant 249 : i32
    %min3A_0 = arith.minsi %arg0, %min3A : i32
    %c0_i32 = arith.constant 0 : i32
    %c0_i32_1 = arith.constant 0 : i32
    %c0_i32_2 = arith.constant 0 : i32
    return %min3A_0, %c0_i32, %c0_i32_1 : i32, i32, i32
  }
  func.func @transform_4(%arg0: i32, %arg1: memref<250xi32, #tpu.memory_space<smem>>, %arg2: memref<250xi32, #tpu.memory_space<smem>>) -> (i32, i32) {
    %sub3A = arith.constant 250 : i32
    %sub3A_0 = arith.subi %arg0, %sub3A : i32
    %max3A = arith.constant 0 : i32
    %max3A_1 = arith.maxsi %sub3A_0, %max3A : i32
    %c0_i32 = arith.constant 0 : i32
    %c0_i32_2 = arith.constant 0 : i32
    return %max3A_1, %c0_i32 : i32, i32
  }
  func.func @transform_5(%arg0: i32, %arg1: memref<250xi32, #tpu.memory_space<smem>>, %arg2: memref<250xi32, #tpu.memory_space<smem>>) -> (i32, i32) {
    %sub3A = arith.constant 250 : i32
    %sub3A_0 = arith.subi %arg0, %sub3A : i32
    %max3A = arith.constant 0 : i32
    %max3A_1 = arith.maxsi %sub3A_0, %max3A : i32
    %c0_i32 = arith.constant 0 : i32
    %c0_i32_2 = arith.constant 0 : i32
    return %max3A_1, %c0_i32 : i32, i32
  }
  func.func @transform_6(%arg0: i32, %arg1: memref<250xi32, #tpu.memory_space<smem>>, %arg2: memref<250xi32, #tpu.memory_space<smem>>) -> (i32, i32) {
    %c0_i32 = arith.constant 0 : i32
    %c0_i32_0 = arith.constant 0 : i32
    %c0_i32_1 = arith.constant 0 : i32
    return %c0_i32, %c0_i32_0 : i32, i32
  }
  func.func @transform_7(%arg0: i32, %arg1: memref<250xi32, #tpu.memory_space<smem>>, %arg2: memref<250xi32, #tpu.memory_space<smem>>) -> (i32, i32) {
    %c0_i32 = arith.constant 0 : i32
    %c0_i32_0 = arith.constant 0 : i32
    %c0_i32_1 = arith.constant 0 : i32
    return %c0_i32, %c0_i32_0 : i32, i32
  }
  func.func @transform_8(%arg0: i32, %arg1: memref<250xi32, #tpu.memory_space<smem>>, %arg2: memref<250xi32, #tpu.memory_space<smem>>) -> (i32, i32) {
    %c0_i32 = arith.constant 0 : i32
    %c0_i32_0 = arith.constant 0 : i32
    %c0_i32_1 = arith.constant 0 : i32
    return %c0_i32, %c0_i32_0 : i32, i32
  }
  func.func @transform_9(%arg0: i32, %arg1: memref<250xi32, #tpu.memory_space<smem>>, %arg2: memref<250xi32, #tpu.memory_space<smem>>) -> (i32, i32) {
    %c0_i32 = arith.constant 0 : i32
    %c0_i32_0 = arith.constant 0 : i32
    %c0_i32_1 = arith.constant 0 : i32
    return %c0_i32, %c0_i32_0 : i32, i32
  }
  func.func @transform_10(%arg0: i32, %arg1: memref<250xi32, #tpu.memory_space<smem>>, %arg2: memref<250xi32, #tpu.memory_space<smem>>) -> (i32, i32) {
    %c0_i32 = arith.constant 0 : i32
    %c0_i32_0 = arith.constant 0 : i32
    %c0_i32_1 = arith.constant 0 : i32
    return %c0_i32, %c0_i32_0 : i32, i32
  }
  func.func @transform_11(%arg0: i32, %arg1: memref<250xi32, #tpu.memory_space<smem>>, %arg2: memref<250xi32, #tpu.memory_space<smem>>) -> (i32, i32) {
    %c0_i32 = arith.constant 0 : i32
    %c0_i32_0 = arith.constant 0 : i32
    %c0_i32_1 = arith.constant 0 : i32
    return %c0_i32, %c0_i32_0 : i32, i32
  }
  func.func @transform_12(%arg0: i32, %arg1: memref<250xi32, #tpu.memory_space<smem>>, %arg2: memref<250xi32, #tpu.memory_space<smem>>) -> (i32, i32) {
    %c0_i32 = arith.constant 0 : i32
    %c0_i32_0 = arith.constant 0 : i32
    %c0_i32_1 = arith.constant 0 : i32
    return %c0_i32, %c0_i32_0 : i32, i32
  }
  func.func @transform_13(%arg0: i32, %arg1: memref<250xi32, #tpu.memory_space<smem>>, %arg2: memref<250xi32, #tpu.memory_space<smem>>) -> (i32, i32) {
    %c0_i32 = arith.constant 0 : i32
    %c0_i32_0 = arith.constant 0 : i32
    %c0_i32_1 = arith.constant 0 : i32
    return %c0_i32, %c0_i32_0 : i32, i32
  }
  func.func @transform_14(%arg0: i32, %arg1: memref<250xi32, #tpu.memory_space<smem>>, %arg2: memref<250xi32, #tpu.memory_space<smem>>) -> (i32, i32) {
    %c0_i32 = arith.constant 0 : i32
    %c0_i32_0 = arith.constant 0 : i32
    %c0_i32_1 = arith.constant 0 : i32
    return %c0_i32, %c0_i32_0 : i32, i32
  }
  func.func @transform_15(%arg0: i32, %arg1: memref<250xi32, #tpu.memory_space<smem>>, %arg2: memref<250xi32, #tpu.memory_space<smem>>) -> (i32, i32) {
    %c0_i32 = arith.constant 0 : i32
    %c0_i32_0 = arith.constant 0 : i32
    %c0_i32_1 = arith.constant 0 : i32
    return %c0_i32, %c0_i32_0 : i32, i32
  }
  func.func @transform_16(%arg0: i32, %arg1: memref<250xi32, #tpu.memory_space<smem>>, %arg2: memref<250xi32, #tpu.memory_space<smem>>) -> (i32, i32) {
    %c0_i32 = arith.constant 0 : i32
    %c0_i32_0 = arith.constant 0 : i32
    %c0_i32_1 = arith.constant 0 : i32
    return %c0_i32, %c0_i32_0 : i32, i32
  }
  func.func @transform_17(%arg0: i32, %arg1: memref<250xi32, #tpu.memory_space<smem>>, %arg2: memref<250xi32, #tpu.memory_space<smem>>) -> (i32, i32) {
    %c0_i32 = arith.constant 0 : i32
    %c0_i32_0 = arith.constant 0 : i32
    %c0_i32_1 = arith.constant 0 : i32
    return %c0_i32, %c0_i32_0 : i32, i32
  }
  func.func @transform_18(%arg0: i32, %arg1: memref<250xi32, #tpu.memory_space<smem>>, %arg2: memref<250xi32, #tpu.memory_space<smem>>) -> (i32, i32) {
    %c0_i32 = arith.constant 0 : i32
    %c0_i32_0 = arith.constant 0 : i32
    %c0_i32_1 = arith.constant 0 : i32
    return %c0_i32, %c0_i32_0 : i32, i32
  }
  func.func @transform_19(%arg0: i32, %arg1: memref<250xi32, #tpu.memory_space<smem>>, %arg2: memref<250xi32, #tpu.memory_space<smem>>) -> (i32, i32) {
    %c0_i32 = arith.constant 0 : i32
    %c0_i32_0 = arith.constant 0 : i32
    %c0_i32_1 = arith.constant 0 : i32
    return %c0_i32, %c0_i32_0 : i32, i32
  }
  func.func @transform_20(%arg0: i32, %arg1: memref<250xi32, #tpu.memory_space<smem>>, %arg2: memref<250xi32, #tpu.memory_space<smem>>) -> (i32, i32) {
    %c0_i32 = arith.constant 0 : i32
    %c0_i32_0 = arith.constant 0 : i32
    %c0_i32_1 = arith.constant 0 : i32
    return %c0_i32, %c0_i32_0 : i32, i32
  }
  func.func @transform_21(%arg0: i32, %arg1: memref<250xi32, #tpu.memory_space<smem>>, %arg2: memref<250xi32, #tpu.memory_space<smem>>) -> (i32, i32) {
    %c0_i32 = arith.constant 0 : i32
    %c0_i32_0 = arith.constant 0 : i32
    %c0_i32_1 = arith.constant 0 : i32
    return %c0_i32, %c0_i32_0 : i32, i32
  }
  func.func @transform_22(%arg0: i32, %arg1: memref<250xi32, #tpu.memory_space<smem>>, %arg2: memref<250xi32, #tpu.memory_space<smem>>) -> (i32, i32) {
    %c0_i32 = arith.constant 0 : i32
    %c0_i32_0 = arith.constant 0 : i32
    %c0_i32_1 = arith.constant 0 : i32
    return %c0_i32, %c0_i32_0 : i32, i32
  }
  func.func @transform_23(%arg0: i32, %arg1: memref<250xi32, #tpu.memory_space<smem>>, %arg2: memref<250xi32, #tpu.memory_space<smem>>) -> (i32, i32) {
    %c0_i32 = arith.constant 0 : i32
    %c0_i32_0 = arith.constant 0 : i32
    %c0_i32_1 = arith.constant 0 : i32
    return %c0_i32, %c0_i32_0 : i32, i32
  }
  func.func @transform_24(%arg0: i32, %arg1: memref<250xi32, #tpu.memory_space<smem>>, %arg2: memref<250xi32, #tpu.memory_space<smem>>) -> (i32, i32) {
    %c0_i32 = arith.constant 0 : i32
    %c0_i32_0 = arith.constant 0 : i32
    %c0_i32_1 = arith.constant 0 : i32
    return %c0_i32, %c0_i32_0 : i32, i32
  }
  func.func @transform_25(%arg0: i32, %arg1: memref<250xi32, #tpu.memory_space<smem>>, %arg2: memref<250xi32, #tpu.memory_space<smem>>) -> (i32, i32) {
    %c0_i32 = arith.constant 0 : i32
    %c0_i32_0 = arith.constant 0 : i32
    %c0_i32_1 = arith.constant 0 : i32
    return %c0_i32, %c0_i32_0 : i32, i32
  }
  func.func @transform_26(%arg0: i32, %arg1: memref<250xi32, #tpu.memory_space<smem>>, %arg2: memref<250xi32, #tpu.memory_space<smem>>) -> (i32, i32) {
    %c0_i32 = arith.constant 0 : i32
    %c0_i32_0 = arith.constant 0 : i32
    %c0_i32_1 = arith.constant 0 : i32
    return %c0_i32, %c0_i32_0 : i32, i32
  }
  func.func @transform_27(%arg0: i32, %arg1: memref<250xi32, #tpu.memory_space<smem>>, %arg2: memref<250xi32, #tpu.memory_space<smem>>) -> (i32, i32) {
    %c0_i32 = arith.constant 0 : i32
    %c0_i32_0 = arith.constant 0 : i32
    %c0_i32_1 = arith.constant 0 : i32
    return %c0_i32, %c0_i32_0 : i32, i32
  }
  func.func @transform_28(%arg0: i32, %arg1: memref<250xi32, #tpu.memory_space<smem>>, %arg2: memref<250xi32, #tpu.memory_space<smem>>) -> (i32, i32) {
    %c0_i32 = arith.constant 0 : i32
    %c0_i32_0 = arith.constant 0 : i32
    %c0_i32_1 = arith.constant 0 : i32
    return %c0_i32, %c0_i32_0 : i32, i32
  }
  func.func @transform_29(%arg0: i32, %arg1: memref<250xi32, #tpu.memory_space<smem>>, %arg2: memref<250xi32, #tpu.memory_space<smem>>) -> (i32, i32) {
    %c0_i32 = arith.constant 0 : i32
    %c0_i32_0 = arith.constant 0 : i32
    %c0_i32_1 = arith.constant 0 : i32
    return %c0_i32, %c0_i32_0 : i32, i32
  }
  func.func @transform_30(%arg0: i32, %arg1: memref<250xi32, #tpu.memory_space<smem>>, %arg2: memref<250xi32, #tpu.memory_space<smem>>) -> (i32, i32) {
    %c0_i32 = arith.constant 0 : i32
    %c0_i32_0 = arith.constant 0 : i32
    %c0_i32_1 = arith.constant 0 : i32
    return %c0_i32, %c0_i32_0 : i32, i32
  }
  func.func @transform_31(%arg0: i32, %arg1: memref<250xi32, #tpu.memory_space<smem>>, %arg2: memref<250xi32, #tpu.memory_space<smem>>) -> (i32, i32) {
    %c0_i32 = arith.constant 0 : i32
    %c0_i32_0 = arith.constant 0 : i32
    %c0_i32_1 = arith.constant 0 : i32
    return %c0_i32, %c0_i32_0 : i32, i32
  }
  func.func @transform_32(%arg0: i32, %arg1: memref<250xi32, #tpu.memory_space<smem>>, %arg2: memref<250xi32, #tpu.memory_space<smem>>) -> (i32, i32) {
    %c0_i32 = arith.constant 0 : i32
    %c0_i32_0 = arith.constant 0 : i32
    %c0_i32_1 = arith.constant 0 : i32
    return %c0_i32, %c0_i32_0 : i32, i32
  }
  func.func @transform_33(%arg0: i32, %arg1: memref<250xi32, #tpu.memory_space<smem>>, %arg2: memref<250xi32, #tpu.memory_space<smem>>) -> (i32, i32) {
    %sub3A = arith.constant 250 : i32
    %sub3A_0 = arith.subi %arg0, %sub3A : i32
    %max3A = arith.constant 0 : i32
    %max3A_1 = arith.maxsi %sub3A_0, %max3A : i32
    %c0_i32 = arith.constant 0 : i32
    %c0_i32_2 = arith.constant 0 : i32
    return %max3A_1, %c0_i32 : i32, i32
  }
  func.func @transform_34(%arg0: i32, %arg1: memref<250xi32, #tpu.memory_space<smem>>, %arg2: memref<250xi32, #tpu.memory_space<smem>>) -> (i32, i32) {
    %sub3A = arith.constant 250 : i32
    %sub3A_0 = arith.subi %arg0, %sub3A : i32
    %max3A = arith.constant 0 : i32
    %max3A_1 = arith.maxsi %sub3A_0, %max3A : i32
    %c0_i32 = arith.constant 0 : i32
    %c0_i32_2 = arith.constant 0 : i32
    return %max3A_1, %c0_i32 : i32, i32
  }
  func.func @transform_35(%arg0: i32, %arg1: memref<250xi32, #tpu.memory_space<smem>>, %arg2: memref<250xi32, #tpu.memory_space<smem>>) -> (i32, i32) {
    %sub3A = arith.constant 250 : i32
    %sub3A_0 = arith.subi %arg0, %sub3A : i32
    %max3A = arith.constant 0 : i32
    %max3A_1 = arith.maxsi %sub3A_0, %max3A : i32
    %c0_i32 = arith.constant 0 : i32
    %c0_i32_2 = arith.constant 0 : i32
    return %max3A_1, %c0_i32 : i32, i32
  }
}

module attributes {stable_mosaic.version = 14 : i64} {
  func.func @_block_body(%arg0: i32, %arg1: memref<250xi32, #tpu.memory_space<smem>>, %arg2: memref<250xi32, #tpu.memory_space<smem>>, %arg3: memref<1280x128xbf16, #tpu.memory_space<vmem>>, %arg4: memref<1280x128xf32, #tpu.memory_space<vmem>>, %arg5: memref<1x1x1280xi32, #tpu.memory_space<vmem>>, %arg6: memref<1x1x1280xf32, #tpu.memory_space<vmem>>, %arg7: memref<1000x128xf32, #tpu.memory_space<vmem>>, %arg8: memref<1000x128xf32, #tpu.memory_space<vmem>>, %arg9: memref<128x128xf32, #tpu.memory_space<vmem>>, %arg10: memref<1x128xf32, #tpu.memory_space<vmem>>, %arg11: memref<128x128xf32, #tpu.memory_space<vmem>>, %arg12: memref<1x128xf32, #tpu.memory_space<vmem>>, %arg13: memref<128x128xf32, #tpu.memory_space<vmem>>, %arg14: memref<1x128xf32, #tpu.memory_space<vmem>>, %arg15: memref<128x128xf32, #tpu.memory_space<vmem>>, %arg16: memref<1x128xf32, #tpu.memory_space<vmem>>, %arg17: memref<128x128xf32, #tpu.memory_space<vmem>>, %arg18: memref<1x128xf32, #tpu.memory_space<vmem>>, %arg19: memref<128x128xf32, #tpu.memory_space<vmem>>, %arg20: memref<1x128xf32, #tpu.memory_space<vmem>>, %arg21: memref<128x128xf32, #tpu.memory_space<vmem>>, %arg22: memref<1x128xf32, #tpu.memory_space<vmem>>, %arg23: memref<1x128xf32, #tpu.memory_space<vmem>>, %arg24: memref<128x128xf32, #tpu.memory_space<vmem>>, %arg25: memref<1x128xf32, #tpu.memory_space<vmem>>, %arg26: memref<128x128xf32, #tpu.memory_space<vmem>>, %arg27: memref<1x128xf32, #tpu.memory_space<vmem>>, %arg28: memref<128x128xf32, #tpu.memory_space<vmem>>, %arg29: memref<1x128xf32, #tpu.memory_space<vmem>>, %arg30: memref<128x128xf32, #tpu.memory_space<vmem>>, %arg31: memref<1x128xf32, #tpu.memory_space<vmem>>, %arg32: memref<128x128xf32, #tpu.memory_space<vmem>>, %arg33: memref<1x128xf32, #tpu.memory_space<vmem>>, %arg34: memref<128x128xf32, #tpu.memory_space<vmem>>, %arg35: memref<1x128xf32, #tpu.memory_space<vmem>>, %arg36: memref<1000x128xf32, #tpu.memory_space<vmem>>, %arg37: memref<1000x128xf32, #tpu.memory_space<vmem>>, %arg38: memref<1000x128xf32, #tpu.memory_space<vmem>>, %arg39: memref<10000x128xf32, #tpu.memory_space<vmem>>) attributes {dimension_semantics = [#tpu.dimension_semantics<arbitrary>], iteration_bounds = array<i64: 260>, scalar_prefetch = 2 : i64, scratch_operands = 1 : i64, tpu.core_type = #tpu.core_type<tc>, window_params = [{transform_indices = @transform_0, window_bounds = array<i64: 1280, 128>}, {transform_indices = @transform_1, window_bounds = array<i64: 1280, 128>}, {transform_indices = @transform_2, window_bounds = array<i64: 1, 1, 1280>}, {transform_indices = @transform_3, window_bounds = array<i64: 1, 1, 1280>}, {transform_indices = @transform_4, window_bounds = array<i64: 1000, 128>}, {transform_indices = @transform_5, window_bounds = array<i64: 1000, 128>}, {pipeline_mode = #tpu.pipeline_mode<synchronous>, transform_indices = @transform_6, window_bounds = array<i64: 128, 128>}, {pipeline_mode = #tpu.pipeline_mode<synchronous>, transform_indices = @transform_7, window_bounds = array<i64: 1, 128>}, {pipeline_mode = #tpu.pipeline_mode<synchronous>, transform_indices = @transform_8, window_bounds = array<i64: 128, 128>}, {pipeline_mode = #tpu.pipeline_mode<synchronous>, transform_indices = @transform_9, window_bounds = array<i64: 1, 128>}, {pipeline_mode = #tpu.pipeline_mode<synchronous>, transform_indices = @transform_10, window_bounds = array<i64: 128, 128>}, {pipeline_mode = #tpu.pipeline_mode<synchronous>, transform_indices = @transform_11, window_bounds = array<i64: 1, 128>}, {pipeline_mode = #tpu.pipeline_mode<synchronous>, transform_indices = @transform_12, window_bounds = array<i64: 128, 128>}, {pipeline_mode = #tpu.pipeline_mode<synchronous>, transform_indices = @transform_13, window_bounds = array<i64: 1, 128>}, {pipeline_mode = #tpu.pipeline_mode<synchronous>, transform_indices = @transform_14, window_bounds = array<i64: 128, 128>}, {pipeline_mode = #tpu.pipeline_mode<synchronous>, transform_indices = @transform_15, window_bounds = array<i64: 1, 128>}, {pipeline_mode = #tpu.pipeline_mode<synchronous>, transform_indices = @transform_16, window_bounds = array<i64: 128, 128>}, {pipeline_mode = #tpu.pipeline_mode<synchronous>, transform_indices = @transform_17, window_bounds = array<i64: 1, 128>}, {pipeline_mode = #tpu.pipeline_mode<synchronous>, transform_indices = @transform_18, window_bounds = array<i64: 128, 128>}, {pipeline_mode = #tpu.pipeline_mode<synchronous>, transform_indices = @transform_19, window_bounds = array<i64: 1, 128>}, {pipeline_mode = #tpu.pipeline_mode<synchronous>, transform_indices = @transform_20, window_bounds = array<i64: 1, 128>}, {pipeline_mode = #tpu.pipeline_mode<synchronous>, transform_indices = @transform_21, window_bounds = array<i64: 128, 128>}, {pipeline_mode = #tpu.pipeline_mode<synchronous>, transform_indices = @transform_22, window_bounds = array<i64: 1, 128>}, {pipeline_mode = #tpu.pipeline_mode<synchronous>, transform_indices = @transform_23, window_bounds = array<i64: 128, 128>}, {pipeline_mode = #tpu.pipeline_mode<synchronous>, transform_indices = @transform_24, window_bounds = array<i64: 1, 128>}, {pipeline_mode = #tpu.pipeline_mode<synchronous>, transform_indices = @transform_25, window_bounds = array<i64: 128, 128>}, {pipeline_mode = #tpu.pipeline_mode<synchronous>, transform_indices = @transform_26, window_bounds = array<i64: 1, 128>}, {pipeline_mode = #tpu.pipeline_mode<synchronous>, transform_indices = @transform_27, window_bounds = array<i64: 128, 128>}, {pipeline_mode = #tpu.pipeline_mode<synchronous>, transform_indices = @transform_28, window_bounds = array<i64: 1, 128>}, {pipeline_mode = #tpu.pipeline_mode<synchronous>, transform_indices = @transform_29, window_bounds = array<i64: 128, 128>}, {pipeline_mode = #tpu.pipeline_mode<synchronous>, transform_indices = @transform_30, window_bounds = array<i64: 1, 128>}, {pipeline_mode = #tpu.pipeline_mode<synchronous>, transform_indices = @transform_31, window_bounds = array<i64: 128, 128>}, {pipeline_mode = #tpu.pipeline_mode<synchronous>, transform_indices = @transform_32, window_bounds = array<i64: 1, 128>}, {transform_indices = @transform_33, window_bounds = array<i64: 1000, 128>}, {transform_indices = @transform_34, window_bounds = array<i64: 1000, 128>}, {transform_indices = @transform_35, window_bounds = array<i64: 1000, 128>}]} {
    %eq3A = arith.constant 0 : i32
    %eq3A_0 = arith.cmpi eq, %arg0, %eq3A : i32
    %convert_element_type3A = arith.extui %eq3A_0 : i1 to i32
    %cond3A = arith.constant 0 : i32
    %cond3A_1 = arith.cmpi ne, %convert_element_type3A, %cond3A : i32
    scf.if %cond3A_1 {
      %broadcast_in_dim3A = arith.constant 0.000000e+00 : f32
      %broadcast_in_dim3A_10 = vector.broadcast %broadcast_in_dim3A : f32 to vector<10000x128xf32>
      %swap3A = arith.constant 0 : index
      %swap3A_11 = arith.constant 0 : index
      %swap3A_12 = vector.load %arg39[%swap3A, %swap3A_11] : memref<10000x128xf32, #tpu.memory_space<vmem>>, vector<10000x128xf32>
      tpu.vector_store %arg39[%swap3A, %swap3A_11], %broadcast_in_dim3A_10 {strides = array<i32>} : memref<10000x128xf32, #tpu.memory_space<vmem>>, vector<10000x128xf32>,
    } else {
    }
    %lt3A = arith.constant 250 : i32
    %lt3A_2 = arith.cmpi slt, %arg0, %lt3A : i32
    %convert_element_type3A_3 = arith.extui %lt3A_2 : i1 to i32
    %cond3A_4 = arith.constant 0 : i32
    %cond3A_5 = arith.cmpi ne, %convert_element_type3A_3, %cond3A_4 : i32
    scf.if %cond3A_5 {
      %get3A = arith.constant 0 : index
      %get3A_10 = arith.constant 0 : index
      %get3A_11 = vector.load %arg3[%get3A, %get3A_10] : memref<1280x128xbf16, #tpu.memory_space<vmem>>, vector<1280x128xbf16>
      %get3A_12 = arith.constant 0 : index
      %get3A_13 = arith.constant 0 : index
      %get3A_14 = vector.load %arg4[%get3A_12, %get3A_13] : memref<1280x128xf32, #tpu.memory_space<vmem>>, vector<1280x128xf32>
      %convert_element_type3A_15 = arith.truncf %get3A_14 : vector<1280x128xf32> to vector<1280x128xbf16>
      %mul3A = arith.mulf %get3A_11, %convert_element_type3A_15 : vector<1280x128xbf16>
      %get3A_16 = arith.constant 0 : index
      %get3A_17 = arith.constant 0 : index
      %get3A_18 = arith.constant 0 : index
      %get3A_19 = vector.load %arg5[%get3A_16, %get3A_17, %get3A_18] : memref<1x1x1280xi32, #tpu.memory_space<vmem>>, vector<1x1x1280xi32>
      %get3A_20 = vector.shape_cast %get3A_19 : vector<1x1x1280xi32> to vector<1x1280xi32>
      %get3A_21 = arith.constant 0 : index
      %get3A_22 = arith.constant 0 : index
      %get3A_23 = arith.constant 0 : index
      %get3A_24 = vector.load %arg6[%get3A_21, %get3A_22, %get3A_23] : memref<1x1x1280xf32, #tpu.memory_space<vmem>>, vector<1x1x1280xf32>
      %get3A_25 = vector.shape_cast %get3A_24 : vector<1x1x1280xf32> to vector<1x1280xf32>
      %convert_element_type3A_26 = arith.truncf %get3A_25 : vector<1x1280xf32> to vector<1x1280xbf16>
      %min3A = arith.constant 249 : i32
      %min3A_27 = arith.minsi %arg0, %min3A : i32
      %get3A_28 = arith.index_cast %min3A_27 : i32 to index
      %get3A_29 = memref.load %arg1[%get3A_28] : memref<250xi32, #tpu.memory_space<smem>>
      %get3A_30 = arith.index_cast %min3A_27 : i32 to index
      %get3A_31 = memref.load %arg2[%get3A_30] : memref<250xi32, #tpu.memory_space<smem>>
      %while3A = arith.constant 0 : i32
      %while3A_32 = arith.constant 0 : i32
      %while3A_33 = arith.subi %get3A_31, %while3A_32 : i32
      %while3A_34 = arith.addi %while3A_32, %while3A_33 : i32
      %while3A_35 = arith.constant 1 : i32
      %while3A_36 = arith.divsi %while3A_33, %while3A_35 : i32
      %while3A_37 = arith.muli %while3A_36, %while3A_35 : i32
      %while3A_38 = arith.addi %while3A_32, %while3A_37 : i32
      %while3A_39 = arith.constant 1 : i32
      scf.for %while3A_41 = %while3A_32 to %while3A_38 step %while3A_39  : i32 {
        %mul3A_42 = arith.constant 64 : i32
        %mul3A_43 = arith.muli %while3A_41, %mul3A_42 : i32
        %add3A = arith.addi %get3A_29, %mul3A_43 : i32
        %min3A_44 = arith.constant 9936 : i32
        %min3A_45 = arith.minsi %add3A, %min3A_44 : i32
        %sub3A = vector.broadcast %min3A_45 : i32 to vector<1x1280xi32>
        %sub3A_46 = arith.subi %get3A_20, %sub3A : vector<1x1280xi32>
        %ge3A_47 = vector.broadcast %add3A : i32 to vector<1x1280xi32>
        %ge3A_48 = arith.cmpi sge, %get3A_20, %ge3A_47 : vector<1x1280xi32>
        %add3A_49 = arith.constant 64 : i32
        %add3A_50 = arith.addi %add3A, %add3A_49 : i32
        %lt3A_51 = vector.broadcast %add3A_50 : i32 to vector<1x1280xi32>
        %lt3A_52 = arith.cmpi slt, %get3A_20, %lt3A_51 : vector<1x1280xi32>
        %and3A = arith.andi %ge3A_48, %lt3A_52 : vector<1x1280xi1>
        %iota3A = tpu.iota {dimensions = array<i32: 0>} : vector<64x1280xi32>
        %eq3A_53 = vector.broadcast %sub3A_46 : vector<1x1280xi32> to vector<64x1280xi32>
        %eq3A_54 = arith.cmpi eq, %iota3A, %eq3A_53 : vector<64x1280xi32>
        %and3A_55 = vector.broadcast %and3A : vector<1x1280xi1> to vector<64x1280xi1>
        %and3A_56 = arith.andi %eq3A_54, %and3A_55 : vector<64x1280xi1>
        %convert_element_type3A_57 = arith.extui %and3A_56 : vector<64x1280xi1> to vector<64x1280xi32>
        %convert_element_type3A_58 = arith.sitofp %convert_element_type3A_57 : vector<64x1280xi32> to vector<64x1280xf32>
        %convert_element_type3A_59 = arith.truncf %convert_element_type3A_58 : vector<64x1280xf32> to vector<64x1280xbf16>
        %mul3A_60 = vector.broadcast %convert_element_type3A_26 : vector<1x1280xbf16> to vector<64x1280xbf16>
        %mul3A_61 = arith.mulf %convert_element_type3A_59, %mul3A_60 : vector<64x1280xbf16>
        %dot_general3A = arith.constant dense<0.000000e+00> : vector<64x128xf32>
        %dot_general3A_62 = tpu.matmul %mul3A_61, %mul3A, %dot_general3A {dimension_numbers = #tpu.dot_dimension_numbers<[1], [0], [0], [1], [0, 0, 1, 1], [], []>, transpose_lhs_hint = false} : vector<64x1280xbf16>, vector<1280x128xbf16>, vector<64x128xf32> -> vector<64x128xf32>
        %get3A_63 = arith.index_cast %min3A_45 : i32 to index
        %get3A_64 = arith.constant 0 : index
        %get3A_65 = vector.load %arg39[%get3A_63, %get3A_64] : memref<10000x128xf32, #tpu.memory_space<vmem>>, vector<64x128xf32>
        %add3A_66 = arith.addf %get3A_65, %dot_general3A_62 : vector<64x128xf32>
        %swap3A = arith.index_cast %min3A_45 : i32 to index
        %swap3A_67 = arith.constant 0 : index
        %swap3A_68 = vector.load %arg39[%swap3A, %swap3A_67] : memref<10000x128xf32, #tpu.memory_space<vmem>>, vector<64x128xf32>
        tpu.vector_store %arg39[%swap3A, %swap3A_67], %add3A_66 {strides = array<i32>} : memref<10000x128xf32, #tpu.memory_space<vmem>>, vector<64x128xf32>,
      }
      %while3A_40 = arith.constant 1 : i32
      scf.for %while3A_41 = %while3A_38 to %while3A_34 step %while3A_40  : i32 {
        %mul3A_42 = arith.constant 64 : i32
        %mul3A_43 = arith.muli %while3A_41, %mul3A_42 : i32
        %add3A = arith.addi %get3A_29, %mul3A_43 : i32
        %min3A_44 = arith.constant 9936 : i32
        %min3A_45 = arith.minsi %add3A, %min3A_44 : i32
        %sub3A = vector.broadcast %min3A_45 : i32 to vector<1x1280xi32>
        %sub3A_46 = arith.subi %get3A_20, %sub3A : vector<1x1280xi32>
        %ge3A_47 = vector.broadcast %add3A : i32 to vector<1x1280xi32>
        %ge3A_48 = arith.cmpi sge, %get3A_20, %ge3A_47 : vector<1x1280xi32>
        %add3A_49 = arith.constant 64 : i32
        %add3A_50 = arith.addi %add3A, %add3A_49 : i32
        %lt3A_51 = vector.broadcast %add3A_50 : i32 to vector<1x1280xi32>
        %lt3A_52 = arith.cmpi slt, %get3A_20, %lt3A_51 : vector<1x1280xi32>
        %and3A = arith.andi %ge3A_48, %lt3A_52 : vector<1x1280xi1>
        %iota3A = tpu.iota {dimensions = array<i32: 0>} : vector<64x1280xi32>
        %eq3A_53 = vector.broadcast %sub3A_46 : vector<1x1280xi32> to vector<64x1280xi32>
        %eq3A_54 = arith.cmpi eq, %iota3A, %eq3A_53 : vector<64x1280xi32>
        %and3A_55 = vector.broadcast %and3A : vector<1x1280xi1> to vector<64x1280xi1>
        %and3A_56 = arith.andi %eq3A_54, %and3A_55 : vector<64x1280xi1>
        %convert_element_type3A_57 = arith.extui %and3A_56 : vector<64x1280xi1> to vector<64x1280xi32>
        %convert_element_type3A_58 = arith.sitofp %convert_element_type3A_57 : vector<64x1280xi32> to vector<64x1280xf32>
        %convert_element_type3A_59 = arith.truncf %convert_element_type3A_58 : vector<64x1280xf32> to vector<64x1280xbf16>
        %mul3A_60 = vector.broadcast %convert_element_type3A_26 : vector<1x1280xbf16> to vector<64x1280xbf16>
        %mul3A_61 = arith.mulf %convert_element_type3A_59, %mul3A_60 : vector<64x1280xbf16>
        %dot_general3A = arith.constant dense<0.000000e+00> : vector<64x128xf32>
        %dot_general3A_62 = tpu.matmul %mul3A_61, %mul3A, %dot_general3A {dimension_numbers = #tpu.dot_dimension_numbers<[1], [0], [0], [1], [0, 0, 1, 1], [], []>, transpose_lhs_hint = false} : vector<64x1280xbf16>, vector<1280x128xbf16>, vector<64x128xf32> -> vector<64x128xf32>
        %get3A_63 = arith.index_cast %min3A_45 : i32 to index
        %get3A_64 = arith.constant 0 : index
        %get3A_65 = vector.load %arg39[%get3A_63, %get3A_64] : memref<10000x128xf32, #tpu.memory_space<vmem>>, vector<64x128xf32>
        %add3A_66 = arith.addf %get3A_65, %dot_general3A_62 : vector<64x128xf32>
        %swap3A = arith.index_cast %min3A_45 : i32 to index
        %swap3A_67 = arith.constant 0 : index
        %swap3A_68 = vector.load %arg39[%swap3A, %swap3A_67] : memref<10000x128xf32, #tpu.memory_space<vmem>>, vector<64x128xf32>
        tpu.vector_store %arg39[%swap3A, %swap3A_67], %add3A_66 {strides = array<i32>} : memref<10000x128xf32, #tpu.memory_space<vmem>>, vector<64x128xf32>,
      }
    } else {
    }
    %ge3A = arith.constant 250 : i32
    %ge3A_6 = arith.cmpi sge, %arg0, %ge3A : i32
    %convert_element_type3A_7 = arith.extui %ge3A_6 : i1 to i32
    %cond3A_8 = arith.constant 0 : i32
    %cond3A_9 = arith.cmpi ne, %convert_element_type3A_7, %cond3A_8 : i32
    scf.if %cond3A_9 {
      %sub3A = arith.constant 250 : i32
      %sub3A_10 = arith.subi %arg0, %sub3A : i32
      %get3A = arith.constant 0 : index
      %get3A_11 = arith.constant 0 : index
      %get3A_12 = vector.load %arg8[%get3A, %get3A_11] : memref<1000x128xf32, #tpu.memory_space<vmem>>, vector<1000x128xf32>
      %mul3A = arith.constant 1000 : i32
      %mul3A_13 = arith.muli %sub3A_10, %mul3A : i32
      %get3A_14 = arith.index_cast %mul3A_13 : i32 to index
      %get3A_15 = arith.constant 0 : index
      %get3A_16 = vector.load %arg39[%get3A_14, %get3A_15] : memref<10000x128xf32, #tpu.memory_space<vmem>>, vector<1000x128xf32>
      %add3A = arith.addf %get3A_12, %get3A_16 : vector<1000x128xf32>
      %get3A_17 = arith.constant 0 : index
      %get3A_18 = arith.constant 0 : index
      %get3A_19 = vector.load %arg9[%get3A_17, %get3A_18] : memref<128x128xf32, #tpu.memory_space<vmem>>, vector<128x128xf32>
      %get3A_20 = arith.constant 0 : index
      %get3A_21 = arith.constant 0 : index
      %get3A_22 = vector.load %arg10[%get3A_20, %get3A_21] : memref<1x128xf32, #tpu.memory_space<vmem>>, vector<1x128xf32>
      %get3A_23 = arith.constant 0 : index
      %get3A_24 = arith.constant 0 : index
      %get3A_25 = vector.load %arg11[%get3A_23, %get3A_24] : memref<128x128xf32, #tpu.memory_space<vmem>>, vector<128x128xf32>
      %get3A_26 = arith.constant 0 : index
      %get3A_27 = arith.constant 0 : index
      %get3A_28 = vector.load %arg12[%get3A_26, %get3A_27] : memref<1x128xf32, #tpu.memory_space<vmem>>, vector<1x128xf32>
      %custom_jvp_call3A = arith.constant 0.000000e+00 : f32
      %max3A = vector.broadcast %custom_jvp_call3A : f32 to vector<1000x128xf32>
      %max3A_29 = arith.maximumf %add3A, %max3A : vector<1000x128xf32>
      %sub3A_30 = vector.broadcast %custom_jvp_call3A : f32 to vector<1000x128xf32>
      %sub3A_31 = arith.subf %add3A, %sub3A_30 : vector<1000x128xf32>
      %ne3A = arith.cmpf one, %sub3A_31, %sub3A_31 : vector<1000x128xf32>
      %add3A_32 = vector.broadcast %custom_jvp_call3A : f32 to vector<1000x128xf32>
      %add3A_33 = arith.addf %add3A, %add3A_32 : vector<1000x128xf32>
      %abs3A = math.absf %sub3A_31 : vector<1000x128xf32>
      %neg3A = arith.constant 0.000000e+00 : f32
      %neg3A_34 = vector.broadcast %neg3A : f32 to vector<1000x128xf32>
      %neg3A_35 = arith.subf %neg3A_34, %abs3A : vector<1000x128xf32>
      %exp3A = math.exp %neg3A_35 : vector<1000x128xf32>
      %log1p3A = math.log1p %exp3A : vector<1000x128xf32>
      %add3A_36 = arith.addf %max3A_29, %log1p3A : vector<1000x128xf32>
      %select_n3A = arith.select %ne3A, %add3A_33, %add3A_36 : vector<1000x128xi1>, vector<1000x128xf32>
      %sub3A_37 = arith.constant 0.693147182 : f32
      %sub3A_38 = vector.broadcast %sub3A_37 : f32 to vector<1000x128xf32>
      %sub3A_39 = arith.subf %select_n3A, %sub3A_38 : vector<1000x128xf32>
      %dot_general3A = arith.constant dense<0.000000e+00> : vector<1000x128xf32>
      %dot_general3A_40 = tpu.matmul %sub3A_39, %get3A_19, %dot_general3A {dimension_numbers = #tpu.dot_dimension_numbers<[1], [0], [0], [1], [0, 0, 1, 1], [], []>, transpose_lhs_hint = false} : vector<1000x128xf32>, vector<128x128xf32>, vector<1000x128xf32> -> vector<1000x128xf32>
      %add3A_41 = vector.broadcast %get3A_22 : vector<1x128xf32> to vector<1000x128xf32>
      %add3A_42 = arith.addf %dot_general3A_40, %add3A_41 : vector<1000x128xf32>
      %custom_jvp_call3A_43 = arith.constant 0.000000e+00 : f32
      %max3A_44 = vector.broadcast %custom_jvp_call3A_43 : f32 to vector<1000x128xf32>
      %max3A_45 = arith.maximumf %add3A_42, %max3A_44 : vector<1000x128xf32>
      %sub3A_46 = vector.broadcast %custom_jvp_call3A_43 : f32 to vector<1000x128xf32>
      %sub3A_47 = arith.subf %add3A_42, %sub3A_46 : vector<1000x128xf32>
      %ne3A_48 = arith.cmpf one, %sub3A_47, %sub3A_47 : vector<1000x128xf32>
      %add3A_49 = vector.broadcast %custom_jvp_call3A_43 : f32 to vector<1000x128xf32>
      %add3A_50 = arith.addf %add3A_42, %add3A_49 : vector<1000x128xf32>
      %abs3A_51 = math.absf %sub3A_47 : vector<1000x128xf32>
      %neg3A_52 = arith.constant 0.000000e+00 : f32
      %neg3A_53 = vector.broadcast %neg3A_52 : f32 to vector<1000x128xf32>
      %neg3A_54 = arith.subf %neg3A_53, %abs3A_51 : vector<1000x128xf32>
      %exp3A_55 = math.exp %neg3A_54 : vector<1000x128xf32>
      %log1p3A_56 = math.log1p %exp3A_55 : vector<1000x128xf32>
      %add3A_57 = arith.addf %max3A_45, %log1p3A_56 : vector<1000x128xf32>
      %select_n3A_58 = arith.select %ne3A_48, %add3A_50, %add3A_57 : vector<1000x128xi1>, vector<1000x128xf32>
      %sub3A_59 = arith.constant 0.693147182 : f32
      %sub3A_60 = vector.broadcast %sub3A_59 : f32 to vector<1000x128xf32>
      %sub3A_61 = arith.subf %select_n3A_58, %sub3A_60 : vector<1000x128xf32>
      %dot_general3A_62 = arith.constant dense<0.000000e+00> : vector<1000x128xf32>
      %dot_general3A_63 = tpu.matmul %sub3A_61, %get3A_25, %dot_general3A_62 {dimension_numbers = #tpu.dot_dimension_numbers<[1], [0], [0], [1], [0, 0, 1, 1], [], []>, transpose_lhs_hint = false} : vector<1000x128xf32>, vector<128x128xf32>, vector<1000x128xf32> -> vector<1000x128xf32>
      %add3A_64 = arith.addf %add3A, %dot_general3A_63 : vector<1000x128xf32>
      %add3A_65 = vector.broadcast %get3A_28 : vector<1x128xf32> to vector<1000x128xf32>
      %add3A_66 = arith.addf %add3A_64, %add3A_65 : vector<1000x128xf32>
      %get3A_67 = arith.constant 0 : index
      %get3A_68 = arith.constant 0 : index
      %get3A_69 = vector.load %arg13[%get3A_67, %get3A_68] : memref<128x128xf32, #tpu.memory_space<vmem>>, vector<128x128xf32>
      %get3A_70 = arith.constant 0 : index
      %get3A_71 = arith.constant 0 : index
      %get3A_72 = vector.load %arg14[%get3A_70, %get3A_71] : memref<1x128xf32, #tpu.memory_space<vmem>>, vector<1x128xf32>
      %get3A_73 = arith.constant 0 : index
      %get3A_74 = arith.constant 0 : index
      %get3A_75 = vector.load %arg15[%get3A_73, %get3A_74] : memref<128x128xf32, #tpu.memory_space<vmem>>, vector<128x128xf32>
      %get3A_76 = arith.constant 0 : index
      %get3A_77 = arith.constant 0 : index
      %get3A_78 = vector.load %arg16[%get3A_76, %get3A_77] : memref<1x128xf32, #tpu.memory_space<vmem>>, vector<1x128xf32>
      %custom_jvp_call3A_79 = arith.constant 0.000000e+00 : f32
      %max3A_80 = vector.broadcast %custom_jvp_call3A_79 : f32 to vector<1000x128xf32>
      %max3A_81 = arith.maximumf %add3A_66, %max3A_80 : vector<1000x128xf32>
      %sub3A_82 = vector.broadcast %custom_jvp_call3A_79 : f32 to vector<1000x128xf32>
      %sub3A_83 = arith.subf %add3A_66, %sub3A_82 : vector<1000x128xf32>
      %ne3A_84 = arith.cmpf one, %sub3A_83, %sub3A_83 : vector<1000x128xf32>
      %add3A_85 = vector.broadcast %custom_jvp_call3A_79 : f32 to vector<1000x128xf32>
      %add3A_86 = arith.addf %add3A_66, %add3A_85 : vector<1000x128xf32>
      %abs3A_87 = math.absf %sub3A_83 : vector<1000x128xf32>
      %neg3A_88 = arith.constant 0.000000e+00 : f32
      %neg3A_89 = vector.broadcast %neg3A_88 : f32 to vector<1000x128xf32>
      %neg3A_90 = arith.subf %neg3A_89, %abs3A_87 : vector<1000x128xf32>
      %exp3A_91 = math.exp %neg3A_90 : vector<1000x128xf32>
      %log1p3A_92 = math.log1p %exp3A_91 : vector<1000x128xf32>
      %add3A_93 = arith.addf %max3A_81, %log1p3A_92 : vector<1000x128xf32>
      %select_n3A_94 = arith.select %ne3A_84, %add3A_86, %add3A_93 : vector<1000x128xi1>, vector<1000x128xf32>
      %sub3A_95 = arith.constant 0.693147182 : f32
      %sub3A_96 = vector.broadcast %sub3A_95 : f32 to vector<1000x128xf32>
      %sub3A_97 = arith.subf %select_n3A_94, %sub3A_96 : vector<1000x128xf32>
      %dot_general3A_98 = arith.constant dense<0.000000e+00> : vector<1000x128xf32>
      %dot_general3A_99 = tpu.matmul %sub3A_97, %get3A_69, %dot_general3A_98 {dimension_numbers = #tpu.dot_dimension_numbers<[1], [0], [0], [1], [0, 0, 1, 1], [], []>, transpose_lhs_hint = false} : vector<1000x128xf32>, vector<128x128xf32>, vector<1000x128xf32> -> vector<1000x128xf32>
      %add3A_100 = vector.broadcast %get3A_72 : vector<1x128xf32> to vector<1000x128xf32>
      %add3A_101 = arith.addf %dot_general3A_99, %add3A_100 : vector<1000x128xf32>
      %custom_jvp_call3A_102 = arith.constant 0.000000e+00 : f32
      %max3A_103 = vector.broadcast %custom_jvp_call3A_102 : f32 to vector<1000x128xf32>
      %max3A_104 = arith.maximumf %add3A_101, %max3A_103 : vector<1000x128xf32>
      %sub3A_105 = vector.broadcast %custom_jvp_call3A_102 : f32 to vector<1000x128xf32>
      %sub3A_106 = arith.subf %add3A_101, %sub3A_105 : vector<1000x128xf32>
      %ne3A_107 = arith.cmpf one, %sub3A_106, %sub3A_106 : vector<1000x128xf32>
      %add3A_108 = vector.broadcast %custom_jvp_call3A_102 : f32 to vector<1000x128xf32>
      %add3A_109 = arith.addf %add3A_101, %add3A_108 : vector<1000x128xf32>
      %abs3A_110 = math.absf %sub3A_106 : vector<1000x128xf32>
      %neg3A_111 = arith.constant 0.000000e+00 : f32
      %neg3A_112 = vector.broadcast %neg3A_111 : f32 to vector<1000x128xf32>
      %neg3A_113 = arith.subf %neg3A_112, %abs3A_110 : vector<1000x128xf32>
      %exp3A_114 = math.exp %neg3A_113 : vector<1000x128xf32>
      %log1p3A_115 = math.log1p %exp3A_114 : vector<1000x128xf32>
      %add3A_116 = arith.addf %max3A_104, %log1p3A_115 : vector<1000x128xf32>
      %select_n3A_117 = arith.select %ne3A_107, %add3A_109, %add3A_116 : vector<1000x128xi1>, vector<1000x128xf32>
      %sub3A_118 = arith.constant 0.693147182 : f32
      %sub3A_119 = vector.broadcast %sub3A_118 : f32 to vector<1000x128xf32>
      %sub3A_120 = arith.subf %select_n3A_117, %sub3A_119 : vector<1000x128xf32>
      %dot_general3A_121 = arith.constant dense<0.000000e+00> : vector<1000x128xf32>
      %dot_general3A_122 = tpu.matmul %sub3A_120, %get3A_75, %dot_general3A_121 {dimension_numbers = #tpu.dot_dimension_numbers<[1], [0], [0], [1], [0, 0, 1, 1], [], []>, transpose_lhs_hint = false} : vector<1000x128xf32>, vector<128x128xf32>, vector<1000x128xf32> -> vector<1000x128xf32>
      %add3A_123 = arith.addf %add3A_66, %dot_general3A_122 : vector<1000x128xf32>
      %add3A_124 = vector.broadcast %get3A_78 : vector<1x128xf32> to vector<1000x128xf32>
      %add3A_125 = arith.addf %add3A_123, %add3A_124 : vector<1000x128xf32>
      %get3A_126 = arith.constant 0 : index
      %get3A_127 = arith.constant 0 : index
      %get3A_128 = vector.load %arg17[%get3A_126, %get3A_127] : memref<128x128xf32, #tpu.memory_space<vmem>>, vector<128x128xf32>
      %get3A_129 = arith.constant 0 : index
      %get3A_130 = arith.constant 0 : index
      %get3A_131 = vector.load %arg18[%get3A_129, %get3A_130] : memref<1x128xf32, #tpu.memory_space<vmem>>, vector<1x128xf32>
      %get3A_132 = arith.constant 0 : index
      %get3A_133 = arith.constant 0 : index
      %get3A_134 = vector.load %arg19[%get3A_132, %get3A_133] : memref<128x128xf32, #tpu.memory_space<vmem>>, vector<128x128xf32>
      %get3A_135 = arith.constant 0 : index
      %get3A_136 = arith.constant 0 : index
      %get3A_137 = vector.load %arg20[%get3A_135, %get3A_136] : memref<1x128xf32, #tpu.memory_space<vmem>>, vector<1x128xf32>
      %custom_jvp_call3A_138 = arith.constant 0.000000e+00 : f32
      %max3A_139 = vector.broadcast %custom_jvp_call3A_138 : f32 to vector<1000x128xf32>
      %max3A_140 = arith.maximumf %add3A_125, %max3A_139 : vector<1000x128xf32>
      %sub3A_141 = vector.broadcast %custom_jvp_call3A_138 : f32 to vector<1000x128xf32>
      %sub3A_142 = arith.subf %add3A_125, %sub3A_141 : vector<1000x128xf32>
      %ne3A_143 = arith.cmpf one, %sub3A_142, %sub3A_142 : vector<1000x128xf32>
      %add3A_144 = vector.broadcast %custom_jvp_call3A_138 : f32 to vector<1000x128xf32>
      %add3A_145 = arith.addf %add3A_125, %add3A_144 : vector<1000x128xf32>
      %abs3A_146 = math.absf %sub3A_142 : vector<1000x128xf32>
      %neg3A_147 = arith.constant 0.000000e+00 : f32
      %neg3A_148 = vector.broadcast %neg3A_147 : f32 to vector<1000x128xf32>
      %neg3A_149 = arith.subf %neg3A_148, %abs3A_146 : vector<1000x128xf32>
      %exp3A_150 = math.exp %neg3A_149 : vector<1000x128xf32>
      %log1p3A_151 = math.log1p %exp3A_150 : vector<1000x128xf32>
      %add3A_152 = arith.addf %max3A_140, %log1p3A_151 : vector<1000x128xf32>
      %select_n3A_153 = arith.select %ne3A_143, %add3A_145, %add3A_152 : vector<1000x128xi1>, vector<1000x128xf32>
      %sub3A_154 = arith.constant 0.693147182 : f32
      %sub3A_155 = vector.broadcast %sub3A_154 : f32 to vector<1000x128xf32>
      %sub3A_156 = arith.subf %select_n3A_153, %sub3A_155 : vector<1000x128xf32>
      %dot_general3A_157 = arith.constant dense<0.000000e+00> : vector<1000x128xf32>
      %dot_general3A_158 = tpu.matmul %sub3A_156, %get3A_128, %dot_general3A_157 {dimension_numbers = #tpu.dot_dimension_numbers<[1], [0], [0], [1], [0, 0, 1, 1], [], []>, transpose_lhs_hint = false} : vector<1000x128xf32>, vector<128x128xf32>, vector<1000x128xf32> -> vector<1000x128xf32>
      %add3A_159 = vector.broadcast %get3A_131 : vector<1x128xf32> to vector<1000x128xf32>
      %add3A_160 = arith.addf %dot_general3A_158, %add3A_159 : vector<1000x128xf32>
      %custom_jvp_call3A_161 = arith.constant 0.000000e+00 : f32
      %max3A_162 = vector.broadcast %custom_jvp_call3A_161 : f32 to vector<1000x128xf32>
      %max3A_163 = arith.maximumf %add3A_160, %max3A_162 : vector<1000x128xf32>
      %sub3A_164 = vector.broadcast %custom_jvp_call3A_161 : f32 to vector<1000x128xf32>
      %sub3A_165 = arith.subf %add3A_160, %sub3A_164 : vector<1000x128xf32>
      %ne3A_166 = arith.cmpf one, %sub3A_165, %sub3A_165 : vector<1000x128xf32>
      %add3A_167 = vector.broadcast %custom_jvp_call3A_161 : f32 to vector<1000x128xf32>
      %add3A_168 = arith.addf %add3A_160, %add3A_167 : vector<1000x128xf32>
      %abs3A_169 = math.absf %sub3A_165 : vector<1000x128xf32>
      %neg3A_170 = arith.constant 0.000000e+00 : f32
      %neg3A_171 = vector.broadcast %neg3A_170 : f32 to vector<1000x128xf32>
      %neg3A_172 = arith.subf %neg3A_171, %abs3A_169 : vector<1000x128xf32>
      %exp3A_173 = math.exp %neg3A_172 : vector<1000x128xf32>
      %log1p3A_174 = math.log1p %exp3A_173 : vector<1000x128xf32>
      %add3A_175 = arith.addf %max3A_163, %log1p3A_174 : vector<1000x128xf32>
      %select_n3A_176 = arith.select %ne3A_166, %add3A_168, %add3A_175 : vector<1000x128xi1>, vector<1000x128xf32>
      %sub3A_177 = arith.constant 0.693147182 : f32
      %sub3A_178 = vector.broadcast %sub3A_177 : f32 to vector<1000x128xf32>
      %sub3A_179 = arith.subf %select_n3A_176, %sub3A_178 : vector<1000x128xf32>
      %dot_general3A_180 = arith.constant dense<0.000000e+00> : vector<1000x128xf32>
      %dot_general3A_181 = tpu.matmul %sub3A_179, %get3A_134, %dot_general3A_180 {dimension_numbers = #tpu.dot_dimension_numbers<[1], [0], [0], [1], [0, 0, 1, 1], [], []>, transpose_lhs_hint = false} : vector<1000x128xf32>, vector<128x128xf32>, vector<1000x128xf32> -> vector<1000x128xf32>
      %add3A_182 = arith.addf %add3A_125, %dot_general3A_181 : vector<1000x128xf32>
      %add3A_183 = vector.broadcast %get3A_137 : vector<1x128xf32> to vector<1000x128xf32>
      %add3A_184 = arith.addf %add3A_182, %add3A_183 : vector<1000x128xf32>
      %custom_jvp_call3A_185 = arith.constant 0.000000e+00 : f32
      %max3A_186 = vector.broadcast %custom_jvp_call3A_185 : f32 to vector<1000x128xf32>
      %max3A_187 = arith.maximumf %add3A_184, %max3A_186 : vector<1000x128xf32>
      %sub3A_188 = vector.broadcast %custom_jvp_call3A_185 : f32 to vector<1000x128xf32>
      %sub3A_189 = arith.subf %add3A_184, %sub3A_188 : vector<1000x128xf32>
      %ne3A_190 = arith.cmpf one, %sub3A_189, %sub3A_189 : vector<1000x128xf32>
      %add3A_191 = vector.broadcast %custom_jvp_call3A_185 : f32 to vector<1000x128xf32>
      %add3A_192 = arith.addf %add3A_184, %add3A_191 : vector<1000x128xf32>
      %abs3A_193 = math.absf %sub3A_189 : vector<1000x128xf32>
      %neg3A_194 = arith.constant 0.000000e+00 : f32
      %neg3A_195 = vector.broadcast %neg3A_194 : f32 to vector<1000x128xf32>
      %neg3A_196 = arith.subf %neg3A_195, %abs3A_193 : vector<1000x128xf32>
      %exp3A_197 = math.exp %neg3A_196 : vector<1000x128xf32>
      %log1p3A_198 = math.log1p %exp3A_197 : vector<1000x128xf32>
      %add3A_199 = arith.addf %max3A_187, %log1p3A_198 : vector<1000x128xf32>
      %select_n3A_200 = arith.select %ne3A_190, %add3A_192, %add3A_199 : vector<1000x128xi1>, vector<1000x128xf32>
      %sub3A_201 = arith.constant 0.693147182 : f32
      %sub3A_202 = vector.broadcast %sub3A_201 : f32 to vector<1000x128xf32>
      %sub3A_203 = arith.subf %select_n3A_200, %sub3A_202 : vector<1000x128xf32>
      %get3A_204 = arith.constant 0 : index
      %get3A_205 = arith.constant 0 : index
      %get3A_206 = vector.load %arg21[%get3A_204, %get3A_205] : memref<128x128xf32, #tpu.memory_space<vmem>>, vector<128x128xf32>
      %get3A_207 = arith.constant 0 : index
      %get3A_208 = arith.constant 0 : index
      %get3A_209 = vector.load %arg22[%get3A_207, %get3A_208] : memref<1x128xf32, #tpu.memory_space<vmem>>, vector<1x128xf32>
      %get3A_210 = arith.constant 0 : index
      %get3A_211 = arith.constant 0 : index
      %get3A_212 = vector.load %arg23[%get3A_210, %get3A_211] : memref<1x128xf32, #tpu.memory_space<vmem>>, vector<1x128xf32>
      %get3A_213 = arith.constant 0 : index
      %get3A_214 = arith.constant 0 : index
      %get3A_215 = vector.load %arg7[%get3A_213, %get3A_214] : memref<1000x128xf32, #tpu.memory_space<vmem>>, vector<1000x128xf32>
      %mul3A_216 = vector.broadcast %get3A_212 : vector<1x128xf32> to vector<1000x128xf32>
      %mul3A_217 = arith.mulf %mul3A_216, %get3A_215 : vector<1000x128xf32>
      %dot_general3A_218 = arith.constant dense<0.000000e+00> : vector<1000x128xf32>
      %dot_general3A_219 = tpu.matmul %sub3A_203, %get3A_206, %dot_general3A_218 {dimension_numbers = #tpu.dot_dimension_numbers<[1], [0], [0], [1], [0, 0, 1, 1], [], []>, transpose_lhs_hint = false} : vector<1000x128xf32>, vector<128x128xf32>, vector<1000x128xf32> -> vector<1000x128xf32>
      %add3A_220 = arith.addf %mul3A_217, %dot_general3A_219 : vector<1000x128xf32>
      %add3A_221 = vector.broadcast %get3A_209 : vector<1x128xf32> to vector<1000x128xf32>
      %add3A_222 = arith.addf %add3A_220, %add3A_221 : vector<1000x128xf32>
      %get3A_223 = arith.constant 0 : index
      %get3A_224 = arith.constant 0 : index
      %get3A_225 = vector.load %arg24[%get3A_223, %get3A_224] : memref<128x128xf32, #tpu.memory_space<vmem>>, vector<128x128xf32>
      %get3A_226 = arith.constant 0 : index
      %get3A_227 = arith.constant 0 : index
      %get3A_228 = vector.load %arg25[%get3A_226, %get3A_227] : memref<1x128xf32, #tpu.memory_space<vmem>>, vector<1x128xf32>
      %get3A_229 = arith.constant 0 : index
      %get3A_230 = arith.constant 0 : index
      %get3A_231 = vector.load %arg26[%get3A_229, %get3A_230] : memref<128x128xf32, #tpu.memory_space<vmem>>, vector<128x128xf32>
      %get3A_232 = arith.constant 0 : index
      %get3A_233 = arith.constant 0 : index
      %get3A_234 = vector.load %arg27[%get3A_232, %get3A_233] : memref<1x128xf32, #tpu.memory_space<vmem>>, vector<1x128xf32>
      %custom_jvp_call3A_235 = arith.constant 0.000000e+00 : f32
      %max3A_236 = vector.broadcast %custom_jvp_call3A_235 : f32 to vector<1000x128xf32>
      %max3A_237 = arith.maximumf %add3A_222, %max3A_236 : vector<1000x128xf32>
      %sub3A_238 = vector.broadcast %custom_jvp_call3A_235 : f32 to vector<1000x128xf32>
      %sub3A_239 = arith.subf %add3A_222, %sub3A_238 : vector<1000x128xf32>
      %ne3A_240 = arith.cmpf one, %sub3A_239, %sub3A_239 : vector<1000x128xf32>
      %add3A_241 = vector.broadcast %custom_jvp_call3A_235 : f32 to vector<1000x128xf32>
      %add3A_242 = arith.addf %add3A_222, %add3A_241 : vector<1000x128xf32>
      %abs3A_243 = math.absf %sub3A_239 : vector<1000x128xf32>
      %neg3A_244 = arith.constant 0.000000e+00 : f32
      %neg3A_245 = vector.broadcast %neg3A_244 : f32 to vector<1000x128xf32>
      %neg3A_246 = arith.subf %neg3A_245, %abs3A_243 : vector<1000x128xf32>
      %exp3A_247 = math.exp %neg3A_246 : vector<1000x128xf32>
      %log1p3A_248 = math.log1p %exp3A_247 : vector<1000x128xf32>
      %add3A_249 = arith.addf %max3A_237, %log1p3A_248 : vector<1000x128xf32>
      %select_n3A_250 = arith.select %ne3A_240, %add3A_242, %add3A_249 : vector<1000x128xi1>, vector<1000x128xf32>
      %sub3A_251 = arith.constant 0.693147182 : f32
      %sub3A_252 = vector.broadcast %sub3A_251 : f32 to vector<1000x128xf32>
      %sub3A_253 = arith.subf %select_n3A_250, %sub3A_252 : vector<1000x128xf32>
      %dot_general3A_254 = arith.constant dense<0.000000e+00> : vector<1000x128xf32>
      %dot_general3A_255 = tpu.matmul %sub3A_253, %get3A_225, %dot_general3A_254 {dimension_numbers = #tpu.dot_dimension_numbers<[1], [0], [0], [1], [0, 0, 1, 1], [], []>, transpose_lhs_hint = false} : vector<1000x128xf32>, vector<128x128xf32>, vector<1000x128xf32> -> vector<1000x128xf32>
      %add3A_256 = vector.broadcast %get3A_228 : vector<1x128xf32> to vector<1000x128xf32>
      %add3A_257 = arith.addf %dot_general3A_255, %add3A_256 : vector<1000x128xf32>
      %custom_jvp_call3A_258 = arith.constant 0.000000e+00 : f32
      %max3A_259 = vector.broadcast %custom_jvp_call3A_258 : f32 to vector<1000x128xf32>
      %max3A_260 = arith.maximumf %add3A_257, %max3A_259 : vector<1000x128xf32>
      %sub3A_261 = vector.broadcast %custom_jvp_call3A_258 : f32 to vector<1000x128xf32>
      %sub3A_262 = arith.subf %add3A_257, %sub3A_261 : vector<1000x128xf32>
      %ne3A_263 = arith.cmpf one, %sub3A_262, %sub3A_262 : vector<1000x128xf32>
      %add3A_264 = vector.broadcast %custom_jvp_call3A_258 : f32 to vector<1000x128xf32>
      %add3A_265 = arith.addf %add3A_257, %add3A_264 : vector<1000x128xf32>
      %abs3A_266 = math.absf %sub3A_262 : vector<1000x128xf32>
      %neg3A_267 = arith.constant 0.000000e+00 : f32
      %neg3A_268 = vector.broadcast %neg3A_267 : f32 to vector<1000x128xf32>
      %neg3A_269 = arith.subf %neg3A_268, %abs3A_266 : vector<1000x128xf32>
      %exp3A_270 = math.exp %neg3A_269 : vector<1000x128xf32>
      %log1p3A_271 = math.log1p %exp3A_270 : vector<1000x128xf32>
      %add3A_272 = arith.addf %max3A_260, %log1p3A_271 : vector<1000x128xf32>
      %select_n3A_273 = arith.select %ne3A_263, %add3A_265, %add3A_272 : vector<1000x128xi1>, vector<1000x128xf32>
      %sub3A_274 = arith.constant 0.693147182 : f32
      %sub3A_275 = vector.broadcast %sub3A_274 : f32 to vector<1000x128xf32>
      %sub3A_276 = arith.subf %select_n3A_273, %sub3A_275 : vector<1000x128xf32>
      %dot_general3A_277 = arith.constant dense<0.000000e+00> : vector<1000x128xf32>
      %dot_general3A_278 = tpu.matmul %sub3A_276, %get3A_231, %dot_general3A_277 {dimension_numbers = #tpu.dot_dimension_numbers<[1], [0], [0], [1], [0, 0, 1, 1], [], []>, transpose_lhs_hint = false} : vector<1000x128xf32>, vector<128x128xf32>, vector<1000x128xf32> -> vector<1000x128xf32>
      %add3A_279 = arith.addf %add3A_222, %dot_general3A_278 : vector<1000x128xf32>
      %add3A_280 = vector.broadcast %get3A_234 : vector<1x128xf32> to vector<1000x128xf32>
      %add3A_281 = arith.addf %add3A_279, %add3A_280 : vector<1000x128xf32>
      %get3A_282 = arith.constant 0 : index
      %get3A_283 = arith.constant 0 : index
      %get3A_284 = vector.load %arg28[%get3A_282, %get3A_283] : memref<128x128xf32, #tpu.memory_space<vmem>>, vector<128x128xf32>
      %get3A_285 = arith.constant 0 : index
      %get3A_286 = arith.constant 0 : index
      %get3A_287 = vector.load %arg29[%get3A_285, %get3A_286] : memref<1x128xf32, #tpu.memory_space<vmem>>, vector<1x128xf32>
      %get3A_288 = arith.constant 0 : index
      %get3A_289 = arith.constant 0 : index
      %get3A_290 = vector.load %arg30[%get3A_288, %get3A_289] : memref<128x128xf32, #tpu.memory_space<vmem>>, vector<128x128xf32>
      %get3A_291 = arith.constant 0 : index
      %get3A_292 = arith.constant 0 : index
      %get3A_293 = vector.load %arg31[%get3A_291, %get3A_292] : memref<1x128xf32, #tpu.memory_space<vmem>>, vector<1x128xf32>
      %custom_jvp_call3A_294 = arith.constant 0.000000e+00 : f32
      %max3A_295 = vector.broadcast %custom_jvp_call3A_294 : f32 to vector<1000x128xf32>
      %max3A_296 = arith.maximumf %add3A_281, %max3A_295 : vector<1000x128xf32>
      %sub3A_297 = vector.broadcast %custom_jvp_call3A_294 : f32 to vector<1000x128xf32>
      %sub3A_298 = arith.subf %add3A_281, %sub3A_297 : vector<1000x128xf32>
      %ne3A_299 = arith.cmpf one, %sub3A_298, %sub3A_298 : vector<1000x128xf32>
      %add3A_300 = vector.broadcast %custom_jvp_call3A_294 : f32 to vector<1000x128xf32>
      %add3A_301 = arith.addf %add3A_281, %add3A_300 : vector<1000x128xf32>
      %abs3A_302 = math.absf %sub3A_298 : vector<1000x128xf32>
      %neg3A_303 = arith.constant 0.000000e+00 : f32
      %neg3A_304 = vector.broadcast %neg3A_303 : f32 to vector<1000x128xf32>
      %neg3A_305 = arith.subf %neg3A_304, %abs3A_302 : vector<1000x128xf32>
      %exp3A_306 = math.exp %neg3A_305 : vector<1000x128xf32>
      %log1p3A_307 = math.log1p %exp3A_306 : vector<1000x128xf32>
      %add3A_308 = arith.addf %max3A_296, %log1p3A_307 : vector<1000x128xf32>
      %select_n3A_309 = arith.select %ne3A_299, %add3A_301, %add3A_308 : vector<1000x128xi1>, vector<1000x128xf32>
      %sub3A_310 = arith.constant 0.693147182 : f32
      %sub3A_311 = vector.broadcast %sub3A_310 : f32 to vector<1000x128xf32>
      %sub3A_312 = arith.subf %select_n3A_309, %sub3A_311 : vector<1000x128xf32>
      %dot_general3A_313 = arith.constant dense<0.000000e+00> : vector<1000x128xf32>
      %dot_general3A_314 = tpu.matmul %sub3A_312, %get3A_284, %dot_general3A_313 {dimension_numbers = #tpu.dot_dimension_numbers<[1], [0], [0], [1], [0, 0, 1, 1], [], []>, transpose_lhs_hint = false} : vector<1000x128xf32>, vector<128x128xf32>, vector<1000x128xf32> -> vector<1000x128xf32>
      %add3A_315 = vector.broadcast %get3A_287 : vector<1x128xf32> to vector<1000x128xf32>
      %add3A_316 = arith.addf %dot_general3A_314, %add3A_315 : vector<1000x128xf32>
      %custom_jvp_call3A_317 = arith.constant 0.000000e+00 : f32
      %max3A_318 = vector.broadcast %custom_jvp_call3A_317 : f32 to vector<1000x128xf32>
      %max3A_319 = arith.maximumf %add3A_316, %max3A_318 : vector<1000x128xf32>
      %sub3A_320 = vector.broadcast %custom_jvp_call3A_317 : f32 to vector<1000x128xf32>
      %sub3A_321 = arith.subf %add3A_316, %sub3A_320 : vector<1000x128xf32>
      %ne3A_322 = arith.cmpf one, %sub3A_321, %sub3A_321 : vector<1000x128xf32>
      %add3A_323 = vector.broadcast %custom_jvp_call3A_317 : f32 to vector<1000x128xf32>
      %add3A_324 = arith.addf %add3A_316, %add3A_323 : vector<1000x128xf32>
      %abs3A_325 = math.absf %sub3A_321 : vector<1000x128xf32>
      %neg3A_326 = arith.constant 0.000000e+00 : f32
      %neg3A_327 = vector.broadcast %neg3A_326 : f32 to vector<1000x128xf32>
      %neg3A_328 = arith.subf %neg3A_327, %abs3A_325 : vector<1000x128xf32>
      %exp3A_329 = math.exp %neg3A_328 : vector<1000x128xf32>
      %log1p3A_330 = math.log1p %exp3A_329 : vector<1000x128xf32>
      %add3A_331 = arith.addf %max3A_319, %log1p3A_330 : vector<1000x128xf32>
      %select_n3A_332 = arith.select %ne3A_322, %add3A_324, %add3A_331 : vector<1000x128xi1>, vector<1000x128xf32>
      %sub3A_333 = arith.constant 0.693147182 : f32
      %sub3A_334 = vector.broadcast %sub3A_333 : f32 to vector<1000x128xf32>
      %sub3A_335 = arith.subf %select_n3A_332, %sub3A_334 : vector<1000x128xf32>
      %dot_general3A_336 = arith.constant dense<0.000000e+00> : vector<1000x128xf32>
      %dot_general3A_337 = tpu.matmul %sub3A_335, %get3A_290, %dot_general3A_336 {dimension_numbers = #tpu.dot_dimension_numbers<[1], [0], [0], [1], [0, 0, 1, 1], [], []>, transpose_lhs_hint = false} : vector<1000x128xf32>, vector<128x128xf32>, vector<1000x128xf32> -> vector<1000x128xf32>
      %add3A_338 = arith.addf %add3A_281, %dot_general3A_337 : vector<1000x128xf32>
      %add3A_339 = vector.broadcast %get3A_293 : vector<1x128xf32> to vector<1000x128xf32>
      %add3A_340 = arith.addf %add3A_338, %add3A_339 : vector<1000x128xf32>
      %swap3A = arith.constant 0 : index
      %swap3A_341 = arith.constant 0 : index
      %swap3A_342 = vector.load %arg36[%swap3A, %swap3A_341] : memref<1000x128xf32, #tpu.memory_space<vmem>>, vector<1000x128xf32>
      tpu.vector_store %arg36[%swap3A, %swap3A_341], %add3A_340 {strides = array<i32>} : memref<1000x128xf32, #tpu.memory_space<vmem>>, vector<1000x128xf32>,
      %get3A_343 = arith.constant 0 : index
      %get3A_344 = arith.constant 0 : index
      %get3A_345 = vector.load %arg32[%get3A_343, %get3A_344] : memref<128x128xf32, #tpu.memory_space<vmem>>, vector<128x128xf32>
      %get3A_346 = arith.constant 0 : index
      %get3A_347 = arith.constant 0 : index
      %get3A_348 = vector.load %arg33[%get3A_346, %get3A_347] : memref<1x128xf32, #tpu.memory_space<vmem>>, vector<1x128xf32>
      %get3A_349 = arith.constant 0 : index
      %get3A_350 = arith.constant 0 : index
      %get3A_351 = vector.load %arg34[%get3A_349, %get3A_350] : memref<128x128xf32, #tpu.memory_space<vmem>>, vector<128x128xf32>
      %get3A_352 = arith.constant 0 : index
      %get3A_353 = arith.constant 0 : index
      %get3A_354 = vector.load %arg35[%get3A_352, %get3A_353] : memref<1x128xf32, #tpu.memory_space<vmem>>, vector<1x128xf32>
      %custom_jvp_call3A_355 = arith.constant 0.000000e+00 : f32
      %max3A_356 = vector.broadcast %custom_jvp_call3A_355 : f32 to vector<1000x128xf32>
      %max3A_357 = arith.maximumf %add3A_340, %max3A_356 : vector<1000x128xf32>
      %sub3A_358 = vector.broadcast %custom_jvp_call3A_355 : f32 to vector<1000x128xf32>
      %sub3A_359 = arith.subf %add3A_340, %sub3A_358 : vector<1000x128xf32>
      %ne3A_360 = arith.cmpf one, %sub3A_359, %sub3A_359 : vector<1000x128xf32>
      %add3A_361 = vector.broadcast %custom_jvp_call3A_355 : f32 to vector<1000x128xf32>
      %add3A_362 = arith.addf %add3A_340, %add3A_361 : vector<1000x128xf32>
      %abs3A_363 = math.absf %sub3A_359 : vector<1000x128xf32>
      %neg3A_364 = arith.constant 0.000000e+00 : f32
      %neg3A_365 = vector.broadcast %neg3A_364 : f32 to vector<1000x128xf32>
      %neg3A_366 = arith.subf %neg3A_365, %abs3A_363 : vector<1000x128xf32>
      %exp3A_367 = math.exp %neg3A_366 : vector<1000x128xf32>
      %log1p3A_368 = math.log1p %exp3A_367 : vector<1000x128xf32>
      %add3A_369 = arith.addf %max3A_357, %log1p3A_368 : vector<1000x128xf32>
      %select_n3A_370 = arith.select %ne3A_360, %add3A_362, %add3A_369 : vector<1000x128xi1>, vector<1000x128xf32>
      %sub3A_371 = arith.constant 0.693147182 : f32
      %sub3A_372 = vector.broadcast %sub3A_371 : f32 to vector<1000x128xf32>
      %sub3A_373 = arith.subf %select_n3A_370, %sub3A_372 : vector<1000x128xf32>
      %dot_general3A_374 = arith.constant dense<0.000000e+00> : vector<1000x128xf32>
      %dot_general3A_375 = tpu.matmul %sub3A_373, %get3A_345, %dot_general3A_374 {dimension_numbers = #tpu.dot_dimension_numbers<[1], [0], [0], [1], [0, 0, 1, 1], [], []>, transpose_lhs_hint = false} : vector<1000x128xf32>, vector<128x128xf32>, vector<1000x128xf32> -> vector<1000x128xf32>
      %add3A_376 = vector.broadcast %get3A_348 : vector<1x128xf32> to vector<1000x128xf32>
      %add3A_377 = arith.addf %dot_general3A_375, %add3A_376 : vector<1000x128xf32>
      %custom_jvp_call3A_378 = arith.constant 0.000000e+00 : f32
      %max3A_379 = vector.broadcast %custom_jvp_call3A_378 : f32 to vector<1000x128xf32>
      %max3A_380 = arith.maximumf %add3A_377, %max3A_379 : vector<1000x128xf32>
      %sub3A_381 = vector.broadcast %custom_jvp_call3A_378 : f32 to vector<1000x128xf32>
      %sub3A_382 = arith.subf %add3A_377, %sub3A_381 : vector<1000x128xf32>
      %ne3A_383 = arith.cmpf one, %sub3A_382, %sub3A_382 : vector<1000x128xf32>
      %add3A_384 = vector.broadcast %custom_jvp_call3A_378 : f32 to vector<1000x128xf32>
      %add3A_385 = arith.addf %add3A_377, %add3A_384 : vector<1000x128xf32>
      %abs3A_386 = math.absf %sub3A_382 : vector<1000x128xf32>
      %neg3A_387 = arith.constant 0.000000e+00 : f32
      %neg3A_388 = vector.broadcast %neg3A_387 : f32 to vector<1000x128xf32>
      %neg3A_389 = arith.subf %neg3A_388, %abs3A_386 : vector<1000x128xf32>
      %exp3A_390 = math.exp %neg3A_389 : vector<1000x128xf32>
      %log1p3A_391 = math.log1p %exp3A_390 : vector<1000x128xf32>
      %add3A_392 = arith.addf %max3A_380, %log1p3A_391 : vector<1000x128xf32>
      %select_n3A_393 = arith.select %ne3A_383, %add3A_385, %add3A_392 : vector<1000x128xi1>, vector<1000x128xf32>
      %sub3A_394 = arith.constant 0.693147182 : f32
      %sub3A_395 = vector.broadcast %sub3A_394 : f32 to vector<1000x128xf32>
      %sub3A_396 = arith.subf %select_n3A_393, %sub3A_395 : vector<1000x128xf32>
      %swap3A_397 = arith.constant 0 : index
      %swap3A_398 = arith.constant 0 : index
      %swap3A_399 = vector.load %arg37[%swap3A_397, %swap3A_398] : memref<1000x128xf32, #tpu.memory_space<vmem>>, vector<1000x128xf32>
      tpu.vector_store %arg37[%swap3A_397, %swap3A_398], %sub3A_396 {strides = array<i32>} : memref<1000x128xf32, #tpu.memory_space<vmem>>, vector<1000x128xf32>,
      %dot_general3A_400 = arith.constant dense<0.000000e+00> : vector<1000x128xf32>
      %dot_general3A_401 = tpu.matmul %sub3A_373, %get3A_351, %dot_general3A_400 {dimension_numbers = #tpu.dot_dimension_numbers<[1], [0], [0], [1], [0, 0, 1, 1], [], []>, transpose_lhs_hint = false} : vector<1000x128xf32>, vector<128x128xf32>, vector<1000x128xf32> -> vector<1000x128xf32>
      %add3A_402 = vector.broadcast %get3A_354 : vector<1x128xf32> to vector<1000x128xf32>
      %add3A_403 = arith.addf %dot_general3A_401, %add3A_402 : vector<1000x128xf32>
      %custom_jvp_call3A_404 = arith.constant 0.000000e+00 : f32
      %max3A_405 = vector.broadcast %custom_jvp_call3A_404 : f32 to vector<1000x128xf32>
      %max3A_406 = arith.maximumf %add3A_403, %max3A_405 : vector<1000x128xf32>
      %sub3A_407 = vector.broadcast %custom_jvp_call3A_404 : f32 to vector<1000x128xf32>
      %sub3A_408 = arith.subf %add3A_403, %sub3A_407 : vector<1000x128xf32>
      %ne3A_409 = arith.cmpf one, %sub3A_408, %sub3A_408 : vector<1000x128xf32>
      %add3A_410 = vector.broadcast %custom_jvp_call3A_404 : f32 to vector<1000x128xf32>
      %add3A_411 = arith.addf %add3A_403, %add3A_410 : vector<1000x128xf32>
      %abs3A_412 = math.absf %sub3A_408 : vector<1000x128xf32>
      %neg3A_413 = arith.constant 0.000000e+00 : f32
      %neg3A_414 = vector.broadcast %neg3A_413 : f32 to vector<1000x128xf32>
      %neg3A_415 = arith.subf %neg3A_414, %abs3A_412 : vector<1000x128xf32>
      %exp3A_416 = math.exp %neg3A_415 : vector<1000x128xf32>
      %log1p3A_417 = math.log1p %exp3A_416 : vector<1000x128xf32>
      %add3A_418 = arith.addf %max3A_406, %log1p3A_417 : vector<1000x128xf32>
      %select_n3A_419 = arith.select %ne3A_409, %add3A_411, %add3A_418 : vector<1000x128xi1>, vector<1000x128xf32>
      %sub3A_420 = arith.constant 0.693147182 : f32
      %sub3A_421 = vector.broadcast %sub3A_420 : f32 to vector<1000x128xf32>
      %sub3A_422 = arith.subf %select_n3A_419, %sub3A_421 : vector<1000x128xf32>
      %swap3A_423 = arith.constant 0 : index
      %swap3A_424 = arith.constant 0 : index
      %swap3A_425 = vector.load %arg38[%swap3A_423, %swap3A_424] : memref<1000x128xf32, #tpu.memory_space<vmem>>, vector<1000x128xf32>
      tpu.vector_store %arg38[%swap3A_423, %swap3A_424], %sub3A_422 {strides = array<i32>} : memref<1000x128xf32, #tpu.memory_space<vmem>>, vector<1000x128xf32>,
    } else {
    }
    return
  }
  func.func @transform_0(%arg0: i32, %arg1: memref<250xi32, #tpu.memory_space<smem>>, %arg2: memref<250xi32, #tpu.memory_space<smem>>) -> (i32, i32) {
    %min3A = arith.constant 249 : i32
    %min3A_0 = arith.minsi %arg0, %min3A : i32
    %c2_i32 = arith.constant 2 : i32
    %c0_i32 = arith.constant 0 : i32
    return %min3A_0, %c2_i32 : i32, i32
  }
  func.func @transform_1(%arg0: i32, %arg1: memref<250xi32, #tpu.memory_space<smem>>, %arg2: memref<250xi32, #tpu.memory_space<smem>>) -> (i32, i32) {
    %min3A = arith.constant 249 : i32
    %min3A_0 = arith.minsi %arg0, %min3A : i32
    %c0_i32 = arith.constant 0 : i32
    %c0_i32_1 = arith.constant 0 : i32
    return %min3A_0, %c0_i32 : i32, i32
  }
  func.func @transform_2(%arg0: i32, %arg1: memref<250xi32, #tpu.memory_space<smem>>, %arg2: memref<250xi32, #tpu.memory_space<smem>>) -> (i32, i32, i32) {
    %min3A = arith.constant 249 : i32
    %min3A_0 = arith.minsi %arg0, %min3A : i32
    %c0_i32 = arith.constant 0 : i32
    %c0_i32_1 = arith.constant 0 : i32
    %c0_i32_2 = arith.constant 0 : i32
    return %min3A_0, %c0_i32, %c0_i32_1 : i32, i32, i32
  }
  func.func @transform_3(%arg0: i32, %arg1: memref<250xi32, #tpu.memory_space<smem>>, %arg2: memref<250xi32, #tpu.memory_space<smem>>) -> (i32, i32, i32) {
    %min3A = arith.constant 249 : i32
    %min3A_0 = arith.minsi %arg0, %min3A : i32
    %c0_i32 = arith.constant 0 : i32
    %c0_i32_1 = arith.constant 0 : i32
    %c0_i32_2 = arith.constant 0 : i32
    return %min3A_0, %c0_i32, %c0_i32_1 : i32, i32, i32
  }
  func.func @transform_4(%arg0: i32, %arg1: memref<250xi32, #tpu.memory_space<smem>>, %arg2: memref<250xi32, #tpu.memory_space<smem>>) -> (i32, i32) {
    %sub3A = arith.constant 250 : i32
    %sub3A_0 = arith.subi %arg0, %sub3A : i32
    %max3A = arith.constant 0 : i32
    %max3A_1 = arith.maxsi %sub3A_0, %max3A : i32
    %c0_i32 = arith.constant 0 : i32
    %c0_i32_2 = arith.constant 0 : i32
    return %max3A_1, %c0_i32 : i32, i32
  }
  func.func @transform_5(%arg0: i32, %arg1: memref<250xi32, #tpu.memory_space<smem>>, %arg2: memref<250xi32, #tpu.memory_space<smem>>) -> (i32, i32) {
    %sub3A = arith.constant 250 : i32
    %sub3A_0 = arith.subi %arg0, %sub3A : i32
    %max3A = arith.constant 0 : i32
    %max3A_1 = arith.maxsi %sub3A_0, %max3A : i32
    %c0_i32 = arith.constant 0 : i32
    %c0_i32_2 = arith.constant 0 : i32
    return %max3A_1, %c0_i32 : i32, i32
  }
  func.func @transform_6(%arg0: i32, %arg1: memref<250xi32, #tpu.memory_space<smem>>, %arg2: memref<250xi32, #tpu.memory_space<smem>>) -> (i32, i32) {
    %c0_i32 = arith.constant 0 : i32
    %c0_i32_0 = arith.constant 0 : i32
    %c0_i32_1 = arith.constant 0 : i32
    return %c0_i32, %c0_i32_0 : i32, i32
  }
  func.func @transform_7(%arg0: i32, %arg1: memref<250xi32, #tpu.memory_space<smem>>, %arg2: memref<250xi32, #tpu.memory_space<smem>>) -> (i32, i32) {
    %c0_i32 = arith.constant 0 : i32
    %c0_i32_0 = arith.constant 0 : i32
    %c0_i32_1 = arith.constant 0 : i32
    return %c0_i32, %c0_i32_0 : i32, i32
  }
  func.func @transform_8(%arg0: i32, %arg1: memref<250xi32, #tpu.memory_space<smem>>, %arg2: memref<250xi32, #tpu.memory_space<smem>>) -> (i32, i32) {
    %c0_i32 = arith.constant 0 : i32
    %c0_i32_0 = arith.constant 0 : i32
    %c0_i32_1 = arith.constant 0 : i32
    return %c0_i32, %c0_i32_0 : i32, i32
  }
  func.func @transform_9(%arg0: i32, %arg1: memref<250xi32, #tpu.memory_space<smem>>, %arg2: memref<250xi32, #tpu.memory_space<smem>>) -> (i32, i32) {
    %c0_i32 = arith.constant 0 : i32
    %c0_i32_0 = arith.constant 0 : i32
    %c0_i32_1 = arith.constant 0 : i32
    return %c0_i32, %c0_i32_0 : i32, i32
  }
  func.func @transform_10(%arg0: i32, %arg1: memref<250xi32, #tpu.memory_space<smem>>, %arg2: memref<250xi32, #tpu.memory_space<smem>>) -> (i32, i32) {
    %c0_i32 = arith.constant 0 : i32
    %c0_i32_0 = arith.constant 0 : i32
    %c0_i32_1 = arith.constant 0 : i32
    return %c0_i32, %c0_i32_0 : i32, i32
  }
  func.func @transform_11(%arg0: i32, %arg1: memref<250xi32, #tpu.memory_space<smem>>, %arg2: memref<250xi32, #tpu.memory_space<smem>>) -> (i32, i32) {
    %c0_i32 = arith.constant 0 : i32
    %c0_i32_0 = arith.constant 0 : i32
    %c0_i32_1 = arith.constant 0 : i32
    return %c0_i32, %c0_i32_0 : i32, i32
  }
  func.func @transform_12(%arg0: i32, %arg1: memref<250xi32, #tpu.memory_space<smem>>, %arg2: memref<250xi32, #tpu.memory_space<smem>>) -> (i32, i32) {
    %c0_i32 = arith.constant 0 : i32
    %c0_i32_0 = arith.constant 0 : i32
    %c0_i32_1 = arith.constant 0 : i32
    return %c0_i32, %c0_i32_0 : i32, i32
  }
  func.func @transform_13(%arg0: i32, %arg1: memref<250xi32, #tpu.memory_space<smem>>, %arg2: memref<250xi32, #tpu.memory_space<smem>>) -> (i32, i32) {
    %c0_i32 = arith.constant 0 : i32
    %c0_i32_0 = arith.constant 0 : i32
    %c0_i32_1 = arith.constant 0 : i32
    return %c0_i32, %c0_i32_0 : i32, i32
  }
  func.func @transform_14(%arg0: i32, %arg1: memref<250xi32, #tpu.memory_space<smem>>, %arg2: memref<250xi32, #tpu.memory_space<smem>>) -> (i32, i32) {
    %c0_i32 = arith.constant 0 : i32
    %c0_i32_0 = arith.constant 0 : i32
    %c0_i32_1 = arith.constant 0 : i32
    return %c0_i32, %c0_i32_0 : i32, i32
  }
  func.func @transform_15(%arg0: i32, %arg1: memref<250xi32, #tpu.memory_space<smem>>, %arg2: memref<250xi32, #tpu.memory_space<smem>>) -> (i32, i32) {
    %c0_i32 = arith.constant 0 : i32
    %c0_i32_0 = arith.constant 0 : i32
    %c0_i32_1 = arith.constant 0 : i32
    return %c0_i32, %c0_i32_0 : i32, i32
  }
  func.func @transform_16(%arg0: i32, %arg1: memref<250xi32, #tpu.memory_space<smem>>, %arg2: memref<250xi32, #tpu.memory_space<smem>>) -> (i32, i32) {
    %c0_i32 = arith.constant 0 : i32
    %c0_i32_0 = arith.constant 0 : i32
    %c0_i32_1 = arith.constant 0 : i32
    return %c0_i32, %c0_i32_0 : i32, i32
  }
  func.func @transform_17(%arg0: i32, %arg1: memref<250xi32, #tpu.memory_space<smem>>, %arg2: memref<250xi32, #tpu.memory_space<smem>>) -> (i32, i32) {
    %c0_i32 = arith.constant 0 : i32
    %c0_i32_0 = arith.constant 0 : i32
    %c0_i32_1 = arith.constant 0 : i32
    return %c0_i32, %c0_i32_0 : i32, i32
  }
  func.func @transform_18(%arg0: i32, %arg1: memref<250xi32, #tpu.memory_space<smem>>, %arg2: memref<250xi32, #tpu.memory_space<smem>>) -> (i32, i32) {
    %c0_i32 = arith.constant 0 : i32
    %c0_i32_0 = arith.constant 0 : i32
    %c0_i32_1 = arith.constant 0 : i32
    return %c0_i32, %c0_i32_0 : i32, i32
  }
  func.func @transform_19(%arg0: i32, %arg1: memref<250xi32, #tpu.memory_space<smem>>, %arg2: memref<250xi32, #tpu.memory_space<smem>>) -> (i32, i32) {
    %c0_i32 = arith.constant 0 : i32
    %c0_i32_0 = arith.constant 0 : i32
    %c0_i32_1 = arith.constant 0 : i32
    return %c0_i32, %c0_i32_0 : i32, i32
  }
  func.func @transform_20(%arg0: i32, %arg1: memref<250xi32, #tpu.memory_space<smem>>, %arg2: memref<250xi32, #tpu.memory_space<smem>>) -> (i32, i32) {
    %c0_i32 = arith.constant 0 : i32
    %c0_i32_0 = arith.constant 0 : i32
    %c0_i32_1 = arith.constant 0 : i32
    return %c0_i32, %c0_i32_0 : i32, i32
  }
  func.func @transform_21(%arg0: i32, %arg1: memref<250xi32, #tpu.memory_space<smem>>, %arg2: memref<250xi32, #tpu.memory_space<smem>>) -> (i32, i32) {
    %c0_i32 = arith.constant 0 : i32
    %c0_i32_0 = arith.constant 0 : i32
    %c0_i32_1 = arith.constant 0 : i32
    return %c0_i32, %c0_i32_0 : i32, i32
  }
  func.func @transform_22(%arg0: i32, %arg1: memref<250xi32, #tpu.memory_space<smem>>, %arg2: memref<250xi32, #tpu.memory_space<smem>>) -> (i32, i32) {
    %c0_i32 = arith.constant 0 : i32
    %c0_i32_0 = arith.constant 0 : i32
    %c0_i32_1 = arith.constant 0 : i32
    return %c0_i32, %c0_i32_0 : i32, i32
  }
  func.func @transform_23(%arg0: i32, %arg1: memref<250xi32, #tpu.memory_space<smem>>, %arg2: memref<250xi32, #tpu.memory_space<smem>>) -> (i32, i32) {
    %c0_i32 = arith.constant 0 : i32
    %c0_i32_0 = arith.constant 0 : i32
    %c0_i32_1 = arith.constant 0 : i32
    return %c0_i32, %c0_i32_0 : i32, i32
  }
  func.func @transform_24(%arg0: i32, %arg1: memref<250xi32, #tpu.memory_space<smem>>, %arg2: memref<250xi32, #tpu.memory_space<smem>>) -> (i32, i32) {
    %c0_i32 = arith.constant 0 : i32
    %c0_i32_0 = arith.constant 0 : i32
    %c0_i32_1 = arith.constant 0 : i32
    return %c0_i32, %c0_i32_0 : i32, i32
  }
  func.func @transform_25(%arg0: i32, %arg1: memref<250xi32, #tpu.memory_space<smem>>, %arg2: memref<250xi32, #tpu.memory_space<smem>>) -> (i32, i32) {
    %c0_i32 = arith.constant 0 : i32
    %c0_i32_0 = arith.constant 0 : i32
    %c0_i32_1 = arith.constant 0 : i32
    return %c0_i32, %c0_i32_0 : i32, i32
  }
  func.func @transform_26(%arg0: i32, %arg1: memref<250xi32, #tpu.memory_space<smem>>, %arg2: memref<250xi32, #tpu.memory_space<smem>>) -> (i32, i32) {
    %c0_i32 = arith.constant 0 : i32
    %c0_i32_0 = arith.constant 0 : i32
    %c0_i32_1 = arith.constant 0 : i32
    return %c0_i32, %c0_i32_0 : i32, i32
  }
  func.func @transform_27(%arg0: i32, %arg1: memref<250xi32, #tpu.memory_space<smem>>, %arg2: memref<250xi32, #tpu.memory_space<smem>>) -> (i32, i32) {
    %c0_i32 = arith.constant 0 : i32
    %c0_i32_0 = arith.constant 0 : i32
    %c0_i32_1 = arith.constant 0 : i32
    return %c0_i32, %c0_i32_0 : i32, i32
  }
  func.func @transform_28(%arg0: i32, %arg1: memref<250xi32, #tpu.memory_space<smem>>, %arg2: memref<250xi32, #tpu.memory_space<smem>>) -> (i32, i32) {
    %c0_i32 = arith.constant 0 : i32
    %c0_i32_0 = arith.constant 0 : i32
    %c0_i32_1 = arith.constant 0 : i32
    return %c0_i32, %c0_i32_0 : i32, i32
  }
  func.func @transform_29(%arg0: i32, %arg1: memref<250xi32, #tpu.memory_space<smem>>, %arg2: memref<250xi32, #tpu.memory_space<smem>>) -> (i32, i32) {
    %c0_i32 = arith.constant 0 : i32
    %c0_i32_0 = arith.constant 0 : i32
    %c0_i32_1 = arith.constant 0 : i32
    return %c0_i32, %c0_i32_0 : i32, i32
  }
  func.func @transform_30(%arg0: i32, %arg1: memref<250xi32, #tpu.memory_space<smem>>, %arg2: memref<250xi32, #tpu.memory_space<smem>>) -> (i32, i32) {
    %c0_i32 = arith.constant 0 : i32
    %c0_i32_0 = arith.constant 0 : i32
    %c0_i32_1 = arith.constant 0 : i32
    return %c0_i32, %c0_i32_0 : i32, i32
  }
  func.func @transform_31(%arg0: i32, %arg1: memref<250xi32, #tpu.memory_space<smem>>, %arg2: memref<250xi32, #tpu.memory_space<smem>>) -> (i32, i32) {
    %c0_i32 = arith.constant 0 : i32
    %c0_i32_0 = arith.constant 0 : i32
    %c0_i32_1 = arith.constant 0 : i32
    return %c0_i32, %c0_i32_0 : i32, i32
  }
  func.func @transform_32(%arg0: i32, %arg1: memref<250xi32, #tpu.memory_space<smem>>, %arg2: memref<250xi32, #tpu.memory_space<smem>>) -> (i32, i32) {
    %c0_i32 = arith.constant 0 : i32
    %c0_i32_0 = arith.constant 0 : i32
    %c0_i32_1 = arith.constant 0 : i32
    return %c0_i32, %c0_i32_0 : i32, i32
  }
  func.func @transform_33(%arg0: i32, %arg1: memref<250xi32, #tpu.memory_space<smem>>, %arg2: memref<250xi32, #tpu.memory_space<smem>>) -> (i32, i32) {
    %sub3A = arith.constant 250 : i32
    %sub3A_0 = arith.subi %arg0, %sub3A : i32
    %max3A = arith.constant 0 : i32
    %max3A_1 = arith.maxsi %sub3A_0, %max3A : i32
    %c0_i32 = arith.constant 0 : i32
    %c0_i32_2 = arith.constant 0 : i32
    return %max3A_1, %c0_i32 : i32, i32
  }
  func.func @transform_34(%arg0: i32, %arg1: memref<250xi32, #tpu.memory_space<smem>>, %arg2: memref<250xi32, #tpu.memory_space<smem>>) -> (i32, i32) {
    %sub3A = arith.constant 250 : i32
    %sub3A_0 = arith.subi %arg0, %sub3A : i32
    %max3A = arith.constant 0 : i32
    %max3A_1 = arith.maxsi %sub3A_0, %max3A : i32
    %c0_i32 = arith.constant 0 : i32
    %c0_i32_2 = arith.constant 0 : i32
    return %max3A_1, %c0_i32 : i32, i32
  }
  func.func @transform_35(%arg0: i32, %arg1: memref<250xi32, #tpu.memory_space<smem>>, %arg2: memref<250xi32, #tpu.memory_space<smem>>) -> (i32, i32) {
    %sub3A = arith.constant 250 : i32
    %sub3A_0 = arith.subi %arg0, %sub3A : i32
    %max3A = arith.constant 0 : i32
    %max3A_1 = arith.maxsi %sub3A_0, %max3A : i32
    %c0_i32 = arith.constant 0 : i32
    %c0_i32_2 = arith.constant 0 : i32
    return %max3A_1, %c0_i32 : i32, i32
  }
}

module attributes {stable_mosaic.version = 14 : i64} {
  func.func @_block_body(%arg0: i32, %arg1: memref<250xi32, #tpu.memory_space<smem>>, %arg2: memref<250xi32, #tpu.memory_space<smem>>, %arg3: memref<1280x128xbf16, #tpu.memory_space<vmem>>, %arg4: memref<1280x128xf32, #tpu.memory_space<vmem>>, %arg5: memref<1x1x1280xi32, #tpu.memory_space<vmem>>, %arg6: memref<1x1x1280xf32, #tpu.memory_space<vmem>>, %arg7: memref<1000x128xf32, #tpu.memory_space<vmem>>, %arg8: memref<1000x128xf32, #tpu.memory_space<vmem>>, %arg9: memref<128x128xf32, #tpu.memory_space<vmem>>, %arg10: memref<1x128xf32, #tpu.memory_space<vmem>>, %arg11: memref<128x128xf32, #tpu.memory_space<vmem>>, %arg12: memref<1x128xf32, #tpu.memory_space<vmem>>, %arg13: memref<128x128xf32, #tpu.memory_space<vmem>>, %arg14: memref<1x128xf32, #tpu.memory_space<vmem>>, %arg15: memref<128x128xf32, #tpu.memory_space<vmem>>, %arg16: memref<1x128xf32, #tpu.memory_space<vmem>>, %arg17: memref<128x128xf32, #tpu.memory_space<vmem>>, %arg18: memref<1x128xf32, #tpu.memory_space<vmem>>, %arg19: memref<128x128xf32, #tpu.memory_space<vmem>>, %arg20: memref<1x128xf32, #tpu.memory_space<vmem>>, %arg21: memref<128x128xf32, #tpu.memory_space<vmem>>, %arg22: memref<1x128xf32, #tpu.memory_space<vmem>>, %arg23: memref<1x128xf32, #tpu.memory_space<vmem>>, %arg24: memref<128x128xf32, #tpu.memory_space<vmem>>, %arg25: memref<1x128xf32, #tpu.memory_space<vmem>>, %arg26: memref<128x128xf32, #tpu.memory_space<vmem>>, %arg27: memref<1x128xf32, #tpu.memory_space<vmem>>, %arg28: memref<128x128xf32, #tpu.memory_space<vmem>>, %arg29: memref<1x128xf32, #tpu.memory_space<vmem>>, %arg30: memref<128x128xf32, #tpu.memory_space<vmem>>, %arg31: memref<1x128xf32, #tpu.memory_space<vmem>>, %arg32: memref<128x128xf32, #tpu.memory_space<vmem>>, %arg33: memref<1x128xf32, #tpu.memory_space<vmem>>, %arg34: memref<128x128xf32, #tpu.memory_space<vmem>>, %arg35: memref<1x128xf32, #tpu.memory_space<vmem>>, %arg36: memref<1000x128xf32, #tpu.memory_space<vmem>>, %arg37: memref<1000x128xf32, #tpu.memory_space<vmem>>, %arg38: memref<1000x128xf32, #tpu.memory_space<vmem>>, %arg39: memref<10000x128xf32, #tpu.memory_space<vmem>>) attributes {dimension_semantics = [#tpu.dimension_semantics<arbitrary>], iteration_bounds = array<i64: 260>, scalar_prefetch = 2 : i64, scratch_operands = 1 : i64, tpu.core_type = #tpu.core_type<tc>, window_params = [{transform_indices = @transform_0, window_bounds = array<i64: 1280, 128>}, {transform_indices = @transform_1, window_bounds = array<i64: 1280, 128>}, {transform_indices = @transform_2, window_bounds = array<i64: 1, 1, 1280>}, {transform_indices = @transform_3, window_bounds = array<i64: 1, 1, 1280>}, {transform_indices = @transform_4, window_bounds = array<i64: 1000, 128>}, {transform_indices = @transform_5, window_bounds = array<i64: 1000, 128>}, {pipeline_mode = #tpu.pipeline_mode<synchronous>, transform_indices = @transform_6, window_bounds = array<i64: 128, 128>}, {pipeline_mode = #tpu.pipeline_mode<synchronous>, transform_indices = @transform_7, window_bounds = array<i64: 1, 128>}, {pipeline_mode = #tpu.pipeline_mode<synchronous>, transform_indices = @transform_8, window_bounds = array<i64: 128, 128>}, {pipeline_mode = #tpu.pipeline_mode<synchronous>, transform_indices = @transform_9, window_bounds = array<i64: 1, 128>}, {pipeline_mode = #tpu.pipeline_mode<synchronous>, transform_indices = @transform_10, window_bounds = array<i64: 128, 128>}, {pipeline_mode = #tpu.pipeline_mode<synchronous>, transform_indices = @transform_11, window_bounds = array<i64: 1, 128>}, {pipeline_mode = #tpu.pipeline_mode<synchronous>, transform_indices = @transform_12, window_bounds = array<i64: 128, 128>}, {pipeline_mode = #tpu.pipeline_mode<synchronous>, transform_indices = @transform_13, window_bounds = array<i64: 1, 128>}, {pipeline_mode = #tpu.pipeline_mode<synchronous>, transform_indices = @transform_14, window_bounds = array<i64: 128, 128>}, {pipeline_mode = #tpu.pipeline_mode<synchronous>, transform_indices = @transform_15, window_bounds = array<i64: 1, 128>}, {pipeline_mode = #tpu.pipeline_mode<synchronous>, transform_indices = @transform_16, window_bounds = array<i64: 128, 128>}, {pipeline_mode = #tpu.pipeline_mode<synchronous>, transform_indices = @transform_17, window_bounds = array<i64: 1, 128>}, {pipeline_mode = #tpu.pipeline_mode<synchronous>, transform_indices = @transform_18, window_bounds = array<i64: 128, 128>}, {pipeline_mode = #tpu.pipeline_mode<synchronous>, transform_indices = @transform_19, window_bounds = array<i64: 1, 128>}, {pipeline_mode = #tpu.pipeline_mode<synchronous>, transform_indices = @transform_20, window_bounds = array<i64: 1, 128>}, {pipeline_mode = #tpu.pipeline_mode<synchronous>, transform_indices = @transform_21, window_bounds = array<i64: 128, 128>}, {pipeline_mode = #tpu.pipeline_mode<synchronous>, transform_indices = @transform_22, window_bounds = array<i64: 1, 128>}, {pipeline_mode = #tpu.pipeline_mode<synchronous>, transform_indices = @transform_23, window_bounds = array<i64: 128, 128>}, {pipeline_mode = #tpu.pipeline_mode<synchronous>, transform_indices = @transform_24, window_bounds = array<i64: 1, 128>}, {pipeline_mode = #tpu.pipeline_mode<synchronous>, transform_indices = @transform_25, window_bounds = array<i64: 128, 128>}, {pipeline_mode = #tpu.pipeline_mode<synchronous>, transform_indices = @transform_26, window_bounds = array<i64: 1, 128>}, {pipeline_mode = #tpu.pipeline_mode<synchronous>, transform_indices = @transform_27, window_bounds = array<i64: 128, 128>}, {pipeline_mode = #tpu.pipeline_mode<synchronous>, transform_indices = @transform_28, window_bounds = array<i64: 1, 128>}, {pipeline_mode = #tpu.pipeline_mode<synchronous>, transform_indices = @transform_29, window_bounds = array<i64: 128, 128>}, {pipeline_mode = #tpu.pipeline_mode<synchronous>, transform_indices = @transform_30, window_bounds = array<i64: 1, 128>}, {pipeline_mode = #tpu.pipeline_mode<synchronous>, transform_indices = @transform_31, window_bounds = array<i64: 128, 128>}, {pipeline_mode = #tpu.pipeline_mode<synchronous>, transform_indices = @transform_32, window_bounds = array<i64: 1, 128>}, {transform_indices = @transform_33, window_bounds = array<i64: 1000, 128>}, {transform_indices = @transform_34, window_bounds = array<i64: 1000, 128>}, {transform_indices = @transform_35, window_bounds = array<i64: 1000, 128>}]} {
    %eq3A = arith.constant 0 : i32
    %eq3A_0 = arith.cmpi eq, %arg0, %eq3A : i32
    %convert_element_type3A = arith.extui %eq3A_0 : i1 to i32
    %cond3A = arith.constant 0 : i32
    %cond3A_1 = arith.cmpi ne, %convert_element_type3A, %cond3A : i32
    scf.if %cond3A_1 {
      %broadcast_in_dim3A = arith.constant 0.000000e+00 : f32
      %broadcast_in_dim3A_10 = vector.broadcast %broadcast_in_dim3A : f32 to vector<10000x128xf32>
      %swap3A = arith.constant 0 : index
      %swap3A_11 = arith.constant 0 : index
      %swap3A_12 = vector.load %arg39[%swap3A, %swap3A_11] : memref<10000x128xf32, #tpu.memory_space<vmem>>, vector<10000x128xf32>
      tpu.vector_store %arg39[%swap3A, %swap3A_11], %broadcast_in_dim3A_10 {strides = array<i32>} : memref<10000x128xf32, #tpu.memory_space<vmem>>, vector<10000x128xf32>,
    } else {
    }
    %lt3A = arith.constant 250 : i32
    %lt3A_2 = arith.cmpi slt, %arg0, %lt3A : i32
    %convert_element_type3A_3 = arith.extui %lt3A_2 : i1 to i32
    %cond3A_4 = arith.constant 0 : i32
    %cond3A_5 = arith.cmpi ne, %convert_element_type3A_3, %cond3A_4 : i32
    scf.if %cond3A_5 {
      %get3A = arith.constant 0 : index
      %get3A_10 = arith.constant 0 : index
      %get3A_11 = vector.load %arg3[%get3A, %get3A_10] : memref<1280x128xbf16, #tpu.memory_space<vmem>>, vector<1280x128xbf16>
      %get3A_12 = arith.constant 0 : index
      %get3A_13 = arith.constant 0 : index
      %get3A_14 = vector.load %arg4[%get3A_12, %get3A_13] : memref<1280x128xf32, #tpu.memory_space<vmem>>, vector<1280x128xf32>
      %convert_element_type3A_15 = arith.truncf %get3A_14 : vector<1280x128xf32> to vector<1280x128xbf16>
      %mul3A = arith.mulf %get3A_11, %convert_element_type3A_15 : vector<1280x128xbf16>
      %get3A_16 = arith.constant 0 : index
      %get3A_17 = arith.constant 0 : index
      %get3A_18 = arith.constant 0 : index
      %get3A_19 = vector.load %arg5[%get3A_16, %get3A_17, %get3A_18] : memref<1x1x1280xi32, #tpu.memory_space<vmem>>, vector<1x1x1280xi32>
      %get3A_20 = vector.shape_cast %get3A_19 : vector<1x1x1280xi32> to vector<1x1280xi32>
      %get3A_21 = arith.constant 0 : index
      %get3A_22 = arith.constant 0 : index
      %get3A_23 = arith.constant 0 : index
      %get3A_24 = vector.load %arg6[%get3A_21, %get3A_22, %get3A_23] : memref<1x1x1280xf32, #tpu.memory_space<vmem>>, vector<1x1x1280xf32>
      %get3A_25 = vector.shape_cast %get3A_24 : vector<1x1x1280xf32> to vector<1x1280xf32>
      %convert_element_type3A_26 = arith.truncf %get3A_25 : vector<1x1280xf32> to vector<1x1280xbf16>
      %min3A = arith.constant 249 : i32
      %min3A_27 = arith.minsi %arg0, %min3A : i32
      %get3A_28 = arith.index_cast %min3A_27 : i32 to index
      %get3A_29 = memref.load %arg1[%get3A_28] : memref<250xi32, #tpu.memory_space<smem>>
      %get3A_30 = arith.index_cast %min3A_27 : i32 to index
      %get3A_31 = memref.load %arg2[%get3A_30] : memref<250xi32, #tpu.memory_space<smem>>
      %while3A = arith.constant 0 : i32
      %while3A_32 = arith.constant 0 : i32
      %while3A_33 = arith.subi %get3A_31, %while3A_32 : i32
      %while3A_34 = arith.addi %while3A_32, %while3A_33 : i32
      %while3A_35 = arith.constant 1 : i32
      %while3A_36 = arith.divsi %while3A_33, %while3A_35 : i32
      %while3A_37 = arith.muli %while3A_36, %while3A_35 : i32
      %while3A_38 = arith.addi %while3A_32, %while3A_37 : i32
      %while3A_39 = arith.constant 1 : i32
      scf.for %while3A_41 = %while3A_32 to %while3A_38 step %while3A_39  : i32 {
        %mul3A_42 = arith.constant 64 : i32
        %mul3A_43 = arith.muli %while3A_41, %mul3A_42 : i32
        %add3A = arith.addi %get3A_29, %mul3A_43 : i32
        %min3A_44 = arith.constant 9936 : i32
        %min3A_45 = arith.minsi %add3A, %min3A_44 : i32
        %sub3A = vector.broadcast %min3A_45 : i32 to vector<1x1280xi32>
        %sub3A_46 = arith.subi %get3A_20, %sub3A : vector<1x1280xi32>
        %ge3A_47 = vector.broadcast %add3A : i32 to vector<1x1280xi32>
        %ge3A_48 = arith.cmpi sge, %get3A_20, %ge3A_47 : vector<1x1280xi32>
        %add3A_49 = arith.constant 64 : i32
        %add3A_50 = arith.addi %add3A, %add3A_49 : i32
        %lt3A_51 = vector.broadcast %add3A_50 : i32 to vector<1x1280xi32>
        %lt3A_52 = arith.cmpi slt, %get3A_20, %lt3A_51 : vector<1x1280xi32>
        %and3A = arith.andi %ge3A_48, %lt3A_52 : vector<1x1280xi1>
        %iota3A = tpu.iota {dimensions = array<i32: 0>} : vector<64x1280xi32>
        %eq3A_53 = vector.broadcast %sub3A_46 : vector<1x1280xi32> to vector<64x1280xi32>
        %eq3A_54 = arith.cmpi eq, %iota3A, %eq3A_53 : vector<64x1280xi32>
        %and3A_55 = vector.broadcast %and3A : vector<1x1280xi1> to vector<64x1280xi1>
        %and3A_56 = arith.andi %eq3A_54, %and3A_55 : vector<64x1280xi1>
        %convert_element_type3A_57 = arith.extui %and3A_56 : vector<64x1280xi1> to vector<64x1280xi32>
        %convert_element_type3A_58 = arith.sitofp %convert_element_type3A_57 : vector<64x1280xi32> to vector<64x1280xf32>
        %convert_element_type3A_59 = arith.truncf %convert_element_type3A_58 : vector<64x1280xf32> to vector<64x1280xbf16>
        %mul3A_60 = vector.broadcast %convert_element_type3A_26 : vector<1x1280xbf16> to vector<64x1280xbf16>
        %mul3A_61 = arith.mulf %convert_element_type3A_59, %mul3A_60 : vector<64x1280xbf16>
        %dot_general3A = arith.constant dense<0.000000e+00> : vector<64x128xf32>
        %dot_general3A_62 = tpu.matmul %mul3A_61, %mul3A, %dot_general3A {dimension_numbers = #tpu.dot_dimension_numbers<[1], [0], [0], [1], [0, 0, 1, 1], [], []>, transpose_lhs_hint = false} : vector<64x1280xbf16>, vector<1280x128xbf16>, vector<64x128xf32> -> vector<64x128xf32>
        %get3A_63 = arith.index_cast %min3A_45 : i32 to index
        %get3A_64 = arith.constant 0 : index
        %get3A_65 = vector.load %arg39[%get3A_63, %get3A_64] : memref<10000x128xf32, #tpu.memory_space<vmem>>, vector<64x128xf32>
        %add3A_66 = arith.addf %get3A_65, %dot_general3A_62 : vector<64x128xf32>
        %swap3A = arith.index_cast %min3A_45 : i32 to index
        %swap3A_67 = arith.constant 0 : index
        %swap3A_68 = vector.load %arg39[%swap3A, %swap3A_67] : memref<10000x128xf32, #tpu.memory_space<vmem>>, vector<64x128xf32>
        tpu.vector_store %arg39[%swap3A, %swap3A_67], %add3A_66 {strides = array<i32>} : memref<10000x128xf32, #tpu.memory_space<vmem>>, vector<64x128xf32>,
      }
      %while3A_40 = arith.constant 1 : i32
      scf.for %while3A_41 = %while3A_38 to %while3A_34 step %while3A_40  : i32 {
        %mul3A_42 = arith.constant 64 : i32
        %mul3A_43 = arith.muli %while3A_41, %mul3A_42 : i32
        %add3A = arith.addi %get3A_29, %mul3A_43 : i32
        %min3A_44 = arith.constant 9936 : i32
        %min3A_45 = arith.minsi %add3A, %min3A_44 : i32
        %sub3A = vector.broadcast %min3A_45 : i32 to vector<1x1280xi32>
        %sub3A_46 = arith.subi %get3A_20, %sub3A : vector<1x1280xi32>
        %ge3A_47 = vector.broadcast %add3A : i32 to vector<1x1280xi32>
        %ge3A_48 = arith.cmpi sge, %get3A_20, %ge3A_47 : vector<1x1280xi32>
        %add3A_49 = arith.constant 64 : i32
        %add3A_50 = arith.addi %add3A, %add3A_49 : i32
        %lt3A_51 = vector.broadcast %add3A_50 : i32 to vector<1x1280xi32>
        %lt3A_52 = arith.cmpi slt, %get3A_20, %lt3A_51 : vector<1x1280xi32>
        %and3A = arith.andi %ge3A_48, %lt3A_52 : vector<1x1280xi1>
        %iota3A = tpu.iota {dimensions = array<i32: 0>} : vector<64x1280xi32>
        %eq3A_53 = vector.broadcast %sub3A_46 : vector<1x1280xi32> to vector<64x1280xi32>
        %eq3A_54 = arith.cmpi eq, %iota3A, %eq3A_53 : vector<64x1280xi32>
        %and3A_55 = vector.broadcast %and3A : vector<1x1280xi1> to vector<64x1280xi1>
        %and3A_56 = arith.andi %eq3A_54, %and3A_55 : vector<64x1280xi1>
        %convert_element_type3A_57 = arith.extui %and3A_56 : vector<64x1280xi1> to vector<64x1280xi32>
        %convert_element_type3A_58 = arith.sitofp %convert_element_type3A_57 : vector<64x1280xi32> to vector<64x1280xf32>
        %convert_element_type3A_59 = arith.truncf %convert_element_type3A_58 : vector<64x1280xf32> to vector<64x1280xbf16>
        %mul3A_60 = vector.broadcast %convert_element_type3A_26 : vector<1x1280xbf16> to vector<64x1280xbf16>
        %mul3A_61 = arith.mulf %convert_element_type3A_59, %mul3A_60 : vector<64x1280xbf16>
        %dot_general3A = arith.constant dense<0.000000e+00> : vector<64x128xf32>
        %dot_general3A_62 = tpu.matmul %mul3A_61, %mul3A, %dot_general3A {dimension_numbers = #tpu.dot_dimension_numbers<[1], [0], [0], [1], [0, 0, 1, 1], [], []>, transpose_lhs_hint = false} : vector<64x1280xbf16>, vector<1280x128xbf16>, vector<64x128xf32> -> vector<64x128xf32>
        %get3A_63 = arith.index_cast %min3A_45 : i32 to index
        %get3A_64 = arith.constant 0 : index
        %get3A_65 = vector.load %arg39[%get3A_63, %get3A_64] : memref<10000x128xf32, #tpu.memory_space<vmem>>, vector<64x128xf32>
        %add3A_66 = arith.addf %get3A_65, %dot_general3A_62 : vector<64x128xf32>
        %swap3A = arith.index_cast %min3A_45 : i32 to index
        %swap3A_67 = arith.constant 0 : index
        %swap3A_68 = vector.load %arg39[%swap3A, %swap3A_67] : memref<10000x128xf32, #tpu.memory_space<vmem>>, vector<64x128xf32>
        tpu.vector_store %arg39[%swap3A, %swap3A_67], %add3A_66 {strides = array<i32>} : memref<10000x128xf32, #tpu.memory_space<vmem>>, vector<64x128xf32>,
      }
    } else {
    }
    %ge3A = arith.constant 250 : i32
    %ge3A_6 = arith.cmpi sge, %arg0, %ge3A : i32
    %convert_element_type3A_7 = arith.extui %ge3A_6 : i1 to i32
    %cond3A_8 = arith.constant 0 : i32
    %cond3A_9 = arith.cmpi ne, %convert_element_type3A_7, %cond3A_8 : i32
    scf.if %cond3A_9 {
      %sub3A = arith.constant 250 : i32
      %sub3A_10 = arith.subi %arg0, %sub3A : i32
      %get3A = arith.constant 0 : index
      %get3A_11 = arith.constant 0 : index
      %get3A_12 = vector.load %arg8[%get3A, %get3A_11] : memref<1000x128xf32, #tpu.memory_space<vmem>>, vector<1000x128xf32>
      %mul3A = arith.constant 1000 : i32
      %mul3A_13 = arith.muli %sub3A_10, %mul3A : i32
      %get3A_14 = arith.index_cast %mul3A_13 : i32 to index
      %get3A_15 = arith.constant 0 : index
      %get3A_16 = vector.load %arg39[%get3A_14, %get3A_15] : memref<10000x128xf32, #tpu.memory_space<vmem>>, vector<1000x128xf32>
      %add3A = arith.addf %get3A_12, %get3A_16 : vector<1000x128xf32>
      %get3A_17 = arith.constant 0 : index
      %get3A_18 = arith.constant 0 : index
      %get3A_19 = vector.load %arg9[%get3A_17, %get3A_18] : memref<128x128xf32, #tpu.memory_space<vmem>>, vector<128x128xf32>
      %get3A_20 = arith.constant 0 : index
      %get3A_21 = arith.constant 0 : index
      %get3A_22 = vector.load %arg10[%get3A_20, %get3A_21] : memref<1x128xf32, #tpu.memory_space<vmem>>, vector<1x128xf32>
      %get3A_23 = arith.constant 0 : index
      %get3A_24 = arith.constant 0 : index
      %get3A_25 = vector.load %arg11[%get3A_23, %get3A_24] : memref<128x128xf32, #tpu.memory_space<vmem>>, vector<128x128xf32>
      %get3A_26 = arith.constant 0 : index
      %get3A_27 = arith.constant 0 : index
      %get3A_28 = vector.load %arg12[%get3A_26, %get3A_27] : memref<1x128xf32, #tpu.memory_space<vmem>>, vector<1x128xf32>
      %custom_jvp_call3A = arith.constant 0.000000e+00 : f32
      %max3A = vector.broadcast %custom_jvp_call3A : f32 to vector<1000x128xf32>
      %max3A_29 = arith.maximumf %add3A, %max3A : vector<1000x128xf32>
      %sub3A_30 = vector.broadcast %custom_jvp_call3A : f32 to vector<1000x128xf32>
      %sub3A_31 = arith.subf %add3A, %sub3A_30 : vector<1000x128xf32>
      %ne3A = arith.cmpf one, %sub3A_31, %sub3A_31 : vector<1000x128xf32>
      %add3A_32 = vector.broadcast %custom_jvp_call3A : f32 to vector<1000x128xf32>
      %add3A_33 = arith.addf %add3A, %add3A_32 : vector<1000x128xf32>
      %abs3A = math.absf %sub3A_31 : vector<1000x128xf32>
      %neg3A = arith.constant 0.000000e+00 : f32
      %neg3A_34 = vector.broadcast %neg3A : f32 to vector<1000x128xf32>
      %neg3A_35 = arith.subf %neg3A_34, %abs3A : vector<1000x128xf32>
      %exp3A = math.exp %neg3A_35 : vector<1000x128xf32>
      %log1p3A = math.log1p %exp3A : vector<1000x128xf32>
      %add3A_36 = arith.addf %max3A_29, %log1p3A : vector<1000x128xf32>
      %select_n3A = arith.select %ne3A, %add3A_33, %add3A_36 : vector<1000x128xi1>, vector<1000x128xf32>
      %sub3A_37 = arith.constant 0.693147182 : f32
      %sub3A_38 = vector.broadcast %sub3A_37 : f32 to vector<1000x128xf32>
      %sub3A_39 = arith.subf %select_n3A, %sub3A_38 : vector<1000x128xf32>
      %dot_general3A = arith.constant dense<0.000000e+00> : vector<1000x128xf32>
      %dot_general3A_40 = tpu.matmul %sub3A_39, %get3A_19, %dot_general3A {dimension_numbers = #tpu.dot_dimension_numbers<[1], [0], [0], [1], [0, 0, 1, 1], [], []>, transpose_lhs_hint = false} : vector<1000x128xf32>, vector<128x128xf32>, vector<1000x128xf32> -> vector<1000x128xf32>
      %add3A_41 = vector.broadcast %get3A_22 : vector<1x128xf32> to vector<1000x128xf32>
      %add3A_42 = arith.addf %dot_general3A_40, %add3A_41 : vector<1000x128xf32>
      %custom_jvp_call3A_43 = arith.constant 0.000000e+00 : f32
      %max3A_44 = vector.broadcast %custom_jvp_call3A_43 : f32 to vector<1000x128xf32>
      %max3A_45 = arith.maximumf %add3A_42, %max3A_44 : vector<1000x128xf32>
      %sub3A_46 = vector.broadcast %custom_jvp_call3A_43 : f32 to vector<1000x128xf32>
      %sub3A_47 = arith.subf %add3A_42, %sub3A_46 : vector<1000x128xf32>
      %ne3A_48 = arith.cmpf one, %sub3A_47, %sub3A_47 : vector<1000x128xf32>
      %add3A_49 = vector.broadcast %custom_jvp_call3A_43 : f32 to vector<1000x128xf32>
      %add3A_50 = arith.addf %add3A_42, %add3A_49 : vector<1000x128xf32>
      %abs3A_51 = math.absf %sub3A_47 : vector<1000x128xf32>
      %neg3A_52 = arith.constant 0.000000e+00 : f32
      %neg3A_53 = vector.broadcast %neg3A_52 : f32 to vector<1000x128xf32>
      %neg3A_54 = arith.subf %neg3A_53, %abs3A_51 : vector<1000x128xf32>
      %exp3A_55 = math.exp %neg3A_54 : vector<1000x128xf32>
      %log1p3A_56 = math.log1p %exp3A_55 : vector<1000x128xf32>
      %add3A_57 = arith.addf %max3A_45, %log1p3A_56 : vector<1000x128xf32>
      %select_n3A_58 = arith.select %ne3A_48, %add3A_50, %add3A_57 : vector<1000x128xi1>, vector<1000x128xf32>
      %sub3A_59 = arith.constant 0.693147182 : f32
      %sub3A_60 = vector.broadcast %sub3A_59 : f32 to vector<1000x128xf32>
      %sub3A_61 = arith.subf %select_n3A_58, %sub3A_60 : vector<1000x128xf32>
      %dot_general3A_62 = arith.constant dense<0.000000e+00> : vector<1000x128xf32>
      %dot_general3A_63 = tpu.matmul %sub3A_61, %get3A_25, %dot_general3A_62 {dimension_numbers = #tpu.dot_dimension_numbers<[1], [0], [0], [1], [0, 0, 1, 1], [], []>, transpose_lhs_hint = false} : vector<1000x128xf32>, vector<128x128xf32>, vector<1000x128xf32> -> vector<1000x128xf32>
      %add3A_64 = arith.addf %add3A, %dot_general3A_63 : vector<1000x128xf32>
      %add3A_65 = vector.broadcast %get3A_28 : vector<1x128xf32> to vector<1000x128xf32>
      %add3A_66 = arith.addf %add3A_64, %add3A_65 : vector<1000x128xf32>
      %get3A_67 = arith.constant 0 : index
      %get3A_68 = arith.constant 0 : index
      %get3A_69 = vector.load %arg13[%get3A_67, %get3A_68] : memref<128x128xf32, #tpu.memory_space<vmem>>, vector<128x128xf32>
      %get3A_70 = arith.constant 0 : index
      %get3A_71 = arith.constant 0 : index
      %get3A_72 = vector.load %arg14[%get3A_70, %get3A_71] : memref<1x128xf32, #tpu.memory_space<vmem>>, vector<1x128xf32>
      %get3A_73 = arith.constant 0 : index
      %get3A_74 = arith.constant 0 : index
      %get3A_75 = vector.load %arg15[%get3A_73, %get3A_74] : memref<128x128xf32, #tpu.memory_space<vmem>>, vector<128x128xf32>
      %get3A_76 = arith.constant 0 : index
      %get3A_77 = arith.constant 0 : index
      %get3A_78 = vector.load %arg16[%get3A_76, %get3A_77] : memref<1x128xf32, #tpu.memory_space<vmem>>, vector<1x128xf32>
      %custom_jvp_call3A_79 = arith.constant 0.000000e+00 : f32
      %max3A_80 = vector.broadcast %custom_jvp_call3A_79 : f32 to vector<1000x128xf32>
      %max3A_81 = arith.maximumf %add3A_66, %max3A_80 : vector<1000x128xf32>
      %sub3A_82 = vector.broadcast %custom_jvp_call3A_79 : f32 to vector<1000x128xf32>
      %sub3A_83 = arith.subf %add3A_66, %sub3A_82 : vector<1000x128xf32>
      %ne3A_84 = arith.cmpf one, %sub3A_83, %sub3A_83 : vector<1000x128xf32>
      %add3A_85 = vector.broadcast %custom_jvp_call3A_79 : f32 to vector<1000x128xf32>
      %add3A_86 = arith.addf %add3A_66, %add3A_85 : vector<1000x128xf32>
      %abs3A_87 = math.absf %sub3A_83 : vector<1000x128xf32>
      %neg3A_88 = arith.constant 0.000000e+00 : f32
      %neg3A_89 = vector.broadcast %neg3A_88 : f32 to vector<1000x128xf32>
      %neg3A_90 = arith.subf %neg3A_89, %abs3A_87 : vector<1000x128xf32>
      %exp3A_91 = math.exp %neg3A_90 : vector<1000x128xf32>
      %log1p3A_92 = math.log1p %exp3A_91 : vector<1000x128xf32>
      %add3A_93 = arith.addf %max3A_81, %log1p3A_92 : vector<1000x128xf32>
      %select_n3A_94 = arith.select %ne3A_84, %add3A_86, %add3A_93 : vector<1000x128xi1>, vector<1000x128xf32>
      %sub3A_95 = arith.constant 0.693147182 : f32
      %sub3A_96 = vector.broadcast %sub3A_95 : f32 to vector<1000x128xf32>
      %sub3A_97 = arith.subf %select_n3A_94, %sub3A_96 : vector<1000x128xf32>
      %dot_general3A_98 = arith.constant dense<0.000000e+00> : vector<1000x128xf32>
      %dot_general3A_99 = tpu.matmul %sub3A_97, %get3A_69, %dot_general3A_98 {dimension_numbers = #tpu.dot_dimension_numbers<[1], [0], [0], [1], [0, 0, 1, 1], [], []>, transpose_lhs_hint = false} : vector<1000x128xf32>, vector<128x128xf32>, vector<1000x128xf32> -> vector<1000x128xf32>
      %add3A_100 = vector.broadcast %get3A_72 : vector<1x128xf32> to vector<1000x128xf32>
      %add3A_101 = arith.addf %dot_general3A_99, %add3A_100 : vector<1000x128xf32>
      %custom_jvp_call3A_102 = arith.constant 0.000000e+00 : f32
      %max3A_103 = vector.broadcast %custom_jvp_call3A_102 : f32 to vector<1000x128xf32>
      %max3A_104 = arith.maximumf %add3A_101, %max3A_103 : vector<1000x128xf32>
      %sub3A_105 = vector.broadcast %custom_jvp_call3A_102 : f32 to vector<1000x128xf32>
      %sub3A_106 = arith.subf %add3A_101, %sub3A_105 : vector<1000x128xf32>
      %ne3A_107 = arith.cmpf one, %sub3A_106, %sub3A_106 : vector<1000x128xf32>
      %add3A_108 = vector.broadcast %custom_jvp_call3A_102 : f32 to vector<1000x128xf32>
      %add3A_109 = arith.addf %add3A_101, %add3A_108 : vector<1000x128xf32>
      %abs3A_110 = math.absf %sub3A_106 : vector<1000x128xf32>
      %neg3A_111 = arith.constant 0.000000e+00 : f32
      %neg3A_112 = vector.broadcast %neg3A_111 : f32 to vector<1000x128xf32>
      %neg3A_113 = arith.subf %neg3A_112, %abs3A_110 : vector<1000x128xf32>
      %exp3A_114 = math.exp %neg3A_113 : vector<1000x128xf32>
      %log1p3A_115 = math.log1p %exp3A_114 : vector<1000x128xf32>
      %add3A_116 = arith.addf %max3A_104, %log1p3A_115 : vector<1000x128xf32>
      %select_n3A_117 = arith.select %ne3A_107, %add3A_109, %add3A_116 : vector<1000x128xi1>, vector<1000x128xf32>
      %sub3A_118 = arith.constant 0.693147182 : f32
      %sub3A_119 = vector.broadcast %sub3A_118 : f32 to vector<1000x128xf32>
      %sub3A_120 = arith.subf %select_n3A_117, %sub3A_119 : vector<1000x128xf32>
      %dot_general3A_121 = arith.constant dense<0.000000e+00> : vector<1000x128xf32>
      %dot_general3A_122 = tpu.matmul %sub3A_120, %get3A_75, %dot_general3A_121 {dimension_numbers = #tpu.dot_dimension_numbers<[1], [0], [0], [1], [0, 0, 1, 1], [], []>, transpose_lhs_hint = false} : vector<1000x128xf32>, vector<128x128xf32>, vector<1000x128xf32> -> vector<1000x128xf32>
      %add3A_123 = arith.addf %add3A_66, %dot_general3A_122 : vector<1000x128xf32>
      %add3A_124 = vector.broadcast %get3A_78 : vector<1x128xf32> to vector<1000x128xf32>
      %add3A_125 = arith.addf %add3A_123, %add3A_124 : vector<1000x128xf32>
      %get3A_126 = arith.constant 0 : index
      %get3A_127 = arith.constant 0 : index
      %get3A_128 = vector.load %arg17[%get3A_126, %get3A_127] : memref<128x128xf32, #tpu.memory_space<vmem>>, vector<128x128xf32>
      %get3A_129 = arith.constant 0 : index
      %get3A_130 = arith.constant 0 : index
      %get3A_131 = vector.load %arg18[%get3A_129, %get3A_130] : memref<1x128xf32, #tpu.memory_space<vmem>>, vector<1x128xf32>
      %get3A_132 = arith.constant 0 : index
      %get3A_133 = arith.constant 0 : index
      %get3A_134 = vector.load %arg19[%get3A_132, %get3A_133] : memref<128x128xf32, #tpu.memory_space<vmem>>, vector<128x128xf32>
      %get3A_135 = arith.constant 0 : index
      %get3A_136 = arith.constant 0 : index
      %get3A_137 = vector.load %arg20[%get3A_135, %get3A_136] : memref<1x128xf32, #tpu.memory_space<vmem>>, vector<1x128xf32>
      %custom_jvp_call3A_138 = arith.constant 0.000000e+00 : f32
      %max3A_139 = vector.broadcast %custom_jvp_call3A_138 : f32 to vector<1000x128xf32>
      %max3A_140 = arith.maximumf %add3A_125, %max3A_139 : vector<1000x128xf32>
      %sub3A_141 = vector.broadcast %custom_jvp_call3A_138 : f32 to vector<1000x128xf32>
      %sub3A_142 = arith.subf %add3A_125, %sub3A_141 : vector<1000x128xf32>
      %ne3A_143 = arith.cmpf one, %sub3A_142, %sub3A_142 : vector<1000x128xf32>
      %add3A_144 = vector.broadcast %custom_jvp_call3A_138 : f32 to vector<1000x128xf32>
      %add3A_145 = arith.addf %add3A_125, %add3A_144 : vector<1000x128xf32>
      %abs3A_146 = math.absf %sub3A_142 : vector<1000x128xf32>
      %neg3A_147 = arith.constant 0.000000e+00 : f32
      %neg3A_148 = vector.broadcast %neg3A_147 : f32 to vector<1000x128xf32>
      %neg3A_149 = arith.subf %neg3A_148, %abs3A_146 : vector<1000x128xf32>
      %exp3A_150 = math.exp %neg3A_149 : vector<1000x128xf32>
      %log1p3A_151 = math.log1p %exp3A_150 : vector<1000x128xf32>
      %add3A_152 = arith.addf %max3A_140, %log1p3A_151 : vector<1000x128xf32>
      %select_n3A_153 = arith.select %ne3A_143, %add3A_145, %add3A_152 : vector<1000x128xi1>, vector<1000x128xf32>
      %sub3A_154 = arith.constant 0.693147182 : f32
      %sub3A_155 = vector.broadcast %sub3A_154 : f32 to vector<1000x128xf32>
      %sub3A_156 = arith.subf %select_n3A_153, %sub3A_155 : vector<1000x128xf32>
      %dot_general3A_157 = arith.constant dense<0.000000e+00> : vector<1000x128xf32>
      %dot_general3A_158 = tpu.matmul %sub3A_156, %get3A_128, %dot_general3A_157 {dimension_numbers = #tpu.dot_dimension_numbers<[1], [0], [0], [1], [0, 0, 1, 1], [], []>, transpose_lhs_hint = false} : vector<1000x128xf32>, vector<128x128xf32>, vector<1000x128xf32> -> vector<1000x128xf32>
      %add3A_159 = vector.broadcast %get3A_131 : vector<1x128xf32> to vector<1000x128xf32>
      %add3A_160 = arith.addf %dot_general3A_158, %add3A_159 : vector<1000x128xf32>
      %custom_jvp_call3A_161 = arith.constant 0.000000e+00 : f32
      %max3A_162 = vector.broadcast %custom_jvp_call3A_161 : f32 to vector<1000x128xf32>
      %max3A_163 = arith.maximumf %add3A_160, %max3A_162 : vector<1000x128xf32>
      %sub3A_164 = vector.broadcast %custom_jvp_call3A_161 : f32 to vector<1000x128xf32>
      %sub3A_165 = arith.subf %add3A_160, %sub3A_164 : vector<1000x128xf32>
      %ne3A_166 = arith.cmpf one, %sub3A_165, %sub3A_165 : vector<1000x128xf32>
      %add3A_167 = vector.broadcast %custom_jvp_call3A_161 : f32 to vector<1000x128xf32>
      %add3A_168 = arith.addf %add3A_160, %add3A_167 : vector<1000x128xf32>
      %abs3A_169 = math.absf %sub3A_165 : vector<1000x128xf32>
      %neg3A_170 = arith.constant 0.000000e+00 : f32
      %neg3A_171 = vector.broadcast %neg3A_170 : f32 to vector<1000x128xf32>
      %neg3A_172 = arith.subf %neg3A_171, %abs3A_169 : vector<1000x128xf32>
      %exp3A_173 = math.exp %neg3A_172 : vector<1000x128xf32>
      %log1p3A_174 = math.log1p %exp3A_173 : vector<1000x128xf32>
      %add3A_175 = arith.addf %max3A_163, %log1p3A_174 : vector<1000x128xf32>
      %select_n3A_176 = arith.select %ne3A_166, %add3A_168, %add3A_175 : vector<1000x128xi1>, vector<1000x128xf32>
      %sub3A_177 = arith.constant 0.693147182 : f32
      %sub3A_178 = vector.broadcast %sub3A_177 : f32 to vector<1000x128xf32>
      %sub3A_179 = arith.subf %select_n3A_176, %sub3A_178 : vector<1000x128xf32>
      %dot_general3A_180 = arith.constant dense<0.000000e+00> : vector<1000x128xf32>
      %dot_general3A_181 = tpu.matmul %sub3A_179, %get3A_134, %dot_general3A_180 {dimension_numbers = #tpu.dot_dimension_numbers<[1], [0], [0], [1], [0, 0, 1, 1], [], []>, transpose_lhs_hint = false} : vector<1000x128xf32>, vector<128x128xf32>, vector<1000x128xf32> -> vector<1000x128xf32>
      %add3A_182 = arith.addf %add3A_125, %dot_general3A_181 : vector<1000x128xf32>
      %add3A_183 = vector.broadcast %get3A_137 : vector<1x128xf32> to vector<1000x128xf32>
      %add3A_184 = arith.addf %add3A_182, %add3A_183 : vector<1000x128xf32>
      %custom_jvp_call3A_185 = arith.constant 0.000000e+00 : f32
      %max3A_186 = vector.broadcast %custom_jvp_call3A_185 : f32 to vector<1000x128xf32>
      %max3A_187 = arith.maximumf %add3A_184, %max3A_186 : vector<1000x128xf32>
      %sub3A_188 = vector.broadcast %custom_jvp_call3A_185 : f32 to vector<1000x128xf32>
      %sub3A_189 = arith.subf %add3A_184, %sub3A_188 : vector<1000x128xf32>
      %ne3A_190 = arith.cmpf one, %sub3A_189, %sub3A_189 : vector<1000x128xf32>
      %add3A_191 = vector.broadcast %custom_jvp_call3A_185 : f32 to vector<1000x128xf32>
      %add3A_192 = arith.addf %add3A_184, %add3A_191 : vector<1000x128xf32>
      %abs3A_193 = math.absf %sub3A_189 : vector<1000x128xf32>
      %neg3A_194 = arith.constant 0.000000e+00 : f32
      %neg3A_195 = vector.broadcast %neg3A_194 : f32 to vector<1000x128xf32>
      %neg3A_196 = arith.subf %neg3A_195, %abs3A_193 : vector<1000x128xf32>
      %exp3A_197 = math.exp %neg3A_196 : vector<1000x128xf32>
      %log1p3A_198 = math.log1p %exp3A_197 : vector<1000x128xf32>
      %add3A_199 = arith.addf %max3A_187, %log1p3A_198 : vector<1000x128xf32>
      %select_n3A_200 = arith.select %ne3A_190, %add3A_192, %add3A_199 : vector<1000x128xi1>, vector<1000x128xf32>
      %sub3A_201 = arith.constant 0.693147182 : f32
      %sub3A_202 = vector.broadcast %sub3A_201 : f32 to vector<1000x128xf32>
      %sub3A_203 = arith.subf %select_n3A_200, %sub3A_202 : vector<1000x128xf32>
      %get3A_204 = arith.constant 0 : index
      %get3A_205 = arith.constant 0 : index
      %get3A_206 = vector.load %arg21[%get3A_204, %get3A_205] : memref<128x128xf32, #tpu.memory_space<vmem>>, vector<128x128xf32>
      %get3A_207 = arith.constant 0 : index
      %get3A_208 = arith.constant 0 : index
      %get3A_209 = vector.load %arg22[%get3A_207, %get3A_208] : memref<1x128xf32, #tpu.memory_space<vmem>>, vector<1x128xf32>
      %get3A_210 = arith.constant 0 : index
      %get3A_211 = arith.constant 0 : index
      %get3A_212 = vector.load %arg23[%get3A_210, %get3A_211] : memref<1x128xf32, #tpu.memory_space<vmem>>, vector<1x128xf32>
      %get3A_213 = arith.constant 0 : index
      %get3A_214 = arith.constant 0 : index
      %get3A_215 = vector.load %arg7[%get3A_213, %get3A_214] : memref<1000x128xf32, #tpu.memory_space<vmem>>, vector<1000x128xf32>
      %mul3A_216 = vector.broadcast %get3A_212 : vector<1x128xf32> to vector<1000x128xf32>
      %mul3A_217 = arith.mulf %mul3A_216, %get3A_215 : vector<1000x128xf32>
      %dot_general3A_218 = arith.constant dense<0.000000e+00> : vector<1000x128xf32>
      %dot_general3A_219 = tpu.matmul %sub3A_203, %get3A_206, %dot_general3A_218 {dimension_numbers = #tpu.dot_dimension_numbers<[1], [0], [0], [1], [0, 0, 1, 1], [], []>, transpose_lhs_hint = false} : vector<1000x128xf32>, vector<128x128xf32>, vector<1000x128xf32> -> vector<1000x128xf32>
      %add3A_220 = arith.addf %mul3A_217, %dot_general3A_219 : vector<1000x128xf32>
      %add3A_221 = vector.broadcast %get3A_209 : vector<1x128xf32> to vector<1000x128xf32>
      %add3A_222 = arith.addf %add3A_220, %add3A_221 : vector<1000x128xf32>
      %get3A_223 = arith.constant 0 : index
      %get3A_224 = arith.constant 0 : index
      %get3A_225 = vector.load %arg24[%get3A_223, %get3A_224] : memref<128x128xf32, #tpu.memory_space<vmem>>, vector<128x128xf32>
      %get3A_226 = arith.constant 0 : index
      %get3A_227 = arith.constant 0 : index
      %get3A_228 = vector.load %arg25[%get3A_226, %get3A_227] : memref<1x128xf32, #tpu.memory_space<vmem>>, vector<1x128xf32>
      %get3A_229 = arith.constant 0 : index
      %get3A_230 = arith.constant 0 : index
      %get3A_231 = vector.load %arg26[%get3A_229, %get3A_230] : memref<128x128xf32, #tpu.memory_space<vmem>>, vector<128x128xf32>
      %get3A_232 = arith.constant 0 : index
      %get3A_233 = arith.constant 0 : index
      %get3A_234 = vector.load %arg27[%get3A_232, %get3A_233] : memref<1x128xf32, #tpu.memory_space<vmem>>, vector<1x128xf32>
      %custom_jvp_call3A_235 = arith.constant 0.000000e+00 : f32
      %max3A_236 = vector.broadcast %custom_jvp_call3A_235 : f32 to vector<1000x128xf32>
      %max3A_237 = arith.maximumf %add3A_222, %max3A_236 : vector<1000x128xf32>
      %sub3A_238 = vector.broadcast %custom_jvp_call3A_235 : f32 to vector<1000x128xf32>
      %sub3A_239 = arith.subf %add3A_222, %sub3A_238 : vector<1000x128xf32>
      %ne3A_240 = arith.cmpf one, %sub3A_239, %sub3A_239 : vector<1000x128xf32>
      %add3A_241 = vector.broadcast %custom_jvp_call3A_235 : f32 to vector<1000x128xf32>
      %add3A_242 = arith.addf %add3A_222, %add3A_241 : vector<1000x128xf32>
      %abs3A_243 = math.absf %sub3A_239 : vector<1000x128xf32>
      %neg3A_244 = arith.constant 0.000000e+00 : f32
      %neg3A_245 = vector.broadcast %neg3A_244 : f32 to vector<1000x128xf32>
      %neg3A_246 = arith.subf %neg3A_245, %abs3A_243 : vector<1000x128xf32>
      %exp3A_247 = math.exp %neg3A_246 : vector<1000x128xf32>
      %log1p3A_248 = math.log1p %exp3A_247 : vector<1000x128xf32>
      %add3A_249 = arith.addf %max3A_237, %log1p3A_248 : vector<1000x128xf32>
      %select_n3A_250 = arith.select %ne3A_240, %add3A_242, %add3A_249 : vector<1000x128xi1>, vector<1000x128xf32>
      %sub3A_251 = arith.constant 0.693147182 : f32
      %sub3A_252 = vector.broadcast %sub3A_251 : f32 to vector<1000x128xf32>
      %sub3A_253 = arith.subf %select_n3A_250, %sub3A_252 : vector<1000x128xf32>
      %dot_general3A_254 = arith.constant dense<0.000000e+00> : vector<1000x128xf32>
      %dot_general3A_255 = tpu.matmul %sub3A_253, %get3A_225, %dot_general3A_254 {dimension_numbers = #tpu.dot_dimension_numbers<[1], [0], [0], [1], [0, 0, 1, 1], [], []>, transpose_lhs_hint = false} : vector<1000x128xf32>, vector<128x128xf32>, vector<1000x128xf32> -> vector<1000x128xf32>
      %add3A_256 = vector.broadcast %get3A_228 : vector<1x128xf32> to vector<1000x128xf32>
      %add3A_257 = arith.addf %dot_general3A_255, %add3A_256 : vector<1000x128xf32>
      %custom_jvp_call3A_258 = arith.constant 0.000000e+00 : f32
      %max3A_259 = vector.broadcast %custom_jvp_call3A_258 : f32 to vector<1000x128xf32>
      %max3A_260 = arith.maximumf %add3A_257, %max3A_259 : vector<1000x128xf32>
      %sub3A_261 = vector.broadcast %custom_jvp_call3A_258 : f32 to vector<1000x128xf32>
      %sub3A_262 = arith.subf %add3A_257, %sub3A_261 : vector<1000x128xf32>
      %ne3A_263 = arith.cmpf one, %sub3A_262, %sub3A_262 : vector<1000x128xf32>
      %add3A_264 = vector.broadcast %custom_jvp_call3A_258 : f32 to vector<1000x128xf32>
      %add3A_265 = arith.addf %add3A_257, %add3A_264 : vector<1000x128xf32>
      %abs3A_266 = math.absf %sub3A_262 : vector<1000x128xf32>
      %neg3A_267 = arith.constant 0.000000e+00 : f32
      %neg3A_268 = vector.broadcast %neg3A_267 : f32 to vector<1000x128xf32>
      %neg3A_269 = arith.subf %neg3A_268, %abs3A_266 : vector<1000x128xf32>
      %exp3A_270 = math.exp %neg3A_269 : vector<1000x128xf32>
      %log1p3A_271 = math.log1p %exp3A_270 : vector<1000x128xf32>
      %add3A_272 = arith.addf %max3A_260, %log1p3A_271 : vector<1000x128xf32>
      %select_n3A_273 = arith.select %ne3A_263, %add3A_265, %add3A_272 : vector<1000x128xi1>, vector<1000x128xf32>
      %sub3A_274 = arith.constant 0.693147182 : f32
      %sub3A_275 = vector.broadcast %sub3A_274 : f32 to vector<1000x128xf32>
      %sub3A_276 = arith.subf %select_n3A_273, %sub3A_275 : vector<1000x128xf32>
      %dot_general3A_277 = arith.constant dense<0.000000e+00> : vector<1000x128xf32>
      %dot_general3A_278 = tpu.matmul %sub3A_276, %get3A_231, %dot_general3A_277 {dimension_numbers = #tpu.dot_dimension_numbers<[1], [0], [0], [1], [0, 0, 1, 1], [], []>, transpose_lhs_hint = false} : vector<1000x128xf32>, vector<128x128xf32>, vector<1000x128xf32> -> vector<1000x128xf32>
      %add3A_279 = arith.addf %add3A_222, %dot_general3A_278 : vector<1000x128xf32>
      %add3A_280 = vector.broadcast %get3A_234 : vector<1x128xf32> to vector<1000x128xf32>
      %add3A_281 = arith.addf %add3A_279, %add3A_280 : vector<1000x128xf32>
      %get3A_282 = arith.constant 0 : index
      %get3A_283 = arith.constant 0 : index
      %get3A_284 = vector.load %arg28[%get3A_282, %get3A_283] : memref<128x128xf32, #tpu.memory_space<vmem>>, vector<128x128xf32>
      %get3A_285 = arith.constant 0 : index
      %get3A_286 = arith.constant 0 : index
      %get3A_287 = vector.load %arg29[%get3A_285, %get3A_286] : memref<1x128xf32, #tpu.memory_space<vmem>>, vector<1x128xf32>
      %get3A_288 = arith.constant 0 : index
      %get3A_289 = arith.constant 0 : index
      %get3A_290 = vector.load %arg30[%get3A_288, %get3A_289] : memref<128x128xf32, #tpu.memory_space<vmem>>, vector<128x128xf32>
      %get3A_291 = arith.constant 0 : index
      %get3A_292 = arith.constant 0 : index
      %get3A_293 = vector.load %arg31[%get3A_291, %get3A_292] : memref<1x128xf32, #tpu.memory_space<vmem>>, vector<1x128xf32>
      %custom_jvp_call3A_294 = arith.constant 0.000000e+00 : f32
      %max3A_295 = vector.broadcast %custom_jvp_call3A_294 : f32 to vector<1000x128xf32>
      %max3A_296 = arith.maximumf %add3A_281, %max3A_295 : vector<1000x128xf32>
      %sub3A_297 = vector.broadcast %custom_jvp_call3A_294 : f32 to vector<1000x128xf32>
      %sub3A_298 = arith.subf %add3A_281, %sub3A_297 : vector<1000x128xf32>
      %ne3A_299 = arith.cmpf one, %sub3A_298, %sub3A_298 : vector<1000x128xf32>
      %add3A_300 = vector.broadcast %custom_jvp_call3A_294 : f32 to vector<1000x128xf32>
      %add3A_301 = arith.addf %add3A_281, %add3A_300 : vector<1000x128xf32>
      %abs3A_302 = math.absf %sub3A_298 : vector<1000x128xf32>
      %neg3A_303 = arith.constant 0.000000e+00 : f32
      %neg3A_304 = vector.broadcast %neg3A_303 : f32 to vector<1000x128xf32>
      %neg3A_305 = arith.subf %neg3A_304, %abs3A_302 : vector<1000x128xf32>
      %exp3A_306 = math.exp %neg3A_305 : vector<1000x128xf32>
      %log1p3A_307 = math.log1p %exp3A_306 : vector<1000x128xf32>
      %add3A_308 = arith.addf %max3A_296, %log1p3A_307 : vector<1000x128xf32>
      %select_n3A_309 = arith.select %ne3A_299, %add3A_301, %add3A_308 : vector<1000x128xi1>, vector<1000x128xf32>
      %sub3A_310 = arith.constant 0.693147182 : f32
      %sub3A_311 = vector.broadcast %sub3A_310 : f32 to vector<1000x128xf32>
      %sub3A_312 = arith.subf %select_n3A_309, %sub3A_311 : vector<1000x128xf32>
      %dot_general3A_313 = arith.constant dense<0.000000e+00> : vector<1000x128xf32>
      %dot_general3A_314 = tpu.matmul %sub3A_312, %get3A_284, %dot_general3A_313 {dimension_numbers = #tpu.dot_dimension_numbers<[1], [0], [0], [1], [0, 0, 1, 1], [], []>, transpose_lhs_hint = false} : vector<1000x128xf32>, vector<128x128xf32>, vector<1000x128xf32> -> vector<1000x128xf32>
      %add3A_315 = vector.broadcast %get3A_287 : vector<1x128xf32> to vector<1000x128xf32>
      %add3A_316 = arith.addf %dot_general3A_314, %add3A_315 : vector<1000x128xf32>
      %custom_jvp_call3A_317 = arith.constant 0.000000e+00 : f32
      %max3A_318 = vector.broadcast %custom_jvp_call3A_317 : f32 to vector<1000x128xf32>
      %max3A_319 = arith.maximumf %add3A_316, %max3A_318 : vector<1000x128xf32>
      %sub3A_320 = vector.broadcast %custom_jvp_call3A_317 : f32 to vector<1000x128xf32>
      %sub3A_321 = arith.subf %add3A_316, %sub3A_320 : vector<1000x128xf32>
      %ne3A_322 = arith.cmpf one, %sub3A_321, %sub3A_321 : vector<1000x128xf32>
      %add3A_323 = vector.broadcast %custom_jvp_call3A_317 : f32 to vector<1000x128xf32>
      %add3A_324 = arith.addf %add3A_316, %add3A_323 : vector<1000x128xf32>
      %abs3A_325 = math.absf %sub3A_321 : vector<1000x128xf32>
      %neg3A_326 = arith.constant 0.000000e+00 : f32
      %neg3A_327 = vector.broadcast %neg3A_326 : f32 to vector<1000x128xf32>
      %neg3A_328 = arith.subf %neg3A_327, %abs3A_325 : vector<1000x128xf32>
      %exp3A_329 = math.exp %neg3A_328 : vector<1000x128xf32>
      %log1p3A_330 = math.log1p %exp3A_329 : vector<1000x128xf32>
      %add3A_331 = arith.addf %max3A_319, %log1p3A_330 : vector<1000x128xf32>
      %select_n3A_332 = arith.select %ne3A_322, %add3A_324, %add3A_331 : vector<1000x128xi1>, vector<1000x128xf32>
      %sub3A_333 = arith.constant 0.693147182 : f32
      %sub3A_334 = vector.broadcast %sub3A_333 : f32 to vector<1000x128xf32>
      %sub3A_335 = arith.subf %select_n3A_332, %sub3A_334 : vector<1000x128xf32>
      %dot_general3A_336 = arith.constant dense<0.000000e+00> : vector<1000x128xf32>
      %dot_general3A_337 = tpu.matmul %sub3A_335, %get3A_290, %dot_general3A_336 {dimension_numbers = #tpu.dot_dimension_numbers<[1], [0], [0], [1], [0, 0, 1, 1], [], []>, transpose_lhs_hint = false} : vector<1000x128xf32>, vector<128x128xf32>, vector<1000x128xf32> -> vector<1000x128xf32>
      %add3A_338 = arith.addf %add3A_281, %dot_general3A_337 : vector<1000x128xf32>
      %add3A_339 = vector.broadcast %get3A_293 : vector<1x128xf32> to vector<1000x128xf32>
      %add3A_340 = arith.addf %add3A_338, %add3A_339 : vector<1000x128xf32>
      %swap3A = arith.constant 0 : index
      %swap3A_341 = arith.constant 0 : index
      %swap3A_342 = vector.load %arg36[%swap3A, %swap3A_341] : memref<1000x128xf32, #tpu.memory_space<vmem>>, vector<1000x128xf32>
      tpu.vector_store %arg36[%swap3A, %swap3A_341], %add3A_340 {strides = array<i32>} : memref<1000x128xf32, #tpu.memory_space<vmem>>, vector<1000x128xf32>,
      %get3A_343 = arith.constant 0 : index
      %get3A_344 = arith.constant 0 : index
      %get3A_345 = vector.load %arg32[%get3A_343, %get3A_344] : memref<128x128xf32, #tpu.memory_space<vmem>>, vector<128x128xf32>
      %get3A_346 = arith.constant 0 : index
      %get3A_347 = arith.constant 0 : index
      %get3A_348 = vector.load %arg33[%get3A_346, %get3A_347] : memref<1x128xf32, #tpu.memory_space<vmem>>, vector<1x128xf32>
      %get3A_349 = arith.constant 0 : index
      %get3A_350 = arith.constant 0 : index
      %get3A_351 = vector.load %arg34[%get3A_349, %get3A_350] : memref<128x128xf32, #tpu.memory_space<vmem>>, vector<128x128xf32>
      %get3A_352 = arith.constant 0 : index
      %get3A_353 = arith.constant 0 : index
      %get3A_354 = vector.load %arg35[%get3A_352, %get3A_353] : memref<1x128xf32, #tpu.memory_space<vmem>>, vector<1x128xf32>
      %custom_jvp_call3A_355 = arith.constant 0.000000e+00 : f32
      %max3A_356 = vector.broadcast %custom_jvp_call3A_355 : f32 to vector<1000x128xf32>
      %max3A_357 = arith.maximumf %add3A_340, %max3A_356 : vector<1000x128xf32>
      %sub3A_358 = vector.broadcast %custom_jvp_call3A_355 : f32 to vector<1000x128xf32>
      %sub3A_359 = arith.subf %add3A_340, %sub3A_358 : vector<1000x128xf32>
      %ne3A_360 = arith.cmpf one, %sub3A_359, %sub3A_359 : vector<1000x128xf32>
      %add3A_361 = vector.broadcast %custom_jvp_call3A_355 : f32 to vector<1000x128xf32>
      %add3A_362 = arith.addf %add3A_340, %add3A_361 : vector<1000x128xf32>
      %abs3A_363 = math.absf %sub3A_359 : vector<1000x128xf32>
      %neg3A_364 = arith.constant 0.000000e+00 : f32
      %neg3A_365 = vector.broadcast %neg3A_364 : f32 to vector<1000x128xf32>
      %neg3A_366 = arith.subf %neg3A_365, %abs3A_363 : vector<1000x128xf32>
      %exp3A_367 = math.exp %neg3A_366 : vector<1000x128xf32>
      %log1p3A_368 = math.log1p %exp3A_367 : vector<1000x128xf32>
      %add3A_369 = arith.addf %max3A_357, %log1p3A_368 : vector<1000x128xf32>
      %select_n3A_370 = arith.select %ne3A_360, %add3A_362, %add3A_369 : vector<1000x128xi1>, vector<1000x128xf32>
      %sub3A_371 = arith.constant 0.693147182 : f32
      %sub3A_372 = vector.broadcast %sub3A_371 : f32 to vector<1000x128xf32>
      %sub3A_373 = arith.subf %select_n3A_370, %sub3A_372 : vector<1000x128xf32>
      %dot_general3A_374 = arith.constant dense<0.000000e+00> : vector<1000x128xf32>
      %dot_general3A_375 = tpu.matmul %sub3A_373, %get3A_345, %dot_general3A_374 {dimension_numbers = #tpu.dot_dimension_numbers<[1], [0], [0], [1], [0, 0, 1, 1], [], []>, transpose_lhs_hint = false} : vector<1000x128xf32>, vector<128x128xf32>, vector<1000x128xf32> -> vector<1000x128xf32>
      %add3A_376 = vector.broadcast %get3A_348 : vector<1x128xf32> to vector<1000x128xf32>
      %add3A_377 = arith.addf %dot_general3A_375, %add3A_376 : vector<1000x128xf32>
      %custom_jvp_call3A_378 = arith.constant 0.000000e+00 : f32
      %max3A_379 = vector.broadcast %custom_jvp_call3A_378 : f32 to vector<1000x128xf32>
      %max3A_380 = arith.maximumf %add3A_377, %max3A_379 : vector<1000x128xf32>
      %sub3A_381 = vector.broadcast %custom_jvp_call3A_378 : f32 to vector<1000x128xf32>
      %sub3A_382 = arith.subf %add3A_377, %sub3A_381 : vector<1000x128xf32>
      %ne3A_383 = arith.cmpf one, %sub3A_382, %sub3A_382 : vector<1000x128xf32>
      %add3A_384 = vector.broadcast %custom_jvp_call3A_378 : f32 to vector<1000x128xf32>
      %add3A_385 = arith.addf %add3A_377, %add3A_384 : vector<1000x128xf32>
      %abs3A_386 = math.absf %sub3A_382 : vector<1000x128xf32>
      %neg3A_387 = arith.constant 0.000000e+00 : f32
      %neg3A_388 = vector.broadcast %neg3A_387 : f32 to vector<1000x128xf32>
      %neg3A_389 = arith.subf %neg3A_388, %abs3A_386 : vector<1000x128xf32>
      %exp3A_390 = math.exp %neg3A_389 : vector<1000x128xf32>
      %log1p3A_391 = math.log1p %exp3A_390 : vector<1000x128xf32>
      %add3A_392 = arith.addf %max3A_380, %log1p3A_391 : vector<1000x128xf32>
      %select_n3A_393 = arith.select %ne3A_383, %add3A_385, %add3A_392 : vector<1000x128xi1>, vector<1000x128xf32>
      %sub3A_394 = arith.constant 0.693147182 : f32
      %sub3A_395 = vector.broadcast %sub3A_394 : f32 to vector<1000x128xf32>
      %sub3A_396 = arith.subf %select_n3A_393, %sub3A_395 : vector<1000x128xf32>
      %swap3A_397 = arith.constant 0 : index
      %swap3A_398 = arith.constant 0 : index
      %swap3A_399 = vector.load %arg37[%swap3A_397, %swap3A_398] : memref<1000x128xf32, #tpu.memory_space<vmem>>, vector<1000x128xf32>
      tpu.vector_store %arg37[%swap3A_397, %swap3A_398], %sub3A_396 {strides = array<i32>} : memref<1000x128xf32, #tpu.memory_space<vmem>>, vector<1000x128xf32>,
      %dot_general3A_400 = arith.constant dense<0.000000e+00> : vector<1000x128xf32>
      %dot_general3A_401 = tpu.matmul %sub3A_373, %get3A_351, %dot_general3A_400 {dimension_numbers = #tpu.dot_dimension_numbers<[1], [0], [0], [1], [0, 0, 1, 1], [], []>, transpose_lhs_hint = false} : vector<1000x128xf32>, vector<128x128xf32>, vector<1000x128xf32> -> vector<1000x128xf32>
      %add3A_402 = vector.broadcast %get3A_354 : vector<1x128xf32> to vector<1000x128xf32>
      %add3A_403 = arith.addf %dot_general3A_401, %add3A_402 : vector<1000x128xf32>
      %custom_jvp_call3A_404 = arith.constant 0.000000e+00 : f32
      %max3A_405 = vector.broadcast %custom_jvp_call3A_404 : f32 to vector<1000x128xf32>
      %max3A_406 = arith.maximumf %add3A_403, %max3A_405 : vector<1000x128xf32>
      %sub3A_407 = vector.broadcast %custom_jvp_call3A_404 : f32 to vector<1000x128xf32>
      %sub3A_408 = arith.subf %add3A_403, %sub3A_407 : vector<1000x128xf32>
      %ne3A_409 = arith.cmpf one, %sub3A_408, %sub3A_408 : vector<1000x128xf32>
      %add3A_410 = vector.broadcast %custom_jvp_call3A_404 : f32 to vector<1000x128xf32>
      %add3A_411 = arith.addf %add3A_403, %add3A_410 : vector<1000x128xf32>
      %abs3A_412 = math.absf %sub3A_408 : vector<1000x128xf32>
      %neg3A_413 = arith.constant 0.000000e+00 : f32
      %neg3A_414 = vector.broadcast %neg3A_413 : f32 to vector<1000x128xf32>
      %neg3A_415 = arith.subf %neg3A_414, %abs3A_412 : vector<1000x128xf32>
      %exp3A_416 = math.exp %neg3A_415 : vector<1000x128xf32>
      %log1p3A_417 = math.log1p %exp3A_416 : vector<1000x128xf32>
      %add3A_418 = arith.addf %max3A_406, %log1p3A_417 : vector<1000x128xf32>
      %select_n3A_419 = arith.select %ne3A_409, %add3A_411, %add3A_418 : vector<1000x128xi1>, vector<1000x128xf32>
      %sub3A_420 = arith.constant 0.693147182 : f32
      %sub3A_421 = vector.broadcast %sub3A_420 : f32 to vector<1000x128xf32>
      %sub3A_422 = arith.subf %select_n3A_419, %sub3A_421 : vector<1000x128xf32>
      %swap3A_423 = arith.constant 0 : index
      %swap3A_424 = arith.constant 0 : index
      %swap3A_425 = vector.load %arg38[%swap3A_423, %swap3A_424] : memref<1000x128xf32, #tpu.memory_space<vmem>>, vector<1000x128xf32>
      tpu.vector_store %arg38[%swap3A_423, %swap3A_424], %sub3A_422 {strides = array<i32>} : memref<1000x128xf32, #tpu.memory_space<vmem>>, vector<1000x128xf32>,
    } else {
    }
    return
  }
  func.func @transform_0(%arg0: i32, %arg1: memref<250xi32, #tpu.memory_space<smem>>, %arg2: memref<250xi32, #tpu.memory_space<smem>>) -> (i32, i32) {
    %min3A = arith.constant 249 : i32
    %min3A_0 = arith.minsi %arg0, %min3A : i32
    %c3_i32 = arith.constant 3 : i32
    %c0_i32 = arith.constant 0 : i32
    return %min3A_0, %c3_i32 : i32, i32
  }
  func.func @transform_1(%arg0: i32, %arg1: memref<250xi32, #tpu.memory_space<smem>>, %arg2: memref<250xi32, #tpu.memory_space<smem>>) -> (i32, i32) {
    %min3A = arith.constant 249 : i32
    %min3A_0 = arith.minsi %arg0, %min3A : i32
    %c0_i32 = arith.constant 0 : i32
    %c0_i32_1 = arith.constant 0 : i32
    return %min3A_0, %c0_i32 : i32, i32
  }
  func.func @transform_2(%arg0: i32, %arg1: memref<250xi32, #tpu.memory_space<smem>>, %arg2: memref<250xi32, #tpu.memory_space<smem>>) -> (i32, i32, i32) {
    %min3A = arith.constant 249 : i32
    %min3A_0 = arith.minsi %arg0, %min3A : i32
    %c0_i32 = arith.constant 0 : i32
    %c0_i32_1 = arith.constant 0 : i32
    %c0_i32_2 = arith.constant 0 : i32
    return %min3A_0, %c0_i32, %c0_i32_1 : i32, i32, i32
  }
  func.func @transform_3(%arg0: i32, %arg1: memref<250xi32, #tpu.memory_space<smem>>, %arg2: memref<250xi32, #tpu.memory_space<smem>>) -> (i32, i32, i32) {
    %min3A = arith.constant 249 : i32
    %min3A_0 = arith.minsi %arg0, %min3A : i32
    %c0_i32 = arith.constant 0 : i32
    %c0_i32_1 = arith.constant 0 : i32
    %c0_i32_2 = arith.constant 0 : i32
    return %min3A_0, %c0_i32, %c0_i32_1 : i32, i32, i32
  }
  func.func @transform_4(%arg0: i32, %arg1: memref<250xi32, #tpu.memory_space<smem>>, %arg2: memref<250xi32, #tpu.memory_space<smem>>) -> (i32, i32) {
    %sub3A = arith.constant 250 : i32
    %sub3A_0 = arith.subi %arg0, %sub3A : i32
    %max3A = arith.constant 0 : i32
    %max3A_1 = arith.maxsi %sub3A_0, %max3A : i32
    %c0_i32 = arith.constant 0 : i32
    %c0_i32_2 = arith.constant 0 : i32
    return %max3A_1, %c0_i32 : i32, i32
  }
  func.func @transform_5(%arg0: i32, %arg1: memref<250xi32, #tpu.memory_space<smem>>, %arg2: memref<250xi32, #tpu.memory_space<smem>>) -> (i32, i32) {
    %sub3A = arith.constant 250 : i32
    %sub3A_0 = arith.subi %arg0, %sub3A : i32
    %max3A = arith.constant 0 : i32
    %max3A_1 = arith.maxsi %sub3A_0, %max3A : i32
    %c0_i32 = arith.constant 0 : i32
    %c0_i32_2 = arith.constant 0 : i32
    return %max3A_1, %c0_i32 : i32, i32
  }
  func.func @transform_6(%arg0: i32, %arg1: memref<250xi32, #tpu.memory_space<smem>>, %arg2: memref<250xi32, #tpu.memory_space<smem>>) -> (i32, i32) {
    %c0_i32 = arith.constant 0 : i32
    %c0_i32_0 = arith.constant 0 : i32
    %c0_i32_1 = arith.constant 0 : i32
    return %c0_i32, %c0_i32_0 : i32, i32
  }
  func.func @transform_7(%arg0: i32, %arg1: memref<250xi32, #tpu.memory_space<smem>>, %arg2: memref<250xi32, #tpu.memory_space<smem>>) -> (i32, i32) {
    %c0_i32 = arith.constant 0 : i32
    %c0_i32_0 = arith.constant 0 : i32
    %c0_i32_1 = arith.constant 0 : i32
    return %c0_i32, %c0_i32_0 : i32, i32
  }
  func.func @transform_8(%arg0: i32, %arg1: memref<250xi32, #tpu.memory_space<smem>>, %arg2: memref<250xi32, #tpu.memory_space<smem>>) -> (i32, i32) {
    %c0_i32 = arith.constant 0 : i32
    %c0_i32_0 = arith.constant 0 : i32
    %c0_i32_1 = arith.constant 0 : i32
    return %c0_i32, %c0_i32_0 : i32, i32
  }
  func.func @transform_9(%arg0: i32, %arg1: memref<250xi32, #tpu.memory_space<smem>>, %arg2: memref<250xi32, #tpu.memory_space<smem>>) -> (i32, i32) {
    %c0_i32 = arith.constant 0 : i32
    %c0_i32_0 = arith.constant 0 : i32
    %c0_i32_1 = arith.constant 0 : i32
    return %c0_i32, %c0_i32_0 : i32, i32
  }
  func.func @transform_10(%arg0: i32, %arg1: memref<250xi32, #tpu.memory_space<smem>>, %arg2: memref<250xi32, #tpu.memory_space<smem>>) -> (i32, i32) {
    %c0_i32 = arith.constant 0 : i32
    %c0_i32_0 = arith.constant 0 : i32
    %c0_i32_1 = arith.constant 0 : i32
    return %c0_i32, %c0_i32_0 : i32, i32
  }
  func.func @transform_11(%arg0: i32, %arg1: memref<250xi32, #tpu.memory_space<smem>>, %arg2: memref<250xi32, #tpu.memory_space<smem>>) -> (i32, i32) {
    %c0_i32 = arith.constant 0 : i32
    %c0_i32_0 = arith.constant 0 : i32
    %c0_i32_1 = arith.constant 0 : i32
    return %c0_i32, %c0_i32_0 : i32, i32
  }
  func.func @transform_12(%arg0: i32, %arg1: memref<250xi32, #tpu.memory_space<smem>>, %arg2: memref<250xi32, #tpu.memory_space<smem>>) -> (i32, i32) {
    %c0_i32 = arith.constant 0 : i32
    %c0_i32_0 = arith.constant 0 : i32
    %c0_i32_1 = arith.constant 0 : i32
    return %c0_i32, %c0_i32_0 : i32, i32
  }
  func.func @transform_13(%arg0: i32, %arg1: memref<250xi32, #tpu.memory_space<smem>>, %arg2: memref<250xi32, #tpu.memory_space<smem>>) -> (i32, i32) {
    %c0_i32 = arith.constant 0 : i32
    %c0_i32_0 = arith.constant 0 : i32
    %c0_i32_1 = arith.constant 0 : i32
    return %c0_i32, %c0_i32_0 : i32, i32
  }
  func.func @transform_14(%arg0: i32, %arg1: memref<250xi32, #tpu.memory_space<smem>>, %arg2: memref<250xi32, #tpu.memory_space<smem>>) -> (i32, i32) {
    %c0_i32 = arith.constant 0 : i32
    %c0_i32_0 = arith.constant 0 : i32
    %c0_i32_1 = arith.constant 0 : i32
    return %c0_i32, %c0_i32_0 : i32, i32
  }
  func.func @transform_15(%arg0: i32, %arg1: memref<250xi32, #tpu.memory_space<smem>>, %arg2: memref<250xi32, #tpu.memory_space<smem>>) -> (i32, i32) {
    %c0_i32 = arith.constant 0 : i32
    %c0_i32_0 = arith.constant 0 : i32
    %c0_i32_1 = arith.constant 0 : i32
    return %c0_i32, %c0_i32_0 : i32, i32
  }
  func.func @transform_16(%arg0: i32, %arg1: memref<250xi32, #tpu.memory_space<smem>>, %arg2: memref<250xi32, #tpu.memory_space<smem>>) -> (i32, i32) {
    %c0_i32 = arith.constant 0 : i32
    %c0_i32_0 = arith.constant 0 : i32
    %c0_i32_1 = arith.constant 0 : i32
    return %c0_i32, %c0_i32_0 : i32, i32
  }
  func.func @transform_17(%arg0: i32, %arg1: memref<250xi32, #tpu.memory_space<smem>>, %arg2: memref<250xi32, #tpu.memory_space<smem>>) -> (i32, i32) {
    %c0_i32 = arith.constant 0 : i32
    %c0_i32_0 = arith.constant 0 : i32
    %c0_i32_1 = arith.constant 0 : i32
    return %c0_i32, %c0_i32_0 : i32, i32
  }
  func.func @transform_18(%arg0: i32, %arg1: memref<250xi32, #tpu.memory_space<smem>>, %arg2: memref<250xi32, #tpu.memory_space<smem>>) -> (i32, i32) {
    %c0_i32 = arith.constant 0 : i32
    %c0_i32_0 = arith.constant 0 : i32
    %c0_i32_1 = arith.constant 0 : i32
    return %c0_i32, %c0_i32_0 : i32, i32
  }
  func.func @transform_19(%arg0: i32, %arg1: memref<250xi32, #tpu.memory_space<smem>>, %arg2: memref<250xi32, #tpu.memory_space<smem>>) -> (i32, i32) {
    %c0_i32 = arith.constant 0 : i32
    %c0_i32_0 = arith.constant 0 : i32
    %c0_i32_1 = arith.constant 0 : i32
    return %c0_i32, %c0_i32_0 : i32, i32
  }
  func.func @transform_20(%arg0: i32, %arg1: memref<250xi32, #tpu.memory_space<smem>>, %arg2: memref<250xi32, #tpu.memory_space<smem>>) -> (i32, i32) {
    %c0_i32 = arith.constant 0 : i32
    %c0_i32_0 = arith.constant 0 : i32
    %c0_i32_1 = arith.constant 0 : i32
    return %c0_i32, %c0_i32_0 : i32, i32
  }
  func.func @transform_21(%arg0: i32, %arg1: memref<250xi32, #tpu.memory_space<smem>>, %arg2: memref<250xi32, #tpu.memory_space<smem>>) -> (i32, i32) {
    %c0_i32 = arith.constant 0 : i32
    %c0_i32_0 = arith.constant 0 : i32
    %c0_i32_1 = arith.constant 0 : i32
    return %c0_i32, %c0_i32_0 : i32, i32
  }
  func.func @transform_22(%arg0: i32, %arg1: memref<250xi32, #tpu.memory_space<smem>>, %arg2: memref<250xi32, #tpu.memory_space<smem>>) -> (i32, i32) {
    %c0_i32 = arith.constant 0 : i32
    %c0_i32_0 = arith.constant 0 : i32
    %c0_i32_1 = arith.constant 0 : i32
    return %c0_i32, %c0_i32_0 : i32, i32
  }
  func.func @transform_23(%arg0: i32, %arg1: memref<250xi32, #tpu.memory_space<smem>>, %arg2: memref<250xi32, #tpu.memory_space<smem>>) -> (i32, i32) {
    %c0_i32 = arith.constant 0 : i32
    %c0_i32_0 = arith.constant 0 : i32
    %c0_i32_1 = arith.constant 0 : i32
    return %c0_i32, %c0_i32_0 : i32, i32
  }
  func.func @transform_24(%arg0: i32, %arg1: memref<250xi32, #tpu.memory_space<smem>>, %arg2: memref<250xi32, #tpu.memory_space<smem>>) -> (i32, i32) {
    %c0_i32 = arith.constant 0 : i32
    %c0_i32_0 = arith.constant 0 : i32
    %c0_i32_1 = arith.constant 0 : i32
    return %c0_i32, %c0_i32_0 : i32, i32
  }
  func.func @transform_25(%arg0: i32, %arg1: memref<250xi32, #tpu.memory_space<smem>>, %arg2: memref<250xi32, #tpu.memory_space<smem>>) -> (i32, i32) {
    %c0_i32 = arith.constant 0 : i32
    %c0_i32_0 = arith.constant 0 : i32
    %c0_i32_1 = arith.constant 0 : i32
    return %c0_i32, %c0_i32_0 : i32, i32
  }
  func.func @transform_26(%arg0: i32, %arg1: memref<250xi32, #tpu.memory_space<smem>>, %arg2: memref<250xi32, #tpu.memory_space<smem>>) -> (i32, i32) {
    %c0_i32 = arith.constant 0 : i32
    %c0_i32_0 = arith.constant 0 : i32
    %c0_i32_1 = arith.constant 0 : i32
    return %c0_i32, %c0_i32_0 : i32, i32
  }
  func.func @transform_27(%arg0: i32, %arg1: memref<250xi32, #tpu.memory_space<smem>>, %arg2: memref<250xi32, #tpu.memory_space<smem>>) -> (i32, i32) {
    %c0_i32 = arith.constant 0 : i32
    %c0_i32_0 = arith.constant 0 : i32
    %c0_i32_1 = arith.constant 0 : i32
    return %c0_i32, %c0_i32_0 : i32, i32
  }
  func.func @transform_28(%arg0: i32, %arg1: memref<250xi32, #tpu.memory_space<smem>>, %arg2: memref<250xi32, #tpu.memory_space<smem>>) -> (i32, i32) {
    %c0_i32 = arith.constant 0 : i32
    %c0_i32_0 = arith.constant 0 : i32
    %c0_i32_1 = arith.constant 0 : i32
    return %c0_i32, %c0_i32_0 : i32, i32
  }
  func.func @transform_29(%arg0: i32, %arg1: memref<250xi32, #tpu.memory_space<smem>>, %arg2: memref<250xi32, #tpu.memory_space<smem>>) -> (i32, i32) {
    %c0_i32 = arith.constant 0 : i32
    %c0_i32_0 = arith.constant 0 : i32
    %c0_i32_1 = arith.constant 0 : i32
    return %c0_i32, %c0_i32_0 : i32, i32
  }
  func.func @transform_30(%arg0: i32, %arg1: memref<250xi32, #tpu.memory_space<smem>>, %arg2: memref<250xi32, #tpu.memory_space<smem>>) -> (i32, i32) {
    %c0_i32 = arith.constant 0 : i32
    %c0_i32_0 = arith.constant 0 : i32
    %c0_i32_1 = arith.constant 0 : i32
    return %c0_i32, %c0_i32_0 : i32, i32
  }
  func.func @transform_31(%arg0: i32, %arg1: memref<250xi32, #tpu.memory_space<smem>>, %arg2: memref<250xi32, #tpu.memory_space<smem>>) -> (i32, i32) {
    %c0_i32 = arith.constant 0 : i32
    %c0_i32_0 = arith.constant 0 : i32
    %c0_i32_1 = arith.constant 0 : i32
    return %c0_i32, %c0_i32_0 : i32, i32
  }
  func.func @transform_32(%arg0: i32, %arg1: memref<250xi32, #tpu.memory_space<smem>>, %arg2: memref<250xi32, #tpu.memory_space<smem>>) -> (i32, i32) {
    %c0_i32 = arith.constant 0 : i32
    %c0_i32_0 = arith.constant 0 : i32
    %c0_i32_1 = arith.constant 0 : i32
    return %c0_i32, %c0_i32_0 : i32, i32
  }
  func.func @transform_33(%arg0: i32, %arg1: memref<250xi32, #tpu.memory_space<smem>>, %arg2: memref<250xi32, #tpu.memory_space<smem>>) -> (i32, i32) {
    %sub3A = arith.constant 250 : i32
    %sub3A_0 = arith.subi %arg0, %sub3A : i32
    %max3A = arith.constant 0 : i32
    %max3A_1 = arith.maxsi %sub3A_0, %max3A : i32
    %c0_i32 = arith.constant 0 : i32
    %c0_i32_2 = arith.constant 0 : i32
    return %max3A_1, %c0_i32 : i32, i32
  }
  func.func @transform_34(%arg0: i32, %arg1: memref<250xi32, #tpu.memory_space<smem>>, %arg2: memref<250xi32, #tpu.memory_space<smem>>) -> (i32, i32) {
    %sub3A = arith.constant 250 : i32
    %sub3A_0 = arith.subi %arg0, %sub3A : i32
    %max3A = arith.constant 0 : i32
    %max3A_1 = arith.maxsi %sub3A_0, %max3A : i32
    %c0_i32 = arith.constant 0 : i32
    %c0_i32_2 = arith.constant 0 : i32
    return %max3A_1, %c0_i32 : i32, i32
  }
  func.func @transform_35(%arg0: i32, %arg1: memref<250xi32, #tpu.memory_space<smem>>, %arg2: memref<250xi32, #tpu.memory_space<smem>>) -> (i32, i32) {
    %sub3A = arith.constant 250 : i32
    %sub3A_0 = arith.subi %arg0, %sub3A : i32
    %max3A = arith.constant 0 : i32
    %max3A_1 = arith.maxsi %sub3A_0, %max3A : i32
    %c0_i32 = arith.constant 0 : i32
    %c0_i32_2 = arith.constant 0 : i32
    return %max3A_1, %c0_i32 : i32, i32
  }
}

module attributes {stable_mosaic.version = 14 : i64} {
  func.func @_block_body(%arg0: i32, %arg1: memref<250xi32, #tpu.memory_space<smem>>, %arg2: memref<250xi32, #tpu.memory_space<smem>>, %arg3: memref<1280x128xbf16, #tpu.memory_space<vmem>>, %arg4: memref<1280x128xf32, #tpu.memory_space<vmem>>, %arg5: memref<1x1x1280xi32, #tpu.memory_space<vmem>>, %arg6: memref<1x1x1280xf32, #tpu.memory_space<vmem>>, %arg7: memref<1000x128xf32, #tpu.memory_space<vmem>>, %arg8: memref<1000x128xf32, #tpu.memory_space<vmem>>, %arg9: memref<128x128xf32, #tpu.memory_space<vmem>>, %arg10: memref<1x128xf32, #tpu.memory_space<vmem>>, %arg11: memref<128x128xf32, #tpu.memory_space<vmem>>, %arg12: memref<1x128xf32, #tpu.memory_space<vmem>>, %arg13: memref<128x128xf32, #tpu.memory_space<vmem>>, %arg14: memref<1x128xf32, #tpu.memory_space<vmem>>, %arg15: memref<128x128xf32, #tpu.memory_space<vmem>>, %arg16: memref<1x128xf32, #tpu.memory_space<vmem>>, %arg17: memref<128x128xf32, #tpu.memory_space<vmem>>, %arg18: memref<1x128xf32, #tpu.memory_space<vmem>>, %arg19: memref<128x128xf32, #tpu.memory_space<vmem>>, %arg20: memref<1x128xf32, #tpu.memory_space<vmem>>, %arg21: memref<128x128xf32, #tpu.memory_space<vmem>>, %arg22: memref<1x128xf32, #tpu.memory_space<vmem>>, %arg23: memref<1x128xf32, #tpu.memory_space<vmem>>, %arg24: memref<128x128xf32, #tpu.memory_space<vmem>>, %arg25: memref<1x128xf32, #tpu.memory_space<vmem>>, %arg26: memref<128x128xf32, #tpu.memory_space<vmem>>, %arg27: memref<1x128xf32, #tpu.memory_space<vmem>>, %arg28: memref<128x128xf32, #tpu.memory_space<vmem>>, %arg29: memref<1x128xf32, #tpu.memory_space<vmem>>, %arg30: memref<128x128xf32, #tpu.memory_space<vmem>>, %arg31: memref<1x128xf32, #tpu.memory_space<vmem>>, %arg32: memref<1000x128xf32, #tpu.memory_space<vmem>>, %arg33: memref<10000x128xf32, #tpu.memory_space<vmem>>) attributes {dimension_semantics = [#tpu.dimension_semantics<arbitrary>], iteration_bounds = array<i64: 260>, scalar_prefetch = 2 : i64, scratch_operands = 1 : i64, tpu.core_type = #tpu.core_type<tc>, window_params = [{transform_indices = @transform_0, window_bounds = array<i64: 1280, 128>}, {transform_indices = @transform_1, window_bounds = array<i64: 1280, 128>}, {transform_indices = @transform_2, window_bounds = array<i64: 1, 1, 1280>}, {transform_indices = @transform_3, window_bounds = array<i64: 1, 1, 1280>}, {transform_indices = @transform_4, window_bounds = array<i64: 1000, 128>}, {transform_indices = @transform_5, window_bounds = array<i64: 1000, 128>}, {pipeline_mode = #tpu.pipeline_mode<synchronous>, transform_indices = @transform_6, window_bounds = array<i64: 128, 128>}, {pipeline_mode = #tpu.pipeline_mode<synchronous>, transform_indices = @transform_7, window_bounds = array<i64: 1, 128>}, {pipeline_mode = #tpu.pipeline_mode<synchronous>, transform_indices = @transform_8, window_bounds = array<i64: 128, 128>}, {pipeline_mode = #tpu.pipeline_mode<synchronous>, transform_indices = @transform_9, window_bounds = array<i64: 1, 128>}, {pipeline_mode = #tpu.pipeline_mode<synchronous>, transform_indices = @transform_10, window_bounds = array<i64: 128, 128>}, {pipeline_mode = #tpu.pipeline_mode<synchronous>, transform_indices = @transform_11, window_bounds = array<i64: 1, 128>}, {pipeline_mode = #tpu.pipeline_mode<synchronous>, transform_indices = @transform_12, window_bounds = array<i64: 128, 128>}, {pipeline_mode = #tpu.pipeline_mode<synchronous>, transform_indices = @transform_13, window_bounds = array<i64: 1, 128>}, {pipeline_mode = #tpu.pipeline_mode<synchronous>, transform_indices = @transform_14, window_bounds = array<i64: 128, 128>}, {pipeline_mode = #tpu.pipeline_mode<synchronous>, transform_indices = @transform_15, window_bounds = array<i64: 1, 128>}, {pipeline_mode = #tpu.pipeline_mode<synchronous>, transform_indices = @transform_16, window_bounds = array<i64: 128, 128>}, {pipeline_mode = #tpu.pipeline_mode<synchronous>, transform_indices = @transform_17, window_bounds = array<i64: 1, 128>}, {pipeline_mode = #tpu.pipeline_mode<synchronous>, transform_indices = @transform_18, window_bounds = array<i64: 128, 128>}, {pipeline_mode = #tpu.pipeline_mode<synchronous>, transform_indices = @transform_19, window_bounds = array<i64: 1, 128>}, {pipeline_mode = #tpu.pipeline_mode<synchronous>, transform_indices = @transform_20, window_bounds = array<i64: 1, 128>}, {pipeline_mode = #tpu.pipeline_mode<synchronous>, transform_indices = @transform_21, window_bounds = array<i64: 128, 128>}, {pipeline_mode = #tpu.pipeline_mode<synchronous>, transform_indices = @transform_22, window_bounds = array<i64: 1, 128>}, {pipeline_mode = #tpu.pipeline_mode<synchronous>, transform_indices = @transform_23, window_bounds = array<i64: 128, 128>}, {pipeline_mode = #tpu.pipeline_mode<synchronous>, transform_indices = @transform_24, window_bounds = array<i64: 1, 128>}, {pipeline_mode = #tpu.pipeline_mode<synchronous>, transform_indices = @transform_25, window_bounds = array<i64: 128, 128>}, {pipeline_mode = #tpu.pipeline_mode<synchronous>, transform_indices = @transform_26, window_bounds = array<i64: 1, 128>}, {pipeline_mode = #tpu.pipeline_mode<synchronous>, transform_indices = @transform_27, window_bounds = array<i64: 128, 128>}, {pipeline_mode = #tpu.pipeline_mode<synchronous>, transform_indices = @transform_28, window_bounds = array<i64: 1, 128>}, {transform_indices = @transform_29, window_bounds = array<i64: 1000, 128>}]} {
    %eq3A = arith.constant 0 : i32
    %eq3A_0 = arith.cmpi eq, %arg0, %eq3A : i32
    %convert_element_type3A = arith.extui %eq3A_0 : i1 to i32
    %cond3A = arith.constant 0 : i32
    %cond3A_1 = arith.cmpi ne, %convert_element_type3A, %cond3A : i32
    scf.if %cond3A_1 {
      %broadcast_in_dim3A = arith.constant 0.000000e+00 : f32
      %broadcast_in_dim3A_10 = vector.broadcast %broadcast_in_dim3A : f32 to vector<10000x128xf32>
      %swap3A = arith.constant 0 : index
      %swap3A_11 = arith.constant 0 : index
      %swap3A_12 = vector.load %arg33[%swap3A, %swap3A_11] : memref<10000x128xf32, #tpu.memory_space<vmem>>, vector<10000x128xf32>
      tpu.vector_store %arg33[%swap3A, %swap3A_11], %broadcast_in_dim3A_10 {strides = array<i32>} : memref<10000x128xf32, #tpu.memory_space<vmem>>, vector<10000x128xf32>,
    } else {
    }
    %lt3A = arith.constant 250 : i32
    %lt3A_2 = arith.cmpi slt, %arg0, %lt3A : i32
    %convert_element_type3A_3 = arith.extui %lt3A_2 : i1 to i32
    %cond3A_4 = arith.constant 0 : i32
    %cond3A_5 = arith.cmpi ne, %convert_element_type3A_3, %cond3A_4 : i32
    scf.if %cond3A_5 {
      %get3A = arith.constant 0 : index
      %get3A_10 = arith.constant 0 : index
      %get3A_11 = vector.load %arg3[%get3A, %get3A_10] : memref<1280x128xbf16, #tpu.memory_space<vmem>>, vector<1280x128xbf16>
      %get3A_12 = arith.constant 0 : index
      %get3A_13 = arith.constant 0 : index
      %get3A_14 = vector.load %arg4[%get3A_12, %get3A_13] : memref<1280x128xf32, #tpu.memory_space<vmem>>, vector<1280x128xf32>
      %convert_element_type3A_15 = arith.truncf %get3A_14 : vector<1280x128xf32> to vector<1280x128xbf16>
      %mul3A = arith.mulf %get3A_11, %convert_element_type3A_15 : vector<1280x128xbf16>
      %get3A_16 = arith.constant 0 : index
      %get3A_17 = arith.constant 0 : index
      %get3A_18 = arith.constant 0 : index
      %get3A_19 = vector.load %arg5[%get3A_16, %get3A_17, %get3A_18] : memref<1x1x1280xi32, #tpu.memory_space<vmem>>, vector<1x1x1280xi32>
      %get3A_20 = vector.shape_cast %get3A_19 : vector<1x1x1280xi32> to vector<1x1280xi32>
      %get3A_21 = arith.constant 0 : index
      %get3A_22 = arith.constant 0 : index
      %get3A_23 = arith.constant 0 : index
      %get3A_24 = vector.load %arg6[%get3A_21, %get3A_22, %get3A_23] : memref<1x1x1280xf32, #tpu.memory_space<vmem>>, vector<1x1x1280xf32>
      %get3A_25 = vector.shape_cast %get3A_24 : vector<1x1x1280xf32> to vector<1x1280xf32>
      %convert_element_type3A_26 = arith.truncf %get3A_25 : vector<1x1280xf32> to vector<1x1280xbf16>
      %min3A = arith.constant 249 : i32
      %min3A_27 = arith.minsi %arg0, %min3A : i32
      %get3A_28 = arith.index_cast %min3A_27 : i32 to index
      %get3A_29 = memref.load %arg1[%get3A_28] : memref<250xi32, #tpu.memory_space<smem>>
      %get3A_30 = arith.index_cast %min3A_27 : i32 to index
      %get3A_31 = memref.load %arg2[%get3A_30] : memref<250xi32, #tpu.memory_space<smem>>
      %while3A = arith.constant 0 : i32
      %while3A_32 = arith.constant 0 : i32
      %while3A_33 = arith.subi %get3A_31, %while3A_32 : i32
      %while3A_34 = arith.addi %while3A_32, %while3A_33 : i32
      %while3A_35 = arith.constant 1 : i32
      %while3A_36 = arith.divsi %while3A_33, %while3A_35 : i32
      %while3A_37 = arith.muli %while3A_36, %while3A_35 : i32
      %while3A_38 = arith.addi %while3A_32, %while3A_37 : i32
      %while3A_39 = arith.constant 1 : i32
      scf.for %while3A_41 = %while3A_32 to %while3A_38 step %while3A_39  : i32 {
        %mul3A_42 = arith.constant 64 : i32
        %mul3A_43 = arith.muli %while3A_41, %mul3A_42 : i32
        %add3A = arith.addi %get3A_29, %mul3A_43 : i32
        %min3A_44 = arith.constant 9936 : i32
        %min3A_45 = arith.minsi %add3A, %min3A_44 : i32
        %sub3A = vector.broadcast %min3A_45 : i32 to vector<1x1280xi32>
        %sub3A_46 = arith.subi %get3A_20, %sub3A : vector<1x1280xi32>
        %ge3A_47 = vector.broadcast %add3A : i32 to vector<1x1280xi32>
        %ge3A_48 = arith.cmpi sge, %get3A_20, %ge3A_47 : vector<1x1280xi32>
        %add3A_49 = arith.constant 64 : i32
        %add3A_50 = arith.addi %add3A, %add3A_49 : i32
        %lt3A_51 = vector.broadcast %add3A_50 : i32 to vector<1x1280xi32>
        %lt3A_52 = arith.cmpi slt, %get3A_20, %lt3A_51 : vector<1x1280xi32>
        %and3A = arith.andi %ge3A_48, %lt3A_52 : vector<1x1280xi1>
        %iota3A = tpu.iota {dimensions = array<i32: 0>} : vector<64x1280xi32>
        %eq3A_53 = vector.broadcast %sub3A_46 : vector<1x1280xi32> to vector<64x1280xi32>
        %eq3A_54 = arith.cmpi eq, %iota3A, %eq3A_53 : vector<64x1280xi32>
        %and3A_55 = vector.broadcast %and3A : vector<1x1280xi1> to vector<64x1280xi1>
        %and3A_56 = arith.andi %eq3A_54, %and3A_55 : vector<64x1280xi1>
        %convert_element_type3A_57 = arith.extui %and3A_56 : vector<64x1280xi1> to vector<64x1280xi32>
        %convert_element_type3A_58 = arith.sitofp %convert_element_type3A_57 : vector<64x1280xi32> to vector<64x1280xf32>
        %convert_element_type3A_59 = arith.truncf %convert_element_type3A_58 : vector<64x1280xf32> to vector<64x1280xbf16>
        %mul3A_60 = vector.broadcast %convert_element_type3A_26 : vector<1x1280xbf16> to vector<64x1280xbf16>
        %mul3A_61 = arith.mulf %convert_element_type3A_59, %mul3A_60 : vector<64x1280xbf16>
        %dot_general3A = arith.constant dense<0.000000e+00> : vector<64x128xf32>
        %dot_general3A_62 = tpu.matmul %mul3A_61, %mul3A, %dot_general3A {dimension_numbers = #tpu.dot_dimension_numbers<[1], [0], [0], [1], [0, 0, 1, 1], [], []>, transpose_lhs_hint = false} : vector<64x1280xbf16>, vector<1280x128xbf16>, vector<64x128xf32> -> vector<64x128xf32>
        %get3A_63 = arith.index_cast %min3A_45 : i32 to index
        %get3A_64 = arith.constant 0 : index
        %get3A_65 = vector.load %arg33[%get3A_63, %get3A_64] : memref<10000x128xf32, #tpu.memory_space<vmem>>, vector<64x128xf32>
        %add3A_66 = arith.addf %get3A_65, %dot_general3A_62 : vector<64x128xf32>
        %swap3A = arith.index_cast %min3A_45 : i32 to index
        %swap3A_67 = arith.constant 0 : index
        %swap3A_68 = vector.load %arg33[%swap3A, %swap3A_67] : memref<10000x128xf32, #tpu.memory_space<vmem>>, vector<64x128xf32>
        tpu.vector_store %arg33[%swap3A, %swap3A_67], %add3A_66 {strides = array<i32>} : memref<10000x128xf32, #tpu.memory_space<vmem>>, vector<64x128xf32>,
      }
      %while3A_40 = arith.constant 1 : i32
      scf.for %while3A_41 = %while3A_38 to %while3A_34 step %while3A_40  : i32 {
        %mul3A_42 = arith.constant 64 : i32
        %mul3A_43 = arith.muli %while3A_41, %mul3A_42 : i32
        %add3A = arith.addi %get3A_29, %mul3A_43 : i32
        %min3A_44 = arith.constant 9936 : i32
        %min3A_45 = arith.minsi %add3A, %min3A_44 : i32
        %sub3A = vector.broadcast %min3A_45 : i32 to vector<1x1280xi32>
        %sub3A_46 = arith.subi %get3A_20, %sub3A : vector<1x1280xi32>
        %ge3A_47 = vector.broadcast %add3A : i32 to vector<1x1280xi32>
        %ge3A_48 = arith.cmpi sge, %get3A_20, %ge3A_47 : vector<1x1280xi32>
        %add3A_49 = arith.constant 64 : i32
        %add3A_50 = arith.addi %add3A, %add3A_49 : i32
        %lt3A_51 = vector.broadcast %add3A_50 : i32 to vector<1x1280xi32>
        %lt3A_52 = arith.cmpi slt, %get3A_20, %lt3A_51 : vector<1x1280xi32>
        %and3A = arith.andi %ge3A_48, %lt3A_52 : vector<1x1280xi1>
        %iota3A = tpu.iota {dimensions = array<i32: 0>} : vector<64x1280xi32>
        %eq3A_53 = vector.broadcast %sub3A_46 : vector<1x1280xi32> to vector<64x1280xi32>
        %eq3A_54 = arith.cmpi eq, %iota3A, %eq3A_53 : vector<64x1280xi32>
        %and3A_55 = vector.broadcast %and3A : vector<1x1280xi1> to vector<64x1280xi1>
        %and3A_56 = arith.andi %eq3A_54, %and3A_55 : vector<64x1280xi1>
        %convert_element_type3A_57 = arith.extui %and3A_56 : vector<64x1280xi1> to vector<64x1280xi32>
        %convert_element_type3A_58 = arith.sitofp %convert_element_type3A_57 : vector<64x1280xi32> to vector<64x1280xf32>
        %convert_element_type3A_59 = arith.truncf %convert_element_type3A_58 : vector<64x1280xf32> to vector<64x1280xbf16>
        %mul3A_60 = vector.broadcast %convert_element_type3A_26 : vector<1x1280xbf16> to vector<64x1280xbf16>
        %mul3A_61 = arith.mulf %convert_element_type3A_59, %mul3A_60 : vector<64x1280xbf16>
        %dot_general3A = arith.constant dense<0.000000e+00> : vector<64x128xf32>
        %dot_general3A_62 = tpu.matmul %mul3A_61, %mul3A, %dot_general3A {dimension_numbers = #tpu.dot_dimension_numbers<[1], [0], [0], [1], [0, 0, 1, 1], [], []>, transpose_lhs_hint = false} : vector<64x1280xbf16>, vector<1280x128xbf16>, vector<64x128xf32> -> vector<64x128xf32>
        %get3A_63 = arith.index_cast %min3A_45 : i32 to index
        %get3A_64 = arith.constant 0 : index
        %get3A_65 = vector.load %arg33[%get3A_63, %get3A_64] : memref<10000x128xf32, #tpu.memory_space<vmem>>, vector<64x128xf32>
        %add3A_66 = arith.addf %get3A_65, %dot_general3A_62 : vector<64x128xf32>
        %swap3A = arith.index_cast %min3A_45 : i32 to index
        %swap3A_67 = arith.constant 0 : index
        %swap3A_68 = vector.load %arg33[%swap3A, %swap3A_67] : memref<10000x128xf32, #tpu.memory_space<vmem>>, vector<64x128xf32>
        tpu.vector_store %arg33[%swap3A, %swap3A_67], %add3A_66 {strides = array<i32>} : memref<10000x128xf32, #tpu.memory_space<vmem>>, vector<64x128xf32>,
      }
    } else {
    }
    %ge3A = arith.constant 250 : i32
    %ge3A_6 = arith.cmpi sge, %arg0, %ge3A : i32
    %convert_element_type3A_7 = arith.extui %ge3A_6 : i1 to i32
    %cond3A_8 = arith.constant 0 : i32
    %cond3A_9 = arith.cmpi ne, %convert_element_type3A_7, %cond3A_8 : i32
    scf.if %cond3A_9 {
      %sub3A = arith.constant 250 : i32
      %sub3A_10 = arith.subi %arg0, %sub3A : i32
      %get3A = arith.constant 0 : index
      %get3A_11 = arith.constant 0 : index
      %get3A_12 = vector.load %arg8[%get3A, %get3A_11] : memref<1000x128xf32, #tpu.memory_space<vmem>>, vector<1000x128xf32>
      %mul3A = arith.constant 1000 : i32
      %mul3A_13 = arith.muli %sub3A_10, %mul3A : i32
      %get3A_14 = arith.index_cast %mul3A_13 : i32 to index
      %get3A_15 = arith.constant 0 : index
      %get3A_16 = vector.load %arg33[%get3A_14, %get3A_15] : memref<10000x128xf32, #tpu.memory_space<vmem>>, vector<1000x128xf32>
      %add3A = arith.addf %get3A_12, %get3A_16 : vector<1000x128xf32>
      %get3A_17 = arith.constant 0 : index
      %get3A_18 = arith.constant 0 : index
      %get3A_19 = vector.load %arg9[%get3A_17, %get3A_18] : memref<128x128xf32, #tpu.memory_space<vmem>>, vector<128x128xf32>
      %get3A_20 = arith.constant 0 : index
      %get3A_21 = arith.constant 0 : index
      %get3A_22 = vector.load %arg10[%get3A_20, %get3A_21] : memref<1x128xf32, #tpu.memory_space<vmem>>, vector<1x128xf32>
      %get3A_23 = arith.constant 0 : index
      %get3A_24 = arith.constant 0 : index
      %get3A_25 = vector.load %arg11[%get3A_23, %get3A_24] : memref<128x128xf32, #tpu.memory_space<vmem>>, vector<128x128xf32>
      %get3A_26 = arith.constant 0 : index
      %get3A_27 = arith.constant 0 : index
      %get3A_28 = vector.load %arg12[%get3A_26, %get3A_27] : memref<1x128xf32, #tpu.memory_space<vmem>>, vector<1x128xf32>
      %custom_jvp_call3A = arith.constant 0.000000e+00 : f32
      %max3A = vector.broadcast %custom_jvp_call3A : f32 to vector<1000x128xf32>
      %max3A_29 = arith.maximumf %add3A, %max3A : vector<1000x128xf32>
      %sub3A_30 = vector.broadcast %custom_jvp_call3A : f32 to vector<1000x128xf32>
      %sub3A_31 = arith.subf %add3A, %sub3A_30 : vector<1000x128xf32>
      %ne3A = arith.cmpf one, %sub3A_31, %sub3A_31 : vector<1000x128xf32>
      %add3A_32 = vector.broadcast %custom_jvp_call3A : f32 to vector<1000x128xf32>
      %add3A_33 = arith.addf %add3A, %add3A_32 : vector<1000x128xf32>
      %abs3A = math.absf %sub3A_31 : vector<1000x128xf32>
      %neg3A = arith.constant 0.000000e+00 : f32
      %neg3A_34 = vector.broadcast %neg3A : f32 to vector<1000x128xf32>
      %neg3A_35 = arith.subf %neg3A_34, %abs3A : vector<1000x128xf32>
      %exp3A = math.exp %neg3A_35 : vector<1000x128xf32>
      %log1p3A = math.log1p %exp3A : vector<1000x128xf32>
      %add3A_36 = arith.addf %max3A_29, %log1p3A : vector<1000x128xf32>
      %select_n3A = arith.select %ne3A, %add3A_33, %add3A_36 : vector<1000x128xi1>, vector<1000x128xf32>
      %sub3A_37 = arith.constant 0.693147182 : f32
      %sub3A_38 = vector.broadcast %sub3A_37 : f32 to vector<1000x128xf32>
      %sub3A_39 = arith.subf %select_n3A, %sub3A_38 : vector<1000x128xf32>
      %dot_general3A = arith.constant dense<0.000000e+00> : vector<1000x128xf32>
      %dot_general3A_40 = tpu.matmul %sub3A_39, %get3A_19, %dot_general3A {dimension_numbers = #tpu.dot_dimension_numbers<[1], [0], [0], [1], [0, 0, 1, 1], [], []>, transpose_lhs_hint = false} : vector<1000x128xf32>, vector<128x128xf32>, vector<1000x128xf32> -> vector<1000x128xf32>
      %add3A_41 = vector.broadcast %get3A_22 : vector<1x128xf32> to vector<1000x128xf32>
      %add3A_42 = arith.addf %dot_general3A_40, %add3A_41 : vector<1000x128xf32>
      %custom_jvp_call3A_43 = arith.constant 0.000000e+00 : f32
      %max3A_44 = vector.broadcast %custom_jvp_call3A_43 : f32 to vector<1000x128xf32>
      %max3A_45 = arith.maximumf %add3A_42, %max3A_44 : vector<1000x128xf32>
      %sub3A_46 = vector.broadcast %custom_jvp_call3A_43 : f32 to vector<1000x128xf32>
      %sub3A_47 = arith.subf %add3A_42, %sub3A_46 : vector<1000x128xf32>
      %ne3A_48 = arith.cmpf one, %sub3A_47, %sub3A_47 : vector<1000x128xf32>
      %add3A_49 = vector.broadcast %custom_jvp_call3A_43 : f32 to vector<1000x128xf32>
      %add3A_50 = arith.addf %add3A_42, %add3A_49 : vector<1000x128xf32>
      %abs3A_51 = math.absf %sub3A_47 : vector<1000x128xf32>
      %neg3A_52 = arith.constant 0.000000e+00 : f32
      %neg3A_53 = vector.broadcast %neg3A_52 : f32 to vector<1000x128xf32>
      %neg3A_54 = arith.subf %neg3A_53, %abs3A_51 : vector<1000x128xf32>
      %exp3A_55 = math.exp %neg3A_54 : vector<1000x128xf32>
      %log1p3A_56 = math.log1p %exp3A_55 : vector<1000x128xf32>
      %add3A_57 = arith.addf %max3A_45, %log1p3A_56 : vector<1000x128xf32>
      %select_n3A_58 = arith.select %ne3A_48, %add3A_50, %add3A_57 : vector<1000x128xi1>, vector<1000x128xf32>
      %sub3A_59 = arith.constant 0.693147182 : f32
      %sub3A_60 = vector.broadcast %sub3A_59 : f32 to vector<1000x128xf32>
      %sub3A_61 = arith.subf %select_n3A_58, %sub3A_60 : vector<1000x128xf32>
      %dot_general3A_62 = arith.constant dense<0.000000e+00> : vector<1000x128xf32>
      %dot_general3A_63 = tpu.matmul %sub3A_61, %get3A_25, %dot_general3A_62 {dimension_numbers = #tpu.dot_dimension_numbers<[1], [0], [0], [1], [0, 0, 1, 1], [], []>, transpose_lhs_hint = false} : vector<1000x128xf32>, vector<128x128xf32>, vector<1000x128xf32> -> vector<1000x128xf32>
      %add3A_64 = arith.addf %add3A, %dot_general3A_63 : vector<1000x128xf32>
      %add3A_65 = vector.broadcast %get3A_28 : vector<1x128xf32> to vector<1000x128xf32>
      %add3A_66 = arith.addf %add3A_64, %add3A_65 : vector<1000x128xf32>
      %get3A_67 = arith.constant 0 : index
      %get3A_68 = arith.constant 0 : index
      %get3A_69 = vector.load %arg13[%get3A_67, %get3A_68] : memref<128x128xf32, #tpu.memory_space<vmem>>, vector<128x128xf32>
      %get3A_70 = arith.constant 0 : index
      %get3A_71 = arith.constant 0 : index
      %get3A_72 = vector.load %arg14[%get3A_70, %get3A_71] : memref<1x128xf32, #tpu.memory_space<vmem>>, vector<1x128xf32>
      %get3A_73 = arith.constant 0 : index
      %get3A_74 = arith.constant 0 : index
      %get3A_75 = vector.load %arg15[%get3A_73, %get3A_74] : memref<128x128xf32, #tpu.memory_space<vmem>>, vector<128x128xf32>
      %get3A_76 = arith.constant 0 : index
      %get3A_77 = arith.constant 0 : index
      %get3A_78 = vector.load %arg16[%get3A_76, %get3A_77] : memref<1x128xf32, #tpu.memory_space<vmem>>, vector<1x128xf32>
      %custom_jvp_call3A_79 = arith.constant 0.000000e+00 : f32
      %max3A_80 = vector.broadcast %custom_jvp_call3A_79 : f32 to vector<1000x128xf32>
      %max3A_81 = arith.maximumf %add3A_66, %max3A_80 : vector<1000x128xf32>
      %sub3A_82 = vector.broadcast %custom_jvp_call3A_79 : f32 to vector<1000x128xf32>
      %sub3A_83 = arith.subf %add3A_66, %sub3A_82 : vector<1000x128xf32>
      %ne3A_84 = arith.cmpf one, %sub3A_83, %sub3A_83 : vector<1000x128xf32>
      %add3A_85 = vector.broadcast %custom_jvp_call3A_79 : f32 to vector<1000x128xf32>
      %add3A_86 = arith.addf %add3A_66, %add3A_85 : vector<1000x128xf32>
      %abs3A_87 = math.absf %sub3A_83 : vector<1000x128xf32>
      %neg3A_88 = arith.constant 0.000000e+00 : f32
      %neg3A_89 = vector.broadcast %neg3A_88 : f32 to vector<1000x128xf32>
      %neg3A_90 = arith.subf %neg3A_89, %abs3A_87 : vector<1000x128xf32>
      %exp3A_91 = math.exp %neg3A_90 : vector<1000x128xf32>
      %log1p3A_92 = math.log1p %exp3A_91 : vector<1000x128xf32>
      %add3A_93 = arith.addf %max3A_81, %log1p3A_92 : vector<1000x128xf32>
      %select_n3A_94 = arith.select %ne3A_84, %add3A_86, %add3A_93 : vector<1000x128xi1>, vector<1000x128xf32>
      %sub3A_95 = arith.constant 0.693147182 : f32
      %sub3A_96 = vector.broadcast %sub3A_95 : f32 to vector<1000x128xf32>
      %sub3A_97 = arith.subf %select_n3A_94, %sub3A_96 : vector<1000x128xf32>
      %dot_general3A_98 = arith.constant dense<0.000000e+00> : vector<1000x128xf32>
      %dot_general3A_99 = tpu.matmul %sub3A_97, %get3A_69, %dot_general3A_98 {dimension_numbers = #tpu.dot_dimension_numbers<[1], [0], [0], [1], [0, 0, 1, 1], [], []>, transpose_lhs_hint = false} : vector<1000x128xf32>, vector<128x128xf32>, vector<1000x128xf32> -> vector<1000x128xf32>
      %add3A_100 = vector.broadcast %get3A_72 : vector<1x128xf32> to vector<1000x128xf32>
      %add3A_101 = arith.addf %dot_general3A_99, %add3A_100 : vector<1000x128xf32>
      %custom_jvp_call3A_102 = arith.constant 0.000000e+00 : f32
      %max3A_103 = vector.broadcast %custom_jvp_call3A_102 : f32 to vector<1000x128xf32>
      %max3A_104 = arith.maximumf %add3A_101, %max3A_103 : vector<1000x128xf32>
      %sub3A_105 = vector.broadcast %custom_jvp_call3A_102 : f32 to vector<1000x128xf32>
      %sub3A_106 = arith.subf %add3A_101, %sub3A_105 : vector<1000x128xf32>
      %ne3A_107 = arith.cmpf one, %sub3A_106, %sub3A_106 : vector<1000x128xf32>
      %add3A_108 = vector.broadcast %custom_jvp_call3A_102 : f32 to vector<1000x128xf32>
      %add3A_109 = arith.addf %add3A_101, %add3A_108 : vector<1000x128xf32>
      %abs3A_110 = math.absf %sub3A_106 : vector<1000x128xf32>
      %neg3A_111 = arith.constant 0.000000e+00 : f32
      %neg3A_112 = vector.broadcast %neg3A_111 : f32 to vector<1000x128xf32>
      %neg3A_113 = arith.subf %neg3A_112, %abs3A_110 : vector<1000x128xf32>
      %exp3A_114 = math.exp %neg3A_113 : vector<1000x128xf32>
      %log1p3A_115 = math.log1p %exp3A_114 : vector<1000x128xf32>
      %add3A_116 = arith.addf %max3A_104, %log1p3A_115 : vector<1000x128xf32>
      %select_n3A_117 = arith.select %ne3A_107, %add3A_109, %add3A_116 : vector<1000x128xi1>, vector<1000x128xf32>
      %sub3A_118 = arith.constant 0.693147182 : f32
      %sub3A_119 = vector.broadcast %sub3A_118 : f32 to vector<1000x128xf32>
      %sub3A_120 = arith.subf %select_n3A_117, %sub3A_119 : vector<1000x128xf32>
      %dot_general3A_121 = arith.constant dense<0.000000e+00> : vector<1000x128xf32>
      %dot_general3A_122 = tpu.matmul %sub3A_120, %get3A_75, %dot_general3A_121 {dimension_numbers = #tpu.dot_dimension_numbers<[1], [0], [0], [1], [0, 0, 1, 1], [], []>, transpose_lhs_hint = false} : vector<1000x128xf32>, vector<128x128xf32>, vector<1000x128xf32> -> vector<1000x128xf32>
      %add3A_123 = arith.addf %add3A_66, %dot_general3A_122 : vector<1000x128xf32>
      %add3A_124 = vector.broadcast %get3A_78 : vector<1x128xf32> to vector<1000x128xf32>
      %add3A_125 = arith.addf %add3A_123, %add3A_124 : vector<1000x128xf32>
      %get3A_126 = arith.constant 0 : index
      %get3A_127 = arith.constant 0 : index
      %get3A_128 = vector.load %arg17[%get3A_126, %get3A_127] : memref<128x128xf32, #tpu.memory_space<vmem>>, vector<128x128xf32>
      %get3A_129 = arith.constant 0 : index
      %get3A_130 = arith.constant 0 : index
      %get3A_131 = vector.load %arg18[%get3A_129, %get3A_130] : memref<1x128xf32, #tpu.memory_space<vmem>>, vector<1x128xf32>
      %get3A_132 = arith.constant 0 : index
      %get3A_133 = arith.constant 0 : index
      %get3A_134 = vector.load %arg19[%get3A_132, %get3A_133] : memref<128x128xf32, #tpu.memory_space<vmem>>, vector<128x128xf32>
      %get3A_135 = arith.constant 0 : index
      %get3A_136 = arith.constant 0 : index
      %get3A_137 = vector.load %arg20[%get3A_135, %get3A_136] : memref<1x128xf32, #tpu.memory_space<vmem>>, vector<1x128xf32>
      %custom_jvp_call3A_138 = arith.constant 0.000000e+00 : f32
      %max3A_139 = vector.broadcast %custom_jvp_call3A_138 : f32 to vector<1000x128xf32>
      %max3A_140 = arith.maximumf %add3A_125, %max3A_139 : vector<1000x128xf32>
      %sub3A_141 = vector.broadcast %custom_jvp_call3A_138 : f32 to vector<1000x128xf32>
      %sub3A_142 = arith.subf %add3A_125, %sub3A_141 : vector<1000x128xf32>
      %ne3A_143 = arith.cmpf one, %sub3A_142, %sub3A_142 : vector<1000x128xf32>
      %add3A_144 = vector.broadcast %custom_jvp_call3A_138 : f32 to vector<1000x128xf32>
      %add3A_145 = arith.addf %add3A_125, %add3A_144 : vector<1000x128xf32>
      %abs3A_146 = math.absf %sub3A_142 : vector<1000x128xf32>
      %neg3A_147 = arith.constant 0.000000e+00 : f32
      %neg3A_148 = vector.broadcast %neg3A_147 : f32 to vector<1000x128xf32>
      %neg3A_149 = arith.subf %neg3A_148, %abs3A_146 : vector<1000x128xf32>
      %exp3A_150 = math.exp %neg3A_149 : vector<1000x128xf32>
      %log1p3A_151 = math.log1p %exp3A_150 : vector<1000x128xf32>
      %add3A_152 = arith.addf %max3A_140, %log1p3A_151 : vector<1000x128xf32>
      %select_n3A_153 = arith.select %ne3A_143, %add3A_145, %add3A_152 : vector<1000x128xi1>, vector<1000x128xf32>
      %sub3A_154 = arith.constant 0.693147182 : f32
      %sub3A_155 = vector.broadcast %sub3A_154 : f32 to vector<1000x128xf32>
      %sub3A_156 = arith.subf %select_n3A_153, %sub3A_155 : vector<1000x128xf32>
      %dot_general3A_157 = arith.constant dense<0.000000e+00> : vector<1000x128xf32>
      %dot_general3A_158 = tpu.matmul %sub3A_156, %get3A_128, %dot_general3A_157 {dimension_numbers = #tpu.dot_dimension_numbers<[1], [0], [0], [1], [0, 0, 1, 1], [], []>, transpose_lhs_hint = false} : vector<1000x128xf32>, vector<128x128xf32>, vector<1000x128xf32> -> vector<1000x128xf32>
      %add3A_159 = vector.broadcast %get3A_131 : vector<1x128xf32> to vector<1000x128xf32>
      %add3A_160 = arith.addf %dot_general3A_158, %add3A_159 : vector<1000x128xf32>
      %custom_jvp_call3A_161 = arith.constant 0.000000e+00 : f32
      %max3A_162 = vector.broadcast %custom_jvp_call3A_161 : f32 to vector<1000x128xf32>
      %max3A_163 = arith.maximumf %add3A_160, %max3A_162 : vector<1000x128xf32>
      %sub3A_164 = vector.broadcast %custom_jvp_call3A_161 : f32 to vector<1000x128xf32>
      %sub3A_165 = arith.subf %add3A_160, %sub3A_164 : vector<1000x128xf32>
      %ne3A_166 = arith.cmpf one, %sub3A_165, %sub3A_165 : vector<1000x128xf32>
      %add3A_167 = vector.broadcast %custom_jvp_call3A_161 : f32 to vector<1000x128xf32>
      %add3A_168 = arith.addf %add3A_160, %add3A_167 : vector<1000x128xf32>
      %abs3A_169 = math.absf %sub3A_165 : vector<1000x128xf32>
      %neg3A_170 = arith.constant 0.000000e+00 : f32
      %neg3A_171 = vector.broadcast %neg3A_170 : f32 to vector<1000x128xf32>
      %neg3A_172 = arith.subf %neg3A_171, %abs3A_169 : vector<1000x128xf32>
      %exp3A_173 = math.exp %neg3A_172 : vector<1000x128xf32>
      %log1p3A_174 = math.log1p %exp3A_173 : vector<1000x128xf32>
      %add3A_175 = arith.addf %max3A_163, %log1p3A_174 : vector<1000x128xf32>
      %select_n3A_176 = arith.select %ne3A_166, %add3A_168, %add3A_175 : vector<1000x128xi1>, vector<1000x128xf32>
      %sub3A_177 = arith.constant 0.693147182 : f32
      %sub3A_178 = vector.broadcast %sub3A_177 : f32 to vector<1000x128xf32>
      %sub3A_179 = arith.subf %select_n3A_176, %sub3A_178 : vector<1000x128xf32>
      %dot_general3A_180 = arith.constant dense<0.000000e+00> : vector<1000x128xf32>
      %dot_general3A_181 = tpu.matmul %sub3A_179, %get3A_134, %dot_general3A_180 {dimension_numbers = #tpu.dot_dimension_numbers<[1], [0], [0], [1], [0, 0, 1, 1], [], []>, transpose_lhs_hint = false} : vector<1000x128xf32>, vector<128x128xf32>, vector<1000x128xf32> -> vector<1000x128xf32>
      %add3A_182 = arith.addf %add3A_125, %dot_general3A_181 : vector<1000x128xf32>
      %add3A_183 = vector.broadcast %get3A_137 : vector<1x128xf32> to vector<1000x128xf32>
      %add3A_184 = arith.addf %add3A_182, %add3A_183 : vector<1000x128xf32>
      %custom_jvp_call3A_185 = arith.constant 0.000000e+00 : f32
      %max3A_186 = vector.broadcast %custom_jvp_call3A_185 : f32 to vector<1000x128xf32>
      %max3A_187 = arith.maximumf %add3A_184, %max3A_186 : vector<1000x128xf32>
      %sub3A_188 = vector.broadcast %custom_jvp_call3A_185 : f32 to vector<1000x128xf32>
      %sub3A_189 = arith.subf %add3A_184, %sub3A_188 : vector<1000x128xf32>
      %ne3A_190 = arith.cmpf one, %sub3A_189, %sub3A_189 : vector<1000x128xf32>
      %add3A_191 = vector.broadcast %custom_jvp_call3A_185 : f32 to vector<1000x128xf32>
      %add3A_192 = arith.addf %add3A_184, %add3A_191 : vector<1000x128xf32>
      %abs3A_193 = math.absf %sub3A_189 : vector<1000x128xf32>
      %neg3A_194 = arith.constant 0.000000e+00 : f32
      %neg3A_195 = vector.broadcast %neg3A_194 : f32 to vector<1000x128xf32>
      %neg3A_196 = arith.subf %neg3A_195, %abs3A_193 : vector<1000x128xf32>
      %exp3A_197 = math.exp %neg3A_196 : vector<1000x128xf32>
      %log1p3A_198 = math.log1p %exp3A_197 : vector<1000x128xf32>
      %add3A_199 = arith.addf %max3A_187, %log1p3A_198 : vector<1000x128xf32>
      %select_n3A_200 = arith.select %ne3A_190, %add3A_192, %add3A_199 : vector<1000x128xi1>, vector<1000x128xf32>
      %sub3A_201 = arith.constant 0.693147182 : f32
      %sub3A_202 = vector.broadcast %sub3A_201 : f32 to vector<1000x128xf32>
      %sub3A_203 = arith.subf %select_n3A_200, %sub3A_202 : vector<1000x128xf32>
      %get3A_204 = arith.constant 0 : index
      %get3A_205 = arith.constant 0 : index
      %get3A_206 = vector.load %arg21[%get3A_204, %get3A_205] : memref<128x128xf32, #tpu.memory_space<vmem>>, vector<128x128xf32>
      %get3A_207 = arith.constant 0 : index
      %get3A_208 = arith.constant 0 : index
      %get3A_209 = vector.load %arg22[%get3A_207, %get3A_208] : memref<1x128xf32, #tpu.memory_space<vmem>>, vector<1x128xf32>
      %get3A_210 = arith.constant 0 : index
      %get3A_211 = arith.constant 0 : index
      %get3A_212 = vector.load %arg23[%get3A_210, %get3A_211] : memref<1x128xf32, #tpu.memory_space<vmem>>, vector<1x128xf32>
      %get3A_213 = arith.constant 0 : index
      %get3A_214 = arith.constant 0 : index
      %get3A_215 = vector.load %arg7[%get3A_213, %get3A_214] : memref<1000x128xf32, #tpu.memory_space<vmem>>, vector<1000x128xf32>
      %mul3A_216 = vector.broadcast %get3A_212 : vector<1x128xf32> to vector<1000x128xf32>
      %mul3A_217 = arith.mulf %mul3A_216, %get3A_215 : vector<1000x128xf32>
      %dot_general3A_218 = arith.constant dense<0.000000e+00> : vector<1000x128xf32>
      %dot_general3A_219 = tpu.matmul %sub3A_203, %get3A_206, %dot_general3A_218 {dimension_numbers = #tpu.dot_dimension_numbers<[1], [0], [0], [1], [0, 0, 1, 1], [], []>, transpose_lhs_hint = false} : vector<1000x128xf32>, vector<128x128xf32>, vector<1000x128xf32> -> vector<1000x128xf32>
      %add3A_220 = arith.addf %mul3A_217, %dot_general3A_219 : vector<1000x128xf32>
      %add3A_221 = vector.broadcast %get3A_209 : vector<1x128xf32> to vector<1000x128xf32>
      %add3A_222 = arith.addf %add3A_220, %add3A_221 : vector<1000x128xf32>
      %get3A_223 = arith.constant 0 : index
      %get3A_224 = arith.constant 0 : index
      %get3A_225 = vector.load %arg24[%get3A_223, %get3A_224] : memref<128x128xf32, #tpu.memory_space<vmem>>, vector<128x128xf32>
      %get3A_226 = arith.constant 0 : index
      %get3A_227 = arith.constant 0 : index
      %get3A_228 = vector.load %arg25[%get3A_226, %get3A_227] : memref<1x128xf32, #tpu.memory_space<vmem>>, vector<1x128xf32>
      %get3A_229 = arith.constant 0 : index
      %get3A_230 = arith.constant 0 : index
      %get3A_231 = vector.load %arg26[%get3A_229, %get3A_230] : memref<128x128xf32, #tpu.memory_space<vmem>>, vector<128x128xf32>
      %get3A_232 = arith.constant 0 : index
      %get3A_233 = arith.constant 0 : index
      %get3A_234 = vector.load %arg27[%get3A_232, %get3A_233] : memref<1x128xf32, #tpu.memory_space<vmem>>, vector<1x128xf32>
      %custom_jvp_call3A_235 = arith.constant 0.000000e+00 : f32
      %max3A_236 = vector.broadcast %custom_jvp_call3A_235 : f32 to vector<1000x128xf32>
      %max3A_237 = arith.maximumf %add3A_222, %max3A_236 : vector<1000x128xf32>
      %sub3A_238 = vector.broadcast %custom_jvp_call3A_235 : f32 to vector<1000x128xf32>
      %sub3A_239 = arith.subf %add3A_222, %sub3A_238 : vector<1000x128xf32>
      %ne3A_240 = arith.cmpf one, %sub3A_239, %sub3A_239 : vector<1000x128xf32>
      %add3A_241 = vector.broadcast %custom_jvp_call3A_235 : f32 to vector<1000x128xf32>
      %add3A_242 = arith.addf %add3A_222, %add3A_241 : vector<1000x128xf32>
      %abs3A_243 = math.absf %sub3A_239 : vector<1000x128xf32>
      %neg3A_244 = arith.constant 0.000000e+00 : f32
      %neg3A_245 = vector.broadcast %neg3A_244 : f32 to vector<1000x128xf32>
      %neg3A_246 = arith.subf %neg3A_245, %abs3A_243 : vector<1000x128xf32>
      %exp3A_247 = math.exp %neg3A_246 : vector<1000x128xf32>
      %log1p3A_248 = math.log1p %exp3A_247 : vector<1000x128xf32>
      %add3A_249 = arith.addf %max3A_237, %log1p3A_248 : vector<1000x128xf32>
      %select_n3A_250 = arith.select %ne3A_240, %add3A_242, %add3A_249 : vector<1000x128xi1>, vector<1000x128xf32>
      %sub3A_251 = arith.constant 0.693147182 : f32
      %sub3A_252 = vector.broadcast %sub3A_251 : f32 to vector<1000x128xf32>
      %sub3A_253 = arith.subf %select_n3A_250, %sub3A_252 : vector<1000x128xf32>
      %dot_general3A_254 = arith.constant dense<0.000000e+00> : vector<1000x128xf32>
      %dot_general3A_255 = tpu.matmul %sub3A_253, %get3A_225, %dot_general3A_254 {dimension_numbers = #tpu.dot_dimension_numbers<[1], [0], [0], [1], [0, 0, 1, 1], [], []>, transpose_lhs_hint = false} : vector<1000x128xf32>, vector<128x128xf32>, vector<1000x128xf32> -> vector<1000x128xf32>
      %add3A_256 = vector.broadcast %get3A_228 : vector<1x128xf32> to vector<1000x128xf32>
      %add3A_257 = arith.addf %dot_general3A_255, %add3A_256 : vector<1000x128xf32>
      %custom_jvp_call3A_258 = arith.constant 0.000000e+00 : f32
      %max3A_259 = vector.broadcast %custom_jvp_call3A_258 : f32 to vector<1000x128xf32>
      %max3A_260 = arith.maximumf %add3A_257, %max3A_259 : vector<1000x128xf32>
      %sub3A_261 = vector.broadcast %custom_jvp_call3A_258 : f32 to vector<1000x128xf32>
      %sub3A_262 = arith.subf %add3A_257, %sub3A_261 : vector<1000x128xf32>
      %ne3A_263 = arith.cmpf one, %sub3A_262, %sub3A_262 : vector<1000x128xf32>
      %add3A_264 = vector.broadcast %custom_jvp_call3A_258 : f32 to vector<1000x128xf32>
      %add3A_265 = arith.addf %add3A_257, %add3A_264 : vector<1000x128xf32>
      %abs3A_266 = math.absf %sub3A_262 : vector<1000x128xf32>
      %neg3A_267 = arith.constant 0.000000e+00 : f32
      %neg3A_268 = vector.broadcast %neg3A_267 : f32 to vector<1000x128xf32>
      %neg3A_269 = arith.subf %neg3A_268, %abs3A_266 : vector<1000x128xf32>
      %exp3A_270 = math.exp %neg3A_269 : vector<1000x128xf32>
      %log1p3A_271 = math.log1p %exp3A_270 : vector<1000x128xf32>
      %add3A_272 = arith.addf %max3A_260, %log1p3A_271 : vector<1000x128xf32>
      %select_n3A_273 = arith.select %ne3A_263, %add3A_265, %add3A_272 : vector<1000x128xi1>, vector<1000x128xf32>
      %sub3A_274 = arith.constant 0.693147182 : f32
      %sub3A_275 = vector.broadcast %sub3A_274 : f32 to vector<1000x128xf32>
      %sub3A_276 = arith.subf %select_n3A_273, %sub3A_275 : vector<1000x128xf32>
      %dot_general3A_277 = arith.constant dense<0.000000e+00> : vector<1000x128xf32>
      %dot_general3A_278 = tpu.matmul %sub3A_276, %get3A_231, %dot_general3A_277 {dimension_numbers = #tpu.dot_dimension_numbers<[1], [0], [0], [1], [0, 0, 1, 1], [], []>, transpose_lhs_hint = false} : vector<1000x128xf32>, vector<128x128xf32>, vector<1000x128xf32> -> vector<1000x128xf32>
      %add3A_279 = arith.addf %add3A_222, %dot_general3A_278 : vector<1000x128xf32>
      %add3A_280 = vector.broadcast %get3A_234 : vector<1x128xf32> to vector<1000x128xf32>
      %add3A_281 = arith.addf %add3A_279, %add3A_280 : vector<1000x128xf32>
      %get3A_282 = arith.constant 0 : index
      %get3A_283 = arith.constant 0 : index
      %get3A_284 = vector.load %arg28[%get3A_282, %get3A_283] : memref<128x128xf32, #tpu.memory_space<vmem>>, vector<128x128xf32>
      %get3A_285 = arith.constant 0 : index
      %get3A_286 = arith.constant 0 : index
      %get3A_287 = vector.load %arg29[%get3A_285, %get3A_286] : memref<1x128xf32, #tpu.memory_space<vmem>>, vector<1x128xf32>
      %get3A_288 = arith.constant 0 : index
      %get3A_289 = arith.constant 0 : index
      %get3A_290 = vector.load %arg30[%get3A_288, %get3A_289] : memref<128x128xf32, #tpu.memory_space<vmem>>, vector<128x128xf32>
      %get3A_291 = arith.constant 0 : index
      %get3A_292 = arith.constant 0 : index
      %get3A_293 = vector.load %arg31[%get3A_291, %get3A_292] : memref<1x128xf32, #tpu.memory_space<vmem>>, vector<1x128xf32>
      %custom_jvp_call3A_294 = arith.constant 0.000000e+00 : f32
      %max3A_295 = vector.broadcast %custom_jvp_call3A_294 : f32 to vector<1000x128xf32>
      %max3A_296 = arith.maximumf %add3A_281, %max3A_295 : vector<1000x128xf32>
      %sub3A_297 = vector.broadcast %custom_jvp_call3A_294 : f32 to vector<1000x128xf32>
      %sub3A_298 = arith.subf %add3A_281, %sub3A_297 : vector<1000x128xf32>
      %ne3A_299 = arith.cmpf one, %sub3A_298, %sub3A_298 : vector<1000x128xf32>
      %add3A_300 = vector.broadcast %custom_jvp_call3A_294 : f32 to vector<1000x128xf32>
      %add3A_301 = arith.addf %add3A_281, %add3A_300 : vector<1000x128xf32>
      %abs3A_302 = math.absf %sub3A_298 : vector<1000x128xf32>
      %neg3A_303 = arith.constant 0.000000e+00 : f32
      %neg3A_304 = vector.broadcast %neg3A_303 : f32 to vector<1000x128xf32>
      %neg3A_305 = arith.subf %neg3A_304, %abs3A_302 : vector<1000x128xf32>
      %exp3A_306 = math.exp %neg3A_305 : vector<1000x128xf32>
      %log1p3A_307 = math.log1p %exp3A_306 : vector<1000x128xf32>
      %add3A_308 = arith.addf %max3A_296, %log1p3A_307 : vector<1000x128xf32>
      %select_n3A_309 = arith.select %ne3A_299, %add3A_301, %add3A_308 : vector<1000x128xi1>, vector<1000x128xf32>
      %sub3A_310 = arith.constant 0.693147182 : f32
      %sub3A_311 = vector.broadcast %sub3A_310 : f32 to vector<1000x128xf32>
      %sub3A_312 = arith.subf %select_n3A_309, %sub3A_311 : vector<1000x128xf32>
      %dot_general3A_313 = arith.constant dense<0.000000e+00> : vector<1000x128xf32>
      %dot_general3A_314 = tpu.matmul %sub3A_312, %get3A_284, %dot_general3A_313 {dimension_numbers = #tpu.dot_dimension_numbers<[1], [0], [0], [1], [0, 0, 1, 1], [], []>, transpose_lhs_hint = false} : vector<1000x128xf32>, vector<128x128xf32>, vector<1000x128xf32> -> vector<1000x128xf32>
      %add3A_315 = vector.broadcast %get3A_287 : vector<1x128xf32> to vector<1000x128xf32>
      %add3A_316 = arith.addf %dot_general3A_314, %add3A_315 : vector<1000x128xf32>
      %custom_jvp_call3A_317 = arith.constant 0.000000e+00 : f32
      %max3A_318 = vector.broadcast %custom_jvp_call3A_317 : f32 to vector<1000x128xf32>
      %max3A_319 = arith.maximumf %add3A_316, %max3A_318 : vector<1000x128xf32>
      %sub3A_320 = vector.broadcast %custom_jvp_call3A_317 : f32 to vector<1000x128xf32>
      %sub3A_321 = arith.subf %add3A_316, %sub3A_320 : vector<1000x128xf32>
      %ne3A_322 = arith.cmpf one, %sub3A_321, %sub3A_321 : vector<1000x128xf32>
      %add3A_323 = vector.broadcast %custom_jvp_call3A_317 : f32 to vector<1000x128xf32>
      %add3A_324 = arith.addf %add3A_316, %add3A_323 : vector<1000x128xf32>
      %abs3A_325 = math.absf %sub3A_321 : vector<1000x128xf32>
      %neg3A_326 = arith.constant 0.000000e+00 : f32
      %neg3A_327 = vector.broadcast %neg3A_326 : f32 to vector<1000x128xf32>
      %neg3A_328 = arith.subf %neg3A_327, %abs3A_325 : vector<1000x128xf32>
      %exp3A_329 = math.exp %neg3A_328 : vector<1000x128xf32>
      %log1p3A_330 = math.log1p %exp3A_329 : vector<1000x128xf32>
      %add3A_331 = arith.addf %max3A_319, %log1p3A_330 : vector<1000x128xf32>
      %select_n3A_332 = arith.select %ne3A_322, %add3A_324, %add3A_331 : vector<1000x128xi1>, vector<1000x128xf32>
      %sub3A_333 = arith.constant 0.693147182 : f32
      %sub3A_334 = vector.broadcast %sub3A_333 : f32 to vector<1000x128xf32>
      %sub3A_335 = arith.subf %select_n3A_332, %sub3A_334 : vector<1000x128xf32>
      %dot_general3A_336 = arith.constant dense<0.000000e+00> : vector<1000x128xf32>
      %dot_general3A_337 = tpu.matmul %sub3A_335, %get3A_290, %dot_general3A_336 {dimension_numbers = #tpu.dot_dimension_numbers<[1], [0], [0], [1], [0, 0, 1, 1], [], []>, transpose_lhs_hint = false} : vector<1000x128xf32>, vector<128x128xf32>, vector<1000x128xf32> -> vector<1000x128xf32>
      %add3A_338 = arith.addf %add3A_281, %dot_general3A_337 : vector<1000x128xf32>
      %add3A_339 = vector.broadcast %get3A_293 : vector<1x128xf32> to vector<1000x128xf32>
      %add3A_340 = arith.addf %add3A_338, %add3A_339 : vector<1000x128xf32>
      %swap3A = arith.constant 0 : index
      %swap3A_341 = arith.constant 0 : index
      %swap3A_342 = vector.load %arg32[%swap3A, %swap3A_341] : memref<1000x128xf32, #tpu.memory_space<vmem>>, vector<1000x128xf32>
      tpu.vector_store %arg32[%swap3A, %swap3A_341], %add3A_340 {strides = array<i32>} : memref<1000x128xf32, #tpu.memory_space<vmem>>, vector<1000x128xf32>,
    } else {
    }
    return
  }
  func.func @transform_0(%arg0: i32, %arg1: memref<250xi32, #tpu.memory_space<smem>>, %arg2: memref<250xi32, #tpu.memory_space<smem>>) -> (i32, i32) {
    %min3A = arith.constant 249 : i32
    %min3A_0 = arith.minsi %arg0, %min3A : i32
    %c4_i32 = arith.constant 4 : i32
    %c0_i32 = arith.constant 0 : i32
    return %min3A_0, %c4_i32 : i32, i32
  }
  func.func @transform_1(%arg0: i32, %arg1: memref<250xi32, #tpu.memory_space<smem>>, %arg2: memref<250xi32, #tpu.memory_space<smem>>) -> (i32, i32) {
    %min3A = arith.constant 249 : i32
    %min3A_0 = arith.minsi %arg0, %min3A : i32
    %c0_i32 = arith.constant 0 : i32
    %c0_i32_1 = arith.constant 0 : i32
    return %min3A_0, %c0_i32 : i32, i32
  }
  func.func @transform_2(%arg0: i32, %arg1: memref<250xi32, #tpu.memory_space<smem>>, %arg2: memref<250xi32, #tpu.memory_space<smem>>) -> (i32, i32, i32) {
    %min3A = arith.constant 249 : i32
    %min3A_0 = arith.minsi %arg0, %min3A : i32
    %c0_i32 = arith.constant 0 : i32
    %c0_i32_1 = arith.constant 0 : i32
    %c0_i32_2 = arith.constant 0 : i32
    return %min3A_0, %c0_i32, %c0_i32_1 : i32, i32, i32
  }
  func.func @transform_3(%arg0: i32, %arg1: memref<250xi32, #tpu.memory_space<smem>>, %arg2: memref<250xi32, #tpu.memory_space<smem>>) -> (i32, i32, i32) {
    %min3A = arith.constant 249 : i32
    %min3A_0 = arith.minsi %arg0, %min3A : i32
    %c0_i32 = arith.constant 0 : i32
    %c0_i32_1 = arith.constant 0 : i32
    %c0_i32_2 = arith.constant 0 : i32
    return %min3A_0, %c0_i32, %c0_i32_1 : i32, i32, i32
  }
  func.func @transform_4(%arg0: i32, %arg1: memref<250xi32, #tpu.memory_space<smem>>, %arg2: memref<250xi32, #tpu.memory_space<smem>>) -> (i32, i32) {
    %sub3A = arith.constant 250 : i32
    %sub3A_0 = arith.subi %arg0, %sub3A : i32
    %max3A = arith.constant 0 : i32
    %max3A_1 = arith.maxsi %sub3A_0, %max3A : i32
    %c0_i32 = arith.constant 0 : i32
    %c0_i32_2 = arith.constant 0 : i32
    return %max3A_1, %c0_i32 : i32, i32
  }
  func.func @transform_5(%arg0: i32, %arg1: memref<250xi32, #tpu.memory_space<smem>>, %arg2: memref<250xi32, #tpu.memory_space<smem>>) -> (i32, i32) {
    %sub3A = arith.constant 250 : i32
    %sub3A_0 = arith.subi %arg0, %sub3A : i32
    %max3A = arith.constant 0 : i32
    %max3A_1 = arith.maxsi %sub3A_0, %max3A : i32
    %c0_i32 = arith.constant 0 : i32
    %c0_i32_2 = arith.constant 0 : i32
    return %max3A_1, %c0_i32 : i32, i32
  }
  func.func @transform_6(%arg0: i32, %arg1: memref<250xi32, #tpu.memory_space<smem>>, %arg2: memref<250xi32, #tpu.memory_space<smem>>) -> (i32, i32) {
    %c0_i32 = arith.constant 0 : i32
    %c0_i32_0 = arith.constant 0 : i32
    %c0_i32_1 = arith.constant 0 : i32
    return %c0_i32, %c0_i32_0 : i32, i32
  }
  func.func @transform_7(%arg0: i32, %arg1: memref<250xi32, #tpu.memory_space<smem>>, %arg2: memref<250xi32, #tpu.memory_space<smem>>) -> (i32, i32) {
    %c0_i32 = arith.constant 0 : i32
    %c0_i32_0 = arith.constant 0 : i32
    %c0_i32_1 = arith.constant 0 : i32
    return %c0_i32, %c0_i32_0 : i32, i32
  }
  func.func @transform_8(%arg0: i32, %arg1: memref<250xi32, #tpu.memory_space<smem>>, %arg2: memref<250xi32, #tpu.memory_space<smem>>) -> (i32, i32) {
    %c0_i32 = arith.constant 0 : i32
    %c0_i32_0 = arith.constant 0 : i32
    %c0_i32_1 = arith.constant 0 : i32
    return %c0_i32, %c0_i32_0 : i32, i32
  }
  func.func @transform_9(%arg0: i32, %arg1: memref<250xi32, #tpu.memory_space<smem>>, %arg2: memref<250xi32, #tpu.memory_space<smem>>) -> (i32, i32) {
    %c0_i32 = arith.constant 0 : i32
    %c0_i32_0 = arith.constant 0 : i32
    %c0_i32_1 = arith.constant 0 : i32
    return %c0_i32, %c0_i32_0 : i32, i32
  }
  func.func @transform_10(%arg0: i32, %arg1: memref<250xi32, #tpu.memory_space<smem>>, %arg2: memref<250xi32, #tpu.memory_space<smem>>) -> (i32, i32) {
    %c0_i32 = arith.constant 0 : i32
    %c0_i32_0 = arith.constant 0 : i32
    %c0_i32_1 = arith.constant 0 : i32
    return %c0_i32, %c0_i32_0 : i32, i32
  }
  func.func @transform_11(%arg0: i32, %arg1: memref<250xi32, #tpu.memory_space<smem>>, %arg2: memref<250xi32, #tpu.memory_space<smem>>) -> (i32, i32) {
    %c0_i32 = arith.constant 0 : i32
    %c0_i32_0 = arith.constant 0 : i32
    %c0_i32_1 = arith.constant 0 : i32
    return %c0_i32, %c0_i32_0 : i32, i32
  }
  func.func @transform_12(%arg0: i32, %arg1: memref<250xi32, #tpu.memory_space<smem>>, %arg2: memref<250xi32, #tpu.memory_space<smem>>) -> (i32, i32) {
    %c0_i32 = arith.constant 0 : i32
    %c0_i32_0 = arith.constant 0 : i32
    %c0_i32_1 = arith.constant 0 : i32
    return %c0_i32, %c0_i32_0 : i32, i32
  }
  func.func @transform_13(%arg0: i32, %arg1: memref<250xi32, #tpu.memory_space<smem>>, %arg2: memref<250xi32, #tpu.memory_space<smem>>) -> (i32, i32) {
    %c0_i32 = arith.constant 0 : i32
    %c0_i32_0 = arith.constant 0 : i32
    %c0_i32_1 = arith.constant 0 : i32
    return %c0_i32, %c0_i32_0 : i32, i32
  }
  func.func @transform_14(%arg0: i32, %arg1: memref<250xi32, #tpu.memory_space<smem>>, %arg2: memref<250xi32, #tpu.memory_space<smem>>) -> (i32, i32) {
    %c0_i32 = arith.constant 0 : i32
    %c0_i32_0 = arith.constant 0 : i32
    %c0_i32_1 = arith.constant 0 : i32
    return %c0_i32, %c0_i32_0 : i32, i32
  }
  func.func @transform_15(%arg0: i32, %arg1: memref<250xi32, #tpu.memory_space<smem>>, %arg2: memref<250xi32, #tpu.memory_space<smem>>) -> (i32, i32) {
    %c0_i32 = arith.constant 0 : i32
    %c0_i32_0 = arith.constant 0 : i32
    %c0_i32_1 = arith.constant 0 : i32
    return %c0_i32, %c0_i32_0 : i32, i32
  }
  func.func @transform_16(%arg0: i32, %arg1: memref<250xi32, #tpu.memory_space<smem>>, %arg2: memref<250xi32, #tpu.memory_space<smem>>) -> (i32, i32) {
    %c0_i32 = arith.constant 0 : i32
    %c0_i32_0 = arith.constant 0 : i32
    %c0_i32_1 = arith.constant 0 : i32
    return %c0_i32, %c0_i32_0 : i32, i32
  }
  func.func @transform_17(%arg0: i32, %arg1: memref<250xi32, #tpu.memory_space<smem>>, %arg2: memref<250xi32, #tpu.memory_space<smem>>) -> (i32, i32) {
    %c0_i32 = arith.constant 0 : i32
    %c0_i32_0 = arith.constant 0 : i32
    %c0_i32_1 = arith.constant 0 : i32
    return %c0_i32, %c0_i32_0 : i32, i32
  }
  func.func @transform_18(%arg0: i32, %arg1: memref<250xi32, #tpu.memory_space<smem>>, %arg2: memref<250xi32, #tpu.memory_space<smem>>) -> (i32, i32) {
    %c0_i32 = arith.constant 0 : i32
    %c0_i32_0 = arith.constant 0 : i32
    %c0_i32_1 = arith.constant 0 : i32
    return %c0_i32, %c0_i32_0 : i32, i32
  }
  func.func @transform_19(%arg0: i32, %arg1: memref<250xi32, #tpu.memory_space<smem>>, %arg2: memref<250xi32, #tpu.memory_space<smem>>) -> (i32, i32) {
    %c0_i32 = arith.constant 0 : i32
    %c0_i32_0 = arith.constant 0 : i32
    %c0_i32_1 = arith.constant 0 : i32
    return %c0_i32, %c0_i32_0 : i32, i32
  }
  func.func @transform_20(%arg0: i32, %arg1: memref<250xi32, #tpu.memory_space<smem>>, %arg2: memref<250xi32, #tpu.memory_space<smem>>) -> (i32, i32) {
    %c0_i32 = arith.constant 0 : i32
    %c0_i32_0 = arith.constant 0 : i32
    %c0_i32_1 = arith.constant 0 : i32
    return %c0_i32, %c0_i32_0 : i32, i32
  }
  func.func @transform_21(%arg0: i32, %arg1: memref<250xi32, #tpu.memory_space<smem>>, %arg2: memref<250xi32, #tpu.memory_space<smem>>) -> (i32, i32) {
    %c0_i32 = arith.constant 0 : i32
    %c0_i32_0 = arith.constant 0 : i32
    %c0_i32_1 = arith.constant 0 : i32
    return %c0_i32, %c0_i32_0 : i32, i32
  }
  func.func @transform_22(%arg0: i32, %arg1: memref<250xi32, #tpu.memory_space<smem>>, %arg2: memref<250xi32, #tpu.memory_space<smem>>) -> (i32, i32) {
    %c0_i32 = arith.constant 0 : i32
    %c0_i32_0 = arith.constant 0 : i32
    %c0_i32_1 = arith.constant 0 : i32
    return %c0_i32, %c0_i32_0 : i32, i32
  }
  func.func @transform_23(%arg0: i32, %arg1: memref<250xi32, #tpu.memory_space<smem>>, %arg2: memref<250xi32, #tpu.memory_space<smem>>) -> (i32, i32) {
    %c0_i32 = arith.constant 0 : i32
    %c0_i32_0 = arith.constant 0 : i32
    %c0_i32_1 = arith.constant 0 : i32
    return %c0_i32, %c0_i32_0 : i32, i32
  }
  func.func @transform_24(%arg0: i32, %arg1: memref<250xi32, #tpu.memory_space<smem>>, %arg2: memref<250xi32, #tpu.memory_space<smem>>) -> (i32, i32) {
    %c0_i32 = arith.constant 0 : i32
    %c0_i32_0 = arith.constant 0 : i32
    %c0_i32_1 = arith.constant 0 : i32
    return %c0_i32, %c0_i32_0 : i32, i32
  }
  func.func @transform_25(%arg0: i32, %arg1: memref<250xi32, #tpu.memory_space<smem>>, %arg2: memref<250xi32, #tpu.memory_space<smem>>) -> (i32, i32) {
    %c0_i32 = arith.constant 0 : i32
    %c0_i32_0 = arith.constant 0 : i32
    %c0_i32_1 = arith.constant 0 : i32
    return %c0_i32, %c0_i32_0 : i32, i32
  }
  func.func @transform_26(%arg0: i32, %arg1: memref<250xi32, #tpu.memory_space<smem>>, %arg2: memref<250xi32, #tpu.memory_space<smem>>) -> (i32, i32) {
    %c0_i32 = arith.constant 0 : i32
    %c0_i32_0 = arith.constant 0 : i32
    %c0_i32_1 = arith.constant 0 : i32
    return %c0_i32, %c0_i32_0 : i32, i32
  }
  func.func @transform_27(%arg0: i32, %arg1: memref<250xi32, #tpu.memory_space<smem>>, %arg2: memref<250xi32, #tpu.memory_space<smem>>) -> (i32, i32) {
    %c0_i32 = arith.constant 0 : i32
    %c0_i32_0 = arith.constant 0 : i32
    %c0_i32_1 = arith.constant 0 : i32
    return %c0_i32, %c0_i32_0 : i32, i32
  }
  func.func @transform_28(%arg0: i32, %arg1: memref<250xi32, #tpu.memory_space<smem>>, %arg2: memref<250xi32, #tpu.memory_space<smem>>) -> (i32, i32) {
    %c0_i32 = arith.constant 0 : i32
    %c0_i32_0 = arith.constant 0 : i32
    %c0_i32_1 = arith.constant 0 : i32
    return %c0_i32, %c0_i32_0 : i32, i32
  }
  func.func @transform_29(%arg0: i32, %arg1: memref<250xi32, #tpu.memory_space<smem>>, %arg2: memref<250xi32, #tpu.memory_space<smem>>) -> (i32, i32) {
    %sub3A = arith.constant 250 : i32
    %sub3A_0 = arith.subi %arg0, %sub3A : i32
    %max3A = arith.constant 0 : i32
    %max3A_1 = arith.maxsi %sub3A_0, %max3A : i32
    %c0_i32 = arith.constant 0 : i32
    %c0_i32_2 = arith.constant 0 : i32
    return %max3A_1, %c0_i32 : i32, i32
  }
}

</mosaic_0001>

<sc_bundles>
// kernel: kernel.14.cloned.1.call-start
scs
__scs_entry_jumppad:
0x0: {  	(pc) =	sbr.rel $0x88, $3  }
0x1: {  	(tag) =	ssettag $0x0;
	lr =	simm.s32 $0x1  }
0x2: {  	[smem:$0x3F8C] =	sst lr;
	_ =	strace $0xD0000000  }
0x3: {  	_ = 	snop  }
0x4: {  	_ = 	snop  }
0x5: {  	_ = 	snop  }
0x6: {  	_ = 	snop  }
0x7: {  	_ = 	snop  }
__scs_overlays_trampoline_lowered:
0x8: {  	[smem:$0x3F9B] =	sst s0  }
0x9: {  	[smem:$0x3F9C] =	sst s1  }
0xa: {  	[smem:$0x3F9D] =	sst s2  }
0xb: {  	[smem:$0x3F9E] =	sst s3  }
0xc: {  	[smem:$0x3F9F] =	sst s4  }
0xd: {  	[smem:$0x3FA0] =	sst s5  }
0xe: {  	[smem:$0x3FA1] =	sst s6  }
0xf: {  	[smem:$0x3FA2] =	sst s7  }
0x10: {  	[smem:$0x3FA3] =	sst s8  }
0x11: {  	[smem:$0x3FA4] =	sst s9;
	s0 =	simm.s32 @!p0 $0x0  }
0x12: {  	s1 =	sld [smem:$0x3F8A];
	s0 =	simm.s32 @p0 $0x1  }
0x13: {  	[smem:$0x3FA5] =	sst s0;
	s0 =	simm.s32 @!p1 $0x0  }
0x14: {  	s2 =	sld [smem:$0x3F89];
	s0 =	simm.s32 @p1 $0x1  }
0x15: {  	[smem:$0x3FA6] =	sst s0;
	s0 =	simm.s32 @!p2 $0x0  }
0x16: {  	s3 =	sld [smem:$0x3FDB];
	s0 =	simm.s32 @p2 $0x1  }
0x17: {  	s4 =	simm.s32 $0x1BF5;
	[smem:$0x3FA8] =	sst s0  }
0x18: {  	s0 =	sld [smem:$0x3F8B];
	_ =	swait.ge [sflag:s4], $0x0  }
0x19: {  	s7 =	sld [smem:$0x3F8C]  }
0x1a: {  	s8 =	sadd.s32 $0xFFFFE003, lr  }
0x1b: {  	s9 =	sadd.s32 $0xFFFFFEF7, lr;
	s5 =	simm.s32 $0xFFFFFFFF;
	p2 =	slt.u32 s8, $0xFFFFF086  }
0x1c: {  	p1 =	slt.u32 s9, $0xF7A;
	s5 =	simm.s32 @!p2 $0x0  }
0x1d: {  	s5 =	simm.s32 @p1 $0x1;
	p0 =	seq.s32 s7, s2  }
0x1e: {  	s7 =	smul.u32 @!p0 $0xF7A, s2;
	p2 =	seq.s32 @!p0 s5, $0x0  }
0x1f: {  	s9 =	smul.u32 $0xF7A, s1;
	s8 =	simm.s32 @!p0 $0x1BF5;
	p2 =	por !p2, p0  }
0x20: {  	[sflag:s8] =	ssyncset.s32 @!p0 $0xFFFFF086;
	s6 =	sadd.s32 @!p0 s3, s7;
	s7 =	simm.s32 @!p0 $0x108  }
0x21: {  	s3 =	sadd.s32 s3, s9;
	s6 =	sadd.s32 @!p0 $0x88, s6;
	s7 =	simm.s32 @p2 $0x1082  }
0x22: {  	[simem:s7], [sflag:s8] =	dma.local @!p0 [hbm:s6], $0xF7A  }
0x23: {  	s9 =	sor.u32 $0xD0000000, s2;
	s6 =	simm.s32 $0x108;
	_ =	swait.ge @!p0 [sflag:s8], $0x0  }
0x24: {  	s3 =	sadd.s32 $0x88, s3;
	s6 =	simm.s32 @!p1 $0x1082;
	[sflag:s4] =	ssyncset.s32 $0xFFFFF086  }
0x25: {  	[simem:s6], [sflag:s4] =	dma.local [hbm:s3], $0xF7A  }
0x26: {  	[smem:$0x3F8C] =	sst s1;
	(tag) =	ssettag s2;
	_ =	strace s9  }
0x27: {  	s1 =	sld [smem:$0x3F9C]  }
0x28: {  	s2 =	sld [smem:$0x3F9D]  }
0x29: {  	s4 =	sld [smem:$0x3F9F]  }
0x2a: {  	p0 =	seq.s32 s5, $0x0;
	s5 =	sld [smem:$0x3FA0]  }
0x2b: {  	s6 =	sld [smem:$0x3FA1]  }
0x2c: {  	s7 =	sld [smem:$0x3FA2]  }
0x2d: {  	s3 =	simm.s32 $0x108;
	s8 =	sld [smem:$0x3FA3]  }
0x2e: {  	s3 =	simm.s32 @!p0 $0x1082;
	s9 =	sld [smem:$0x3FA4]  }
0x2f: {  	lr =	sadd.s32 s0, s3;
	s0 =	sld [smem:$0x3F9B]  }
0x30: {  	s3 =	sld [smem:$0x3F9E]  }
0x31: {  	[smem:$0x3FA7] =	sst s10  }
0x32: {  	s10 =	sld [smem:$0x3FA5];
	_ =	sdelay $0x3  }
0x33: {  	p0 =	seq.s32 s10, $0x1;
	s10 =	sld [smem:$0x3FA7];
	_ =	sdelay $0x3  }
0x34: {  	[smem:$0x3FA7] =	sst s10  }
0x35: {  	s10 =	sld [smem:$0x3FA6];
	_ =	sdelay $0x3  }
0x36: {  	p1 =	seq.s32 s10, $0x1;
	s10 =	sld [smem:$0x3FA7];
	_ =	sdelay $0x3  }
0x37: {  	[smem:$0x3FA7] =	sst s10  }
0x38: {  	s10 =	sld [smem:$0x3FA8]  }
0x39: {  	_ = 	snop;
	(pc) =	sbr.ind lr, $3  }
0x3a: {  	_ = 	snop  }
0x3b: {  	_ = 	snop  }
0x3c: {  	p2 =	seq.s32 s10, $0x1;
	s10 =	sld [smem:$0x3FA7]  }
0x3d: {  	_ =	shalt  }
0x3e: {  	_ =	shalt  }
0x3f: {  	_ =	shalt  }
0x40: {  	_ =	shalt  }
0x41: {  	_ =	shalt  }
0x42: {  	_ =	shalt  }
0x43: {  	_ =	shalt  }
0x44: {  	_ =	shalt  }
0x45: {  	_ =	shalt  }
0x46: {  	_ =	shalt  }
0x47: {  	_ =	shalt  }
0x48: {  	_ =	shalt  }
0x49: {  	_ =	shalt  }
0x4a: {  	_ =	shalt  }
0x4b: {  	_ =	shalt  }
0x4c: {  	_ =	shalt  }
0x4d: {  	_ =	shalt  }
0x4e: {  	_ =	shalt  }
0x4f: {  	_ =	shalt  }
0x50: {  	_ =	shalt  }
0x51: {  	_ =	shalt  }
0x52: {  	_ =	shalt  }
0x53: {  	_ =	shalt  }
0x54: {  	_ =	shalt  }
0x55: {  	_ =	shalt  }
0x56: {  	_ =	shalt  }
0x57: {  	_ =	shalt  }
0x58: {  	_ =	shalt  }
0x59: {  	_ =	shalt  }
0x5a: {  	_ =	shalt  }
0x5b: {  	_ =	shalt  }
0x5c: {  	_ =	shalt  }
0x5d: {  	_ =	shalt  }
0x5e: {  	_ =	shalt  }
0x5f: {  	_ =	shalt  }
0x60: {  	_ =	shalt  }
0x61: {  	_ =	shalt  }
0x62: {  	_ =	shalt  }
0x63: {  	_ =	shalt  }
0x64: {  	_ =	shalt  }
0x65: {  	_ =	shalt  }
0x66: {  	_ =	shalt  }
0x67: {  	_ =	shalt  }
0x68: {  	_ =	shalt  }
0x69: {  	_ =	shalt  }
0x6a: {  	_ =	shalt  }
0x6b: {  	_ =	shalt  }
0x6c: {  	_ =	shalt  }
0x6d: {  	_ =	shalt  }
0x6e: {  	_ =	shalt  }
0x6f: {  	_ =	shalt  }
0x70: {  	_ =	shalt  }
0x71: {  	_ =	shalt  }
0x72: {  	_ =	shalt  }
0x73: {  	_ =	shalt  }
0x74: {  	_ =	shalt  }
0x75: {  	_ =	shalt  }
0x76: {  	_ =	shalt  }
0x77: {  	_ =	shalt  }
0x78: {  	_ =	shalt  }
0x79: {  	_ =	shalt  }
0x7a: {  	_ =	shalt  }
0x7b: {  	_ =	shalt  }
0x7c: {  	_ =	shalt  }
0x7d: {  	_ =	shalt  }
0x7e: {  	_ =	shalt  }
0x7f: {  	_ =	shalt  }
0x80: {  	_ =	shalt  }
0x81: {  	_ =	shalt  }
0x82: {  	_ =	shalt  }
0x83: {  	_ =	shalt  }
0x84: {  	_ =	shalt  }
0x85: {  	_ =	shalt  }
0x86: {  	_ =	shalt  }
0x87: {  	_ =	shalt  }
.Lfunc_end0:
.L_simem_size_0:
called_computation_lowered:
.L_overlay_start_0:
0x88: {  	s2 =	sld [smem:$0x3FD9]  }
0x89: {  	s3 =	sld [smem:$0x3FFE];
	_ =	sdelay $0x1  }
0x8a: {  	s1 =	srdreg.scid  }
0x8b: {  	s0 =	sand.u32 $0x1, s1  }
0x8c: {  	s14 =	sshll.u32 s0, $0xA;
	s2 =	sadd.s32 s3, s2  }
0x8d: {  	s2 =	sadd.s32 s2, s14  }
0x8e: {  	[smem:$0x3FB3] =	sst s2  }
0x8f: {  	_ = 	snop  }
0x90: {  	s2 =	sld [smem:$0x3FD0];
	_ =	sdelay $0x2  }
0x91: {  	s4 =	simm.s32 $0xA;
	s5 =	simm.s32 $0x10;
	s15 =	sld [smem:$0x3FC5]  }
0x92: {  	[smem:s5], [sflag:s4] =	dma.local [hbm:s2], $0x1  }
0x93: {  	_ =	swait.eq [sflag:s4], $0x1  }
0x94: {  	[sflag:s4] =	ssyncset.done $0x0  }
0x95: {  	[sflag:s4] =	ssyncadd.s32 $0xFFFFFFFF  }
0x96: {  	s16 =	sld [smem:$0x14];
	(tm) =	ssettm $0x1  }
0x97: {  	s17 =	sld [smem:$0x3FFB];
	_ =	sdelay $0x3  }
0x98: {  	_ =	strace s17  }
0x99: {  	s4 =	sld [smem:$0x3FFC];
	_ =	sdelay $0x3  }
0x9a: {  	_ =	strace s4  }
0x9b: {  	s4 =	sld [smem:$0x3FFD];
	_ =	sdelay $0x3  }
0x9c: {  	_ =	strace s4  }
0x9d: {  	_ =	strace $0x8FFFFFFF  }
0x9e: {  	s18 =	sld [smem:$0x3FDB];
	_ =	sdelay $0x1  }
0x9f: {  	s19 =	simm.s32 $_scs_section_size  }
0xa0: {  	s6 =	simm.s32 $_size__tile_overlayer_lowered;
	s7 =	simm.s32 $_tile_overlayer_lowered  }
0xa1: {  	s22 =	simm.s32 $0x1BFF;
	s21 =	sshll.u32 s7, $0x1;
	s4 =	sadd.s32 s19, s18  }
0xa2: {  	s8 =	simm.s32 $0x0;
	s20 =	sshll.u32 s6, $0x1;
	s6 =	sadd.s32 s21, s4  }
0xa3: {  	[timem:s8], [sflag:s22] =	dma.local [hbm:s6], s20  }
0xa4: {  	_ =	swait.ge [sflag:s22], s20  }
0xa5: {  	s5 =	ssub.s32 $0x0, s20;
	[sflag:s22] =	ssyncset.done $0x0  }
0xa6: {  	[sflag:s22] =	ssyncadd.s32 s5;
	_ =	sdelay $0x1  }
0xa7: {  	s23 =	simm.s32 $0x1B8B  }
0xa8: {  	_ =	swait.ge [sflag:s23], $0x1  }
0xa9: {  	[sflag:s23] =	ssyncset.done $0x0  }
0xaa: {  	s25 =	simm.s32 $0x1B8E;
	s24 =	sld [smem:$0x3FFE];
	[sflag:s23] =	ssyncadd.s32 $0xFFFFFFFF  }
0xab: {  	s26 =	simm.s32 $execute0_lowered;
	[smem:$0x3FD2] =	sst s25  }
0xac: {  	s6 =	sshll.u32 s26, $0x1;
	_ =	strace $0x80000046;
	[dreg:$0x1] =	wrdreg $0xFFFFFFFF  }
0xad: {  	s28 =	simm.s32 $_size_execute0_lowered;
	s4 =	sadd.s32 s4, s6;
	[dreg:$0x0] =	wrdreg $0x0  }
0xae: {  	s6 =	sshll.u32 s28, $0x1;
	[dreg:$0x2] =	wrdreg s4  }
0xaf: {  	[dreg:$0x3] =	wrdreg s6  }
0xb0: {  	[dreg:$0x4] =	wrdreg $0xC0  }
0xb1: {  	_ =	task [dreg:s8], $0x5FFFF  }
0xb2: {  	[dreg:$0x1] =	wrdreg $0xFFFFFFFF  }
0xb3: {  	[dreg:$0x0] =	wrdreg $0x60  }
0xb4: {  	[dreg:$0x2] =	wrdreg s16  }
0xb5: {  	[dreg:$0x3] =	wrdreg s15  }
0xb6: {  	[dreg:$0x4] =	wrdreg s24  }
0xb7: {  	[dreg:$0x5] =	wrdreg $0x9  }
0xb8: {  	_ =	task.clear_ibuf [dreg:s8], $0x6FFFF;
	_ =	strace $0x90000046  }
0xb9: {  	s29 =	simm.s32 $0x9;
	_ =	strace $0x80000048  }
0xba: {  	_ =	swait.ge [sflag:s29], $0x1  }
0xbb: {  	[sflag:s29] =	ssyncadd.s32 $0xFFFFFFFF  }
0xbc: {  	_ =	strace $0x90000048  }
0xbd: {  	_ =	sfence  }
0xbe: {  	s30 =	sld [smem:$0x0];
	_ =	sdelay $0x2  }
0xbf: {  	s31 =	sshll.u32 s1, $0xD;
	s1 =	sshrl.u32 s1, $0x2  }
0xc0: {  	s3 =	sand.u32 $0x4000, s31;
	s1 =	sadd.s32 s1, s30  }
0xc1: {  	s0 =	sor.u32 s3, s0;
	s1 =	sshll.u32 s1, $0x11  }
0xc2: {  	s0 =	sor.u32 s1, s0  }
0xc3: {  	s0 =	sadd.s32 $0x8F2B, s0  }
0xc4: {  	[sflag:s0] =	ssyncadd.remote.s32 $0x1  }
0xc5: {  	_ =	sfence.sel $0xFFFF  }
0xc6: {  	[dreg:$0x0] =	wrdreg $0xFFFFFFFF;
	(pc) =	sbr.abs _section_cstart, $3  }
0xc7: {  	[dreg:$0x1] =	wrdreg $0xFFFFFFFF  }
0xc8: {  	_ =	task.clear_ibuf [dreg:s8], $0x2FFFF;
	_ =	strace $0x9FFFFFFF  }
0xc9: {  	(tm) =	ssettm $0x7FFFFFFF  }
tec
execute0_lowered:
.L_overlay_start_1:
0x0: {  	(tag) =	ssettag $0x1  }
0x1: {  	s1 =	rddreg [dreg:$0x0]  }
0x2: {  	s4 =	rddreg [dreg:$0x1];
	s2 =	srdreg.scid  }
0x3: {  	s0 =	stileid.u32;
	s5 =	rddreg [dreg:$0x2];
	s3 =	simm.s32 $0x0  }
0x4: {  	s12 =	simm.s32 $0x2;
	s13 =	simm.s32 $0x3;
	s14 =	simm.s32 $0x4  }
0x5: {  	s15 =	simm.s32 $0x2580;
	s16 =	simm.s32 $0x5;
	s17 =	simm.s32 $0x0  }
0x6: {  	s6 =	sand.u32 $0x1, s2;
	s7 =	sshll.u32 s0, $0x1;
	s11 =	smul.u32 $0x4E200, s0  }
0x7: {  	s7 =	sor.u32 s6, s7;
	s9 =	ssub.s32 $0x2, s6;
	s6 =	smul.u32 $0x27100, s6  }
0x8: {  	[smem:$0x7FF] =	sst s3;
	s5 =	sadd.s32 $0x1F800, s5;
	s8 =	smul.u32 $0x2710, s7  }
0x9: {  	s2 =	rddreg [dreg:$0x3];
	_ =	strace $0x80000047;
	s7 =	smul.u32 $0x138800, s7  }
0xa: {  	s10 =	sshrl.u32 s9, $0x1;
	s30 =	sadd.s32 s11, s5;
	s11 =	simm.s32 $0xEF80  }
0xb: {  	s9 =	ssub.s32 s9, s10;
	s31 =	sadd.s32 s6, s30;
	s10 =	simm.s32 $0x2780  }
0xc: {  	s7 =	sshrl.u32 s7, $0x3;
	s8 =	sshrl.u32 s8, $0x3;
	s6 =	smax.u32 s9, $0x1  }
0xd: {  	s9 =	simm.s32 $0x190;
	s7 =	sadd.s32 s5, s7;
	s4 =	sadd.s32 s4, s8  }
0xe: {  	s8 =	simm.s32 $0x1;
	s5 =	sadd.s32 $0x25800, s7;
	s7 =	sadd.s32 $0x1900, s31  }
.LBB2_1:
0xf: {  	[tilespmem:s3], [sflag:$0x1] =	stream.linear.gather [hbm4b:s4+s3], $0x2710, $0x38;
	[tilespmem:$0x1B780] =	vst v63  }
0x10: {  	_ =	swait.ge [sflag:s8], $0x2710  }
0x11: {  	[sflag:s8] =	ssyncset.done $0x0  }
0x12: {  	s18 =	simm.s32 $0x0;
	[sflag:s8] =	ssyncadd.s32 $0xFFFFD8F0  }
0x13: {  	[tilespmem:s10], [sflag:$0x1] =	stream.indirect.gather [hbm4b:s1+s9], $0x80, s18, s9, $0xb8;
	[tilespmem:$0x1B780] =	vst v63  }
0x14: {  	s30 =	simm.s32 $0x190  }
0x15: {  	[tilespmem:s11], [sflag:$0x2] =	stream.indirect.gather [hbm4b:s1+s9], $0x80, s30, s9, $0xb8;
	[tilespmem:$0x1B780] =	vst v63  }
0x16: {  	_ =	swait.ge [sflag:s8], $0xC800  }
0x17: {  	[sflag:s8] =	ssyncset.done $0x0  }
0x18: {  	s31 =	sadd.s32 $0xFFFFE700, s7;
	[sflag:s8] =	ssyncadd.s32 $0xFFFF3800  }
0x19: {  	[hbm4b:s31+s3] =	stream.linear.scatter [tilespmem:s10], [sflag:$0x3], $0xC800, $0x38;
	[tilespmem:$0x1B780] =	vst v63  }
0x1a: {  	_ =	swait.ge [sflag:s12], $0xC800  }
0x1b: {  	[sflag:s12] =	ssyncset.done $0x0  }
0x1c: {  	[sflag:s12] =	ssyncadd.s32 $0xFFFF3800  }
0x1d: {  	[hbm4b:s7+s3] =	stream.linear.scatter [tilespmem:s11], [sflag:$0x4], $0xC800, $0x38;
	[tilespmem:$0x1B780] =	vst v63  }
0x1e: {  	_ =	swait.ge [sflag:s13], $0xC800  }
0x1f: {  	[sflag:s13] =	ssyncset.done $0x0  }
0x20: {  	[sflag:s13] =	ssyncadd.s32 $0xFFFF3800  }
0x21: {  	s19 =	simm.s32 $0xC80;
	_ =	swait.ge [sflag:s14], $0xC800  }
0x22: {  	s20 =	simm.s32 $0x1900;
	s18 =	sadd.s32 $0x3200, s7;
	[sflag:s14] =	ssyncset.done $0x0  }
.LBB2_2:
0x23: {  	s21 =	sshra.s32 s19, $0x2  }
0x24: {  	[sflag:s14] =	ssyncadd.s32 $0xFFFF3800;
	s19 =	smov.u32 s20;
	s22 =	sadd.s32 $0xC80, s20  }
0x25: {  	[tilespmem:s10], [sflag:$0x1] =	stream.indirect.gather [hbm4b:s1+s9], $0x80, s21, s9, $0xb8;
	[tilespmem:$0x1B780] =	vst v63  }
0x26: {  	p0 =	sne.s32 s20, $0x8980;
	s20 =	sadd.s32 $0x190, s21  }
0x27: {  	[tilespmem:s11], [sflag:$0x2] =	stream.indirect.gather [hbm4b:s1+s9], $0x80, s20, s9, $0xb8;
	[tilespmem:$0x1B780] =	vst v63  }
0x28: {  	_ =	swait.ge [sflag:s8], $0xC800  }
0x29: {  	[sflag:s8] =	ssyncset.done $0x0  }
0x2a: {  	s20 =	sadd.s32 $0xFFFFE700, s18;
	[sflag:s8] =	ssyncadd.s32 $0xFFFF3800  }
0x2b: {  	[hbm4b:s20+s3] =	stream.linear.scatter [tilespmem:s10], [sflag:$0x3], $0xC800, $0x38;
	[tilespmem:$0x1B780] =	vst v63  }
0x2c: {  	_ =	swait.ge [sflag:s12], $0xC800  }
0x2d: {  	[sflag:s12] =	ssyncset.done $0x0  }
0x2e: {  	[sflag:s12] =	ssyncadd.s32 $0xFFFF3800  }
0x2f: {  	[hbm4b:s18+s3] =	stream.linear.scatter [tilespmem:s11], [sflag:$0x4], $0xC800, $0x38;
	[tilespmem:$0x1B780] =	vst v63  }
.Ltmp0:
0x30: {  	_ =	swait.ge [sflag:s13], $0xC800;
	(pc) =	sbr.rel @p0 .LBB2_2-.Ltmp0, $4  }
0x31: {  	[sflag:s13] =	ssyncset.done $0x0  }
0x32: {  	[sflag:s13] =	ssyncadd.s32 $0xFFFF3800  }
0x33: {  	_ =	swait.ge [sflag:s14], $0xC800  }
0x34: {  	s20 =	smov.u32 s22;
	s18 =	sadd.s32 $0x3200, s18;
	[sflag:s14] =	ssyncset.done $0x0  }
0x35: {  	s19 =	sshra.s32 s19, $0x2;
	[sflag:s14] =	ssyncadd.s32 $0xFFFF3800  }
0x36: {  	[tilespmem:s10], [sflag:$0x1] =	stream.indirect.gather [hbm4b:s1+s9], $0x80, s19, s9, $0xb8;
	[tilespmem:$0x1B780] =	vst v63  }
0x37: {  	s19 =	sadd.s32 $0x190, s19  }
0x38: {  	[tilespmem:s11], [sflag:$0x2] =	stream.indirect.gather [hbm4b:s1+s9], $0x80, s19, s9, $0xb8;
	[tilespmem:$0x1B780] =	vst v63  }
0x39: {  	_ =	swait.ge [sflag:s8], $0xC800  }
0x3a: {  	[sflag:s8] =	ssyncset.done $0x0  }
0x3b: {  	s31 =	sadd.s32 $0xFFFFE700, s18;
	[sflag:s8] =	ssyncadd.s32 $0xFFFF3800  }
0x3c: {  	[hbm4b:s31+s3] =	stream.linear.scatter [tilespmem:s10], [sflag:$0x3], $0xC800, $0x38;
	[tilespmem:$0x1B780] =	vst v63  }
0x3d: {  	_ =	swait.ge [sflag:s12], $0xC800  }
0x3e: {  	[sflag:s12] =	ssyncset.done $0x0  }
0x3f: {  	[sflag:s12] =	ssyncadd.s32 $0xFFFF3800  }
0x40: {  	[hbm4b:s18+s3] =	stream.linear.scatter [tilespmem:s11], [sflag:$0x4], $0xC800, $0x38;
	[tilespmem:$0x1B780] =	vst v63  }
0x41: {  	_ =	swait.ge [sflag:s13], $0xC800  }
0x42: {  	[sflag:s13] =	ssyncset.done $0x0  }
0x43: {  	[sflag:s13] =	ssyncadd.s32 $0xFFFF3800  }
0x44: {  	_ =	swait.ge [sflag:s14], $0xC800  }
0x45: {  	[sflag:s14] =	ssyncset.done $0x0  }
0x46: {  	[sflag:s14] =	ssyncadd.s32 $0xFFFF3800  }
0x47: {  	[tilespmem:s10], [sflag:$0x1] =	stream.indirect.gather [hbm4b:s1+s9], $0x80, s15, s9, $0xb8;
	[tilespmem:$0x1B780] =	vst v63  }
0x48: {  	s17 =	sadd.s32 $0x1, s17;
	_ =	swait.ge [sflag:s8], $0xC800  }
0x49: {  	p0 =	sne.s32 s17, s6;
	[sflag:s8] =	ssyncset.done $0x0  }
.Ltmp1:
0x4a: {  	[sflag:s8] =	ssyncadd.s32 $0xFFFF3800;
	(pc) =	sbr.rel @p0 .LBB2_1-.Ltmp1, $4  }
0x4b: {  	[hbm4b:s5+s3] =	stream.linear.scatter [tilespmem:s10], [sflag:$0x5], $0xC800, $0x38;
	[tilespmem:$0x1B780] =	vst v63  }
0x4c: {  	_ =	swait.ge [sflag:s16], $0xC800  }
0x4d: {  	[sflag:s16] =	ssyncset.done $0x0  }
0x4e: {  	[sflag:s16] =	ssyncadd.s32 $0xFFFF3800  }
0x4f: {  	_ =	sfence.sel $0x180000  }
0x50: {  	[bflag:$0x0] =	sbarrier.arrive $0xFFFF  }
0x51: {  	p0 =	sne.s32 s0, $0x0;
	_ =	strace $0x90000047  }
0x52: {  	s0 =	sadd.s32 @!p0 $0x100000, s2;
	[bflag:$0x2] =	sbarrier.arrive $0xFFFF  }
0x53: {  	[sflag:s0] =	ssyncadd.tile.s32 @!p0 $0x1;
	_ =	shalt  }
.Lfunc_end2:
_tile_overlayer_lowered:
.L_overlay_start_2:
0x54: {  	(tag) =	ssettag $0x2  }
0x55: {  	s0 =	rddreg [dreg:$0x0];
	s2 =	stileid.u32  }
0x56: {  	s1 =	rddreg [dreg:$0x1];
	p0 =	sne.s32 s2, $0x0  }
0x57: {  	s3 =	rddreg [dreg:$0x2];
	[bflag:$0x3] =	sbarrier.arrive $0xFFFF;
	s2 =	simm.s32 @!p0 $0x1C05  }
0x58: {  	[timem:s3], [sflag:s2] =	dma.local @!p0 [hbm:s0], s1  }
0x59: {  	s0 =	simm.s32 @!p0 $0x5  }
0x5a: {  	_ =	swait.ge @!p0 [sflag:s0], s1  }
0x5b: {  	s1 =	ssub.s32 @!p0 $0x0, s1;
	[sflag:s0] =	ssyncset.done @!p0 $0x0  }
0x5c: {  	[sflag:s0] =	ssyncadd.s32 @!p0 s1  }
0x5d: {  	[bflag:$0x3] =	sbarrier.arrive $0xFFFF  }
0x5e: {  	_ =	shalt  }

// kernel: kernel.17.cloned.1.call-start
scs
__scs_entry_jumppad:
0x0: {  	(pc) =	sbr.rel $0x88, $3  }
0x1: {  	(tag) =	ssettag $0x0;
	lr =	simm.s32 $0x1  }
0x2: {  	[smem:$0x3F8C] =	sst lr;
	_ =	strace $0xD0000000  }
0x3: {  	_ = 	snop  }
0x4: {  	_ = 	snop  }
0x5: {  	_ = 	snop  }
0x6: {  	_ = 	snop  }
0x7: {  	_ = 	snop  }
__scs_overlays_trampoline_lowered:
0x8: {  	[smem:$0x3F9B] =	sst s0  }
0x9: {  	[smem:$0x3F9C] =	sst s1  }
0xa: {  	[smem:$0x3F9D] =	sst s2  }
0xb: {  	[smem:$0x3F9E] =	sst s3  }
0xc: {  	[smem:$0x3F9F] =	sst s4  }
0xd: {  	[smem:$0x3FA0] =	sst s5  }
0xe: {  	[smem:$0x3FA1] =	sst s6  }
0xf: {  	[smem:$0x3FA2] =	sst s7  }
0x10: {  	[smem:$0x3FA3] =	sst s8  }
0x11: {  	[smem:$0x3FA4] =	sst s9;
	s0 =	simm.s32 @!p0 $0x0  }
0x12: {  	s1 =	sld [smem:$0x3F8A];
	s0 =	simm.s32 @p0 $0x1  }
0x13: {  	[smem:$0x3FA5] =	sst s0;
	s0 =	simm.s32 @!p1 $0x0  }
0x14: {  	s2 =	sld [smem:$0x3F89];
	s0 =	simm.s32 @p1 $0x1  }
0x15: {  	[smem:$0x3FA6] =	sst s0;
	s0 =	simm.s32 @!p2 $0x0  }
0x16: {  	s3 =	sld [smem:$0x3FDB];
	s0 =	simm.s32 @p2 $0x1  }
0x17: {  	s4 =	simm.s32 $0x1BF5;
	[smem:$0x3FA8] =	sst s0  }
0x18: {  	s0 =	sld [smem:$0x3F8B];
	_ =	swait.ge [sflag:s4], $0x0  }
0x19: {  	s7 =	sld [smem:$0x3F8C]  }
0x1a: {  	s8 =	sadd.s32 $0xFFFFE003, lr  }
0x1b: {  	s9 =	sadd.s32 $0xFFFFFEF7, lr;
	s5 =	simm.s32 $0xFFFFFFFF;
	p2 =	slt.u32 s8, $0xFFFFF086  }
0x1c: {  	p1 =	slt.u32 s9, $0xF7A;
	s5 =	simm.s32 @!p2 $0x0  }
0x1d: {  	s5 =	simm.s32 @p1 $0x1;
	p0 =	seq.s32 s7, s2  }
0x1e: {  	s7 =	smul.u32 @!p0 $0xF7A, s2;
	p2 =	seq.s32 @!p0 s5, $0x0  }
0x1f: {  	s9 =	smul.u32 $0xF7A, s1;
	s8 =	simm.s32 @!p0 $0x1BF5;
	p2 =	por !p2, p0  }
0x20: {  	[sflag:s8] =	ssyncset.s32 @!p0 $0xFFFFF086;
	s6 =	sadd.s32 @!p0 s3, s7;
	s7 =	simm.s32 @!p0 $0x108  }
0x21: {  	s3 =	sadd.s32 s3, s9;
	s6 =	sadd.s32 @!p0 $0x88, s6;
	s7 =	simm.s32 @p2 $0x1082  }
0x22: {  	[simem:s7], [sflag:s8] =	dma.local @!p0 [hbm:s6], $0xF7A  }
0x23: {  	s9 =	sor.u32 $0xD0000000, s2;
	s6 =	simm.s32 $0x108;
	_ =	swait.ge @!p0 [sflag:s8], $0x0  }
0x24: {  	s3 =	sadd.s32 $0x88, s3;
	s6 =	simm.s32 @!p1 $0x1082;
	[sflag:s4] =	ssyncset.s32 $0xFFFFF086  }
0x25: {  	[simem:s6], [sflag:s4] =	dma.local [hbm:s3], $0xF7A  }
0x26: {  	[smem:$0x3F8C] =	sst s1;
	(tag) =	ssettag s2;
	_ =	strace s9  }
0x27: {  	s1 =	sld [smem:$0x3F9C]  }
0x28: {  	s2 =	sld [smem:$0x3F9D]  }
0x29: {  	s4 =	sld [smem:$0x3F9F]  }
0x2a: {  	p0 =	seq.s32 s5, $0x0;
	s5 =	sld [smem:$0x3FA0]  }
0x2b: {  	s6 =	sld [smem:$0x3FA1]  }
0x2c: {  	s7 =	sld [smem:$0x3FA2]  }
0x2d: {  	s3 =	simm.s32 $0x108;
	s8 =	sld [smem:$0x3FA3]  }
0x2e: {  	s3 =	simm.s32 @!p0 $0x1082;
	s9 =	sld [smem:$0x3FA4]  }
0x2f: {  	lr =	sadd.s32 s0, s3;
	s0 =	sld [smem:$0x3F9B]  }
0x30: {  	s3 =	sld [smem:$0x3F9E]  }
0x31: {  	[smem:$0x3FA7] =	sst s10  }
0x32: {  	s10 =	sld [smem:$0x3FA5];
	_ =	sdelay $0x3  }
0x33: {  	p0 =	seq.s32 s10, $0x1;
	s10 =	sld [smem:$0x3FA7];
	_ =	sdelay $0x3  }
0x34: {  	[smem:$0x3FA7] =	sst s10  }
0x35: {  	s10 =	sld [smem:$0x3FA6];
	_ =	sdelay $0x3  }
0x36: {  	p1 =	seq.s32 s10, $0x1;
	s10 =	sld [smem:$0x3FA7];
	_ =	sdelay $0x3  }
0x37: {  	[smem:$0x3FA7] =	sst s10  }
0x38: {  	s10 =	sld [smem:$0x3FA8]  }
0x39: {  	_ = 	snop;
	(pc) =	sbr.ind lr, $3  }
0x3a: {  	_ = 	snop  }
0x3b: {  	_ = 	snop  }
0x3c: {  	p2 =	seq.s32 s10, $0x1;
	s10 =	sld [smem:$0x3FA7]  }
0x3d: {  	_ =	shalt  }
0x3e: {  	_ =	shalt  }
0x3f: {  	_ =	shalt  }
0x40: {  	_ =	shalt  }
0x41: {  	_ =	shalt  }
0x42: {  	_ =	shalt  }
0x43: {  	_ =	shalt  }
0x44: {  	_ =	shalt  }
0x45: {  	_ =	shalt  }
0x46: {  	_ =	shalt  }
0x47: {  	_ =	shalt  }
0x48: {  	_ =	shalt  }
0x49: {  	_ =	shalt  }
0x4a: {  	_ =	shalt  }
0x4b: {  	_ =	shalt  }
0x4c: {  	_ =	shalt  }
0x4d: {  	_ =	shalt  }
0x4e: {  	_ =	shalt  }
0x4f: {  	_ =	shalt  }
0x50: {  	_ =	shalt  }
0x51: {  	_ =	shalt  }
0x52: {  	_ =	shalt  }
0x53: {  	_ =	shalt  }
0x54: {  	_ =	shalt  }
0x55: {  	_ =	shalt  }
0x56: {  	_ =	shalt  }
0x57: {  	_ =	shalt  }
0x58: {  	_ =	shalt  }
0x59: {  	_ =	shalt  }
0x5a: {  	_ =	shalt  }
0x5b: {  	_ =	shalt  }
0x5c: {  	_ =	shalt  }
0x5d: {  	_ =	shalt  }
0x5e: {  	_ =	shalt  }
0x5f: {  	_ =	shalt  }
0x60: {  	_ =	shalt  }
0x61: {  	_ =	shalt  }
0x62: {  	_ =	shalt  }
0x63: {  	_ =	shalt  }
0x64: {  	_ =	shalt  }
0x65: {  	_ =	shalt  }
0x66: {  	_ =	shalt  }
0x67: {  	_ =	shalt  }
0x68: {  	_ =	shalt  }
0x69: {  	_ =	shalt  }
0x6a: {  	_ =	shalt  }
0x6b: {  	_ =	shalt  }
0x6c: {  	_ =	shalt  }
0x6d: {  	_ =	shalt  }
0x6e: {  	_ =	shalt  }
0x6f: {  	_ =	shalt  }
0x70: {  	_ =	shalt  }
0x71: {  	_ =	shalt  }
0x72: {  	_ =	shalt  }
0x73: {  	_ =	shalt  }
0x74: {  	_ =	shalt  }
0x75: {  	_ =	shalt  }
0x76: {  	_ =	shalt  }
0x77: {  	_ =	shalt  }
0x78: {  	_ =	shalt  }
0x79: {  	_ =	shalt  }
0x7a: {  	_ =	shalt  }
0x7b: {  	_ =	shalt  }
0x7c: {  	_ =	shalt  }
0x7d: {  	_ =	shalt  }
0x7e: {  	_ =	shalt  }
0x7f: {  	_ =	shalt  }
0x80: {  	_ =	shalt  }
0x81: {  	_ =	shalt  }
0x82: {  	_ =	shalt  }
0x83: {  	_ =	shalt  }
0x84: {  	_ =	shalt  }
0x85: {  	_ =	shalt  }
0x86: {  	_ =	shalt  }
0x87: {  	_ =	shalt  }
.Lfunc_end0:
.L_simem_size_0:
called_computation.1_lowered:
.L_overlay_start_0:
0x88: {  	s2 =	sld [smem:$0x3FD9]  }
0x89: {  	s3 =	sld [smem:$0x3FFE];
	_ =	sdelay $0x1  }
0x8a: {  	s1 =	srdreg.scid  }
0x8b: {  	s0 =	sand.u32 $0x1, s1  }
0x8c: {  	s14 =	sshll.u32 s0, $0xA;
	s2 =	sadd.s32 s3, s2  }
0x8d: {  	s2 =	sadd.s32 s2, s14  }
0x8e: {  	[smem:$0x3FB3] =	sst s2  }
0x8f: {  	_ = 	snop  }
0x90: {  	s2 =	sld [smem:$0x3FD0];
	_ =	sdelay $0x2  }
0x91: {  	s4 =	simm.s32 $0xA;
	s5 =	simm.s32 $0x10;
	s15 =	sld [smem:$0x3FC5]  }
0x92: {  	[smem:s5], [sflag:s4] =	dma.local [hbm:s2], $0x1  }
0x93: {  	_ =	swait.eq [sflag:s4], $0x1  }
0x94: {  	[sflag:s4] =	ssyncset.done $0x0  }
0x95: {  	[sflag:s4] =	ssyncadd.s32 $0xFFFFFFFF  }
0x96: {  	s16 =	sld [smem:$0x14];
	(tm) =	ssettm $0x1  }
0x97: {  	s17 =	sld [smem:$0x3FFB];
	_ =	sdelay $0x3  }
0x98: {  	_ =	strace s17  }
0x99: {  	s4 =	sld [smem:$0x3FFC];
	_ =	sdelay $0x3  }
0x9a: {  	_ =	strace s4  }
0x9b: {  	s4 =	sld [smem:$0x3FFD];
	_ =	sdelay $0x3  }
0x9c: {  	_ =	strace s4  }
0x9d: {  	_ =	strace $0x8FFFFFFF  }
0x9e: {  	s18 =	sld [smem:$0x3FDB];
	_ =	sdelay $0x1  }
0x9f: {  	s19 =	simm.s32 $_scs_section_size  }
0xa0: {  	s6 =	simm.s32 $_size__tile_overlayer_lowered;
	s7 =	simm.s32 $_tile_overlayer_lowered  }
0xa1: {  	s22 =	simm.s32 $0x1BFF;
	s21 =	sshll.u32 s7, $0x1;
	s4 =	sadd.s32 s19, s18  }
0xa2: {  	s8 =	simm.s32 $0x0;
	s20 =	sshll.u32 s6, $0x1;
	s6 =	sadd.s32 s21, s4  }
0xa3: {  	[timem:s8], [sflag:s22] =	dma.local [hbm:s6], s20  }
0xa4: {  	_ =	swait.ge [sflag:s22], s20  }
0xa5: {  	s5 =	ssub.s32 $0x0, s20;
	[sflag:s22] =	ssyncset.done $0x0  }
0xa6: {  	[sflag:s22] =	ssyncadd.s32 s5;
	_ =	sdelay $0x1  }
0xa7: {  	s23 =	simm.s32 $0x1B8B  }
0xa8: {  	_ =	swait.ge [sflag:s23], $0x1  }
0xa9: {  	[sflag:s23] =	ssyncset.done $0x0  }
0xaa: {  	s25 =	simm.s32 $0x1B8E;
	s24 =	sld [smem:$0x3FFE];
	[sflag:s23] =	ssyncadd.s32 $0xFFFFFFFF  }
0xab: {  	s26 =	simm.s32 $execute0_lowered;
	[smem:$0x3FD2] =	sst s25  }
0xac: {  	s6 =	sshll.u32 s26, $0x1;
	_ =	strace $0x80000049;
	[dreg:$0x1] =	wrdreg $0xFFFFFFFF  }
0xad: {  	s28 =	simm.s32 $_size_execute0_lowered;
	s4 =	sadd.s32 s4, s6;
	[dreg:$0x0] =	wrdreg $0x0  }
0xae: {  	s6 =	sshll.u32 s28, $0x1;
	[dreg:$0x2] =	wrdreg s4  }
0xaf: {  	[dreg:$0x3] =	wrdreg s6  }
0xb0: {  	[dreg:$0x4] =	wrdreg $0xC0  }
0xb1: {  	_ =	task [dreg:s8], $0x5FFFF  }
0xb2: {  	[dreg:$0x1] =	wrdreg $0xFFFFFFFF  }
0xb3: {  	[dreg:$0x0] =	wrdreg $0x60  }
0xb4: {  	[dreg:$0x2] =	wrdreg s16  }
0xb5: {  	[dreg:$0x3] =	wrdreg s15  }
0xb6: {  	[dreg:$0x4] =	wrdreg s24  }
0xb7: {  	[dreg:$0x5] =	wrdreg $0x9  }
0xb8: {  	_ =	task.clear_ibuf [dreg:s8], $0x6FFFF;
	_ =	strace $0x90000049  }
0xb9: {  	s29 =	simm.s32 $0x9;
	_ =	strace $0x8000004B  }
0xba: {  	_ =	swait.ge [sflag:s29], $0x1  }
0xbb: {  	[sflag:s29] =	ssyncadd.s32 $0xFFFFFFFF  }
0xbc: {  	_ =	strace $0x9000004B  }
0xbd: {  	_ =	sfence  }
0xbe: {  	s30 =	sld [smem:$0x0];
	_ =	sdelay $0x2  }
0xbf: {  	s31 =	sshll.u32 s1, $0xD;
	s1 =	sshrl.u32 s1, $0x2  }
0xc0: {  	s3 =	sand.u32 $0x4000, s31;
	s1 =	sadd.s32 s1, s30  }
0xc1: {  	s0 =	sor.u32 s3, s0;
	s1 =	sshll.u32 s1, $0x11  }
0xc2: {  	s0 =	sor.u32 s1, s0  }
0xc3: {  	s0 =	sadd.s32 $0x8F2B, s0  }
0xc4: {  	[sflag:s0] =	ssyncadd.remote.s32 $0x1  }
0xc5: {  	_ =	sfence.sel $0xFFFF  }
0xc6: {  	[dreg:$0x0] =	wrdreg $0xFFFFFFFF;
	(pc) =	sbr.abs _section_cstart, $3  }
0xc7: {  	[dreg:$0x1] =	wrdreg $0xFFFFFFFF  }
0xc8: {  	_ =	task.clear_ibuf [dreg:s8], $0x2FFFF;
	_ =	strace $0x9FFFFFFF  }
0xc9: {  	(tm) =	ssettm $0x7FFFFFFF  }
tec
execute0_lowered:
.L_overlay_start_1:
0x0: {  	(tag) =	ssettag $0x1  }
0x1: {  	s1 =	rddreg [dreg:$0x0]  }
0x2: {  	s4 =	rddreg [dreg:$0x1];
	s2 =	srdreg.scid  }
0x3: {  	s0 =	stileid.u32;
	s5 =	rddreg [dreg:$0x2];
	s3 =	simm.s32 $0x0  }
0x4: {  	s12 =	simm.s32 $0x2;
	s13 =	simm.s32 $0x3;
	s14 =	simm.s32 $0x4  }
0x5: {  	s15 =	simm.s32 $0x2580;
	s16 =	simm.s32 $0x5;
	s17 =	simm.s32 $0x0  }
0x6: {  	s6 =	sand.u32 $0x1, s2;
	s7 =	sshll.u32 s0, $0x1;
	s11 =	smul.u32 $0x4E200, s0  }
0x7: {  	s7 =	sor.u32 s6, s7;
	s9 =	ssub.s32 $0x2, s6;
	s6 =	smul.u32 $0x27100, s6  }
0x8: {  	[smem:$0x7FF] =	sst s3;
	s5 =	sadd.s32 $0x1F800, s5;
	s8 =	smul.u32 $0x2710, s7  }
0x9: {  	s2 =	rddreg [dreg:$0x3];
	_ =	strace $0x8000004A;
	s7 =	smul.u32 $0x138800, s7  }
0xa: {  	s10 =	sshrl.u32 s9, $0x1;
	s30 =	sadd.s32 s11, s5;
	s11 =	simm.s32 $0xEF80  }
0xb: {  	s9 =	ssub.s32 s9, s10;
	s31 =	sadd.s32 s6, s30;
	s10 =	simm.s32 $0x2780  }
0xc: {  	s7 =	sshrl.u32 s7, $0x3;
	s8 =	sshrl.u32 s8, $0x3;
	s6 =	smax.u32 s9, $0x1  }
0xd: {  	s9 =	simm.s32 $0x190;
	s7 =	sadd.s32 s5, s7;
	s4 =	sadd.s32 s4, s8  }
0xe: {  	s8 =	simm.s32 $0x1;
	s5 =	sadd.s32 $0x25800, s7;
	s7 =	sadd.s32 $0x1900, s31  }
.LBB2_1:
0xf: {  	[tilespmem:s3], [sflag:$0x1] =	stream.linear.gather [hbm4b:s4+s3], $0x2710, $0x38;
	[tilespmem:$0x1B780] =	vst v63  }
0x10: {  	_ =	swait.ge [sflag:s8], $0x2710  }
0x11: {  	[sflag:s8] =	ssyncset.done $0x0  }
0x12: {  	s18 =	simm.s32 $0x0;
	[sflag:s8] =	ssyncadd.s32 $0xFFFFD8F0  }
0x13: {  	[tilespmem:s10], [sflag:$0x1] =	stream.indirect.gather [hbm4b:s1+s9], $0x80, s18, s9, $0xb8;
	[tilespmem:$0x1B780] =	vst v63  }
0x14: {  	s30 =	simm.s32 $0x190  }
0x15: {  	[tilespmem:s11], [sflag:$0x2] =	stream.indirect.gather [hbm4b:s1+s9], $0x80, s30, s9, $0xb8;
	[tilespmem:$0x1B780] =	vst v63  }
0x16: {  	_ =	swait.ge [sflag:s8], $0xC800  }
0x17: {  	[sflag:s8] =	ssyncset.done $0x0  }
0x18: {  	s31 =	sadd.s32 $0xFFFFE700, s7;
	[sflag:s8] =	ssyncadd.s32 $0xFFFF3800  }
0x19: {  	[hbm4b:s31+s3] =	stream.linear.scatter [tilespmem:s10], [sflag:$0x3], $0xC800, $0x38;
	[tilespmem:$0x1B780] =	vst v63  }
0x1a: {  	_ =	swait.ge [sflag:s12], $0xC800  }
0x1b: {  	[sflag:s12] =	ssyncset.done $0x0  }
0x1c: {  	[sflag:s12] =	ssyncadd.s32 $0xFFFF3800  }
0x1d: {  	[hbm4b:s7+s3] =	stream.linear.scatter [tilespmem:s11], [sflag:$0x4], $0xC800, $0x38;
	[tilespmem:$0x1B780] =	vst v63  }
0x1e: {  	_ =	swait.ge [sflag:s13], $0xC800  }
0x1f: {  	[sflag:s13] =	ssyncset.done $0x0  }
0x20: {  	[sflag:s13] =	ssyncadd.s32 $0xFFFF3800  }
0x21: {  	s19 =	simm.s32 $0xC80;
	_ =	swait.ge [sflag:s14], $0xC800  }
0x22: {  	s20 =	simm.s32 $0x1900;
	s18 =	sadd.s32 $0x3200, s7;
	[sflag:s14] =	ssyncset.done $0x0  }
.LBB2_2:
0x23: {  	s21 =	sshra.s32 s19, $0x2  }
0x24: {  	[sflag:s14] =	ssyncadd.s32 $0xFFFF3800;
	s19 =	smov.u32 s20;
	s22 =	sadd.s32 $0xC80, s20  }
0x25: {  	[tilespmem:s10], [sflag:$0x1] =	stream.indirect.gather [hbm4b:s1+s9], $0x80, s21, s9, $0xb8;
	[tilespmem:$0x1B780] =	vst v63  }
0x26: {  	p0 =	sne.s32 s20, $0x8980;
	s20 =	sadd.s32 $0x190, s21  }
0x27: {  	[tilespmem:s11], [sflag:$0x2] =	stream.indirect.gather [hbm4b:s1+s9], $0x80, s20, s9, $0xb8;
	[tilespmem:$0x1B780] =	vst v63  }
0x28: {  	_ =	swait.ge [sflag:s8], $0xC800  }
0x29: {  	[sflag:s8] =	ssyncset.done $0x0  }
0x2a: {  	s20 =	sadd.s32 $0xFFFFE700, s18;
	[sflag:s8] =	ssyncadd.s32 $0xFFFF3800  }
0x2b: {  	[hbm4b:s20+s3] =	stream.linear.scatter [tilespmem:s10], [sflag:$0x3], $0xC800, $0x38;
	[tilespmem:$0x1B780] =	vst v63  }
0x2c: {  	_ =	swait.ge [sflag:s12], $0xC800  }
0x2d: {  	[sflag:s12] =	ssyncset.done $0x0  }
0x2e: {  	[sflag:s12] =	ssyncadd.s32 $0xFFFF3800  }
0x2f: {  	[hbm4b:s18+s3] =	stream.linear.scatter [tilespmem:s11], [sflag:$0x4], $0xC800, $0x38;
	[tilespmem:$0x1B780] =	vst v63  }
.Ltmp0:
0x30: {  	_ =	swait.ge [sflag:s13], $0xC800;
	(pc) =	sbr.rel @p0 .LBB2_2-.Ltmp0, $4  }
0x31: {  	[sflag:s13] =	ssyncset.done $0x0  }
0x32: {  	[sflag:s13] =	ssyncadd.s32 $0xFFFF3800  }
0x33: {  	_ =	swait.ge [sflag:s14], $0xC800  }
0x34: {  	s20 =	smov.u32 s22;
	s18 =	sadd.s32 $0x3200, s18;
	[sflag:s14] =	ssyncset.done $0x0  }
0x35: {  	s19 =	sshra.s32 s19, $0x2;
	[sflag:s14] =	ssyncadd.s32 $0xFFFF3800  }
0x36: {  	[tilespmem:s10], [sflag:$0x1] =	stream.indirect.gather [hbm4b:s1+s9], $0x80, s19, s9, $0xb8;
	[tilespmem:$0x1B780] =	vst v63  }
0x37: {  	s19 =	sadd.s32 $0x190, s19  }
0x38: {  	[tilespmem:s11], [sflag:$0x2] =	stream.indirect.gather [hbm4b:s1+s9], $0x80, s19, s9, $0xb8;
	[tilespmem:$0x1B780] =	vst v63  }
0x39: {  	_ =	swait.ge [sflag:s8], $0xC800  }
0x3a: {  	[sflag:s8] =	ssyncset.done $0x0  }
0x3b: {  	s31 =	sadd.s32 $0xFFFFE700, s18;
	[sflag:s8] =	ssyncadd.s32 $0xFFFF3800  }
0x3c: {  	[hbm4b:s31+s3] =	stream.linear.scatter [tilespmem:s10], [sflag:$0x3], $0xC800, $0x38;
	[tilespmem:$0x1B780] =	vst v63  }
0x3d: {  	_ =	swait.ge [sflag:s12], $0xC800  }
0x3e: {  	[sflag:s12] =	ssyncset.done $0x0  }
0x3f: {  	[sflag:s12] =	ssyncadd.s32 $0xFFFF3800  }
0x40: {  	[hbm4b:s18+s3] =	stream.linear.scatter [tilespmem:s11], [sflag:$0x4], $0xC800, $0x38;
	[tilespmem:$0x1B780] =	vst v63  }
0x41: {  	_ =	swait.ge [sflag:s13], $0xC800  }
0x42: {  	[sflag:s13] =	ssyncset.done $0x0  }
0x43: {  	[sflag:s13] =	ssyncadd.s32 $0xFFFF3800  }
0x44: {  	_ =	swait.ge [sflag:s14], $0xC800  }
0x45: {  	[sflag:s14] =	ssyncset.done $0x0  }
0x46: {  	[sflag:s14] =	ssyncadd.s32 $0xFFFF3800  }
0x47: {  	[tilespmem:s10], [sflag:$0x1] =	stream.indirect.gather [hbm4b:s1+s9], $0x80, s15, s9, $0xb8;
	[tilespmem:$0x1B780] =	vst v63  }
0x48: {  	s17 =	sadd.s32 $0x1, s17;
	_ =	swait.ge [sflag:s8], $0xC800  }
0x49: {  	p0 =	sne.s32 s17, s6;
	[sflag:s8] =	ssyncset.done $0x0  }
.Ltmp1:
0x4a: {  	[sflag:s8] =	ssyncadd.s32 $0xFFFF3800;
	(pc) =	sbr.rel @p0 .LBB2_1-.Ltmp1, $4  }
0x4b: {  	[hbm4b:s5+s3] =	stream.linear.scatter [tilespmem:s10], [sflag:$0x5], $0xC800, $0x38;
	[tilespmem:$0x1B780] =	vst v63  }
0x4c: {  	_ =	swait.ge [sflag:s16], $0xC800  }
0x4d: {  	[sflag:s16] =	ssyncset.done $0x0  }
0x4e: {  	[sflag:s16] =	ssyncadd.s32 $0xFFFF3800  }
0x4f: {  	_ =	sfence.sel $0x180000  }
0x50: {  	[bflag:$0x0] =	sbarrier.arrive $0xFFFF  }
0x51: {  	p0 =	sne.s32 s0, $0x0;
	_ =	strace $0x9000004A  }
0x52: {  	s0 =	sadd.s32 @!p0 $0x100000, s2;
	[bflag:$0x2] =	sbarrier.arrive $0xFFFF  }
0x53: {  	[sflag:s0] =	ssyncadd.tile.s32 @!p0 $0x1;
	_ =	shalt  }
.Lfunc_end2:
_tile_overlayer_lowered:
.L_overlay_start_2:
0x54: {  	(tag) =	ssettag $0x2  }
0x55: {  	s0 =	rddreg [dreg:$0x0];
	s2 =	stileid.u32  }
0x56: {  	s1 =	rddreg [dreg:$0x1];
	p0 =	sne.s32 s2, $0x0  }
0x57: {  	s3 =	rddreg [dreg:$0x2];
	[bflag:$0x3] =	sbarrier.arrive $0xFFFF;
	s2 =	simm.s32 @!p0 $0x1C05  }
0x58: {  	[timem:s3], [sflag:s2] =	dma.local @!p0 [hbm:s0], s1  }
0x59: {  	s0 =	simm.s32 @!p0 $0x5  }
0x5a: {  	_ =	swait.ge @!p0 [sflag:s0], s1  }
0x5b: {  	s1 =	ssub.s32 @!p0 $0x0, s1;
	[sflag:s0] =	ssyncset.done @!p0 $0x0  }
0x5c: {  	[sflag:s0] =	ssyncadd.s32 @!p0 s1  }
0x5d: {  	[bflag:$0x3] =	sbarrier.arrive $0xFFFF  }
0x5e: {  	_ =	shalt  }

// kernel: kernel.20.cloned.1.call-start
scs
__scs_entry_jumppad:
0x0: {  	(pc) =	sbr.rel $0x88, $3  }
0x1: {  	(tag) =	ssettag $0x0;
	lr =	simm.s32 $0x1  }
0x2: {  	[smem:$0x3F8C] =	sst lr;
	_ =	strace $0xD0000000  }
0x3: {  	_ = 	snop  }
0x4: {  	_ = 	snop  }
0x5: {  	_ = 	snop  }
0x6: {  	_ = 	snop  }
0x7: {  	_ = 	snop  }
__scs_overlays_trampoline_lowered:
0x8: {  	[smem:$0x3F9B] =	sst s0  }
0x9: {  	[smem:$0x3F9C] =	sst s1  }
0xa: {  	[smem:$0x3F9D] =	sst s2  }
0xb: {  	[smem:$0x3F9E] =	sst s3  }
0xc: {  	[smem:$0x3F9F] =	sst s4  }
0xd: {  	[smem:$0x3FA0] =	sst s5  }
0xe: {  	[smem:$0x3FA1] =	sst s6  }
0xf: {  	[smem:$0x3FA2] =	sst s7  }
0x10: {  	[smem:$0x3FA3] =	sst s8  }
0x11: {  	[smem:$0x3FA4] =	sst s9;
	s0 =	simm.s32 @!p0 $0x0  }
0x12: {  	s1 =	sld [smem:$0x3F8A];
	s0 =	simm.s32 @p0 $0x1  }
0x13: {  	[smem:$0x3FA5] =	sst s0;
	s0 =	simm.s32 @!p1 $0x0  }
0x14: {  	s2 =	sld [smem:$0x3F89];
	s0 =	simm.s32 @p1 $0x1  }
0x15: {  	[smem:$0x3FA6] =	sst s0;
	s0 =	simm.s32 @!p2 $0x0  }
0x16: {  	s3 =	sld [smem:$0x3FDB];
	s0 =	simm.s32 @p2 $0x1  }
0x17: {  	s4 =	simm.s32 $0x1BF5;
	[smem:$0x3FA8] =	sst s0  }
0x18: {  	s0 =	sld [smem:$0x3F8B];
	_ =	swait.ge [sflag:s4], $0x0  }
0x19: {  	s7 =	sld [smem:$0x3F8C]  }
0x1a: {  	s8 =	sadd.s32 $0xFFFFE003, lr  }
0x1b: {  	s9 =	sadd.s32 $0xFFFFFEF7, lr;
	s5 =	simm.s32 $0xFFFFFFFF;
	p2 =	slt.u32 s8, $0xFFFFF086  }
0x1c: {  	p1 =	slt.u32 s9, $0xF7A;
	s5 =	simm.s32 @!p2 $0x0  }
0x1d: {  	s5 =	simm.s32 @p1 $0x1;
	p0 =	seq.s32 s7, s2  }
0x1e: {  	s7 =	smul.u32 @!p0 $0xF7A, s2;
	p2 =	seq.s32 @!p0 s5, $0x0  }
0x1f: {  	s9 =	smul.u32 $0xF7A, s1;
	s8 =	simm.s32 @!p0 $0x1BF5;
	p2 =	por !p2, p0  }
0x20: {  	[sflag:s8] =	ssyncset.s32 @!p0 $0xFFFFF086;
	s6 =	sadd.s32 @!p0 s3, s7;
	s7 =	simm.s32 @!p0 $0x108  }
0x21: {  	s3 =	sadd.s32 s3, s9;
	s6 =	sadd.s32 @!p0 $0x88, s6;
	s7 =	simm.s32 @p2 $0x1082  }
0x22: {  	[simem:s7], [sflag:s8] =	dma.local @!p0 [hbm:s6], $0xF7A  }
0x23: {  	s9 =	sor.u32 $0xD0000000, s2;
	s6 =	simm.s32 $0x108;
	_ =	swait.ge @!p0 [sflag:s8], $0x0  }
0x24: {  	s3 =	sadd.s32 $0x88, s3;
	s6 =	simm.s32 @!p1 $0x1082;
	[sflag:s4] =	ssyncset.s32 $0xFFFFF086  }
0x25: {  	[simem:s6], [sflag:s4] =	dma.local [hbm:s3], $0xF7A  }
0x26: {  	[smem:$0x3F8C] =	sst s1;
	(tag) =	ssettag s2;
	_ =	strace s9  }
0x27: {  	s1 =	sld [smem:$0x3F9C]  }
0x28: {  	s2 =	sld [smem:$0x3F9D]  }
0x29: {  	s4 =	sld [smem:$0x3F9F]  }
0x2a: {  	p0 =	seq.s32 s5, $0x0;
	s5 =	sld [smem:$0x3FA0]  }
0x2b: {  	s6 =	sld [smem:$0x3FA1]  }
0x2c: {  	s7 =	sld [smem:$0x3FA2]  }
0x2d: {  	s3 =	simm.s32 $0x108;
	s8 =	sld [smem:$0x3FA3]  }
0x2e: {  	s3 =	simm.s32 @!p0 $0x1082;
	s9 =	sld [smem:$0x3FA4]  }
0x2f: {  	lr =	sadd.s32 s0, s3;
	s0 =	sld [smem:$0x3F9B]  }
0x30: {  	s3 =	sld [smem:$0x3F9E]  }
0x31: {  	[smem:$0x3FA7] =	sst s10  }
0x32: {  	s10 =	sld [smem:$0x3FA5];
	_ =	sdelay $0x3  }
0x33: {  	p0 =	seq.s32 s10, $0x1;
	s10 =	sld [smem:$0x3FA7];
	_ =	sdelay $0x3  }
0x34: {  	[smem:$0x3FA7] =	sst s10  }
0x35: {  	s10 =	sld [smem:$0x3FA6];
	_ =	sdelay $0x3  }
0x36: {  	p1 =	seq.s32 s10, $0x1;
	s10 =	sld [smem:$0x3FA7];
	_ =	sdelay $0x3  }
0x37: {  	[smem:$0x3FA7] =	sst s10  }
0x38: {  	s10 =	sld [smem:$0x3FA8]  }
0x39: {  	_ = 	snop;
	(pc) =	sbr.ind lr, $3  }
0x3a: {  	_ = 	snop  }
0x3b: {  	_ = 	snop  }
0x3c: {  	p2 =	seq.s32 s10, $0x1;
	s10 =	sld [smem:$0x3FA7]  }
0x3d: {  	_ =	shalt  }
0x3e: {  	_ =	shalt  }
0x3f: {  	_ =	shalt  }
0x40: {  	_ =	shalt  }
0x41: {  	_ =	shalt  }
0x42: {  	_ =	shalt  }
0x43: {  	_ =	shalt  }
0x44: {  	_ =	shalt  }
0x45: {  	_ =	shalt  }
0x46: {  	_ =	shalt  }
0x47: {  	_ =	shalt  }
0x48: {  	_ =	shalt  }
0x49: {  	_ =	shalt  }
0x4a: {  	_ =	shalt  }
0x4b: {  	_ =	shalt  }
0x4c: {  	_ =	shalt  }
0x4d: {  	_ =	shalt  }
0x4e: {  	_ =	shalt  }
0x4f: {  	_ =	shalt  }
0x50: {  	_ =	shalt  }
0x51: {  	_ =	shalt  }
0x52: {  	_ =	shalt  }
0x53: {  	_ =	shalt  }
0x54: {  	_ =	shalt  }
0x55: {  	_ =	shalt  }
0x56: {  	_ =	shalt  }
0x57: {  	_ =	shalt  }
0x58: {  	_ =	shalt  }
0x59: {  	_ =	shalt  }
0x5a: {  	_ =	shalt  }
0x5b: {  	_ =	shalt  }
0x5c: {  	_ =	shalt  }
0x5d: {  	_ =	shalt  }
0x5e: {  	_ =	shalt  }
0x5f: {  	_ =	shalt  }
0x60: {  	_ =	shalt  }
0x61: {  	_ =	shalt  }
0x62: {  	_ =	shalt  }
0x63: {  	_ =	shalt  }
0x64: {  	_ =	shalt  }
0x65: {  	_ =	shalt  }
0x66: {  	_ =	shalt  }
0x67: {  	_ =	shalt  }
0x68: {  	_ =	shalt  }
0x69: {  	_ =	shalt  }
0x6a: {  	_ =	shalt  }
0x6b: {  	_ =	shalt  }
0x6c: {  	_ =	shalt  }
0x6d: {  	_ =	shalt  }
0x6e: {  	_ =	shalt  }
0x6f: {  	_ =	shalt  }
0x70: {  	_ =	shalt  }
0x71: {  	_ =	shalt  }
0x72: {  	_ =	shalt  }
0x73: {  	_ =	shalt  }
0x74: {  	_ =	shalt  }
0x75: {  	_ =	shalt  }
0x76: {  	_ =	shalt  }
0x77: {  	_ =	shalt  }
0x78: {  	_ =	shalt  }
0x79: {  	_ =	shalt  }
0x7a: {  	_ =	shalt  }
0x7b: {  	_ =	shalt  }
0x7c: {  	_ =	shalt  }
0x7d: {  	_ =	shalt  }
0x7e: {  	_ =	shalt  }
0x7f: {  	_ =	shalt  }
0x80: {  	_ =	shalt  }
0x81: {  	_ =	shalt  }
0x82: {  	_ =	shalt  }
0x83: {  	_ =	shalt  }
0x84: {  	_ =	shalt  }
0x85: {  	_ =	shalt  }
0x86: {  	_ =	shalt  }
0x87: {  	_ =	shalt  }
.Lfunc_end0:
.L_simem_size_0:
called_computation.2_lowered:
.L_overlay_start_0:
0x88: {  	s2 =	sld [smem:$0x3FD9]  }
0x89: {  	s3 =	sld [smem:$0x3FFE];
	_ =	sdelay $0x1  }
0x8a: {  	s1 =	srdreg.scid  }
0x8b: {  	s0 =	sand.u32 $0x1, s1  }
0x8c: {  	s14 =	sshll.u32 s0, $0xA;
	s2 =	sadd.s32 s3, s2  }
0x8d: {  	s2 =	sadd.s32 s2, s14  }
0x8e: {  	[smem:$0x3FB3] =	sst s2  }
0x8f: {  	_ = 	snop  }
0x90: {  	s2 =	sld [smem:$0x3FD0];
	_ =	sdelay $0x2  }
0x91: {  	s4 =	simm.s32 $0xA;
	s5 =	simm.s32 $0x10;
	s15 =	sld [smem:$0x3FC5]  }
0x92: {  	[smem:s5], [sflag:s4] =	dma.local [hbm:s2], $0x1  }
0x93: {  	_ =	swait.eq [sflag:s4], $0x1  }
0x94: {  	[sflag:s4] =	ssyncset.done $0x0  }
0x95: {  	[sflag:s4] =	ssyncadd.s32 $0xFFFFFFFF  }
0x96: {  	s16 =	sld [smem:$0x14];
	(tm) =	ssettm $0x1  }
0x97: {  	s17 =	sld [smem:$0x3FFB];
	_ =	sdelay $0x3  }
0x98: {  	_ =	strace s17  }
0x99: {  	s4 =	sld [smem:$0x3FFC];
	_ =	sdelay $0x3  }
0x9a: {  	_ =	strace s4  }
0x9b: {  	s4 =	sld [smem:$0x3FFD];
	_ =	sdelay $0x3  }
0x9c: {  	_ =	strace s4  }
0x9d: {  	_ =	strace $0x8FFFFFFF  }
0x9e: {  	s18 =	sld [smem:$0x3FDB];
	_ =	sdelay $0x1  }
0x9f: {  	s19 =	simm.s32 $_scs_section_size  }
0xa0: {  	s6 =	simm.s32 $_size__tile_overlayer_lowered;
	s7 =	simm.s32 $_tile_overlayer_lowered  }
0xa1: {  	s22 =	simm.s32 $0x1BFF;
	s21 =	sshll.u32 s7, $0x1;
	s4 =	sadd.s32 s19, s18  }
0xa2: {  	s8 =	simm.s32 $0x0;
	s20 =	sshll.u32 s6, $0x1;
	s6 =	sadd.s32 s21, s4  }
0xa3: {  	[timem:s8], [sflag:s22] =	dma.local [hbm:s6], s20  }
0xa4: {  	_ =	swait.ge [sflag:s22], s20  }
0xa5: {  	s5 =	ssub.s32 $0x0, s20;
	[sflag:s22] =	ssyncset.done $0x0  }
0xa6: {  	[sflag:s22] =	ssyncadd.s32 s5;
	_ =	sdelay $0x1  }
0xa7: {  	s23 =	simm.s32 $0x1B8B  }
0xa8: {  	_ =	swait.ge [sflag:s23], $0x1  }
0xa9: {  	[sflag:s23] =	ssyncset.done $0x0  }
0xaa: {  	s25 =	simm.s32 $0x1B8E;
	s24 =	sld [smem:$0x3FFE];
	[sflag:s23] =	ssyncadd.s32 $0xFFFFFFFF  }
0xab: {  	s26 =	simm.s32 $execute0_lowered;
	[smem:$0x3FD2] =	sst s25  }
0xac: {  	s6 =	sshll.u32 s26, $0x1;
	_ =	strace $0x8000004C;
	[dreg:$0x1] =	wrdreg $0xFFFFFFFF  }
0xad: {  	s28 =	simm.s32 $_size_execute0_lowered;
	s4 =	sadd.s32 s4, s6;
	[dreg:$0x0] =	wrdreg $0x0  }
0xae: {  	s6 =	sshll.u32 s28, $0x1;
	[dreg:$0x2] =	wrdreg s4  }
0xaf: {  	[dreg:$0x3] =	wrdreg s6  }
0xb0: {  	[dreg:$0x4] =	wrdreg $0xC0  }
0xb1: {  	_ =	task [dreg:s8], $0x5FFFF  }
0xb2: {  	[dreg:$0x1] =	wrdreg $0xFFFFFFFF  }
0xb3: {  	[dreg:$0x0] =	wrdreg $0x60  }
0xb4: {  	[dreg:$0x2] =	wrdreg s16  }
0xb5: {  	[dreg:$0x3] =	wrdreg s15  }
0xb6: {  	[dreg:$0x4] =	wrdreg s24  }
0xb7: {  	[dreg:$0x5] =	wrdreg $0x9  }
0xb8: {  	_ =	task.clear_ibuf [dreg:s8], $0x6FFFF;
	_ =	strace $0x9000004C  }
0xb9: {  	s29 =	simm.s32 $0x9;
	_ =	strace $0x8000004E  }
0xba: {  	_ =	swait.ge [sflag:s29], $0x1  }
0xbb: {  	[sflag:s29] =	ssyncadd.s32 $0xFFFFFFFF  }
0xbc: {  	_ =	strace $0x9000004E  }
0xbd: {  	_ =	sfence  }
0xbe: {  	s30 =	sld [smem:$0x0];
	_ =	sdelay $0x2  }
0xbf: {  	s31 =	sshll.u32 s1, $0xD;
	s1 =	sshrl.u32 s1, $0x2  }
0xc0: {  	s3 =	sand.u32 $0x4000, s31;
	s1 =	sadd.s32 s1, s30  }
0xc1: {  	s0 =	sor.u32 s3, s0;
	s1 =	sshll.u32 s1, $0x11  }
0xc2: {  	s0 =	sor.u32 s1, s0  }
0xc3: {  	s0 =	sadd.s32 $0x8F2B, s0  }
0xc4: {  	[sflag:s0] =	ssyncadd.remote.s32 $0x1  }
0xc5: {  	_ =	sfence.sel $0xFFFF  }
0xc6: {  	[dreg:$0x0] =	wrdreg $0xFFFFFFFF;
	(pc) =	sbr.abs _section_cstart, $3  }
0xc7: {  	[dreg:$0x1] =	wrdreg $0xFFFFFFFF  }
0xc8: {  	_ =	task.clear_ibuf [dreg:s8], $0x2FFFF;
	_ =	strace $0x9FFFFFFF  }
0xc9: {  	(tm) =	ssettm $0x7FFFFFFF  }
tec
execute0_lowered:
.L_overlay_start_1:
0x0: {  	(tag) =	ssettag $0x1  }
0x1: {  	s1 =	rddreg [dreg:$0x0]  }
0x2: {  	s4 =	rddreg [dreg:$0x1];
	s2 =	srdreg.scid  }
0x3: {  	s0 =	stileid.u32;
	s5 =	rddreg [dreg:$0x2];
	s3 =	simm.s32 $0x0  }
0x4: {  	s12 =	simm.s32 $0x2;
	s13 =	simm.s32 $0x3;
	s14 =	simm.s32 $0x4  }
0x5: {  	s15 =	simm.s32 $0x2580;
	s16 =	simm.s32 $0x5;
	s17 =	simm.s32 $0x0  }
0x6: {  	s6 =	sand.u32 $0x1, s2;
	s7 =	sshll.u32 s0, $0x1;
	s11 =	smul.u32 $0x4E200, s0  }
0x7: {  	s7 =	sor.u32 s6, s7;
	s9 =	ssub.s32 $0x2, s6;
	s6 =	smul.u32 $0x27100, s6  }
0x8: {  	[smem:$0x7FF] =	sst s3;
	s5 =	sadd.s32 $0x1F800, s5;
	s8 =	smul.u32 $0x2710, s7  }
0x9: {  	s2 =	rddreg [dreg:$0x3];
	_ =	strace $0x8000004D;
	s7 =	smul.u32 $0x138800, s7  }
0xa: {  	s10 =	sshrl.u32 s9, $0x1;
	s30 =	sadd.s32 s11, s5;
	s11 =	simm.s32 $0xEF80  }
0xb: {  	s9 =	ssub.s32 s9, s10;
	s31 =	sadd.s32 s6, s30;
	s10 =	simm.s32 $0x2780  }
0xc: {  	s7 =	sshrl.u32 s7, $0x3;
	s8 =	sshrl.u32 s8, $0x3;
	s6 =	smax.u32 s9, $0x1  }
0xd: {  	s9 =	simm.s32 $0x190;
	s7 =	sadd.s32 s5, s7;
	s4 =	sadd.s32 s4, s8  }
0xe: {  	s8 =	simm.s32 $0x1;
	s5 =	sadd.s32 $0x25800, s7;
	s7 =	sadd.s32 $0x1900, s31  }
.LBB2_1:
0xf: {  	[tilespmem:s3], [sflag:$0x1] =	stream.linear.gather [hbm4b:s4+s3], $0x2710, $0x38;
	[tilespmem:$0x1B780] =	vst v63  }
0x10: {  	_ =	swait.ge [sflag:s8], $0x2710  }
0x11: {  	[sflag:s8] =	ssyncset.done $0x0  }
0x12: {  	s18 =	simm.s32 $0x0;
	[sflag:s8] =	ssyncadd.s32 $0xFFFFD8F0  }
0x13: {  	[tilespmem:s10], [sflag:$0x1] =	stream.indirect.gather [hbm4b:s1+s9], $0x80, s18, s9, $0xb8;
	[tilespmem:$0x1B780] =	vst v63  }
0x14: {  	s30 =	simm.s32 $0x190  }
0x15: {  	[tilespmem:s11], [sflag:$0x2] =	stream.indirect.gather [hbm4b:s1+s9], $0x80, s30, s9, $0xb8;
	[tilespmem:$0x1B780] =	vst v63  }
0x16: {  	_ =	swait.ge [sflag:s8], $0xC800  }
0x17: {  	[sflag:s8] =	ssyncset.done $0x0  }
0x18: {  	s31 =	sadd.s32 $0xFFFFE700, s7;
	[sflag:s8] =	ssyncadd.s32 $0xFFFF3800  }
0x19: {  	[hbm4b:s31+s3] =	stream.linear.scatter [tilespmem:s10], [sflag:$0x3], $0xC800, $0x38;
	[tilespmem:$0x1B780] =	vst v63  }
0x1a: {  	_ =	swait.ge [sflag:s12], $0xC800  }
0x1b: {  	[sflag:s12] =	ssyncset.done $0x0  }
0x1c: {  	[sflag:s12] =	ssyncadd.s32 $0xFFFF3800  }
0x1d: {  	[hbm4b:s7+s3] =	stream.linear.scatter [tilespmem:s11], [sflag:$0x4], $0xC800, $0x38;
	[tilespmem:$0x1B780] =	vst v63  }
0x1e: {  	_ =	swait.ge [sflag:s13], $0xC800  }
0x1f: {  	[sflag:s13] =	ssyncset.done $0x0  }
0x20: {  	[sflag:s13] =	ssyncadd.s32 $0xFFFF3800  }
0x21: {  	s19 =	simm.s32 $0xC80;
	_ =	swait.ge [sflag:s14], $0xC800  }
0x22: {  	s20 =	simm.s32 $0x1900;
	s18 =	sadd.s32 $0x3200, s7;
	[sflag:s14] =	ssyncset.done $0x0  }
.LBB2_2:
0x23: {  	s21 =	sshra.s32 s19, $0x2  }
0x24: {  	[sflag:s14] =	ssyncadd.s32 $0xFFFF3800;
	s19 =	smov.u32 s20;
	s22 =	sadd.s32 $0xC80, s20  }
0x25: {  	[tilespmem:s10], [sflag:$0x1] =	stream.indirect.gather [hbm4b:s1+s9], $0x80, s21, s9, $0xb8;
	[tilespmem:$0x1B780] =	vst v63  }
0x26: {  	p0 =	sne.s32 s20, $0x8980;
	s20 =	sadd.s32 $0x190, s21  }
0x27: {  	[tilespmem:s11], [sflag:$0x2] =	stream.indirect.gather [hbm4b:s1+s9], $0x80, s20, s9, $0xb8;
	[tilespmem:$0x1B780] =	vst v63  }
0x28: {  	_ =	swait.ge [sflag:s8], $0xC800  }
0x29: {  	[sflag:s8] =	ssyncset.done $0x0  }
0x2a: {  	s20 =	sadd.s32 $0xFFFFE700, s18;
	[sflag:s8] =	ssyncadd.s32 $0xFFFF3800  }
0x2b: {  	[hbm4b:s20+s3] =	stream.linear.scatter [tilespmem:s10], [sflag:$0x3], $0xC800, $0x38;
	[tilespmem:$0x1B780] =	vst v63  }
0x2c: {  	_ =	swait.ge [sflag:s12], $0xC800  }
0x2d: {  	[sflag:s12] =	ssyncset.done $0x0  }
0x2e: {  	[sflag:s12] =	ssyncadd.s32 $0xFFFF3800  }
0x2f: {  	[hbm4b:s18+s3] =	stream.linear.scatter [tilespmem:s11], [sflag:$0x4], $0xC800, $0x38;
	[tilespmem:$0x1B780] =	vst v63  }
.Ltmp0:
0x30: {  	_ =	swait.ge [sflag:s13], $0xC800;
	(pc) =	sbr.rel @p0 .LBB2_2-.Ltmp0, $4  }
0x31: {  	[sflag:s13] =	ssyncset.done $0x0  }
0x32: {  	[sflag:s13] =	ssyncadd.s32 $0xFFFF3800  }
0x33: {  	_ =	swait.ge [sflag:s14], $0xC800  }
0x34: {  	s20 =	smov.u32 s22;
	s18 =	sadd.s32 $0x3200, s18;
	[sflag:s14] =	ssyncset.done $0x0  }
0x35: {  	s19 =	sshra.s32 s19, $0x2;
	[sflag:s14] =	ssyncadd.s32 $0xFFFF3800  }
0x36: {  	[tilespmem:s10], [sflag:$0x1] =	stream.indirect.gather [hbm4b:s1+s9], $0x80, s19, s9, $0xb8;
	[tilespmem:$0x1B780] =	vst v63  }
0x37: {  	s19 =	sadd.s32 $0x190, s19  }
0x38: {  	[tilespmem:s11], [sflag:$0x2] =	stream.indirect.gather [hbm4b:s1+s9], $0x80, s19, s9, $0xb8;
	[tilespmem:$0x1B780] =	vst v63  }
0x39: {  	_ =	swait.ge [sflag:s8], $0xC800  }
0x3a: {  	[sflag:s8] =	ssyncset.done $0x0  }
0x3b: {  	s31 =	sadd.s32 $0xFFFFE700, s18;
	[sflag:s8] =	ssyncadd.s32 $0xFFFF3800  }
0x3c: {  	[hbm4b:s31+s3] =	stream.linear.scatter [tilespmem:s10], [sflag:$0x3], $0xC800, $0x38;
	[tilespmem:$0x1B780] =	vst v63  }
0x3d: {  	_ =	swait.ge [sflag:s12], $0xC800  }
0x3e: {  	[sflag:s12] =	ssyncset.done $0x0  }
0x3f: {  	[sflag:s12] =	ssyncadd.s32 $0xFFFF3800  }
0x40: {  	[hbm4b:s18+s3] =	stream.linear.scatter [tilespmem:s11], [sflag:$0x4], $0xC800, $0x38;
	[tilespmem:$0x1B780] =	vst v63  }
0x41: {  	_ =	swait.ge [sflag:s13], $0xC800  }
0x42: {  	[sflag:s13] =	ssyncset.done $0x0  }
0x43: {  	[sflag:s13] =	ssyncadd.s32 $0xFFFF3800  }
0x44: {  	_ =	swait.ge [sflag:s14], $0xC800  }
0x45: {  	[sflag:s14] =	ssyncset.done $0x0  }
0x46: {  	[sflag:s14] =	ssyncadd.s32 $0xFFFF3800  }
0x47: {  	[tilespmem:s10], [sflag:$0x1] =	stream.indirect.gather [hbm4b:s1+s9], $0x80, s15, s9, $0xb8;
	[tilespmem:$0x1B780] =	vst v63  }
0x48: {  	s17 =	sadd.s32 $0x1, s17;
	_ =	swait.ge [sflag:s8], $0xC800  }
0x49: {  	p0 =	sne.s32 s17, s6;
	[sflag:s8] =	ssyncset.done $0x0  }
.Ltmp1:
0x4a: {  	[sflag:s8] =	ssyncadd.s32 $0xFFFF3800;
	(pc) =	sbr.rel @p0 .LBB2_1-.Ltmp1, $4  }
0x4b: {  	[hbm4b:s5+s3] =	stream.linear.scatter [tilespmem:s10], [sflag:$0x5], $0xC800, $0x38;
	[tilespmem:$0x1B780] =	vst v63  }
0x4c: {  	_ =	swait.ge [sflag:s16], $0xC800  }
0x4d: {  	[sflag:s16] =	ssyncset.done $0x0  }
0x4e: {  	[sflag:s16] =	ssyncadd.s32 $0xFFFF3800  }
0x4f: {  	_ =	sfence.sel $0x180000  }
0x50: {  	[bflag:$0x0] =	sbarrier.arrive $0xFFFF  }
0x51: {  	p0 =	sne.s32 s0, $0x0;
	_ =	strace $0x9000004D  }
0x52: {  	s0 =	sadd.s32 @!p0 $0x100000, s2;
	[bflag:$0x2] =	sbarrier.arrive $0xFFFF  }
0x53: {  	[sflag:s0] =	ssyncadd.tile.s32 @!p0 $0x1;
	_ =	shalt  }
.Lfunc_end2:
_tile_overlayer_lowered:
.L_overlay_start_2:
0x54: {  	(tag) =	ssettag $0x2  }
0x55: {  	s0 =	rddreg [dreg:$0x0];
	s2 =	stileid.u32  }
0x56: {  	s1 =	rddreg [dreg:$0x1];
	p0 =	sne.s32 s2, $0x0  }
0x57: {  	s3 =	rddreg [dreg:$0x2];
	[bflag:$0x3] =	sbarrier.arrive $0xFFFF;
	s2 =	simm.s32 @!p0 $0x1C05  }
0x58: {  	[timem:s3], [sflag:s2] =	dma.local @!p0 [hbm:s0], s1  }
0x59: {  	s0 =	simm.s32 @!p0 $0x5  }
0x5a: {  	_ =	swait.ge @!p0 [sflag:s0], s1  }
0x5b: {  	s1 =	ssub.s32 @!p0 $0x0, s1;
	[sflag:s0] =	ssyncset.done @!p0 $0x0  }
0x5c: {  	[sflag:s0] =	ssyncadd.s32 @!p0 s1  }
0x5d: {  	[bflag:$0x3] =	sbarrier.arrive $0xFFFF  }
0x5e: {  	_ =	shalt  }

// kernel: kernel.23.cloned.1.call-start
scs
__scs_entry_jumppad:
0x0: {  	(pc) =	sbr.rel $0x88, $3  }
0x1: {  	(tag) =	ssettag $0x0;
	lr =	simm.s32 $0x1  }
0x2: {  	[smem:$0x3F8C] =	sst lr;
	_ =	strace $0xD0000000  }
0x3: {  	_ = 	snop  }
0x4: {  	_ = 	snop  }
0x5: {  	_ = 	snop  }
0x6: {  	_ = 	snop  }
0x7: {  	_ = 	snop  }
__scs_overlays_trampoline_lowered:
0x8: {  	[smem:$0x3F9B] =	sst s0  }
0x9: {  	[smem:$0x3F9C] =	sst s1  }
0xa: {  	[smem:$0x3F9D] =	sst s2  }
0xb: {  	[smem:$0x3F9E] =	sst s3  }
0xc: {  	[smem:$0x3F9F] =	sst s4  }
0xd: {  	[smem:$0x3FA0] =	sst s5  }
0xe: {  	[smem:$0x3FA1] =	sst s6  }
0xf: {  	[smem:$0x3FA2] =	sst s7  }
0x10: {  	[smem:$0x3FA3] =	sst s8  }
0x11: {  	[smem:$0x3FA4] =	sst s9;
	s0 =	simm.s32 @!p0 $0x0  }
0x12: {  	s1 =	sld [smem:$0x3F8A];
	s0 =	simm.s32 @p0 $0x1  }
0x13: {  	[smem:$0x3FA5] =	sst s0;
	s0 =	simm.s32 @!p1 $0x0  }
0x14: {  	s2 =	sld [smem:$0x3F89];
	s0 =	simm.s32 @p1 $0x1  }
0x15: {  	[smem:$0x3FA6] =	sst s0;
	s0 =	simm.s32 @!p2 $0x0  }
0x16: {  	s3 =	sld [smem:$0x3FDB];
	s0 =	simm.s32 @p2 $0x1  }
0x17: {  	s4 =	simm.s32 $0x1BF5;
	[smem:$0x3FA8] =	sst s0  }
0x18: {  	s0 =	sld [smem:$0x3F8B];
	_ =	swait.ge [sflag:s4], $0x0  }
0x19: {  	s7 =	sld [smem:$0x3F8C]  }
0x1a: {  	s8 =	sadd.s32 $0xFFFFE003, lr  }
0x1b: {  	s9 =	sadd.s32 $0xFFFFFEF7, lr;
	s5 =	simm.s32 $0xFFFFFFFF;
	p2 =	slt.u32 s8, $0xFFFFF086  }
0x1c: {  	p1 =	slt.u32 s9, $0xF7A;
	s5 =	simm.s32 @!p2 $0x0  }
0x1d: {  	s5 =	simm.s32 @p1 $0x1;
	p0 =	seq.s32 s7, s2  }
0x1e: {  	s7 =	smul.u32 @!p0 $0xF7A, s2;
	p2 =	seq.s32 @!p0 s5, $0x0  }
0x1f: {  	s9 =	smul.u32 $0xF7A, s1;
	s8 =	simm.s32 @!p0 $0x1BF5;
	p2 =	por !p2, p0  }
0x20: {  	[sflag:s8] =	ssyncset.s32 @!p0 $0xFFFFF086;
	s6 =	sadd.s32 @!p0 s3, s7;
	s7 =	simm.s32 @!p0 $0x108  }
0x21: {  	s3 =	sadd.s32 s3, s9;
	s6 =	sadd.s32 @!p0 $0x88, s6;
	s7 =	simm.s32 @p2 $0x1082  }
0x22: {  	[simem:s7], [sflag:s8] =	dma.local @!p0 [hbm:s6], $0xF7A  }
0x23: {  	s9 =	sor.u32 $0xD0000000, s2;
	s6 =	simm.s32 $0x108;
	_ =	swait.ge @!p0 [sflag:s8], $0x0  }
0x24: {  	s3 =	sadd.s32 $0x88, s3;
	s6 =	simm.s32 @!p1 $0x1082;
	[sflag:s4] =	ssyncset.s32 $0xFFFFF086  }
0x25: {  	[simem:s6], [sflag:s4] =	dma.local [hbm:s3], $0xF7A  }
0x26: {  	[smem:$0x3F8C] =	sst s1;
	(tag) =	ssettag s2;
	_ =	strace s9  }
0x27: {  	s1 =	sld [smem:$0x3F9C]  }
0x28: {  	s2 =	sld [smem:$0x3F9D]  }
0x29: {  	s4 =	sld [smem:$0x3F9F]  }
0x2a: {  	p0 =	seq.s32 s5, $0x0;
	s5 =	sld [smem:$0x3FA0]  }
0x2b: {  	s6 =	sld [smem:$0x3FA1]  }
0x2c: {  	s7 =	sld [smem:$0x3FA2]  }
0x2d: {  	s3 =	simm.s32 $0x108;
	s8 =	sld [smem:$0x3FA3]  }
0x2e: {  	s3 =	simm.s32 @!p0 $0x1082;
	s9 =	sld [smem:$0x3FA4]  }
0x2f: {  	lr =	sadd.s32 s0, s3;
	s0 =	sld [smem:$0x3F9B]  }
0x30: {  	s3 =	sld [smem:$0x3F9E]  }
0x31: {  	[smem:$0x3FA7] =	sst s10  }
0x32: {  	s10 =	sld [smem:$0x3FA5];
	_ =	sdelay $0x3  }
0x33: {  	p0 =	seq.s32 s10, $0x1;
	s10 =	sld [smem:$0x3FA7];
	_ =	sdelay $0x3  }
0x34: {  	[smem:$0x3FA7] =	sst s10  }
0x35: {  	s10 =	sld [smem:$0x3FA6];
	_ =	sdelay $0x3  }
0x36: {  	p1 =	seq.s32 s10, $0x1;
	s10 =	sld [smem:$0x3FA7];
	_ =	sdelay $0x3  }
0x37: {  	[smem:$0x3FA7] =	sst s10  }
0x38: {  	s10 =	sld [smem:$0x3FA8]  }
0x39: {  	_ = 	snop;
	(pc) =	sbr.ind lr, $3  }
0x3a: {  	_ = 	snop  }
0x3b: {  	_ = 	snop  }
0x3c: {  	p2 =	seq.s32 s10, $0x1;
	s10 =	sld [smem:$0x3FA7]  }
0x3d: {  	_ =	shalt  }
0x3e: {  	_ =	shalt  }
0x3f: {  	_ =	shalt  }
0x40: {  	_ =	shalt  }
0x41: {  	_ =	shalt  }
0x42: {  	_ =	shalt  }
0x43: {  	_ =	shalt  }
0x44: {  	_ =	shalt  }
0x45: {  	_ =	shalt  }
0x46: {  	_ =	shalt  }
0x47: {  	_ =	shalt  }
0x48: {  	_ =	shalt  }
0x49: {  	_ =	shalt  }
0x4a: {  	_ =	shalt  }
0x4b: {  	_ =	shalt  }
0x4c: {  	_ =	shalt  }
0x4d: {  	_ =	shalt  }
0x4e: {  	_ =	shalt  }
0x4f: {  	_ =	shalt  }
0x50: {  	_ =	shalt  }
0x51: {  	_ =	shalt  }
0x52: {  	_ =	shalt  }
0x53: {  	_ =	shalt  }
0x54: {  	_ =	shalt  }
0x55: {  	_ =	shalt  }
0x56: {  	_ =	shalt  }
0x57: {  	_ =	shalt  }
0x58: {  	_ =	shalt  }
0x59: {  	_ =	shalt  }
0x5a: {  	_ =	shalt  }
0x5b: {  	_ =	shalt  }
0x5c: {  	_ =	shalt  }
0x5d: {  	_ =	shalt  }
0x5e: {  	_ =	shalt  }
0x5f: {  	_ =	shalt  }
0x60: {  	_ =	shalt  }
0x61: {  	_ =	shalt  }
0x62: {  	_ =	shalt  }
0x63: {  	_ =	shalt  }
0x64: {  	_ =	shalt  }
0x65: {  	_ =	shalt  }
0x66: {  	_ =	shalt  }
0x67: {  	_ =	shalt  }
0x68: {  	_ =	shalt  }
0x69: {  	_ =	shalt  }
0x6a: {  	_ =	shalt  }
0x6b: {  	_ =	shalt  }
0x6c: {  	_ =	shalt  }
0x6d: {  	_ =	shalt  }
0x6e: {  	_ =	shalt  }
0x6f: {  	_ =	shalt  }
0x70: {  	_ =	shalt  }
0x71: {  	_ =	shalt  }
0x72: {  	_ =	shalt  }
0x73: {  	_ =	shalt  }
0x74: {  	_ =	shalt  }
0x75: {  	_ =	shalt  }
0x76: {  	_ =	shalt  }
0x77: {  	_ =	shalt  }
0x78: {  	_ =	shalt  }
0x79: {  	_ =	shalt  }
0x7a: {  	_ =	shalt  }
0x7b: {  	_ =	shalt  }
0x7c: {  	_ =	shalt  }
0x7d: {  	_ =	shalt  }
0x7e: {  	_ =	shalt  }
0x7f: {  	_ =	shalt  }
0x80: {  	_ =	shalt  }
0x81: {  	_ =	shalt  }
0x82: {  	_ =	shalt  }
0x83: {  	_ =	shalt  }
0x84: {  	_ =	shalt  }
0x85: {  	_ =	shalt  }
0x86: {  	_ =	shalt  }
0x87: {  	_ =	shalt  }
.Lfunc_end0:
.L_simem_size_0:
called_computation.3_lowered:
.L_overlay_start_0:
0x88: {  	s2 =	sld [smem:$0x3FD9]  }
0x89: {  	s3 =	sld [smem:$0x3FFE];
	_ =	sdelay $0x1  }
0x8a: {  	s1 =	srdreg.scid  }
0x8b: {  	s0 =	sand.u32 $0x1, s1  }
0x8c: {  	s14 =	sshll.u32 s0, $0xA;
	s2 =	sadd.s32 s3, s2  }
0x8d: {  	s2 =	sadd.s32 s2, s14  }
0x8e: {  	[smem:$0x3FB3] =	sst s2  }
0x8f: {  	_ = 	snop  }
0x90: {  	s2 =	sld [smem:$0x3FD0];
	_ =	sdelay $0x2  }
0x91: {  	s4 =	simm.s32 $0xA;
	s5 =	simm.s32 $0x10;
	s15 =	sld [smem:$0x3FC5]  }
0x92: {  	[smem:s5], [sflag:s4] =	dma.local [hbm:s2], $0x1  }
0x93: {  	_ =	swait.eq [sflag:s4], $0x1  }
0x94: {  	[sflag:s4] =	ssyncset.done $0x0  }
0x95: {  	[sflag:s4] =	ssyncadd.s32 $0xFFFFFFFF  }
0x96: {  	s16 =	sld [smem:$0x14];
	(tm) =	ssettm $0x1  }
0x97: {  	s17 =	sld [smem:$0x3FFB];
	_ =	sdelay $0x3  }
0x98: {  	_ =	strace s17  }
0x99: {  	s4 =	sld [smem:$0x3FFC];
	_ =	sdelay $0x3  }
0x9a: {  	_ =	strace s4  }
0x9b: {  	s4 =	sld [smem:$0x3FFD];
	_ =	sdelay $0x3  }
0x9c: {  	_ =	strace s4  }
0x9d: {  	_ =	strace $0x8FFFFFFF  }
0x9e: {  	s18 =	sld [smem:$0x3FDB];
	_ =	sdelay $0x1  }
0x9f: {  	s19 =	simm.s32 $_scs_section_size  }
0xa0: {  	s6 =	simm.s32 $_size__tile_overlayer_lowered;
	s7 =	simm.s32 $_tile_overlayer_lowered  }
0xa1: {  	s22 =	simm.s32 $0x1BFF;
	s21 =	sshll.u32 s7, $0x1;
	s4 =	sadd.s32 s19, s18  }
0xa2: {  	s8 =	simm.s32 $0x0;
	s20 =	sshll.u32 s6, $0x1;
	s6 =	sadd.s32 s21, s4  }
0xa3: {  	[timem:s8], [sflag:s22] =	dma.local [hbm:s6], s20  }
0xa4: {  	_ =	swait.ge [sflag:s22], s20  }
0xa5: {  	s5 =	ssub.s32 $0x0, s20;
	[sflag:s22] =	ssyncset.done $0x0  }
0xa6: {  	[sflag:s22] =	ssyncadd.s32 s5;
	_ =	sdelay $0x1  }
0xa7: {  	s23 =	simm.s32 $0x1B8B  }
0xa8: {  	_ =	swait.ge [sflag:s23], $0x1  }
0xa9: {  	[sflag:s23] =	ssyncset.done $0x0  }
0xaa: {  	s25 =	simm.s32 $0x1B8E;
	s24 =	sld [smem:$0x3FFE];
	[sflag:s23] =	ssyncadd.s32 $0xFFFFFFFF  }
0xab: {  	s26 =	simm.s32 $execute0_lowered;
	[smem:$0x3FD2] =	sst s25  }
0xac: {  	s6 =	sshll.u32 s26, $0x1;
	_ =	strace $0x8000004F;
	[dreg:$0x1] =	wrdreg $0xFFFFFFFF  }
0xad: {  	s28 =	simm.s32 $_size_execute0_lowered;
	s4 =	sadd.s32 s4, s6;
	[dreg:$0x0] =	wrdreg $0x0  }
0xae: {  	s6 =	sshll.u32 s28, $0x1;
	[dreg:$0x2] =	wrdreg s4  }
0xaf: {  	[dreg:$0x3] =	wrdreg s6  }
0xb0: {  	[dreg:$0x4] =	wrdreg $0xC0  }
0xb1: {  	_ =	task [dreg:s8], $0x5FFFF  }
0xb2: {  	[dreg:$0x1] =	wrdreg $0xFFFFFFFF  }
0xb3: {  	[dreg:$0x0] =	wrdreg $0x60  }
0xb4: {  	[dreg:$0x2] =	wrdreg s16  }
0xb5: {  	[dreg:$0x3] =	wrdreg s15  }
0xb6: {  	[dreg:$0x4] =	wrdreg s24  }
0xb7: {  	[dreg:$0x5] =	wrdreg $0x9  }
0xb8: {  	_ =	task.clear_ibuf [dreg:s8], $0x6FFFF;
	_ =	strace $0x9000004F  }
0xb9: {  	s29 =	simm.s32 $0x9;
	_ =	strace $0x80000051  }
0xba: {  	_ =	swait.ge [sflag:s29], $0x1  }
0xbb: {  	[sflag:s29] =	ssyncadd.s32 $0xFFFFFFFF  }
0xbc: {  	_ =	strace $0x90000051  }
0xbd: {  	_ =	sfence  }
0xbe: {  	s30 =	sld [smem:$0x0];
	_ =	sdelay $0x2  }
0xbf: {  	s31 =	sshll.u32 s1, $0xD;
	s1 =	sshrl.u32 s1, $0x2  }
0xc0: {  	s3 =	sand.u32 $0x4000, s31;
	s1 =	sadd.s32 s1, s30  }
0xc1: {  	s0 =	sor.u32 s3, s0;
	s1 =	sshll.u32 s1, $0x11  }
0xc2: {  	s0 =	sor.u32 s1, s0  }
0xc3: {  	s0 =	sadd.s32 $0x8F2B, s0  }
0xc4: {  	[sflag:s0] =	ssyncadd.remote.s32 $0x1  }
0xc5: {  	_ =	sfence.sel $0xFFFF  }
0xc6: {  	[dreg:$0x0] =	wrdreg $0xFFFFFFFF;
	(pc) =	sbr.abs _section_cstart, $3  }
0xc7: {  	[dreg:$0x1] =	wrdreg $0xFFFFFFFF  }
0xc8: {  	_ =	task.clear_ibuf [dreg:s8], $0x2FFFF;
	_ =	strace $0x9FFFFFFF  }
0xc9: {  	(tm) =	ssettm $0x7FFFFFFF  }
tec
execute0_lowered:
.L_overlay_start_1:
0x0: {  	(tag) =	ssettag $0x1  }
0x1: {  	s1 =	rddreg [dreg:$0x0]  }
0x2: {  	s4 =	rddreg [dreg:$0x1];
	s2 =	srdreg.scid  }
0x3: {  	s0 =	stileid.u32;
	s5 =	rddreg [dreg:$0x2];
	s3 =	simm.s32 $0x0  }
0x4: {  	s12 =	simm.s32 $0x2;
	s13 =	simm.s32 $0x3;
	s14 =	simm.s32 $0x4  }
0x5: {  	s15 =	simm.s32 $0x2580;
	s16 =	simm.s32 $0x5;
	s17 =	simm.s32 $0x0  }
0x6: {  	s6 =	sand.u32 $0x1, s2;
	s7 =	sshll.u32 s0, $0x1;
	s11 =	smul.u32 $0x4E200, s0  }
0x7: {  	s7 =	sor.u32 s6, s7;
	s9 =	ssub.s32 $0x2, s6;
	s6 =	smul.u32 $0x27100, s6  }
0x8: {  	[smem:$0x7FF] =	sst s3;
	s5 =	sadd.s32 $0x1F800, s5;
	s8 =	smul.u32 $0x2710, s7  }
0x9: {  	s2 =	rddreg [dreg:$0x3];
	_ =	strace $0x80000050;
	s7 =	smul.u32 $0x138800, s7  }
0xa: {  	s10 =	sshrl.u32 s9, $0x1;
	s30 =	sadd.s32 s11, s5;
	s11 =	simm.s32 $0xEF80  }
0xb: {  	s9 =	ssub.s32 s9, s10;
	s31 =	sadd.s32 s6, s30;
	s10 =	simm.s32 $0x2780  }
0xc: {  	s7 =	sshrl.u32 s7, $0x3;
	s8 =	sshrl.u32 s8, $0x3;
	s6 =	smax.u32 s9, $0x1  }
0xd: {  	s9 =	simm.s32 $0x190;
	s7 =	sadd.s32 s5, s7;
	s4 =	sadd.s32 s4, s8  }
0xe: {  	s8 =	simm.s32 $0x1;
	s5 =	sadd.s32 $0x25800, s7;
	s7 =	sadd.s32 $0x1900, s31  }
.LBB2_1:
0xf: {  	[tilespmem:s3], [sflag:$0x1] =	stream.linear.gather [hbm4b:s4+s3], $0x2710, $0x38;
	[tilespmem:$0x1B780] =	vst v63  }
0x10: {  	_ =	swait.ge [sflag:s8], $0x2710  }
0x11: {  	[sflag:s8] =	ssyncset.done $0x0  }
0x12: {  	s18 =	simm.s32 $0x0;
	[sflag:s8] =	ssyncadd.s32 $0xFFFFD8F0  }
0x13: {  	[tilespmem:s10], [sflag:$0x1] =	stream.indirect.gather [hbm4b:s1+s9], $0x80, s18, s9, $0xb8;
	[tilespmem:$0x1B780] =	vst v63  }
0x14: {  	s30 =	simm.s32 $0x190  }
0x15: {  	[tilespmem:s11], [sflag:$0x2] =	stream.indirect.gather [hbm4b:s1+s9], $0x80, s30, s9, $0xb8;
	[tilespmem:$0x1B780] =	vst v63  }
0x16: {  	_ =	swait.ge [sflag:s8], $0xC800  }
0x17: {  	[sflag:s8] =	ssyncset.done $0x0  }
0x18: {  	s31 =	sadd.s32 $0xFFFFE700, s7;
	[sflag:s8] =	ssyncadd.s32 $0xFFFF3800  }
0x19: {  	[hbm4b:s31+s3] =	stream.linear.scatter [tilespmem:s10], [sflag:$0x3], $0xC800, $0x38;
	[tilespmem:$0x1B780] =	vst v63  }
0x1a: {  	_ =	swait.ge [sflag:s12], $0xC800  }
0x1b: {  	[sflag:s12] =	ssyncset.done $0x0  }
0x1c: {  	[sflag:s12] =	ssyncadd.s32 $0xFFFF3800  }
0x1d: {  	[hbm4b:s7+s3] =	stream.linear.scatter [tilespmem:s11], [sflag:$0x4], $0xC800, $0x38;
	[tilespmem:$0x1B780] =	vst v63  }
0x1e: {  	_ =	swait.ge [sflag:s13], $0xC800  }
0x1f: {  	[sflag:s13] =	ssyncset.done $0x0  }
0x20: {  	[sflag:s13] =	ssyncadd.s32 $0xFFFF3800  }
0x21: {  	s19 =	simm.s32 $0xC80;
	_ =	swait.ge [sflag:s14], $0xC800  }
0x22: {  	s20 =	simm.s32 $0x1900;
	s18 =	sadd.s32 $0x3200, s7;
	[sflag:s14] =	ssyncset.done $0x0  }
.LBB2_2:
0x23: {  	s21 =	sshra.s32 s19, $0x2  }
0x24: {  	[sflag:s14] =	ssyncadd.s32 $0xFFFF3800;
	s19 =	smov.u32 s20;
	s22 =	sadd.s32 $0xC80, s20  }
0x25: {  	[tilespmem:s10], [sflag:$0x1] =	stream.indirect.gather [hbm4b:s1+s9], $0x80, s21, s9, $0xb8;
	[tilespmem:$0x1B780] =	vst v63  }
0x26: {  	p0 =	sne.s32 s20, $0x8980;
	s20 =	sadd.s32 $0x190, s21  }
0x27: {  	[tilespmem:s11], [sflag:$0x2] =	stream.indirect.gather [hbm4b:s1+s9], $0x80, s20, s9, $0xb8;
	[tilespmem:$0x1B780] =	vst v63  }
0x28: {  	_ =	swait.ge [sflag:s8], $0xC800  }
0x29: {  	[sflag:s8] =	ssyncset.done $0x0  }
0x2a: {  	s20 =	sadd.s32 $0xFFFFE700, s18;
	[sflag:s8] =	ssyncadd.s32 $0xFFFF3800  }
0x2b: {  	[hbm4b:s20+s3] =	stream.linear.scatter [tilespmem:s10], [sflag:$0x3], $0xC800, $0x38;
	[tilespmem:$0x1B780] =	vst v63  }
0x2c: {  	_ =	swait.ge [sflag:s12], $0xC800  }
0x2d: {  	[sflag:s12] =	ssyncset.done $0x0  }
0x2e: {  	[sflag:s12] =	ssyncadd.s32 $0xFFFF3800  }
0x2f: {  	[hbm4b:s18+s3] =	stream.linear.scatter [tilespmem:s11], [sflag:$0x4], $0xC800, $0x38;
	[tilespmem:$0x1B780] =	vst v63  }
.Ltmp0:
0x30: {  	_ =	swait.ge [sflag:s13], $0xC800;
	(pc) =	sbr.rel @p0 .LBB2_2-.Ltmp0, $4  }
0x31: {  	[sflag:s13] =	ssyncset.done $0x0  }
0x32: {  	[sflag:s13] =	ssyncadd.s32 $0xFFFF3800  }
0x33: {  	_ =	swait.ge [sflag:s14], $0xC800  }
0x34: {  	s20 =	smov.u32 s22;
	s18 =	sadd.s32 $0x3200, s18;
	[sflag:s14] =	ssyncset.done $0x0  }
0x35: {  	s19 =	sshra.s32 s19, $0x2;
	[sflag:s14] =	ssyncadd.s32 $0xFFFF3800  }
0x36: {  	[tilespmem:s10], [sflag:$0x1] =	stream.indirect.gather [hbm4b:s1+s9], $0x80, s19, s9, $0xb8;
	[tilespmem:$0x1B780] =	vst v63  }
0x37: {  	s19 =	sadd.s32 $0x190, s19  }
0x38: {  	[tilespmem:s11], [sflag:$0x2] =	stream.indirect.gather [hbm4b:s1+s9], $0x80, s19, s9, $0xb8;
	[tilespmem:$0x1B780] =	vst v63  }
0x39: {  	_ =	swait.ge [sflag:s8], $0xC800  }
0x3a: {  	[sflag:s8] =	ssyncset.done $0x0  }
0x3b: {  	s31 =	sadd.s32 $0xFFFFE700, s18;
	[sflag:s8] =	ssyncadd.s32 $0xFFFF3800  }
0x3c: {  	[hbm4b:s31+s3] =	stream.linear.scatter [tilespmem:s10], [sflag:$0x3], $0xC800, $0x38;
	[tilespmem:$0x1B780] =	vst v63  }
0x3d: {  	_ =	swait.ge [sflag:s12], $0xC800  }
0x3e: {  	[sflag:s12] =	ssyncset.done $0x0  }
0x3f: {  	[sflag:s12] =	ssyncadd.s32 $0xFFFF3800  }
0x40: {  	[hbm4b:s18+s3] =	stream.linear.scatter [tilespmem:s11], [sflag:$0x4], $0xC800, $0x38;
	[tilespmem:$0x1B780] =	vst v63  }
0x41: {  	_ =	swait.ge [sflag:s13], $0xC800  }
0x42: {  	[sflag:s13] =	ssyncset.done $0x0  }
0x43: {  	[sflag:s13] =	ssyncadd.s32 $0xFFFF3800  }
0x44: {  	_ =	swait.ge [sflag:s14], $0xC800  }
0x45: {  	[sflag:s14] =	ssyncset.done $0x0  }
0x46: {  	[sflag:s14] =	ssyncadd.s32 $0xFFFF3800  }
0x47: {  	[tilespmem:s10], [sflag:$0x1] =	stream.indirect.gather [hbm4b:s1+s9], $0x80, s15, s9, $0xb8;
	[tilespmem:$0x1B780] =	vst v63  }
0x48: {  	s17 =	sadd.s32 $0x1, s17;
	_ =	swait.ge [sflag:s8], $0xC800  }
0x49: {  	p0 =	sne.s32 s17, s6;
	[sflag:s8] =	ssyncset.done $0x0  }
.Ltmp1:
0x4a: {  	[sflag:s8] =	ssyncadd.s32 $0xFFFF3800;
	(pc) =	sbr.rel @p0 .LBB2_1-.Ltmp1, $4  }
0x4b: {  	[hbm4b:s5+s3] =	stream.linear.scatter [tilespmem:s10], [sflag:$0x5], $0xC800, $0x38;
	[tilespmem:$0x1B780] =	vst v63  }
0x4c: {  	_ =	swait.ge [sflag:s16], $0xC800  }
0x4d: {  	[sflag:s16] =	ssyncset.done $0x0  }
0x4e: {  	[sflag:s16] =	ssyncadd.s32 $0xFFFF3800  }
0x4f: {  	_ =	sfence.sel $0x180000  }
0x50: {  	[bflag:$0x0] =	sbarrier.arrive $0xFFFF  }
0x51: {  	p0 =	sne.s32 s0, $0x0;
	_ =	strace $0x90000050  }
0x52: {  	s0 =	sadd.s32 @!p0 $0x100000, s2;
	[bflag:$0x2] =	sbarrier.arrive $0xFFFF  }
0x53: {  	[sflag:s0] =	ssyncadd.tile.s32 @!p0 $0x1;
	_ =	shalt  }
.Lfunc_end2:
_tile_overlayer_lowered:
.L_overlay_start_2:
0x54: {  	(tag) =	ssettag $0x2  }
0x55: {  	s0 =	rddreg [dreg:$0x0];
	s2 =	stileid.u32  }
0x56: {  	s1 =	rddreg [dreg:$0x1];
	p0 =	sne.s32 s2, $0x0  }
0x57: {  	s3 =	rddreg [dreg:$0x2];
	[bflag:$0x3] =	sbarrier.arrive $0xFFFF;
	s2 =	simm.s32 @!p0 $0x1C05  }
0x58: {  	[timem:s3], [sflag:s2] =	dma.local @!p0 [hbm:s0], s1  }
0x59: {  	s0 =	simm.s32 @!p0 $0x5  }
0x5a: {  	_ =	swait.ge @!p0 [sflag:s0], s1  }
0x5b: {  	s1 =	ssub.s32 @!p0 $0x0, s1;
	[sflag:s0] =	ssyncset.done @!p0 $0x0  }
0x5c: {  	[sflag:s0] =	ssyncadd.s32 @!p0 s1  }
0x5d: {  	[bflag:$0x3] =	sbarrier.arrive $0xFFFF  }
0x5e: {  	_ =	shalt  }

// kernel: kernel.26.cloned.1.call-start
scs
__scs_entry_jumppad:
0x0: {  	(pc) =	sbr.rel $0x88, $3  }
0x1: {  	(tag) =	ssettag $0x0;
	lr =	simm.s32 $0x1  }
0x2: {  	[smem:$0x3F8C] =	sst lr;
	_ =	strace $0xD0000000  }
0x3: {  	_ = 	snop  }
0x4: {  	_ = 	snop  }
0x5: {  	_ = 	snop  }
0x6: {  	_ = 	snop  }
0x7: {  	_ = 	snop  }
__scs_overlays_trampoline_lowered:
0x8: {  	[smem:$0x3F9B] =	sst s0  }
0x9: {  	[smem:$0x3F9C] =	sst s1  }
0xa: {  	[smem:$0x3F9D] =	sst s2  }
0xb: {  	[smem:$0x3F9E] =	sst s3  }
0xc: {  	[smem:$0x3F9F] =	sst s4  }
0xd: {  	[smem:$0x3FA0] =	sst s5  }
0xe: {  	[smem:$0x3FA1] =	sst s6  }
0xf: {  	[smem:$0x3FA2] =	sst s7  }
0x10: {  	[smem:$0x3FA3] =	sst s8  }
0x11: {  	[smem:$0x3FA4] =	sst s9;
	s0 =	simm.s32 @!p0 $0x0  }
0x12: {  	s1 =	sld [smem:$0x3F8A];
	s0 =	simm.s32 @p0 $0x1  }
0x13: {  	[smem:$0x3FA5] =	sst s0;
	s0 =	simm.s32 @!p1 $0x0  }
0x14: {  	s2 =	sld [smem:$0x3F89];
	s0 =	simm.s32 @p1 $0x1  }
0x15: {  	[smem:$0x3FA6] =	sst s0;
	s0 =	simm.s32 @!p2 $0x0  }
0x16: {  	s3 =	sld [smem:$0x3FDB];
	s0 =	simm.s32 @p2 $0x1  }
0x17: {  	s4 =	simm.s32 $0x1BF5;
	[smem:$0x3FA8] =	sst s0  }
0x18: {  	s0 =	sld [smem:$0x3F8B];
	_ =	swait.ge [sflag:s4], $0x0  }
0x19: {  	s7 =	sld [smem:$0x3F8C]  }
0x1a: {  	s8 =	sadd.s32 $0xFFFFE003, lr  }
0x1b: {  	s9 =	sadd.s32 $0xFFFFFEF7, lr;
	s5 =	simm.s32 $0xFFFFFFFF;
	p2 =	slt.u32 s8, $0xFFFFF086  }
0x1c: {  	p1 =	slt.u32 s9, $0xF7A;
	s5 =	simm.s32 @!p2 $0x0  }
0x1d: {  	s5 =	simm.s32 @p1 $0x1;
	p0 =	seq.s32 s7, s2  }
0x1e: {  	s7 =	smul.u32 @!p0 $0xF7A, s2;
	p2 =	seq.s32 @!p0 s5, $0x0  }
0x1f: {  	s9 =	smul.u32 $0xF7A, s1;
	s8 =	simm.s32 @!p0 $0x1BF5;
	p2 =	por !p2, p0  }
0x20: {  	[sflag:s8] =	ssyncset.s32 @!p0 $0xFFFFF086;
	s6 =	sadd.s32 @!p0 s3, s7;
	s7 =	simm.s32 @!p0 $0x108  }
0x21: {  	s3 =	sadd.s32 s3, s9;
	s6 =	sadd.s32 @!p0 $0x88, s6;
	s7 =	simm.s32 @p2 $0x1082  }
0x22: {  	[simem:s7], [sflag:s8] =	dma.local @!p0 [hbm:s6], $0xF7A  }
0x23: {  	s9 =	sor.u32 $0xD0000000, s2;
	s6 =	simm.s32 $0x108;
	_ =	swait.ge @!p0 [sflag:s8], $0x0  }
0x24: {  	s3 =	sadd.s32 $0x88, s3;
	s6 =	simm.s32 @!p1 $0x1082;
	[sflag:s4] =	ssyncset.s32 $0xFFFFF086  }
0x25: {  	[simem:s6], [sflag:s4] =	dma.local [hbm:s3], $0xF7A  }
0x26: {  	[smem:$0x3F8C] =	sst s1;
	(tag) =	ssettag s2;
	_ =	strace s9  }
0x27: {  	s1 =	sld [smem:$0x3F9C]  }
0x28: {  	s2 =	sld [smem:$0x3F9D]  }
0x29: {  	s4 =	sld [smem:$0x3F9F]  }
0x2a: {  	p0 =	seq.s32 s5, $0x0;
	s5 =	sld [smem:$0x3FA0]  }
0x2b: {  	s6 =	sld [smem:$0x3FA1]  }
0x2c: {  	s7 =	sld [smem:$0x3FA2]  }
0x2d: {  	s3 =	simm.s32 $0x108;
	s8 =	sld [smem:$0x3FA3]  }
0x2e: {  	s3 =	simm.s32 @!p0 $0x1082;
	s9 =	sld [smem:$0x3FA4]  }
0x2f: {  	lr =	sadd.s32 s0, s3;
	s0 =	sld [smem:$0x3F9B]  }
0x30: {  	s3 =	sld [smem:$0x3F9E]  }
0x31: {  	[smem:$0x3FA7] =	sst s10  }
0x32: {  	s10 =	sld [smem:$0x3FA5];
	_ =	sdelay $0x3  }
0x33: {  	p0 =	seq.s32 s10, $0x1;
	s10 =	sld [smem:$0x3FA7];
	_ =	sdelay $0x3  }
0x34: {  	[smem:$0x3FA7] =	sst s10  }
0x35: {  	s10 =	sld [smem:$0x3FA6];
	_ =	sdelay $0x3  }
0x36: {  	p1 =	seq.s32 s10, $0x1;
	s10 =	sld [smem:$0x3FA7];
	_ =	sdelay $0x3  }
0x37: {  	[smem:$0x3FA7] =	sst s10  }
0x38: {  	s10 =	sld [smem:$0x3FA8]  }
0x39: {  	_ = 	snop;
	(pc) =	sbr.ind lr, $3  }
0x3a: {  	_ = 	snop  }
0x3b: {  	_ = 	snop  }
0x3c: {  	p2 =	seq.s32 s10, $0x1;
	s10 =	sld [smem:$0x3FA7]  }
0x3d: {  	_ =	shalt  }
0x3e: {  	_ =	shalt  }
0x3f: {  	_ =	shalt  }
0x40: {  	_ =	shalt  }
0x41: {  	_ =	shalt  }
0x42: {  	_ =	shalt  }
0x43: {  	_ =	shalt  }
0x44: {  	_ =	shalt  }
0x45: {  	_ =	shalt  }
0x46: {  	_ =	shalt  }
0x47: {  	_ =	shalt  }
0x48: {  	_ =	shalt  }
0x49: {  	_ =	shalt  }
0x4a: {  	_ =	shalt  }
0x4b: {  	_ =	shalt  }
0x4c: {  	_ =	shalt  }
0x4d: {  	_ =	shalt  }
0x4e: {  	_ =	shalt  }
0x4f: {  	_ =	shalt  }
0x50: {  	_ =	shalt  }
0x51: {  	_ =	shalt  }
0x52: {  	_ =	shalt  }
0x53: {  	_ =	shalt  }
0x54: {  	_ =	shalt  }
0x55: {  	_ =	shalt  }
0x56: {  	_ =	shalt  }
0x57: {  	_ =	shalt  }
0x58: {  	_ =	shalt  }
0x59: {  	_ =	shalt  }
0x5a: {  	_ =	shalt  }
0x5b: {  	_ =	shalt  }
0x5c: {  	_ =	shalt  }
0x5d: {  	_ =	shalt  }
0x5e: {  	_ =	shalt  }
0x5f: {  	_ =	shalt  }
0x60: {  	_ =	shalt  }
0x61: {  	_ =	shalt  }
0x62: {  	_ =	shalt  }
0x63: {  	_ =	shalt  }
0x64: {  	_ =	shalt  }
0x65: {  	_ =	shalt  }
0x66: {  	_ =	shalt  }
0x67: {  	_ =	shalt  }
0x68: {  	_ =	shalt  }
0x69: {  	_ =	shalt  }
0x6a: {  	_ =	shalt  }
0x6b: {  	_ =	shalt  }
0x6c: {  	_ =	shalt  }
0x6d: {  	_ =	shalt  }
0x6e: {  	_ =	shalt  }
0x6f: {  	_ =	shalt  }
0x70: {  	_ =	shalt  }
0x71: {  	_ =	shalt  }
0x72: {  	_ =	shalt  }
0x73: {  	_ =	shalt  }
0x74: {  	_ =	shalt  }
0x75: {  	_ =	shalt  }
0x76: {  	_ =	shalt  }
0x77: {  	_ =	shalt  }
0x78: {  	_ =	shalt  }
0x79: {  	_ =	shalt  }
0x7a: {  	_ =	shalt  }
0x7b: {  	_ =	shalt  }
0x7c: {  	_ =	shalt  }
0x7d: {  	_ =	shalt  }
0x7e: {  	_ =	shalt  }
0x7f: {  	_ =	shalt  }
0x80: {  	_ =	shalt  }
0x81: {  	_ =	shalt  }
0x82: {  	_ =	shalt  }
0x83: {  	_ =	shalt  }
0x84: {  	_ =	shalt  }
0x85: {  	_ =	shalt  }
0x86: {  	_ =	shalt  }
0x87: {  	_ =	shalt  }
.Lfunc_end0:
.L_simem_size_0:
called_computation.4_lowered:
.L_overlay_start_0:
0x88: {  	s2 =	sld [smem:$0x3FD9]  }
0x89: {  	s3 =	sld [smem:$0x3FFE];
	_ =	sdelay $0x1  }
0x8a: {  	s1 =	srdreg.scid  }
0x8b: {  	s0 =	sand.u32 $0x1, s1  }
0x8c: {  	s14 =	sshll.u32 s0, $0xA;
	s2 =	sadd.s32 s3, s2  }
0x8d: {  	s2 =	sadd.s32 s2, s14  }
0x8e: {  	[smem:$0x3FB3] =	sst s2  }
0x8f: {  	_ = 	snop  }
0x90: {  	s2 =	sld [smem:$0x3FD0];
	_ =	sdelay $0x2  }
0x91: {  	s4 =	simm.s32 $0xA;
	s5 =	simm.s32 $0x10;
	s15 =	sld [smem:$0x3FC5]  }
0x92: {  	[smem:s5], [sflag:s4] =	dma.local [hbm:s2], $0x1  }
0x93: {  	_ =	swait.eq [sflag:s4], $0x1  }
0x94: {  	[sflag:s4] =	ssyncset.done $0x0  }
0x95: {  	[sflag:s4] =	ssyncadd.s32 $0xFFFFFFFF  }
0x96: {  	s16 =	sld [smem:$0x14];
	(tm) =	ssettm $0x1  }
0x97: {  	s17 =	sld [smem:$0x3FFB];
	_ =	sdelay $0x3  }
0x98: {  	_ =	strace s17  }
0x99: {  	s4 =	sld [smem:$0x3FFC];
	_ =	sdelay $0x3  }
0x9a: {  	_ =	strace s4  }
0x9b: {  	s4 =	sld [smem:$0x3FFD];
	_ =	sdelay $0x3  }
0x9c: {  	_ =	strace s4  }
0x9d: {  	_ =	strace $0x8FFFFFFF  }
0x9e: {  	s18 =	sld [smem:$0x3FDB];
	_ =	sdelay $0x1  }
0x9f: {  	s19 =	simm.s32 $_scs_section_size  }
0xa0: {  	s6 =	simm.s32 $_size__tile_overlayer_lowered;
	s7 =	simm.s32 $_tile_overlayer_lowered  }
0xa1: {  	s22 =	simm.s32 $0x1BFF;
	s21 =	sshll.u32 s7, $0x1;
	s4 =	sadd.s32 s19, s18  }
0xa2: {  	s8 =	simm.s32 $0x0;
	s20 =	sshll.u32 s6, $0x1;
	s6 =	sadd.s32 s21, s4  }
0xa3: {  	[timem:s8], [sflag:s22] =	dma.local [hbm:s6], s20  }
0xa4: {  	_ =	swait.ge [sflag:s22], s20  }
0xa5: {  	s5 =	ssub.s32 $0x0, s20;
	[sflag:s22] =	ssyncset.done $0x0  }
0xa6: {  	[sflag:s22] =	ssyncadd.s32 s5;
	_ =	sdelay $0x1  }
0xa7: {  	s23 =	simm.s32 $0x1B8B  }
0xa8: {  	_ =	swait.ge [sflag:s23], $0x1  }
0xa9: {  	[sflag:s23] =	ssyncset.done $0x0  }
0xaa: {  	s25 =	simm.s32 $0x1B8E;
	s24 =	sld [smem:$0x3FFE];
	[sflag:s23] =	ssyncadd.s32 $0xFFFFFFFF  }
0xab: {  	s26 =	simm.s32 $execute0_lowered;
	[smem:$0x3FD2] =	sst s25  }
0xac: {  	s6 =	sshll.u32 s26, $0x1;
	_ =	strace $0x80000052;
	[dreg:$0x1] =	wrdreg $0xFFFFFFFF  }
0xad: {  	s28 =	simm.s32 $_size_execute0_lowered;
	s4 =	sadd.s32 s4, s6;
	[dreg:$0x0] =	wrdreg $0x0  }
0xae: {  	s6 =	sshll.u32 s28, $0x1;
	[dreg:$0x2] =	wrdreg s4  }
0xaf: {  	[dreg:$0x3] =	wrdreg s6  }
0xb0: {  	[dreg:$0x4] =	wrdreg $0xC0  }
0xb1: {  	_ =	task [dreg:s8], $0x5FFFF  }
0xb2: {  	[dreg:$0x1] =	wrdreg $0xFFFFFFFF  }
0xb3: {  	[dreg:$0x0] =	wrdreg $0x60  }
0xb4: {  	[dreg:$0x2] =	wrdreg s16  }
0xb5: {  	[dreg:$0x3] =	wrdreg s15  }
0xb6: {  	[dreg:$0x4] =	wrdreg s24  }
0xb7: {  	[dreg:$0x5] =	wrdreg $0x9  }
0xb8: {  	_ =	task.clear_ibuf [dreg:s8], $0x6FFFF;
	_ =	strace $0x90000052  }
0xb9: {  	s29 =	simm.s32 $0x9;
	_ =	strace $0x80000054  }
0xba: {  	_ =	swait.ge [sflag:s29], $0x1  }
0xbb: {  	[sflag:s29] =	ssyncadd.s32 $0xFFFFFFFF  }
0xbc: {  	_ =	strace $0x90000054  }
0xbd: {  	_ =	sfence  }
0xbe: {  	s30 =	sld [smem:$0x0];
	_ =	sdelay $0x2  }
0xbf: {  	s31 =	sshll.u32 s1, $0xD;
	s1 =	sshrl.u32 s1, $0x2  }
0xc0: {  	s3 =	sand.u32 $0x4000, s31;
	s1 =	sadd.s32 s1, s30  }
0xc1: {  	s0 =	sor.u32 s3, s0;
	s1 =	sshll.u32 s1, $0x11  }
0xc2: {  	s0 =	sor.u32 s1, s0  }
0xc3: {  	s0 =	sadd.s32 $0x8F2B, s0  }
0xc4: {  	[sflag:s0] =	ssyncadd.remote.s32 $0x1  }
0xc5: {  	_ =	sfence.sel $0xFFFF  }
0xc6: {  	[dreg:$0x0] =	wrdreg $0xFFFFFFFF;
	(pc) =	sbr.abs _section_cstart, $3  }
0xc7: {  	[dreg:$0x1] =	wrdreg $0xFFFFFFFF  }
0xc8: {  	_ =	task.clear_ibuf [dreg:s8], $0x2FFFF;
	_ =	strace $0x9FFFFFFF  }
0xc9: {  	(tm) =	ssettm $0x7FFFFFFF  }
tec
execute0_lowered:
.L_overlay_start_1:
0x0: {  	(tag) =	ssettag $0x1  }
0x1: {  	s1 =	rddreg [dreg:$0x0]  }
0x2: {  	s4 =	rddreg [dreg:$0x1];
	s2 =	srdreg.scid  }
0x3: {  	s0 =	stileid.u32;
	s5 =	rddreg [dreg:$0x2];
	s3 =	simm.s32 $0x0  }
0x4: {  	s12 =	simm.s32 $0x2;
	s13 =	simm.s32 $0x3;
	s14 =	simm.s32 $0x4  }
0x5: {  	s15 =	simm.s32 $0x2580;
	s16 =	simm.s32 $0x5;
	s17 =	simm.s32 $0x0  }
0x6: {  	s6 =	sand.u32 $0x1, s2;
	s7 =	sshll.u32 s0, $0x1;
	s11 =	smul.u32 $0x4E200, s0  }
0x7: {  	s7 =	sor.u32 s6, s7;
	s9 =	ssub.s32 $0x2, s6;
	s6 =	smul.u32 $0x27100, s6  }
0x8: {  	[smem:$0x7FF] =	sst s3;
	s5 =	sadd.s32 $0x1F000, s5;
	s8 =	smul.u32 $0x2710, s7  }
0x9: {  	s2 =	rddreg [dreg:$0x3];
	_ =	strace $0x80000053;
	s7 =	smul.u32 $0x138800, s7  }
0xa: {  	s10 =	sshrl.u32 s9, $0x1;
	s30 =	sadd.s32 s11, s5;
	s11 =	simm.s32 $0xEF80  }
0xb: {  	s9 =	ssub.s32 s9, s10;
	s31 =	sadd.s32 s6, s30;
	s10 =	simm.s32 $0x2780  }
0xc: {  	s7 =	sshrl.u32 s7, $0x3;
	s8 =	sshrl.u32 s8, $0x3;
	s6 =	smax.u32 s9, $0x1  }
0xd: {  	s9 =	simm.s32 $0x190;
	s7 =	sadd.s32 s5, s7;
	s4 =	sadd.s32 s4, s8  }
0xe: {  	s8 =	simm.s32 $0x1;
	s5 =	sadd.s32 $0x25800, s7;
	s7 =	sadd.s32 $0x1900, s31  }
.LBB2_1:
0xf: {  	[tilespmem:s3], [sflag:$0x1] =	stream.linear.gather [hbm4b:s4+s3], $0x2710, $0x38;
	[tilespmem:$0x1B780] =	vst v63  }
0x10: {  	_ =	swait.ge [sflag:s8], $0x2710  }
0x11: {  	[sflag:s8] =	ssyncset.done $0x0  }
0x12: {  	s18 =	simm.s32 $0x0;
	[sflag:s8] =	ssyncadd.s32 $0xFFFFD8F0  }
0x13: {  	[tilespmem:s10], [sflag:$0x1] =	stream.indirect.gather [hbm4b:s1+s9], $0x80, s18, s9, $0xb8;
	[tilespmem:$0x1B780] =	vst v63  }
0x14: {  	s30 =	simm.s32 $0x190  }
0x15: {  	[tilespmem:s11], [sflag:$0x2] =	stream.indirect.gather [hbm4b:s1+s9], $0x80, s30, s9, $0xb8;
	[tilespmem:$0x1B780] =	vst v63  }
0x16: {  	_ =	swait.ge [sflag:s8], $0xC800  }
0x17: {  	[sflag:s8] =	ssyncset.done $0x0  }
0x18: {  	s31 =	sadd.s32 $0xFFFFE700, s7;
	[sflag:s8] =	ssyncadd.s32 $0xFFFF3800  }
0x19: {  	[hbm4b:s31+s3] =	stream.linear.scatter [tilespmem:s10], [sflag:$0x3], $0xC800, $0x38;
	[tilespmem:$0x1B780] =	vst v63  }
0x1a: {  	_ =	swait.ge [sflag:s12], $0xC800  }
0x1b: {  	[sflag:s12] =	ssyncset.done $0x0  }
0x1c: {  	[sflag:s12] =	ssyncadd.s32 $0xFFFF3800  }
0x1d: {  	[hbm4b:s7+s3] =	stream.linear.scatter [tilespmem:s11], [sflag:$0x4], $0xC800, $0x38;
	[tilespmem:$0x1B780] =	vst v63  }
0x1e: {  	_ =	swait.ge [sflag:s13], $0xC800  }
0x1f: {  	[sflag:s13] =	ssyncset.done $0x0  }
0x20: {  	[sflag:s13] =	ssyncadd.s32 $0xFFFF3800  }
0x21: {  	s19 =	simm.s32 $0xC80;
	_ =	swait.ge [sflag:s14], $0xC800  }
0x22: {  	s20 =	simm.s32 $0x1900;
	s18 =	sadd.s32 $0x3200, s7;
	[sflag:s14] =	ssyncset.done $0x0  }
.LBB2_2:
0x23: {  	s21 =	sshra.s32 s19, $0x2  }
0x24: {  	[sflag:s14] =	ssyncadd.s32 $0xFFFF3800;
	s19 =	smov.u32 s20;
	s22 =	sadd.s32 $0xC80, s20  }
0x25: {  	[tilespmem:s10], [sflag:$0x1] =	stream.indirect.gather [hbm4b:s1+s9], $0x80, s21, s9, $0xb8;
	[tilespmem:$0x1B780] =	vst v63  }
0x26: {  	p0 =	sne.s32 s20, $0x8980;
	s20 =	sadd.s32 $0x190, s21  }
0x27: {  	[tilespmem:s11], [sflag:$0x2] =	stream.indirect.gather [hbm4b:s1+s9], $0x80, s20, s9, $0xb8;
	[tilespmem:$0x1B780] =	vst v63  }
0x28: {  	_ =	swait.ge [sflag:s8], $0xC800  }
0x29: {  	[sflag:s8] =	ssyncset.done $0x0  }
0x2a: {  	s20 =	sadd.s32 $0xFFFFE700, s18;
	[sflag:s8] =	ssyncadd.s32 $0xFFFF3800  }
0x2b: {  	[hbm4b:s20+s3] =	stream.linear.scatter [tilespmem:s10], [sflag:$0x3], $0xC800, $0x38;
	[tilespmem:$0x1B780] =	vst v63  }
0x2c: {  	_ =	swait.ge [sflag:s12], $0xC800  }
0x2d: {  	[sflag:s12] =	ssyncset.done $0x0  }
0x2e: {  	[sflag:s12] =	ssyncadd.s32 $0xFFFF3800  }
0x2f: {  	[hbm4b:s18+s3] =	stream.linear.scatter [tilespmem:s11], [sflag:$0x4], $0xC800, $0x38;
	[tilespmem:$0x1B780] =	vst v63  }
.Ltmp0:
0x30: {  	_ =	swait.ge [sflag:s13], $0xC800;
	(pc) =	sbr.rel @p0 .LBB2_2-.Ltmp0, $4  }
0x31: {  	[sflag:s13] =	ssyncset.done $0x0  }
0x32: {  	[sflag:s13] =	ssyncadd.s32 $0xFFFF3800  }
0x33: {  	_ =	swait.ge [sflag:s14], $0xC800  }
0x34: {  	s20 =	smov.u32 s22;
	s18 =	sadd.s32 $0x3200, s18;
	[sflag:s14] =	ssyncset.done $0x0  }
0x35: {  	s19 =	sshra.s32 s19, $0x2;
	[sflag:s14] =	ssyncadd.s32 $0xFFFF3800  }
0x36: {  	[tilespmem:s10], [sflag:$0x1] =	stream.indirect.gather [hbm4b:s1+s9], $0x80, s19, s9, $0xb8;
	[tilespmem:$0x1B780] =	vst v63  }
0x37: {  	s19 =	sadd.s32 $0x190, s19  }
0x38: {  	[tilespmem:s11], [sflag:$0x2] =	stream.indirect.gather [hbm4b:s1+s9], $0x80, s19, s9, $0xb8;
	[tilespmem:$0x1B780] =	vst v63  }
0x39: {  	_ =	swait.ge [sflag:s8], $0xC800  }
0x3a: {  	[sflag:s8] =	ssyncset.done $0x0  }
0x3b: {  	s31 =	sadd.s32 $0xFFFFE700, s18;
	[sflag:s8] =	ssyncadd.s32 $0xFFFF3800  }
0x3c: {  	[hbm4b:s31+s3] =	stream.linear.scatter [tilespmem:s10], [sflag:$0x3], $0xC800, $0x38;
	[tilespmem:$0x1B780] =	vst v63  }
0x3d: {  	_ =	swait.ge [sflag:s12], $0xC800  }
0x3e: {  	[sflag:s12] =	ssyncset.done $0x0  }
0x3f: {  	[sflag:s12] =	ssyncadd.s32 $0xFFFF3800  }
0x40: {  	[hbm4b:s18+s3] =	stream.linear.scatter [tilespmem:s11], [sflag:$0x4], $0xC800, $0x38;
	[tilespmem:$0x1B780] =	vst v63  }
0x41: {  	_ =	swait.ge [sflag:s13], $0xC800  }
0x42: {  	[sflag:s13] =	ssyncset.done $0x0  }
0x43: {  	[sflag:s13] =	ssyncadd.s32 $0xFFFF3800  }
0x44: {  	_ =	swait.ge [sflag:s14], $0xC800  }
0x45: {  	[sflag:s14] =	ssyncset.done $0x0  }
0x46: {  	[sflag:s14] =	ssyncadd.s32 $0xFFFF3800  }
0x47: {  	[tilespmem:s10], [sflag:$0x1] =	stream.indirect.gather [hbm4b:s1+s9], $0x80, s15, s9, $0xb8;
	[tilespmem:$0x1B780] =	vst v63  }
0x48: {  	s17 =	sadd.s32 $0x1, s17;
	_ =	swait.ge [sflag:s8], $0xC800  }
0x49: {  	p0 =	sne.s32 s17, s6;
	[sflag:s8] =	ssyncset.done $0x0  }
.Ltmp1:
0x4a: {  	[sflag:s8] =	ssyncadd.s32 $0xFFFF3800;
	(pc) =	sbr.rel @p0 .LBB2_1-.Ltmp1, $4  }
0x4b: {  	[hbm4b:s5+s3] =	stream.linear.scatter [tilespmem:s10], [sflag:$0x5], $0xC800, $0x38;
	[tilespmem:$0x1B780] =	vst v63  }
0x4c: {  	_ =	swait.ge [sflag:s16], $0xC800  }
0x4d: {  	[sflag:s16] =	ssyncset.done $0x0  }
0x4e: {  	[sflag:s16] =	ssyncadd.s32 $0xFFFF3800  }
0x4f: {  	_ =	sfence.sel $0x180000  }
0x50: {  	[bflag:$0x0] =	sbarrier.arrive $0xFFFF  }
0x51: {  	p0 =	sne.s32 s0, $0x0;
	_ =	strace $0x90000053  }
0x52: {  	s0 =	sadd.s32 @!p0 $0x100000, s2;
	[bflag:$0x2] =	sbarrier.arrive $0xFFFF  }
0x53: {  	[sflag:s0] =	ssyncadd.tile.s32 @!p0 $0x1;
	_ =	shalt  }
.Lfunc_end2:
_tile_overlayer_lowered:
.L_overlay_start_2:
0x54: {  	(tag) =	ssettag $0x2  }
0x55: {  	s0 =	rddreg [dreg:$0x0];
	s2 =	stileid.u32  }
0x56: {  	s1 =	rddreg [dreg:$0x1];
	p0 =	sne.s32 s2, $0x0  }
0x57: {  	s3 =	rddreg [dreg:$0x2];
	[bflag:$0x3] =	sbarrier.arrive $0xFFFF;
	s2 =	simm.s32 @!p0 $0x1C05  }
0x58: {  	[timem:s3], [sflag:s2] =	dma.local @!p0 [hbm:s0], s1  }
0x59: {  	s0 =	simm.s32 @!p0 $0x5  }
0x5a: {  	_ =	swait.ge @!p0 [sflag:s0], s1  }
0x5b: {  	s1 =	ssub.s32 @!p0 $0x0, s1;
	[sflag:s0] =	ssyncset.done @!p0 $0x0  }
0x5c: {  	[sflag:s0] =	ssyncadd.s32 @!p0 s1  }
0x5d: {  	[bflag:$0x3] =	sbarrier.arrive $0xFFFF  }
0x5e: {  	_ =	shalt  }

</sc_bundles>
